<compile_context>
chip_gen: v7x
topology: tpu7x:2x2x1
jax: 0.10.2.dev20260603
libtpu: 0.0.44.dev20260713+nightly
codegen_flags: <defaults>
</compile_context>

<pallas_src>
import jax
import jax.numpy as jnp
from jax import lax
from jax.experimental import pallas as pl
from jax.experimental.pallas import tpu as pltpu
from jax.experimental.pallas import tpu_sc as plsc

N_ENTS = 50000
N_RELS = 256
N_FACTS = 800000
B = 16
MAX_HOPS = 3

NC = 2
NS = 16
L = 16
BPC = B // NC
NHALF = 2
FPW = N_FACTS // NHALF
CH = 4000
NCHUNK = FPW // CH
ITERS = CH // L
NVEC = N_ENTS // L
SPLIT = (NVEC // 2) * L
RNG = (SPLIT, N_ENTS - SPLIT)
RVEC = (SPLIT // L, NVEC - SPLIT // L)


def _walk_body(ht_hbm, rel_hbm, rels_hbm, init_hbm,
               out_hbm, xchg_hbm, sums_hbm,
               e_v, w_v, relv, sv, sv2,
               hb0, hb1, rb0, rb1,
               sem0, sem1):
    c = lax.axis_index("c")
    s = lax.axis_index("s")
    local_b = s % BPC
    batch = c * BPC + local_b
    half = s // BPC
    fbase = half * FPW

    slots = ((hb0, rb0, sem0), (hb1, rb1, sem1))

    def issue(j, slot):
        hb, rb, sem = slot
        off = fbase + j * CH
        pltpu.async_copy(ht_hbm.at[pl.ds(off, CH)], hb, sem)
        pltpu.async_copy(rel_hbm.at[pl.ds(off, CH)], rb, sem)

    def drain(slot):
        hb, rb, sem = slot
        pltpu.make_async_copy(ht_hbm.at[pl.ds(0, CH)], hb, sem).wait()
        pltpu.make_async_copy(rel_hbm.at[pl.ds(0, CH)], rb, sem).wait()

    pltpu.sync_copy(init_hbm.at[pl.ds(batch * N_ENTS, N_ENTS)], e_v)

    zvec = jnp.zeros((L,), jnp.float32)
    iota = lax.iota(jnp.int32, L)

    for hop in range(MAX_HOPS):
        pltpu.sync_copy(
            rels_hbm.at[pl.ds((batch * MAX_HOPS + hop) * (N_RELS * L),
                              N_RELS * L)],
            relv)

        def zero_body(i, _):
            w_v[pl.ds(i * L, L)] = zvec
            return _
        lax.fori_loop(0, NVEC, zero_body, None, unroll=5)

        issue(0, slots[0])
        issue(1, slots[1])

        def chunk_pass(jj, _):
            jo = jj * 2
            for bslot in range(2):
                slot = slots[bslot]
                hb, rb, _sem = slot
                drain(slot)

                @plsc.parallel_loop(0, ITERS, unroll=10)
                def _(i):
                    base = i * L
                    htv = hb[pl.ds(base, L)]
                    rv = rb[pl.ds(base, L)]
                    hv = lax.shift_right_logical(htv, 16)
                    tv = htv & 0xFFFF
                    ridx = lax.shift_left(rv, 4) | iota
                    rf = plsc.load_gather(relv, [ridx])
                    ef = plsc.load_gather(e_v, [hv])
                    plsc.addupdate_scatter(w_v, [tv], rf * ef)

                nxt = jo + bslot + 2

                @pl.when(nxt < NCHUNK)
                def _():
                    issue(nxt, slot)
            return _
        lax.fori_loop(0, NCHUNK // 2, chunk_pass, None)

        xbase = batch * N_ENTS
        obase = batch * (MAX_HOPS * N_ENTS) + hop * N_ENTS
        LO = (0, SPLIT)

        for h in range(2):
            olo, on = LO[1 - h], RNG[1 - h]

            @pl.when(half == h)
            def _(olo=olo, on=on):
                pltpu.sync_copy(w_v.at[pl.ds(olo, on)],
                                xchg_hbm.at[pl.ds(xbase + olo, on)])
        plsc.subcore_barrier()

        for h in range(2):
            lo, n, nv = LO[h], RNG[h], RVEC[h]

            @pl.when(half == h)
            def _(lo=lo, n=n, nv=nv, h=h):
                pltpu.sync_copy(xchg_hbm.at[pl.ds(xbase + lo, n)],
                                e_v.at[pl.ds(lo, n)])
                b0 = lo // L

                def comb_body(i, acc):
                    sl = pl.ds((b0 + i) * L, L)
                    v = e_v[sl] + w_v[sl]
                    e_v[sl] = v
                    return acc + v
                acc = lax.fori_loop(0, nv, comb_body, zvec, unroll=5)
                sv[...] = acc
                pltpu.sync_copy(
                    sv, sums_hbm.at[pl.ds((batch * NHALF + h) * L, L)])
        plsc.subcore_barrier()

        for h in range(2):
            lo, n, nv = LO[h], RNG[h], RVEC[h]

            @pl.when(half == h)
            def _(lo=lo, n=n, nv=nv, h=h):
                pltpu.sync_copy(
                    sums_hbm.at[pl.ds((batch * NHALF + (1 - h)) * L, L)], sv2)
                total = jnp.sum(sv[...] + sv2[...])
                inv = 1.0 / (lax.broadcast(total, (L,)) + 1e-6)
                b0 = lo // L

                def norm_body(i, _n2):
                    sl = pl.ds((b0 + i) * L, L)
                    e_v[sl] = e_v[sl] * inv
                    return _n2
                lax.fori_loop(0, nv, norm_body, None, unroll=5)
                pltpu.sync_copy(e_v.at[pl.ds(lo, n)],
                                out_hbm.at[pl.ds(obase + lo, n)])
                pltpu.sync_copy(e_v.at[pl.ds(lo, n)],
                                xchg_hbm.at[pl.ds(xbase + lo, n)])
        plsc.subcore_barrier()

        for h in range(2):
            olo, on = LO[1 - h], RNG[1 - h]

            @pl.when(half == h)
            def _(olo=olo, on=on):
                pltpu.sync_copy(xchg_hbm.at[pl.ds(xbase + olo, on)],
                                e_v.at[pl.ds(olo, on)])
        plsc.subcore_barrier()


def _make_walk():
    return pl.kernel(
        _walk_body,
        out_type=(
            jax.ShapeDtypeStruct((B * MAX_HOPS * N_ENTS,), jnp.float32),
            jax.ShapeDtypeStruct((B * N_ENTS,), jnp.float32),
            jax.ShapeDtypeStruct((B * NHALF * L,), jnp.float32),
        ),
        compiler_params=pltpu.CompilerParams(needs_layout_passes=False),
        mesh=plsc.VectorSubcoreMesh(
            core_axis_name="c", subcore_axis_name="s",
            num_cores=NC, num_subcores=NS),
        scratch_types=[
            pltpu.VMEM((N_ENTS,), jnp.float32),
            pltpu.VMEM((N_ENTS,), jnp.float32),
            pltpu.VMEM((N_RELS * L,), jnp.float32),
            pltpu.VMEM((L,), jnp.float32),
            pltpu.VMEM((L,), jnp.float32),
            pltpu.VMEM((CH,), jnp.int32),
            pltpu.VMEM((CH,), jnp.int32),
            pltpu.VMEM((CH,), jnp.int32),
            pltpu.VMEM((CH,), jnp.int32),
            pltpu.SemaphoreType.DMA,
            pltpu.SemaphoreType.DMA,
        ],
    )


@jax.jit
def kernel(head_idx, rel_idx, tail_idx, rels_seq, init_ent):
    ht = lax.shift_left(head_idx, 16) | tail_idx
    rels_rep = jnp.broadcast_to(rels_seq[..., None], (B, MAX_HOPS, N_RELS, L))
    walked, _xchg, _sums = _make_walk()(
        ht, rel_idx, rels_rep.reshape(-1), init_ent.reshape(-1))
    walked = walked.reshape(B, MAX_HOPS, N_ENTS)
    return jnp.concatenate([init_ent[:, None, :], walked], axis=1)

# --- scband reference (transcript-rebuilt; emitter-appended) ---
"""Pipeline reference for scband-diff-kgbase-12378095747627 (READ-ONLY COPY).

The authoritative reference and input builder live on the scoring server;
editing this copy changes nothing except your own understanding.
"""

import jax, jax.numpy as jnp
import numpy as np

N_ENTS = 50000
N_RELS = 256
N_FACTS = 800000
B = 16
MAX_HOPS = 3


def setup_inputs(seed: int = 0) -> dict:
    key = jax.random.key(seed)
    k1, k2, k3, k4, k5 = jax.random.split(key, 5)
    head_idx = jax.random.randint(k1, (N_FACTS,), 0, N_ENTS, dtype=jnp.int32)
    rel_idx = jax.random.randint(k2, (N_FACTS,), 0, N_RELS, dtype=jnp.int32)
    tail_idx = jax.random.randint(k3, (N_FACTS,), 0, N_ENTS, dtype=jnp.int32)
    rels_seq = jax.random.uniform(k4, (B, MAX_HOPS, N_RELS), dtype=jnp.float32)
    init_ent = jax.random.uniform(k5, (B, N_ENTS), dtype=jnp.float32)
    return {
        "head_idx": head_idx,
        "rel_idx": rel_idx,
        "tail_idx": tail_idx,
        "rels_seq": rels_seq,
        "init_ent": init_ent,
    }


def reference(head_idx, rel_idx, tail_idx, rels_seq, init_ent):
    # Faithful JAX translation of DiffKGBase.follows(kgs, rels_seq, init_ent).
    # The sparse indicator matrices M_h [F, N], M_r [F, R], M_t [F, N] (one 1.0 per row)
    # are represented by their column indices head_idx, rel_idx, tail_idx.
    #   torch.sparse.mm(M_r, r_i.T)  -> gather r_i[:, rel_idx]   (per-fact relation score)
    #   torch.sparse.mm(M_h, e_i.T)  -> gather e_i[:, head_idx]  (per-fact head-entity mass)
    #   torch.sparse.mm(M_t.T, x)    -> scatter-add by tail_idx  (accumulate onto tail entities)
    ents = [init_ent]
    for i in range(MAX_HOPS):
        r_i = rels_seq[:, i, :]                 # [B, R]
        e_i = ents[i]                           # [B, N]
        r_fact = jnp.take(r_i, rel_idx, axis=1)   # [B, F]
        e_fact = jnp.take(e_i, head_idx, axis=1)  # [B, F]
        prod = r_fact * e_fact                    # [B, F]
        walked = jax.ops.segment_sum(prod.T, tail_idx, num_segments=N_ENTS).T  # [B, N]
        walked = walked / (jnp.sum(walked, axis=1, keepdims=True) + 1e-06)
        ents.append(walked)
    return jnp.stack(ents, axis=1)  # [B, MAX_HOPS+1, N]

if __name__ == "__main__":
    import jax
    _d = setup_inputs()
    print(jax.jit(kernel)(*tuple(_d.values())))

</pallas_src>

<mosaic_0001>
#map = affine_map<(d0, d1) -> (0)>
module attributes {stable_mosaic.version = 14 : i64} {
  func.func @_walk_body(%arg0: i32, %arg1: i32, %arg2: memref<800000xi32, #tpu.memory_space<hbm>>, %arg3: memref<800000xi32, #tpu.memory_space<hbm>>, %arg4: memref<196608xf32, #tpu.memory_space<hbm>>, %arg5: memref<800000xf32, #tpu.memory_space<hbm>>, %arg6: memref<2400000xf32, #tpu.memory_space<hbm>>, %arg7: memref<800000xf32, #tpu.memory_space<hbm>>, %arg8: memref<512xf32, #tpu.memory_space<hbm>>, %arg9: memref<50000xf32, #tpu.memory_space<vmem>>, %arg10: memref<50000xf32, #tpu.memory_space<vmem>>, %arg11: memref<4096xf32, #tpu.memory_space<vmem>>, %arg12: memref<16xf32, #tpu.memory_space<vmem>>, %arg13: memref<16xf32, #tpu.memory_space<vmem>>, %arg14: memref<4000xi32, #tpu.memory_space<vmem>>, %arg15: memref<4000xi32, #tpu.memory_space<vmem>>, %arg16: memref<4000xi32, #tpu.memory_space<vmem>>, %arg17: memref<4000xi32, #tpu.memory_space<vmem>>, %arg18: memref<!tpu.dma_semaphore, #tpu.memory_space<semaphore_mem>>, %arg19: memref<!tpu.dma_semaphore, #tpu.memory_space<semaphore_mem>>) attributes {dimension_semantics = [#tpu.dimension_semantics<core_parallel>, #tpu.dimension_semantics<subcore_parallel>], iteration_bounds = array<i64: 2, 16>, scalar_prefetch = 0 : i64, scratch_operands = 11 : i64, tpu.core_type = #tpu.core_type<sc_vector_subcore>, window_params = [{transform_indices = #map}, {transform_indices = #map}, {transform_indices = #map}, {transform_indices = #map}, {transform_indices = #map}, {transform_indices = #map}, {transform_indices = #map}]} {
    %jit3A = arith.constant 8 : i32
    %eq3A = arith.constant 0 : i32
    %eq3A_0 = arith.cmpi eq, %jit3A, %eq3A : i32
    %jit3A_1 = arith.constant 1 : i32
    %select_n3A = arith.select %eq3A_0, %jit3A_1, %jit3A : i32
    %rem3A = arith.remsi %arg1, %select_n3A : i32
    %ne3A = arith.constant 0 : i32
    %ne3A_2 = arith.cmpi ne, %rem3A, %ne3A : i32
    %lt3A = arith.constant 0 : i32
    %lt3A_3 = arith.cmpi slt, %rem3A, %lt3A : i32
    %lt3A_4 = arith.constant 0 : i32
    %lt3A_5 = arith.cmpi slt, %select_n3A, %lt3A_4 : i32
    %ne3A_6 = arith.xori %lt3A_3, %lt3A_5 : i1
    %and3A = arith.andi %ne3A_6, %ne3A_2 : i1
    %add3A = arith.addi %rem3A, %select_n3A : i32
    %select_n3A_7 = arith.select %and3A, %add3A, %rem3A : i32
    %mul3A = arith.constant 8 : i32
    %mul3A_8 = arith.muli %arg0, %mul3A : i32
    %add3A_9 = arith.addi %mul3A_8, %select_n3A_7 : i32
    %jit3A_10 = arith.constant 8 : i32
    %div3A = arith.divsi %arg1, %jit3A_10 : i32
    %sign3A = arith.constant 0 : i32
    %sign3A_11 = arith.cmpi sgt, %arg1, %sign3A : i32
    %sign3A_12 = arith.extui %sign3A_11 : i1 to i32
    %sign3A_13 = arith.constant 0 : i32
    %sign3A_14 = arith.cmpi slt, %arg1, %sign3A_13 : i32
    %sign3A_15 = arith.extui %sign3A_14 : i1 to i32
    %sign3A_16 = arith.subi %sign3A_12, %sign3A_15 : i32
    %sign3A_17 = arith.constant 0 : i32
    %sign3A_18 = arith.cmpi sgt, %jit3A_10, %sign3A_17 : i32
    %sign3A_19 = arith.extui %sign3A_18 : i1 to i32
    %sign3A_20 = arith.constant 0 : i32
    %sign3A_21 = arith.cmpi slt, %jit3A_10, %sign3A_20 : i32
    %sign3A_22 = arith.extui %sign3A_21 : i1 to i32
    %sign3A_23 = arith.subi %sign3A_19, %sign3A_22 : i32
    %ne3A_24 = arith.cmpi ne, %sign3A_16, %sign3A_23 : i32
    %rem3A_25 = arith.remsi %arg1, %jit3A_10 : i32
    %ne3A_26 = arith.constant 0 : i32
    %ne3A_27 = arith.cmpi ne, %rem3A_25, %ne3A_26 : i32
    %and3A_28 = arith.andi %ne3A_24, %ne3A_27 : i1
    %sub3A = arith.constant 1 : i32
    %sub3A_29 = arith.subi %div3A, %sub3A : i32
    %select_n3A_30 = arith.select %and3A_28, %sub3A_29, %div3A : i32
    %mul3A_31 = arith.constant 400000 : i32
    %mul3A_32 = arith.muli %select_n3A_30, %mul3A_31 : i32
    %mul3A_33 = arith.constant 50000 : i32
    %mul3A_34 = arith.muli %add3A_9, %mul3A_33 : i32
    "tpu.region"() ({
      %run_scoped3A = tpu.sem_alloc : memref<!tpu.dma_semaphore, #tpu.memory_space<semaphore_mem>>
      %dma_start3A_265 = tpu.memref_slice %arg5[%mul3A_34] : memref<800000xf32, #tpu.memory_space<hbm>> -> memref<50000xf32, #tpu.memory_space<hbm>>
      %dma_start3A_266 = tpu.memref_slice %arg5[%mul3A_34] : memref<800000xf32, #tpu.memory_space<hbm>> -> memref<50000xf32, #tpu.memory_space<hbm>>
      tpu.enqueue_dma source(%dma_start3A_266 : memref<50000xf32, #tpu.memory_space<hbm>>) target(%arg9 : memref<50000xf32, #tpu.memory_space<vmem>>) target_semaphore(%run_scoped3A : memref<!tpu.dma_semaphore, #tpu.memory_space<semaphore_mem>>)
      %dma_wait3A = tpu.memref_slice %arg5[%mul3A_34] : memref<800000xf32, #tpu.memory_space<hbm>> -> memref<50000xf32, #tpu.memory_space<hbm>>
      %dma_wait3A_267 = tpu.memref_slice %arg5[%mul3A_34] : memref<800000xf32, #tpu.memory_space<hbm>> -> memref<50000xf32, #tpu.memory_space<hbm>>
      tpu.wait_dma2 semaphore(%run_scoped3A : memref<!tpu.dma_semaphore, #tpu.memory_space<semaphore_mem>>) src(%dma_wait3A_267 : memref<50000xf32, #tpu.memory_space<hbm>>) dst(%arg9 : memref<50000xf32, #tpu.memory_space<vmem>>)
      tpu.yield
    }) : () -> ()
    %broadcast_in_dim3A = arith.constant 0.000000e+00 : f32
    %broadcast_in_dim3A_35 = vector.broadcast %broadcast_in_dim3A : f32 to vector<16xf32>
    %iota3A = tpu.iota {dimensions = array<i32: 0>} : vector<16xi32>
    %mul3A_36 = arith.constant 3 : i32
    %mul3A_37 = arith.muli %add3A_9, %mul3A_36 : i32
    %add3A_38 = arith.constant 0 : i32
    %add3A_39 = arith.addi %mul3A_37, %add3A_38 : i32
    %mul3A_40 = arith.constant 4096 : i32
    %mul3A_41 = arith.muli %add3A_39, %mul3A_40 : i32
    "tpu.region"() ({
      %run_scoped3A = tpu.sem_alloc : memref<!tpu.dma_semaphore, #tpu.memory_space<semaphore_mem>>
      %dma_start3A_265 = tpu.memref_slice %arg4[%mul3A_41] : memref<196608xf32, #tpu.memory_space<hbm>> -> memref<4096xf32, #tpu.memory_space<hbm>>
      %dma_start3A_266 = tpu.memref_slice %arg4[%mul3A_41] : memref<196608xf32, #tpu.memory_space<hbm>> -> memref<4096xf32, #tpu.memory_space<hbm>>
      tpu.enqueue_dma source(%dma_start3A_266 : memref<4096xf32, #tpu.memory_space<hbm>>) target(%arg11 : memref<4096xf32, #tpu.memory_space<vmem>>) target_semaphore(%run_scoped3A : memref<!tpu.dma_semaphore, #tpu.memory_space<semaphore_mem>>)
      %dma_wait3A = tpu.memref_slice %arg4[%mul3A_41] : memref<196608xf32, #tpu.memory_space<hbm>> -> memref<4096xf32, #tpu.memory_space<hbm>>
      %dma_wait3A_267 = tpu.memref_slice %arg4[%mul3A_41] : memref<196608xf32, #tpu.memory_space<hbm>> -> memref<4096xf32, #tpu.memory_space<hbm>>
      tpu.wait_dma2 semaphore(%run_scoped3A : memref<!tpu.dma_semaphore, #tpu.memory_space<semaphore_mem>>) src(%dma_wait3A_267 : memref<4096xf32, #tpu.memory_space<hbm>>) dst(%arg11 : memref<4096xf32, #tpu.memory_space<vmem>>)
      tpu.yield
    }) : () -> ()
    %scan3A = arith.constant 0 : i32
    %scan3A_42 = arith.constant 3125 : i32
    %scan3A_43 = arith.addi %scan3A, %scan3A_42 : i32
    %scan3A_44 = arith.constant 5 : i32
    scf.for %scan3A_265 = %scan3A to %scan3A_43 step %scan3A_44  : i32 {
      %mul3A_266 = arith.constant 16 : i32
      %mul3A_267 = arith.muli %scan3A_265, %mul3A_266 : i32
      %swap3A = arith.index_cast %mul3A_267 : i32 to index
      %swap3A_268 = tpu.vector_load %arg10[%swap3A] {strides = array<i32>} : memref<50000xf32, #tpu.memory_space<vmem>>, vector<16xf32>,
      tpu.vector_store %arg10[%swap3A], %broadcast_in_dim3A_35 {strides = array<i32>} : memref<50000xf32, #tpu.memory_space<vmem>>, vector<16xf32>,
      %scan3A_269 = arith.constant 1 : i32
      %scan3A_270 = arith.addi %scan3A_265, %scan3A_269 : i32
      %mul3A_271 = arith.constant 16 : i32
      %mul3A_272 = arith.muli %scan3A_270, %mul3A_271 : i32
      %swap3A_273 = arith.index_cast %mul3A_272 : i32 to index
      %swap3A_274 = tpu.vector_load %arg10[%swap3A_273] {strides = array<i32>} : memref<50000xf32, #tpu.memory_space<vmem>>, vector<16xf32>,
      tpu.vector_store %arg10[%swap3A_273], %broadcast_in_dim3A_35 {strides = array<i32>} : memref<50000xf32, #tpu.memory_space<vmem>>, vector<16xf32>,
      %scan3A_275 = arith.constant 2 : i32
      %scan3A_276 = arith.addi %scan3A_265, %scan3A_275 : i32
      %mul3A_277 = arith.constant 16 : i32
      %mul3A_278 = arith.muli %scan3A_276, %mul3A_277 : i32
      %swap3A_279 = arith.index_cast %mul3A_278 : i32 to index
      %swap3A_280 = tpu.vector_load %arg10[%swap3A_279] {strides = array<i32>} : memref<50000xf32, #tpu.memory_space<vmem>>, vector<16xf32>,
      tpu.vector_store %arg10[%swap3A_279], %broadcast_in_dim3A_35 {strides = array<i32>} : memref<50000xf32, #tpu.memory_space<vmem>>, vector<16xf32>,
      %scan3A_281 = arith.constant 3 : i32
      %scan3A_282 = arith.addi %scan3A_265, %scan3A_281 : i32
      %mul3A_283 = arith.constant 16 : i32
      %mul3A_284 = arith.muli %scan3A_282, %mul3A_283 : i32
      %swap3A_285 = arith.index_cast %mul3A_284 : i32 to index
      %swap3A_286 = tpu.vector_load %arg10[%swap3A_285] {strides = array<i32>} : memref<50000xf32, #tpu.memory_space<vmem>>, vector<16xf32>,
      tpu.vector_store %arg10[%swap3A_285], %broadcast_in_dim3A_35 {strides = array<i32>} : memref<50000xf32, #tpu.memory_space<vmem>>, vector<16xf32>,
      %scan3A_287 = arith.constant 4 : i32
      %scan3A_288 = arith.addi %scan3A_265, %scan3A_287 : i32
      %mul3A_289 = arith.constant 16 : i32
      %mul3A_290 = arith.muli %scan3A_288, %mul3A_289 : i32
      %swap3A_291 = arith.index_cast %mul3A_290 : i32 to index
      %swap3A_292 = tpu.vector_load %arg10[%swap3A_291] {strides = array<i32>} : memref<50000xf32, #tpu.memory_space<vmem>>, vector<16xf32>,
      tpu.vector_store %arg10[%swap3A_291], %broadcast_in_dim3A_35 {strides = array<i32>} : memref<50000xf32, #tpu.memory_space<vmem>>, vector<16xf32>,
    }
    %scan3A_45 = arith.constant 3125 : i32
    %add3A_46 = arith.constant 0 : i32
    %add3A_47 = arith.addi %mul3A_32, %add3A_46 : i32
    %dma_start3A = tpu.memref_slice %arg2[%add3A_47] : memref<800000xi32, #tpu.memory_space<hbm>> -> memref<4000xi32, #tpu.memory_space<hbm>>
    %dma_start3A_48 = tpu.memref_slice %arg2[%add3A_47] : memref<800000xi32, #tpu.memory_space<hbm>> -> memref<4000xi32, #tpu.memory_space<hbm>>
    tpu.enqueue_dma source(%dma_start3A_48 : memref<4000xi32, #tpu.memory_space<hbm>>) target(%arg14 : memref<4000xi32, #tpu.memory_space<vmem>>) target_semaphore(%arg18 : memref<!tpu.dma_semaphore, #tpu.memory_space<semaphore_mem>>)
    %dma_start3A_49 = tpu.memref_slice %arg3[%add3A_47] : memref<800000xi32, #tpu.memory_space<hbm>> -> memref<4000xi32, #tpu.memory_space<hbm>>
    %dma_start3A_50 = tpu.memref_slice %arg3[%add3A_47] : memref<800000xi32, #tpu.memory_space<hbm>> -> memref<4000xi32, #tpu.memory_space<hbm>>
    tpu.enqueue_dma source(%dma_start3A_50 : memref<4000xi32, #tpu.memory_space<hbm>>) target(%arg16 : memref<4000xi32, #tpu.memory_space<vmem>>) target_semaphore(%arg18 : memref<!tpu.dma_semaphore, #tpu.memory_space<semaphore_mem>>)
    %add3A_51 = arith.constant 4000 : i32
    %add3A_52 = arith.addi %mul3A_32, %add3A_51 : i32
    %dma_start3A_53 = tpu.memref_slice %arg2[%add3A_52] : memref<800000xi32, #tpu.memory_space<hbm>> -> memref<4000xi32, #tpu.memory_space<hbm>>
    %dma_start3A_54 = tpu.memref_slice %arg2[%add3A_52] : memref<800000xi32, #tpu.memory_space<hbm>> -> memref<4000xi32, #tpu.memory_space<hbm>>
    tpu.enqueue_dma source(%dma_start3A_54 : memref<4000xi32, #tpu.memory_space<hbm>>) target(%arg15 : memref<4000xi32, #tpu.memory_space<vmem>>) target_semaphore(%arg19 : memref<!tpu.dma_semaphore, #tpu.memory_space<semaphore_mem>>)
    %dma_start3A_55 = tpu.memref_slice %arg3[%add3A_52] : memref<800000xi32, #tpu.memory_space<hbm>> -> memref<4000xi32, #tpu.memory_space<hbm>>
    %dma_start3A_56 = tpu.memref_slice %arg3[%add3A_52] : memref<800000xi32, #tpu.memory_space<hbm>> -> memref<4000xi32, #tpu.memory_space<hbm>>
    tpu.enqueue_dma source(%dma_start3A_56 : memref<4000xi32, #tpu.memory_space<hbm>>) target(%arg17 : memref<4000xi32, #tpu.memory_space<vmem>>) target_semaphore(%arg19 : memref<!tpu.dma_semaphore, #tpu.memory_space<semaphore_mem>>)
    %scan3A_57 = arith.constant 0 : i32
    %scan3A_58 = arith.constant 50 : i32
    %scan3A_59 = arith.addi %scan3A_57, %scan3A_58 : i32
    %scan3A_60 = arith.constant 1 : i32
    scf.for %scan3A_265 = %scan3A_57 to %scan3A_59 step %scan3A_60  : i32 {
      %mul3A_266 = arith.constant 2 : i32
      %mul3A_267 = arith.muli %scan3A_265, %mul3A_266 : i32
      %dma_wait3A = arith.constant 0 : i32
      %dma_wait3A_268 = tpu.memref_slice %arg2[%dma_wait3A] : memref<800000xi32, #tpu.memory_space<hbm>> -> memref<4000xi32, #tpu.memory_space<hbm>>
      %dma_wait3A_269 = arith.constant 0 : i32
      %dma_wait3A_270 = tpu.memref_slice %arg2[%dma_wait3A_269] : memref<800000xi32, #tpu.memory_space<hbm>> -> memref<4000xi32, #tpu.memory_space<hbm>>
      tpu.wait_dma2 semaphore(%arg18 : memref<!tpu.dma_semaphore, #tpu.memory_space<semaphore_mem>>) src(%dma_wait3A_270 : memref<4000xi32, #tpu.memory_space<hbm>>) dst(%arg14 : memref<4000xi32, #tpu.memory_space<vmem>>)
      %dma_wait3A_271 = arith.constant 0 : i32
      %dma_wait3A_272 = tpu.memref_slice %arg3[%dma_wait3A_271] : memref<800000xi32, #tpu.memory_space<hbm>> -> memref<4000xi32, #tpu.memory_space<hbm>>
      %dma_wait3A_273 = arith.constant 0 : i32
      %dma_wait3A_274 = tpu.memref_slice %arg3[%dma_wait3A_273] : memref<800000xi32, #tpu.memory_space<hbm>> -> memref<4000xi32, #tpu.memory_space<hbm>>
      tpu.wait_dma2 semaphore(%arg18 : memref<!tpu.dma_semaphore, #tpu.memory_space<semaphore_mem>>) src(%dma_wait3A_274 : memref<4000xi32, #tpu.memory_space<hbm>>) dst(%arg16 : memref<4000xi32, #tpu.memory_space<vmem>>)
      %parallel_loop3A = arith.constant 0 : i32
      %parallel_loop3A_275 = arith.constant 250 : i32
      %parallel_loop3A_276 = arith.constant 1 : i32
      scf.for %parallel_loop3A_306 = %parallel_loop3A to %parallel_loop3A_275 step %parallel_loop3A_276  : i32 {
        %parallel_loop3A_307 = arith.constant 16 : i32
        %parallel_loop3A_308 = arith.muli %parallel_loop3A_306, %parallel_loop3A_307 : i32
        %parallel_loop3A_309 = arith.index_cast %parallel_loop3A_308 : i32 to index
        %parallel_loop3A_310 = tpu.vector_load %arg14[%parallel_loop3A_309] {strides = array<i32>} : memref<4000xi32, #tpu.memory_space<vmem>>, vector<16xi32>,
        %parallel_loop3A_311 = arith.index_cast %parallel_loop3A_308 : i32 to index
        %parallel_loop3A_312 = tpu.vector_load %arg16[%parallel_loop3A_311] {strides = array<i32>} : memref<4000xi32, #tpu.memory_space<vmem>>, vector<16xi32>,
        %parallel_loop3A_313 = arith.constant 16 : i32
        %parallel_loop3A_314 = vector.broadcast %parallel_loop3A_313 : i32 to vector<16xi32>
        %parallel_loop3A_315 = arith.shrui %parallel_loop3A_310, %parallel_loop3A_314 : vector<16xi32>
        %parallel_loop3A_316 = arith.constant 65535 : i32
        %parallel_loop3A_317 = vector.broadcast %parallel_loop3A_316 : i32 to vector<16xi32>
        %parallel_loop3A_318 = arith.andi %parallel_loop3A_310, %parallel_loop3A_317 : vector<16xi32>
        %parallel_loop3A_319 = arith.constant 4 : i32
        %parallel_loop3A_320 = vector.broadcast %parallel_loop3A_319 : i32 to vector<16xi32>
        %parallel_loop3A_321 = arith.shli %parallel_loop3A_312, %parallel_loop3A_320 : vector<16xi32>
        %parallel_loop3A_322 = arith.ori %parallel_loop3A_321, %iota3A : vector<16xi32>
        %parallel_loop3A_323 = tpu.vector_load_idx %arg11[%parallel_loop3A_322] : memref<4096xf32, #tpu.memory_space<vmem>>[vector<16xi32>], vector<16xf32>,
        %parallel_loop3A_324 = tpu.vector_load_idx %arg9[%parallel_loop3A_315] : memref<50000xf32, #tpu.memory_space<vmem>>[vector<16xi32>], vector<16xf32>,
        %parallel_loop3A_325 = arith.mulf %parallel_loop3A_323, %parallel_loop3A_324 : vector<16xf32>
        tpu.vector_store_idx %arg10[%parallel_loop3A_318], %parallel_loop3A_325 {add = true} : memref<50000xf32, #tpu.memory_space<vmem>>[vector<16xi32>], vector<16xf32>,
      } {sc.loop_unroll_factor = 10 : i64, sc.parallel_access}
      %add3A_277 = arith.constant 0 : i32
      %add3A_278 = arith.addi %mul3A_267, %add3A_277 : i32
      %add3A_279 = arith.constant 2 : i32
      %add3A_280 = arith.addi %add3A_278, %add3A_279 : i32
      %lt3A_281 = arith.constant 100 : i32
      %lt3A_282 = arith.cmpi slt, %add3A_280, %lt3A_281 : i32
      %convert_element_type3A_283 = arith.extui %lt3A_282 : i1 to i32
      %cond3A_284 = arith.constant 0 : i32
      %cond3A_285 = arith.cmpi ne, %convert_element_type3A_283, %cond3A_284 : i32
      scf.if %cond3A_285 {
        %mul3A_306 = arith.constant 4000 : i32
        %mul3A_307 = arith.muli %add3A_280, %mul3A_306 : i32
        %add3A_308 = arith.addi %mul3A_32, %mul3A_307 : i32
        %dma_start3A_309 = tpu.memref_slice %arg2[%add3A_308] : memref<800000xi32, #tpu.memory_space<hbm>> -> memref<4000xi32, #tpu.memory_space<hbm>>
        %dma_start3A_310 = tpu.memref_slice %arg2[%add3A_308] : memref<800000xi32, #tpu.memory_space<hbm>> -> memref<4000xi32, #tpu.memory_space<hbm>>
        tpu.enqueue_dma source(%dma_start3A_310 : memref<4000xi32, #tpu.memory_space<hbm>>) target(%arg14 : memref<4000xi32, #tpu.memory_space<vmem>>) target_semaphore(%arg18 : memref<!tpu.dma_semaphore, #tpu.memory_space<semaphore_mem>>)
        %dma_start3A_311 = tpu.memref_slice %arg3[%add3A_308] : memref<800000xi32, #tpu.memory_space<hbm>> -> memref<4000xi32, #tpu.memory_space<hbm>>
        %dma_start3A_312 = tpu.memref_slice %arg3[%add3A_308] : memref<800000xi32, #tpu.memory_space<hbm>> -> memref<4000xi32, #tpu.memory_space<hbm>>
        tpu.enqueue_dma source(%dma_start3A_312 : memref<4000xi32, #tpu.memory_space<hbm>>) target(%arg16 : memref<4000xi32, #tpu.memory_space<vmem>>) target_semaphore(%arg18 : memref<!tpu.dma_semaphore, #tpu.memory_space<semaphore_mem>>)
      } else {
      }
      %dma_wait3A_286 = arith.constant 0 : i32
      %dma_wait3A_287 = tpu.memref_slice %arg2[%dma_wait3A_286] : memref<800000xi32, #tpu.memory_space<hbm>> -> memref<4000xi32, #tpu.memory_space<hbm>>
      %dma_wait3A_288 = arith.constant 0 : i32
      %dma_wait3A_289 = tpu.memref_slice %arg2[%dma_wait3A_288] : memref<800000xi32, #tpu.memory_space<hbm>> -> memref<4000xi32, #tpu.memory_space<hbm>>
      tpu.wait_dma2 semaphore(%arg19 : memref<!tpu.dma_semaphore, #tpu.memory_space<semaphore_mem>>) src(%dma_wait3A_289 : memref<4000xi32, #tpu.memory_space<hbm>>) dst(%arg15 : memref<4000xi32, #tpu.memory_space<vmem>>)
      %dma_wait3A_290 = arith.constant 0 : i32
      %dma_wait3A_291 = tpu.memref_slice %arg3[%dma_wait3A_290] : memref<800000xi32, #tpu.memory_space<hbm>> -> memref<4000xi32, #tpu.memory_space<hbm>>
      %dma_wait3A_292 = arith.constant 0 : i32
      %dma_wait3A_293 = tpu.memref_slice %arg3[%dma_wait3A_292] : memref<800000xi32, #tpu.memory_space<hbm>> -> memref<4000xi32, #tpu.memory_space<hbm>>
      tpu.wait_dma2 semaphore(%arg19 : memref<!tpu.dma_semaphore, #tpu.memory_space<semaphore_mem>>) src(%dma_wait3A_293 : memref<4000xi32, #tpu.memory_space<hbm>>) dst(%arg17 : memref<4000xi32, #tpu.memory_space<vmem>>)
      %parallel_loop3A_294 = arith.constant 0 : i32
      %parallel_loop3A_295 = arith.constant 250 : i32
      %parallel_loop3A_296 = arith.constant 1 : i32
      scf.for %parallel_loop3A_306 = %parallel_loop3A_294 to %parallel_loop3A_295 step %parallel_loop3A_296  : i32 {
        %parallel_loop3A_307 = arith.constant 16 : i32
        %parallel_loop3A_308 = arith.muli %parallel_loop3A_306, %parallel_loop3A_307 : i32
        %parallel_loop3A_309 = arith.index_cast %parallel_loop3A_308 : i32 to index
        %parallel_loop3A_310 = tpu.vector_load %arg15[%parallel_loop3A_309] {strides = array<i32>} : memref<4000xi32, #tpu.memory_space<vmem>>, vector<16xi32>,
        %parallel_loop3A_311 = arith.index_cast %parallel_loop3A_308 : i32 to index
        %parallel_loop3A_312 = tpu.vector_load %arg17[%parallel_loop3A_311] {strides = array<i32>} : memref<4000xi32, #tpu.memory_space<vmem>>, vector<16xi32>,
        %parallel_loop3A_313 = arith.constant 16 : i32
        %parallel_loop3A_314 = vector.broadcast %parallel_loop3A_313 : i32 to vector<16xi32>
        %parallel_loop3A_315 = arith.shrui %parallel_loop3A_310, %parallel_loop3A_314 : vector<16xi32>
        %parallel_loop3A_316 = arith.constant 65535 : i32
        %parallel_loop3A_317 = vector.broadcast %parallel_loop3A_316 : i32 to vector<16xi32>
        %parallel_loop3A_318 = arith.andi %parallel_loop3A_310, %parallel_loop3A_317 : vector<16xi32>
        %parallel_loop3A_319 = arith.constant 4 : i32
        %parallel_loop3A_320 = vector.broadcast %parallel_loop3A_319 : i32 to vector<16xi32>
        %parallel_loop3A_321 = arith.shli %parallel_loop3A_312, %parallel_loop3A_320 : vector<16xi32>
        %parallel_loop3A_322 = arith.ori %parallel_loop3A_321, %iota3A : vector<16xi32>
        %parallel_loop3A_323 = tpu.vector_load_idx %arg11[%parallel_loop3A_322] : memref<4096xf32, #tpu.memory_space<vmem>>[vector<16xi32>], vector<16xf32>,
        %parallel_loop3A_324 = tpu.vector_load_idx %arg9[%parallel_loop3A_315] : memref<50000xf32, #tpu.memory_space<vmem>>[vector<16xi32>], vector<16xf32>,
        %parallel_loop3A_325 = arith.mulf %parallel_loop3A_323, %parallel_loop3A_324 : vector<16xf32>
        tpu.vector_store_idx %arg10[%parallel_loop3A_318], %parallel_loop3A_325 {add = true} : memref<50000xf32, #tpu.memory_space<vmem>>[vector<16xi32>], vector<16xf32>,
      } {sc.loop_unroll_factor = 10 : i64, sc.parallel_access}
      %add3A_297 = arith.constant 1 : i32
      %add3A_298 = arith.addi %mul3A_267, %add3A_297 : i32
      %add3A_299 = arith.constant 2 : i32
      %add3A_300 = arith.addi %add3A_298, %add3A_299 : i32
      %lt3A_301 = arith.constant 100 : i32
      %lt3A_302 = arith.cmpi slt, %add3A_300, %lt3A_301 : i32
      %convert_element_type3A_303 = arith.extui %lt3A_302 : i1 to i32
      %cond3A_304 = arith.constant 0 : i32
      %cond3A_305 = arith.cmpi ne, %convert_element_type3A_303, %cond3A_304 : i32
      scf.if %cond3A_305 {
        %mul3A_306 = arith.constant 4000 : i32
        %mul3A_307 = arith.muli %add3A_300, %mul3A_306 : i32
        %add3A_308 = arith.addi %mul3A_32, %mul3A_307 : i32
        %dma_start3A_309 = tpu.memref_slice %arg2[%add3A_308] : memref<800000xi32, #tpu.memory_space<hbm>> -> memref<4000xi32, #tpu.memory_space<hbm>>
        %dma_start3A_310 = tpu.memref_slice %arg2[%add3A_308] : memref<800000xi32, #tpu.memory_space<hbm>> -> memref<4000xi32, #tpu.memory_space<hbm>>
        tpu.enqueue_dma source(%dma_start3A_310 : memref<4000xi32, #tpu.memory_space<hbm>>) target(%arg15 : memref<4000xi32, #tpu.memory_space<vmem>>) target_semaphore(%arg19 : memref<!tpu.dma_semaphore, #tpu.memory_space<semaphore_mem>>)
        %dma_start3A_311 = tpu.memref_slice %arg3[%add3A_308] : memref<800000xi32, #tpu.memory_space<hbm>> -> memref<4000xi32, #tpu.memory_space<hbm>>
        %dma_start3A_312 = tpu.memref_slice %arg3[%add3A_308] : memref<800000xi32, #tpu.memory_space<hbm>> -> memref<4000xi32, #tpu.memory_space<hbm>>
        tpu.enqueue_dma source(%dma_start3A_312 : memref<4000xi32, #tpu.memory_space<hbm>>) target(%arg17 : memref<4000xi32, #tpu.memory_space<vmem>>) target_semaphore(%arg19 : memref<!tpu.dma_semaphore, #tpu.memory_space<semaphore_mem>>)
      } else {
      }
    }
    %scan3A_61 = arith.constant 50 : i32
    %mul3A_62 = arith.constant 50000 : i32
    %mul3A_63 = arith.muli %add3A_9, %mul3A_62 : i32
    %mul3A_64 = arith.constant 150000 : i32
    %mul3A_65 = arith.muli %add3A_9, %mul3A_64 : i32
    %add3A_66 = arith.constant 0 : i32
    %add3A_67 = arith.addi %mul3A_65, %add3A_66 : i32
    %eq3A_68 = arith.constant 0 : i32
    %eq3A_69 = arith.cmpi eq, %select_n3A_30, %eq3A_68 : i32
    %convert_element_type3A = arith.extui %eq3A_69 : i1 to i32
    %cond3A = arith.constant 0 : i32
    %cond3A_70 = arith.cmpi ne, %convert_element_type3A, %cond3A : i32
    scf.if %cond3A_70 {
      %add3A_265 = arith.constant 24992 : i32
      %add3A_266 = arith.addi %mul3A_63, %add3A_265 : i32
      "tpu.region"() ({
        %run_scoped3A = tpu.sem_alloc : memref<!tpu.dma_semaphore, #tpu.memory_space<semaphore_mem>>
        %dma_start3A_267 = arith.constant 24992 : i32
        %dma_start3A_268 = tpu.memref_slice %arg10[%dma_start3A_267] : memref<50000xf32, #tpu.memory_space<vmem>> -> memref<25008xf32, #tpu.memory_space<vmem>>
        %dma_start3A_269 = tpu.memref_slice %arg7[%add3A_266] : memref<800000xf32, #tpu.memory_space<hbm>> -> memref<25008xf32, #tpu.memory_space<hbm>>
        %dma_start3A_270 = tpu.memref_slice %arg7[%add3A_266] : memref<800000xf32, #tpu.memory_space<hbm>> -> memref<25008xf32, #tpu.memory_space<hbm>>
        %dma_start3A_271 = arith.constant 24992 : i32
        %dma_start3A_272 = tpu.memref_slice %arg10[%dma_start3A_271] : memref<50000xf32, #tpu.memory_space<vmem>> -> memref<25008xf32, #tpu.memory_space<vmem>>
        tpu.enqueue_dma source(%dma_start3A_272 : memref<25008xf32, #tpu.memory_space<vmem>>) target(%dma_start3A_270 : memref<25008xf32, #tpu.memory_space<hbm>>) target_semaphore(%run_scoped3A : memref<!tpu.dma_semaphore, #tpu.memory_space<semaphore_mem>>)
        %dma_wait3A = arith.constant 24992 : i32
        %dma_wait3A_273 = tpu.memref_slice %arg10[%dma_wait3A] : memref<50000xf32, #tpu.memory_space<vmem>> -> memref<25008xf32, #tpu.memory_space<vmem>>
        %dma_wait3A_274 = tpu.memref_slice %arg7[%add3A_266] : memref<800000xf32, #tpu.memory_space<hbm>> -> memref<25008xf32, #tpu.memory_space<hbm>>
        %dma_wait3A_275 = tpu.memref_slice %arg7[%add3A_266] : memref<800000xf32, #tpu.memory_space<hbm>> -> memref<25008xf32, #tpu.memory_space<hbm>>
        %dma_wait3A_276 = arith.constant 24992 : i32
        %dma_wait3A_277 = tpu.memref_slice %arg10[%dma_wait3A_276] : memref<50000xf32, #tpu.memory_space<vmem>> -> memref<25008xf32, #tpu.memory_space<vmem>>
        tpu.wait_dma2 semaphore(%run_scoped3A : memref<!tpu.dma_semaphore, #tpu.memory_space<semaphore_mem>>) src(%dma_wait3A_277 : memref<25008xf32, #tpu.memory_space<vmem>>) dst(%dma_wait3A_275 : memref<25008xf32, #tpu.memory_space<hbm>>)
        tpu.yield
      }) : () -> ()
    } else {
    }
    %eq3A_71 = arith.constant 1 : i32
    %eq3A_72 = arith.cmpi eq, %select_n3A_30, %eq3A_71 : i32
    %convert_element_type3A_73 = arith.extui %eq3A_72 : i1 to i32
    %cond3A_74 = arith.constant 0 : i32
    %cond3A_75 = arith.cmpi ne, %convert_element_type3A_73, %cond3A_74 : i32
    scf.if %cond3A_75 {
      %add3A_265 = arith.constant 0 : i32
      %add3A_266 = arith.addi %mul3A_63, %add3A_265 : i32
      "tpu.region"() ({
        %run_scoped3A = tpu.sem_alloc : memref<!tpu.dma_semaphore, #tpu.memory_space<semaphore_mem>>
        %dma_start3A_267 = arith.constant 0 : i32
        %dma_start3A_268 = tpu.memref_slice %arg10[%dma_start3A_267] : memref<50000xf32, #tpu.memory_space<vmem>> -> memref<24992xf32, #tpu.memory_space<vmem>>
        %dma_start3A_269 = tpu.memref_slice %arg7[%add3A_266] : memref<800000xf32, #tpu.memory_space<hbm>> -> memref<24992xf32, #tpu.memory_space<hbm>>
        %dma_start3A_270 = tpu.memref_slice %arg7[%add3A_266] : memref<800000xf32, #tpu.memory_space<hbm>> -> memref<24992xf32, #tpu.memory_space<hbm>>
        %dma_start3A_271 = arith.constant 0 : i32
        %dma_start3A_272 = tpu.memref_slice %arg10[%dma_start3A_271] : memref<50000xf32, #tpu.memory_space<vmem>> -> memref<24992xf32, #tpu.memory_space<vmem>>
        tpu.enqueue_dma source(%dma_start3A_272 : memref<24992xf32, #tpu.memory_space<vmem>>) target(%dma_start3A_270 : memref<24992xf32, #tpu.memory_space<hbm>>) target_semaphore(%run_scoped3A : memref<!tpu.dma_semaphore, #tpu.memory_space<semaphore_mem>>)
        %dma_wait3A = arith.constant 0 : i32
        %dma_wait3A_273 = tpu.memref_slice %arg10[%dma_wait3A] : memref<50000xf32, #tpu.memory_space<vmem>> -> memref<24992xf32, #tpu.memory_space<vmem>>
        %dma_wait3A_274 = tpu.memref_slice %arg7[%add3A_266] : memref<800000xf32, #tpu.memory_space<hbm>> -> memref<24992xf32, #tpu.memory_space<hbm>>
        %dma_wait3A_275 = tpu.memref_slice %arg7[%add3A_266] : memref<800000xf32, #tpu.memory_space<hbm>> -> memref<24992xf32, #tpu.memory_space<hbm>>
        %dma_wait3A_276 = arith.constant 0 : i32
        %dma_wait3A_277 = tpu.memref_slice %arg10[%dma_wait3A_276] : memref<50000xf32, #tpu.memory_space<vmem>> -> memref<24992xf32, #tpu.memory_space<vmem>>
        tpu.wait_dma2 semaphore(%run_scoped3A : memref<!tpu.dma_semaphore, #tpu.memory_space<semaphore_mem>>) src(%dma_wait3A_277 : memref<24992xf32, #tpu.memory_space<vmem>>) dst(%dma_wait3A_275 : memref<24992xf32, #tpu.memory_space<hbm>>)
        tpu.yield
      }) : () -> ()
    } else {
    }
    %barrier3A = arith.constant 0 : index
    tpu.barrier barrier_id(%barrier3A)
    %eq3A_76 = arith.constant 0 : i32
    %eq3A_77 = arith.cmpi eq, %select_n3A_30, %eq3A_76 : i32
    %convert_element_type3A_78 = arith.extui %eq3A_77 : i1 to i32
    %cond3A_79 = arith.constant 0 : i32
    %cond3A_80 = arith.cmpi ne, %convert_element_type3A_78, %cond3A_79 : i32
    scf.if %cond3A_80 {
      %add3A_265 = arith.constant 0 : i32
      %add3A_266 = arith.addi %mul3A_63, %add3A_265 : i32
      "tpu.region"() ({
        %run_scoped3A = tpu.sem_alloc : memref<!tpu.dma_semaphore, #tpu.memory_space<semaphore_mem>>
        %dma_start3A_307 = arith.constant 0 : i32
        %dma_start3A_308 = tpu.memref_slice %arg9[%dma_start3A_307] : memref<50000xf32, #tpu.memory_space<vmem>> -> memref<24992xf32, #tpu.memory_space<vmem>>
        %dma_start3A_309 = tpu.memref_slice %arg7[%add3A_266] : memref<800000xf32, #tpu.memory_space<hbm>> -> memref<24992xf32, #tpu.memory_space<hbm>>
        %dma_start3A_310 = arith.constant 0 : i32
        %dma_start3A_311 = tpu.memref_slice %arg9[%dma_start3A_310] : memref<50000xf32, #tpu.memory_space<vmem>> -> memref<24992xf32, #tpu.memory_space<vmem>>
        %dma_start3A_312 = tpu.memref_slice %arg7[%add3A_266] : memref<800000xf32, #tpu.memory_space<hbm>> -> memref<24992xf32, #tpu.memory_space<hbm>>
        tpu.enqueue_dma source(%dma_start3A_312 : memref<24992xf32, #tpu.memory_space<hbm>>) target(%dma_start3A_311 : memref<24992xf32, #tpu.memory_space<vmem>>) target_semaphore(%run_scoped3A : memref<!tpu.dma_semaphore, #tpu.memory_space<semaphore_mem>>)
        %dma_wait3A = arith.constant 0 : i32
        %dma_wait3A_313 = tpu.memref_slice %arg9[%dma_wait3A] : memref<50000xf32, #tpu.memory_space<vmem>> -> memref<24992xf32, #tpu.memory_space<vmem>>
        %dma_wait3A_314 = tpu.memref_slice %arg7[%add3A_266] : memref<800000xf32, #tpu.memory_space<hbm>> -> memref<24992xf32, #tpu.memory_space<hbm>>
        %dma_wait3A_315 = arith.constant 0 : i32
        %dma_wait3A_316 = tpu.memref_slice %arg9[%dma_wait3A_315] : memref<50000xf32, #tpu.memory_space<vmem>> -> memref<24992xf32, #tpu.memory_space<vmem>>
        %dma_wait3A_317 = tpu.memref_slice %arg7[%add3A_266] : memref<800000xf32, #tpu.memory_space<hbm>> -> memref<24992xf32, #tpu.memory_space<hbm>>
        tpu.wait_dma2 semaphore(%run_scoped3A : memref<!tpu.dma_semaphore, #tpu.memory_space<semaphore_mem>>) src(%dma_wait3A_317 : memref<24992xf32, #tpu.memory_space<hbm>>) dst(%dma_wait3A_316 : memref<24992xf32, #tpu.memory_space<vmem>>)
        tpu.yield
      }) : () -> ()
      %scan3A_267 = arith.constant 0 : i32
      %scan3A_268 = arith.constant 1560 : i32
      %scan3A_269 = arith.addi %scan3A_267, %scan3A_268 : i32
      %scan3A_270 = arith.constant 5 : i32
      %scan3A_271 = scf.for %scan3A_307 = %scan3A_267 to %scan3A_269 step %scan3A_270 iter_args(%scan3A_308 = %broadcast_in_dim3A_35) -> (vector<16xf32>)  : i32 {
        %add3A_309 = arith.constant 0 : i32
        %add3A_310 = arith.addi %add3A_309, %scan3A_307 : i32
        %mul3A_311 = arith.constant 16 : i32
        %mul3A_312 = arith.muli %add3A_310, %mul3A_311 : i32
        %get3A_313 = arith.index_cast %mul3A_312 : i32 to index
        %get3A_314 = tpu.vector_load %arg9[%get3A_313] {strides = array<i32>} : memref<50000xf32, #tpu.memory_space<vmem>>, vector<16xf32>,
        %get3A_315 = arith.index_cast %mul3A_312 : i32 to index
        %get3A_316 = tpu.vector_load %arg10[%get3A_315] {strides = array<i32>} : memref<50000xf32, #tpu.memory_space<vmem>>, vector<16xf32>,
        %add3A_317 = arith.addf %get3A_314, %get3A_316 : vector<16xf32>
        %swap3A_318 = arith.index_cast %mul3A_312 : i32 to index
        %swap3A_319 = tpu.vector_load %arg9[%swap3A_318] {strides = array<i32>} : memref<50000xf32, #tpu.memory_space<vmem>>, vector<16xf32>,
        tpu.vector_store %arg9[%swap3A_318], %add3A_317 {strides = array<i32>} : memref<50000xf32, #tpu.memory_space<vmem>>, vector<16xf32>,
        %add3A_320 = arith.addf %scan3A_308, %add3A_317 : vector<16xf32>
        %scan3A_321 = arith.constant 1 : i32
        %scan3A_322 = arith.addi %scan3A_307, %scan3A_321 : i32
        %add3A_323 = arith.constant 0 : i32
        %add3A_324 = arith.addi %add3A_323, %scan3A_322 : i32
        %mul3A_325 = arith.constant 16 : i32
        %mul3A_326 = arith.muli %add3A_324, %mul3A_325 : i32
        %get3A_327 = arith.index_cast %mul3A_326 : i32 to index
        %get3A_328 = tpu.vector_load %arg9[%get3A_327] {strides = array<i32>} : memref<50000xf32, #tpu.memory_space<vmem>>, vector<16xf32>,
        %get3A_329 = arith.index_cast %mul3A_326 : i32 to index
        %get3A_330 = tpu.vector_load %arg10[%get3A_329] {strides = array<i32>} : memref<50000xf32, #tpu.memory_space<vmem>>, vector<16xf32>,
        %add3A_331 = arith.addf %get3A_328, %get3A_330 : vector<16xf32>
        %swap3A_332 = arith.index_cast %mul3A_326 : i32 to index
        %swap3A_333 = tpu.vector_load %arg9[%swap3A_332] {strides = array<i32>} : memref<50000xf32, #tpu.memory_space<vmem>>, vector<16xf32>,
        tpu.vector_store %arg9[%swap3A_332], %add3A_331 {strides = array<i32>} : memref<50000xf32, #tpu.memory_space<vmem>>, vector<16xf32>,
        %add3A_334 = arith.addf %add3A_320, %add3A_331 : vector<16xf32>
        %scan3A_335 = arith.constant 2 : i32
        %scan3A_336 = arith.addi %scan3A_307, %scan3A_335 : i32
        %add3A_337 = arith.constant 0 : i32
        %add3A_338 = arith.addi %add3A_337, %scan3A_336 : i32
        %mul3A_339 = arith.constant 16 : i32
        %mul3A_340 = arith.muli %add3A_338, %mul3A_339 : i32
        %get3A_341 = arith.index_cast %mul3A_340 : i32 to index
        %get3A_342 = tpu.vector_load %arg9[%get3A_341] {strides = array<i32>} : memref<50000xf32, #tpu.memory_space<vmem>>, vector<16xf32>,
        %get3A_343 = arith.index_cast %mul3A_340 : i32 to index
        %get3A_344 = tpu.vector_load %arg10[%get3A_343] {strides = array<i32>} : memref<50000xf32, #tpu.memory_space<vmem>>, vector<16xf32>,
        %add3A_345 = arith.addf %get3A_342, %get3A_344 : vector<16xf32>
        %swap3A_346 = arith.index_cast %mul3A_340 : i32 to index
        %swap3A_347 = tpu.vector_load %arg9[%swap3A_346] {strides = array<i32>} : memref<50000xf32, #tpu.memory_space<vmem>>, vector<16xf32>,
        tpu.vector_store %arg9[%swap3A_346], %add3A_345 {strides = array<i32>} : memref<50000xf32, #tpu.memory_space<vmem>>, vector<16xf32>,
        %add3A_348 = arith.addf %add3A_334, %add3A_345 : vector<16xf32>
        %scan3A_349 = arith.constant 3 : i32
        %scan3A_350 = arith.addi %scan3A_307, %scan3A_349 : i32
        %add3A_351 = arith.constant 0 : i32
        %add3A_352 = arith.addi %add3A_351, %scan3A_350 : i32
        %mul3A_353 = arith.constant 16 : i32
        %mul3A_354 = arith.muli %add3A_352, %mul3A_353 : i32
        %get3A_355 = arith.index_cast %mul3A_354 : i32 to index
        %get3A_356 = tpu.vector_load %arg9[%get3A_355] {strides = array<i32>} : memref<50000xf32, #tpu.memory_space<vmem>>, vector<16xf32>,
        %get3A_357 = arith.index_cast %mul3A_354 : i32 to index
        %get3A_358 = tpu.vector_load %arg10[%get3A_357] {strides = array<i32>} : memref<50000xf32, #tpu.memory_space<vmem>>, vector<16xf32>,
        %add3A_359 = arith.addf %get3A_356, %get3A_358 : vector<16xf32>
        %swap3A_360 = arith.index_cast %mul3A_354 : i32 to index
        %swap3A_361 = tpu.vector_load %arg9[%swap3A_360] {strides = array<i32>} : memref<50000xf32, #tpu.memory_space<vmem>>, vector<16xf32>,
        tpu.vector_store %arg9[%swap3A_360], %add3A_359 {strides = array<i32>} : memref<50000xf32, #tpu.memory_space<vmem>>, vector<16xf32>,
        %add3A_362 = arith.addf %add3A_348, %add3A_359 : vector<16xf32>
        %scan3A_363 = arith.constant 4 : i32
        %scan3A_364 = arith.addi %scan3A_307, %scan3A_363 : i32
        %add3A_365 = arith.constant 0 : i32
        %add3A_366 = arith.addi %add3A_365, %scan3A_364 : i32
        %mul3A_367 = arith.constant 16 : i32
        %mul3A_368 = arith.muli %add3A_366, %mul3A_367 : i32
        %get3A_369 = arith.index_cast %mul3A_368 : i32 to index
        %get3A_370 = tpu.vector_load %arg9[%get3A_369] {strides = array<i32>} : memref<50000xf32, #tpu.memory_space<vmem>>, vector<16xf32>,
        %get3A_371 = arith.index_cast %mul3A_368 : i32 to index
        %get3A_372 = tpu.vector_load %arg10[%get3A_371] {strides = array<i32>} : memref<50000xf32, #tpu.memory_space<vmem>>, vector<16xf32>,
        %add3A_373 = arith.addf %get3A_370, %get3A_372 : vector<16xf32>
        %swap3A_374 = arith.index_cast %mul3A_368 : i32 to index
        %swap3A_375 = tpu.vector_load %arg9[%swap3A_374] {strides = array<i32>} : memref<50000xf32, #tpu.memory_space<vmem>>, vector<16xf32>,
        tpu.vector_store %arg9[%swap3A_374], %add3A_373 {strides = array<i32>} : memref<50000xf32, #tpu.memory_space<vmem>>, vector<16xf32>,
        %add3A_376 = arith.addf %add3A_362, %add3A_373 : vector<16xf32>
        scf.yield %add3A_376 : vector<16xf32>
      }
      %scan3A_272 = arith.constant 1560 : i32
      %scan3A_273 = arith.addi %scan3A_267, %scan3A_272 : i32
      %add3A_274 = arith.constant 0 : i32
      %add3A_275 = arith.addi %add3A_274, %scan3A_273 : i32
      %mul3A_276 = arith.constant 16 : i32
      %mul3A_277 = arith.muli %add3A_275, %mul3A_276 : i32
      %get3A = arith.index_cast %mul3A_277 : i32 to index
      %get3A_278 = tpu.vector_load %arg9[%get3A] {strides = array<i32>} : memref<50000xf32, #tpu.memory_space<vmem>>, vector<16xf32>,
      %get3A_279 = arith.index_cast %mul3A_277 : i32 to index
      %get3A_280 = tpu.vector_load %arg10[%get3A_279] {strides = array<i32>} : memref<50000xf32, #tpu.memory_space<vmem>>, vector<16xf32>,
      %add3A_281 = arith.addf %get3A_278, %get3A_280 : vector<16xf32>
      %swap3A = arith.index_cast %mul3A_277 : i32 to index
      %swap3A_282 = tpu.vector_load %arg9[%swap3A] {strides = array<i32>} : memref<50000xf32, #tpu.memory_space<vmem>>, vector<16xf32>,
      tpu.vector_store %arg9[%swap3A], %add3A_281 {strides = array<i32>} : memref<50000xf32, #tpu.memory_space<vmem>>, vector<16xf32>,
      %add3A_283 = arith.addf %scan3A_271, %add3A_281 : vector<16xf32>
      %scan3A_284 = arith.constant 1561 : i32
      %scan3A_285 = arith.addi %scan3A_267, %scan3A_284 : i32
      %add3A_286 = arith.constant 0 : i32
      %add3A_287 = arith.addi %add3A_286, %scan3A_285 : i32
      %mul3A_288 = arith.constant 16 : i32
      %mul3A_289 = arith.muli %add3A_287, %mul3A_288 : i32
      %get3A_290 = arith.index_cast %mul3A_289 : i32 to index
      %get3A_291 = tpu.vector_load %arg9[%get3A_290] {strides = array<i32>} : memref<50000xf32, #tpu.memory_space<vmem>>, vector<16xf32>,
      %get3A_292 = arith.index_cast %mul3A_289 : i32 to index
      %get3A_293 = tpu.vector_load %arg10[%get3A_292] {strides = array<i32>} : memref<50000xf32, #tpu.memory_space<vmem>>, vector<16xf32>,
      %add3A_294 = arith.addf %get3A_291, %get3A_293 : vector<16xf32>
      %swap3A_295 = arith.index_cast %mul3A_289 : i32 to index
      %swap3A_296 = tpu.vector_load %arg9[%swap3A_295] {strides = array<i32>} : memref<50000xf32, #tpu.memory_space<vmem>>, vector<16xf32>,
      tpu.vector_store %arg9[%swap3A_295], %add3A_294 {strides = array<i32>} : memref<50000xf32, #tpu.memory_space<vmem>>, vector<16xf32>,
      %add3A_297 = arith.addf %add3A_283, %add3A_294 : vector<16xf32>
      %scan3A_298 = arith.constant 1562 : i32
      %swap3A_299 = arith.constant 0 : index
      %swap3A_300 = tpu.vector_load %arg12[%swap3A_299] {strides = array<i32>} : memref<16xf32, #tpu.memory_space<vmem>>, vector<16xf32>,
      tpu.vector_store %arg12[%swap3A_299], %add3A_297 {strides = array<i32>} : memref<16xf32, #tpu.memory_space<vmem>>, vector<16xf32>,
      %mul3A_301 = arith.constant 2 : i32
      %mul3A_302 = arith.muli %add3A_9, %mul3A_301 : i32
      %add3A_303 = arith.constant 0 : i32
      %add3A_304 = arith.addi %mul3A_302, %add3A_303 : i32
      %mul3A_305 = arith.constant 16 : i32
      %mul3A_306 = arith.muli %add3A_304, %mul3A_305 : i32
      "tpu.region"() ({
        %run_scoped3A = tpu.sem_alloc : memref<!tpu.dma_semaphore, #tpu.memory_space<semaphore_mem>>
        %dma_start3A_307 = tpu.memref_slice %arg8[%mul3A_306] : memref<512xf32, #tpu.memory_space<hbm>> -> memref<16xf32, #tpu.memory_space<hbm>>
        %dma_start3A_308 = tpu.memref_slice %arg8[%mul3A_306] : memref<512xf32, #tpu.memory_space<hbm>> -> memref<16xf32, #tpu.memory_space<hbm>>
        tpu.enqueue_dma source(%arg12 : memref<16xf32, #tpu.memory_space<vmem>>) target(%dma_start3A_308 : memref<16xf32, #tpu.memory_space<hbm>>) target_semaphore(%run_scoped3A : memref<!tpu.dma_semaphore, #tpu.memory_space<semaphore_mem>>)
        %dma_wait3A = tpu.memref_slice %arg8[%mul3A_306] : memref<512xf32, #tpu.memory_space<hbm>> -> memref<16xf32, #tpu.memory_space<hbm>>
        %dma_wait3A_309 = tpu.memref_slice %arg8[%mul3A_306] : memref<512xf32, #tpu.memory_space<hbm>> -> memref<16xf32, #tpu.memory_space<hbm>>
        tpu.wait_dma2 semaphore(%run_scoped3A : memref<!tpu.dma_semaphore, #tpu.memory_space<semaphore_mem>>) src(%arg12 : memref<16xf32, #tpu.memory_space<vmem>>) dst(%dma_wait3A_309 : memref<16xf32, #tpu.memory_space<hbm>>)
        tpu.yield
      }) : () -> ()
    } else {
    }
    %eq3A_81 = arith.constant 1 : i32
    %eq3A_82 = arith.cmpi eq, %select_n3A_30, %eq3A_81 : i32
    %convert_element_type3A_83 = arith.extui %eq3A_82 : i1 to i32
    %cond3A_84 = arith.constant 0 : i32
    %cond3A_85 = arith.cmpi ne, %convert_element_type3A_83, %cond3A_84 : i32
    scf.if %cond3A_85 {
      %add3A_265 = arith.constant 24992 : i32
      %add3A_266 = arith.addi %mul3A_63, %add3A_265 : i32
      "tpu.region"() ({
        %run_scoped3A = tpu.sem_alloc : memref<!tpu.dma_semaphore, #tpu.memory_space<semaphore_mem>>
        %dma_start3A_321 = arith.constant 24992 : i32
        %dma_start3A_322 = tpu.memref_slice %arg9[%dma_start3A_321] : memref<50000xf32, #tpu.memory_space<vmem>> -> memref<25008xf32, #tpu.memory_space<vmem>>
        %dma_start3A_323 = tpu.memref_slice %arg7[%add3A_266] : memref<800000xf32, #tpu.memory_space<hbm>> -> memref<25008xf32, #tpu.memory_space<hbm>>
        %dma_start3A_324 = arith.constant 24992 : i32
        %dma_start3A_325 = tpu.memref_slice %arg9[%dma_start3A_324] : memref<50000xf32, #tpu.memory_space<vmem>> -> memref<25008xf32, #tpu.memory_space<vmem>>
        %dma_start3A_326 = tpu.memref_slice %arg7[%add3A_266] : memref<800000xf32, #tpu.memory_space<hbm>> -> memref<25008xf32, #tpu.memory_space<hbm>>
        tpu.enqueue_dma source(%dma_start3A_326 : memref<25008xf32, #tpu.memory_space<hbm>>) target(%dma_start3A_325 : memref<25008xf32, #tpu.memory_space<vmem>>) target_semaphore(%run_scoped3A : memref<!tpu.dma_semaphore, #tpu.memory_space<semaphore_mem>>)
        %dma_wait3A = arith.constant 24992 : i32
        %dma_wait3A_327 = tpu.memref_slice %arg9[%dma_wait3A] : memref<50000xf32, #tpu.memory_space<vmem>> -> memref<25008xf32, #tpu.memory_space<vmem>>
        %dma_wait3A_328 = tpu.memref_slice %arg7[%add3A_266] : memref<800000xf32, #tpu.memory_space<hbm>> -> memref<25008xf32, #tpu.memory_space<hbm>>
        %dma_wait3A_329 = arith.constant 24992 : i32
        %dma_wait3A_330 = tpu.memref_slice %arg9[%dma_wait3A_329] : memref<50000xf32, #tpu.memory_space<vmem>> -> memref<25008xf32, #tpu.memory_space<vmem>>
        %dma_wait3A_331 = tpu.memref_slice %arg7[%add3A_266] : memref<800000xf32, #tpu.memory_space<hbm>> -> memref<25008xf32, #tpu.memory_space<hbm>>
        tpu.wait_dma2 semaphore(%run_scoped3A : memref<!tpu.dma_semaphore, #tpu.memory_space<semaphore_mem>>) src(%dma_wait3A_331 : memref<25008xf32, #tpu.memory_space<hbm>>) dst(%dma_wait3A_330 : memref<25008xf32, #tpu.memory_space<vmem>>)
        tpu.yield
      }) : () -> ()
      %scan3A_267 = arith.constant 0 : i32
      %scan3A_268 = arith.constant 1560 : i32
      %scan3A_269 = arith.addi %scan3A_267, %scan3A_268 : i32
      %scan3A_270 = arith.constant 5 : i32
      %scan3A_271 = scf.for %scan3A_321 = %scan3A_267 to %scan3A_269 step %scan3A_270 iter_args(%scan3A_322 = %broadcast_in_dim3A_35) -> (vector<16xf32>)  : i32 {
        %add3A_323 = arith.constant 1562 : i32
        %add3A_324 = arith.addi %add3A_323, %scan3A_321 : i32
        %mul3A_325 = arith.constant 16 : i32
        %mul3A_326 = arith.muli %add3A_324, %mul3A_325 : i32
        %get3A_327 = arith.index_cast %mul3A_326 : i32 to index
        %get3A_328 = tpu.vector_load %arg9[%get3A_327] {strides = array<i32>} : memref<50000xf32, #tpu.memory_space<vmem>>, vector<16xf32>,
        %get3A_329 = arith.index_cast %mul3A_326 : i32 to index
        %get3A_330 = tpu.vector_load %arg10[%get3A_329] {strides = array<i32>} : memref<50000xf32, #tpu.memory_space<vmem>>, vector<16xf32>,
        %add3A_331 = arith.addf %get3A_328, %get3A_330 : vector<16xf32>
        %swap3A_332 = arith.index_cast %mul3A_326 : i32 to index
        %swap3A_333 = tpu.vector_load %arg9[%swap3A_332] {strides = array<i32>} : memref<50000xf32, #tpu.memory_space<vmem>>, vector<16xf32>,
        tpu.vector_store %arg9[%swap3A_332], %add3A_331 {strides = array<i32>} : memref<50000xf32, #tpu.memory_space<vmem>>, vector<16xf32>,
        %add3A_334 = arith.addf %scan3A_322, %add3A_331 : vector<16xf32>
        %scan3A_335 = arith.constant 1 : i32
        %scan3A_336 = arith.addi %scan3A_321, %scan3A_335 : i32
        %add3A_337 = arith.constant 1562 : i32
        %add3A_338 = arith.addi %add3A_337, %scan3A_336 : i32
        %mul3A_339 = arith.constant 16 : i32
        %mul3A_340 = arith.muli %add3A_338, %mul3A_339 : i32
        %get3A_341 = arith.index_cast %mul3A_340 : i32 to index
        %get3A_342 = tpu.vector_load %arg9[%get3A_341] {strides = array<i32>} : memref<50000xf32, #tpu.memory_space<vmem>>, vector<16xf32>,
        %get3A_343 = arith.index_cast %mul3A_340 : i32 to index
        %get3A_344 = tpu.vector_load %arg10[%get3A_343] {strides = array<i32>} : memref<50000xf32, #tpu.memory_space<vmem>>, vector<16xf32>,
        %add3A_345 = arith.addf %get3A_342, %get3A_344 : vector<16xf32>
        %swap3A_346 = arith.index_cast %mul3A_340 : i32 to index
        %swap3A_347 = tpu.vector_load %arg9[%swap3A_346] {strides = array<i32>} : memref<50000xf32, #tpu.memory_space<vmem>>, vector<16xf32>,
        tpu.vector_store %arg9[%swap3A_346], %add3A_345 {strides = array<i32>} : memref<50000xf32, #tpu.memory_space<vmem>>, vector<16xf32>,
        %add3A_348 = arith.addf %add3A_334, %add3A_345 : vector<16xf32>
        %scan3A_349 = arith.constant 2 : i32
        %scan3A_350 = arith.addi %scan3A_321, %scan3A_349 : i32
        %add3A_351 = arith.constant 1562 : i32
        %add3A_352 = arith.addi %add3A_351, %scan3A_350 : i32
        %mul3A_353 = arith.constant 16 : i32
        %mul3A_354 = arith.muli %add3A_352, %mul3A_353 : i32
        %get3A_355 = arith.index_cast %mul3A_354 : i32 to index
        %get3A_356 = tpu.vector_load %arg9[%get3A_355] {strides = array<i32>} : memref<50000xf32, #tpu.memory_space<vmem>>, vector<16xf32>,
        %get3A_357 = arith.index_cast %mul3A_354 : i32 to index
        %get3A_358 = tpu.vector_load %arg10[%get3A_357] {strides = array<i32>} : memref<50000xf32, #tpu.memory_space<vmem>>, vector<16xf32>,
        %add3A_359 = arith.addf %get3A_356, %get3A_358 : vector<16xf32>
        %swap3A_360 = arith.index_cast %mul3A_354 : i32 to index
        %swap3A_361 = tpu.vector_load %arg9[%swap3A_360] {strides = array<i32>} : memref<50000xf32, #tpu.memory_space<vmem>>, vector<16xf32>,
        tpu.vector_store %arg9[%swap3A_360], %add3A_359 {strides = array<i32>} : memref<50000xf32, #tpu.memory_space<vmem>>, vector<16xf32>,
        %add3A_362 = arith.addf %add3A_348, %add3A_359 : vector<16xf32>
        %scan3A_363 = arith.constant 3 : i32
        %scan3A_364 = arith.addi %scan3A_321, %scan3A_363 : i32
        %add3A_365 = arith.constant 1562 : i32
        %add3A_366 = arith.addi %add3A_365, %scan3A_364 : i32
        %mul3A_367 = arith.constant 16 : i32
        %mul3A_368 = arith.muli %add3A_366, %mul3A_367 : i32
        %get3A_369 = arith.index_cast %mul3A_368 : i32 to index
        %get3A_370 = tpu.vector_load %arg9[%get3A_369] {strides = array<i32>} : memref<50000xf32, #tpu.memory_space<vmem>>, vector<16xf32>,
        %get3A_371 = arith.index_cast %mul3A_368 : i32 to index
        %get3A_372 = tpu.vector_load %arg10[%get3A_371] {strides = array<i32>} : memref<50000xf32, #tpu.memory_space<vmem>>, vector<16xf32>,
        %add3A_373 = arith.addf %get3A_370, %get3A_372 : vector<16xf32>
        %swap3A_374 = arith.index_cast %mul3A_368 : i32 to index
        %swap3A_375 = tpu.vector_load %arg9[%swap3A_374] {strides = array<i32>} : memref<50000xf32, #tpu.memory_space<vmem>>, vector<16xf32>,
        tpu.vector_store %arg9[%swap3A_374], %add3A_373 {strides = array<i32>} : memref<50000xf32, #tpu.memory_space<vmem>>, vector<16xf32>,
        %add3A_376 = arith.addf %add3A_362, %add3A_373 : vector<16xf32>
        %scan3A_377 = arith.constant 4 : i32
        %scan3A_378 = arith.addi %scan3A_321, %scan3A_377 : i32
        %add3A_379 = arith.constant 1562 : i32
        %add3A_380 = arith.addi %add3A_379, %scan3A_378 : i32
        %mul3A_381 = arith.constant 16 : i32
        %mul3A_382 = arith.muli %add3A_380, %mul3A_381 : i32
        %get3A_383 = arith.index_cast %mul3A_382 : i32 to index
        %get3A_384 = tpu.vector_load %arg9[%get3A_383] {strides = array<i32>} : memref<50000xf32, #tpu.memory_space<vmem>>, vector<16xf32>,
        %get3A_385 = arith.index_cast %mul3A_382 : i32 to index
        %get3A_386 = tpu.vector_load %arg10[%get3A_385] {strides = array<i32>} : memref<50000xf32, #tpu.memory_space<vmem>>, vector<16xf32>,
        %add3A_387 = arith.addf %get3A_384, %get3A_386 : vector<16xf32>
        %swap3A_388 = arith.index_cast %mul3A_382 : i32 to index
        %swap3A_389 = tpu.vector_load %arg9[%swap3A_388] {strides = array<i32>} : memref<50000xf32, #tpu.memory_space<vmem>>, vector<16xf32>,
        tpu.vector_store %arg9[%swap3A_388], %add3A_387 {strides = array<i32>} : memref<50000xf32, #tpu.memory_space<vmem>>, vector<16xf32>,
        %add3A_390 = arith.addf %add3A_376, %add3A_387 : vector<16xf32>
        scf.yield %add3A_390 : vector<16xf32>
      }
      %scan3A_272 = arith.constant 1560 : i32
      %scan3A_273 = arith.addi %scan3A_267, %scan3A_272 : i32
      %add3A_274 = arith.constant 1562 : i32
      %add3A_275 = arith.addi %add3A_274, %scan3A_273 : i32
      %mul3A_276 = arith.constant 16 : i32
      %mul3A_277 = arith.muli %add3A_275, %mul3A_276 : i32
      %get3A = arith.index_cast %mul3A_277 : i32 to index
      %get3A_278 = tpu.vector_load %arg9[%get3A] {strides = array<i32>} : memref<50000xf32, #tpu.memory_space<vmem>>, vector<16xf32>,
      %get3A_279 = arith.index_cast %mul3A_277 : i32 to index
      %get3A_280 = tpu.vector_load %arg10[%get3A_279] {strides = array<i32>} : memref<50000xf32, #tpu.memory_space<vmem>>, vector<16xf32>,
      %add3A_281 = arith.addf %get3A_278, %get3A_280 : vector<16xf32>
      %swap3A = arith.index_cast %mul3A_277 : i32 to index
      %swap3A_282 = tpu.vector_load %arg9[%swap3A] {strides = array<i32>} : memref<50000xf32, #tpu.memory_space<vmem>>, vector<16xf32>,
      tpu.vector_store %arg9[%swap3A], %add3A_281 {strides = array<i32>} : memref<50000xf32, #tpu.memory_space<vmem>>, vector<16xf32>,
      %add3A_283 = arith.addf %scan3A_271, %add3A_281 : vector<16xf32>
      %scan3A_284 = arith.constant 1561 : i32
      %scan3A_285 = arith.addi %scan3A_267, %scan3A_284 : i32
      %add3A_286 = arith.constant 1562 : i32
      %add3A_287 = arith.addi %add3A_286, %scan3A_285 : i32
      %mul3A_288 = arith.constant 16 : i32
      %mul3A_289 = arith.muli %add3A_287, %mul3A_288 : i32
      %get3A_290 = arith.index_cast %mul3A_289 : i32 to index
      %get3A_291 = tpu.vector_load %arg9[%get3A_290] {strides = array<i32>} : memref<50000xf32, #tpu.memory_space<vmem>>, vector<16xf32>,
      %get3A_292 = arith.index_cast %mul3A_289 : i32 to index
      %get3A_293 = tpu.vector_load %arg10[%get3A_292] {strides = array<i32>} : memref<50000xf32, #tpu.memory_space<vmem>>, vector<16xf32>,
      %add3A_294 = arith.addf %get3A_291, %get3A_293 : vector<16xf32>
      %swap3A_295 = arith.index_cast %mul3A_289 : i32 to index
      %swap3A_296 = tpu.vector_load %arg9[%swap3A_295] {strides = array<i32>} : memref<50000xf32, #tpu.memory_space<vmem>>, vector<16xf32>,
      tpu.vector_store %arg9[%swap3A_295], %add3A_294 {strides = array<i32>} : memref<50000xf32, #tpu.memory_space<vmem>>, vector<16xf32>,
      %add3A_297 = arith.addf %add3A_283, %add3A_294 : vector<16xf32>
      %scan3A_298 = arith.constant 1562 : i32
      %scan3A_299 = arith.addi %scan3A_267, %scan3A_298 : i32
      %add3A_300 = arith.constant 1562 : i32
      %add3A_301 = arith.addi %add3A_300, %scan3A_299 : i32
      %mul3A_302 = arith.constant 16 : i32
      %mul3A_303 = arith.muli %add3A_301, %mul3A_302 : i32
      %get3A_304 = arith.index_cast %mul3A_303 : i32 to index
      %get3A_305 = tpu.vector_load %arg9[%get3A_304] {strides = array<i32>} : memref<50000xf32, #tpu.memory_space<vmem>>, vector<16xf32>,
      %get3A_306 = arith.index_cast %mul3A_303 : i32 to index
      %get3A_307 = tpu.vector_load %arg10[%get3A_306] {strides = array<i32>} : memref<50000xf32, #tpu.memory_space<vmem>>, vector<16xf32>,
      %add3A_308 = arith.addf %get3A_305, %get3A_307 : vector<16xf32>
      %swap3A_309 = arith.index_cast %mul3A_303 : i32 to index
      %swap3A_310 = tpu.vector_load %arg9[%swap3A_309] {strides = array<i32>} : memref<50000xf32, #tpu.memory_space<vmem>>, vector<16xf32>,
      tpu.vector_store %arg9[%swap3A_309], %add3A_308 {strides = array<i32>} : memref<50000xf32, #tpu.memory_space<vmem>>, vector<16xf32>,
      %add3A_311 = arith.addf %add3A_297, %add3A_308 : vector<16xf32>
      %scan3A_312 = arith.constant 1563 : i32
      %swap3A_313 = arith.constant 0 : index
      %swap3A_314 = tpu.vector_load %arg12[%swap3A_313] {strides = array<i32>} : memref<16xf32, #tpu.memory_space<vmem>>, vector<16xf32>,
      tpu.vector_store %arg12[%swap3A_313], %add3A_311 {strides = array<i32>} : memref<16xf32, #tpu.memory_space<vmem>>, vector<16xf32>,
      %mul3A_315 = arith.constant 2 : i32
      %mul3A_316 = arith.muli %add3A_9, %mul3A_315 : i32
      %add3A_317 = arith.constant 1 : i32
      %add3A_318 = arith.addi %mul3A_316, %add3A_317 : i32
      %mul3A_319 = arith.constant 16 : i32
      %mul3A_320 = arith.muli %add3A_318, %mul3A_319 : i32
      "tpu.region"() ({
        %run_scoped3A = tpu.sem_alloc : memref<!tpu.dma_semaphore, #tpu.memory_space<semaphore_mem>>
        %dma_start3A_321 = tpu.memref_slice %arg8[%mul3A_320] : memref<512xf32, #tpu.memory_space<hbm>> -> memref<16xf32, #tpu.memory_space<hbm>>
        %dma_start3A_322 = tpu.memref_slice %arg8[%mul3A_320] : memref<512xf32, #tpu.memory_space<hbm>> -> memref<16xf32, #tpu.memory_space<hbm>>
        tpu.enqueue_dma source(%arg12 : memref<16xf32, #tpu.memory_space<vmem>>) target(%dma_start3A_322 : memref<16xf32, #tpu.memory_space<hbm>>) target_semaphore(%run_scoped3A : memref<!tpu.dma_semaphore, #tpu.memory_space<semaphore_mem>>)
        %dma_wait3A = tpu.memref_slice %arg8[%mul3A_320] : memref<512xf32, #tpu.memory_space<hbm>> -> memref<16xf32, #tpu.memory_space<hbm>>
        %dma_wait3A_323 = tpu.memref_slice %arg8[%mul3A_320] : memref<512xf32, #tpu.memory_space<hbm>> -> memref<16xf32, #tpu.memory_space<hbm>>
        tpu.wait_dma2 semaphore(%run_scoped3A : memref<!tpu.dma_semaphore, #tpu.memory_space<semaphore_mem>>) src(%arg12 : memref<16xf32, #tpu.memory_space<vmem>>) dst(%dma_wait3A_323 : memref<16xf32, #tpu.memory_space<hbm>>)
        tpu.yield
      }) : () -> ()
    } else {
    }
    %barrier3A_86 = arith.constant 0 : index
    tpu.barrier barrier_id(%barrier3A_86)
    %eq3A_87 = arith.constant 0 : i32
    %eq3A_88 = arith.cmpi eq, %select_n3A_30, %eq3A_87 : i32
    %convert_element_type3A_89 = arith.extui %eq3A_88 : i1 to i32
    %cond3A_90 = arith.constant 0 : i32
    %cond3A_91 = arith.cmpi ne, %convert_element_type3A_89, %cond3A_90 : i32
    scf.if %cond3A_91 {
      %mul3A_265 = arith.constant 2 : i32
      %mul3A_266 = arith.muli %add3A_9, %mul3A_265 : i32
      %add3A_267 = arith.constant 1 : i32
      %add3A_268 = arith.addi %mul3A_266, %add3A_267 : i32
      %mul3A_269 = arith.constant 16 : i32
      %mul3A_270 = arith.muli %add3A_268, %mul3A_269 : i32
      "tpu.region"() ({
        %run_scoped3A = tpu.sem_alloc : memref<!tpu.dma_semaphore, #tpu.memory_space<semaphore_mem>>
        %dma_start3A_315 = tpu.memref_slice %arg8[%mul3A_270] : memref<512xf32, #tpu.memory_space<hbm>> -> memref<16xf32, #tpu.memory_space<hbm>>
        %dma_start3A_316 = tpu.memref_slice %arg8[%mul3A_270] : memref<512xf32, #tpu.memory_space<hbm>> -> memref<16xf32, #tpu.memory_space<hbm>>
        tpu.enqueue_dma source(%dma_start3A_316 : memref<16xf32, #tpu.memory_space<hbm>>) target(%arg13 : memref<16xf32, #tpu.memory_space<vmem>>) target_semaphore(%run_scoped3A : memref<!tpu.dma_semaphore, #tpu.memory_space<semaphore_mem>>)
        %dma_wait3A = tpu.memref_slice %arg8[%mul3A_270] : memref<512xf32, #tpu.memory_space<hbm>> -> memref<16xf32, #tpu.memory_space<hbm>>
        %dma_wait3A_317 = tpu.memref_slice %arg8[%mul3A_270] : memref<512xf32, #tpu.memory_space<hbm>> -> memref<16xf32, #tpu.memory_space<hbm>>
        tpu.wait_dma2 semaphore(%run_scoped3A : memref<!tpu.dma_semaphore, #tpu.memory_space<semaphore_mem>>) src(%dma_wait3A_317 : memref<16xf32, #tpu.memory_space<hbm>>) dst(%arg13 : memref<16xf32, #tpu.memory_space<vmem>>)
        tpu.yield
      }) : () -> ()
      %get3A = arith.constant 0 : index
      %get3A_271 = tpu.vector_load %arg12[%get3A] {strides = array<i32>} : memref<16xf32, #tpu.memory_space<vmem>>, vector<16xf32>,
      %get3A_272 = arith.constant 0 : index
      %get3A_273 = tpu.vector_load %arg13[%get3A_272] {strides = array<i32>} : memref<16xf32, #tpu.memory_space<vmem>>, vector<16xf32>,
      %add3A_274 = arith.addf %get3A_271, %get3A_273 : vector<16xf32>
      %reduce_sum3A = arith.constant true
      %reduce_sum3A_275 = vector.broadcast %reduce_sum3A : i1 to vector<16xi1>
      %reduce_sum3A_276 = tpu.scan <sum>, %add3A_274 masked %reduce_sum3A_275 : vector<16xf32>, vector<16xi1> -> vector<16xf32>
      %reduce_sum3A_277 = vector.extract %reduce_sum3A_276[15] : f32 from vector<16xf32>
      %broadcast_in_dim3A_278 = vector.broadcast %reduce_sum3A_277 : f32 to vector<16xf32>
      %add3A_279 = arith.constant 9.99999997E-7 : f32
      %add3A_280 = vector.broadcast %add3A_279 : f32 to vector<16xf32>
      %add3A_281 = arith.addf %broadcast_in_dim3A_278, %add3A_280 : vector<16xf32>
      %div3A_282 = arith.constant 1.000000e+00 : f32
      %div3A_283 = vector.broadcast %div3A_282 : f32 to vector<16xf32>
      %div3A_284 = arith.divf %div3A_283, %add3A_281 : vector<16xf32>
      %scan3A_285 = arith.constant 0 : i32
      %scan3A_286 = arith.constant 1560 : i32
      %scan3A_287 = arith.addi %scan3A_285, %scan3A_286 : i32
      %scan3A_288 = arith.constant 5 : i32
      scf.for %scan3A_315 = %scan3A_285 to %scan3A_287 step %scan3A_288  : i32 {
        %add3A_316 = arith.constant 0 : i32
        %add3A_317 = arith.addi %add3A_316, %scan3A_315 : i32
        %mul3A_318 = arith.constant 16 : i32
        %mul3A_319 = arith.muli %add3A_317, %mul3A_318 : i32
        %get3A_320 = arith.index_cast %mul3A_319 : i32 to index
        %get3A_321 = tpu.vector_load %arg9[%get3A_320] {strides = array<i32>} : memref<50000xf32, #tpu.memory_space<vmem>>, vector<16xf32>,
        %mul3A_322 = arith.mulf %get3A_321, %div3A_284 : vector<16xf32>
        %swap3A_323 = arith.index_cast %mul3A_319 : i32 to index
        %swap3A_324 = tpu.vector_load %arg9[%swap3A_323] {strides = array<i32>} : memref<50000xf32, #tpu.memory_space<vmem>>, vector<16xf32>,
        tpu.vector_store %arg9[%swap3A_323], %mul3A_322 {strides = array<i32>} : memref<50000xf32, #tpu.memory_space<vmem>>, vector<16xf32>,
        %scan3A_325 = arith.constant 1 : i32
        %scan3A_326 = arith.addi %scan3A_315, %scan3A_325 : i32
        %add3A_327 = arith.constant 0 : i32
        %add3A_328 = arith.addi %add3A_327, %scan3A_326 : i32
        %mul3A_329 = arith.constant 16 : i32
        %mul3A_330 = arith.muli %add3A_328, %mul3A_329 : i32
        %get3A_331 = arith.index_cast %mul3A_330 : i32 to index
        %get3A_332 = tpu.vector_load %arg9[%get3A_331] {strides = array<i32>} : memref<50000xf32, #tpu.memory_space<vmem>>, vector<16xf32>,
        %mul3A_333 = arith.mulf %get3A_332, %div3A_284 : vector<16xf32>
        %swap3A_334 = arith.index_cast %mul3A_330 : i32 to index
        %swap3A_335 = tpu.vector_load %arg9[%swap3A_334] {strides = array<i32>} : memref<50000xf32, #tpu.memory_space<vmem>>, vector<16xf32>,
        tpu.vector_store %arg9[%swap3A_334], %mul3A_333 {strides = array<i32>} : memref<50000xf32, #tpu.memory_space<vmem>>, vector<16xf32>,
        %scan3A_336 = arith.constant 2 : i32
        %scan3A_337 = arith.addi %scan3A_315, %scan3A_336 : i32
        %add3A_338 = arith.constant 0 : i32
        %add3A_339 = arith.addi %add3A_338, %scan3A_337 : i32
        %mul3A_340 = arith.constant 16 : i32
        %mul3A_341 = arith.muli %add3A_339, %mul3A_340 : i32
        %get3A_342 = arith.index_cast %mul3A_341 : i32 to index
        %get3A_343 = tpu.vector_load %arg9[%get3A_342] {strides = array<i32>} : memref<50000xf32, #tpu.memory_space<vmem>>, vector<16xf32>,
        %mul3A_344 = arith.mulf %get3A_343, %div3A_284 : vector<16xf32>
        %swap3A_345 = arith.index_cast %mul3A_341 : i32 to index
        %swap3A_346 = tpu.vector_load %arg9[%swap3A_345] {strides = array<i32>} : memref<50000xf32, #tpu.memory_space<vmem>>, vector<16xf32>,
        tpu.vector_store %arg9[%swap3A_345], %mul3A_344 {strides = array<i32>} : memref<50000xf32, #tpu.memory_space<vmem>>, vector<16xf32>,
        %scan3A_347 = arith.constant 3 : i32
        %scan3A_348 = arith.addi %scan3A_315, %scan3A_347 : i32
        %add3A_349 = arith.constant 0 : i32
        %add3A_350 = arith.addi %add3A_349, %scan3A_348 : i32
        %mul3A_351 = arith.constant 16 : i32
        %mul3A_352 = arith.muli %add3A_350, %mul3A_351 : i32
        %get3A_353 = arith.index_cast %mul3A_352 : i32 to index
        %get3A_354 = tpu.vector_load %arg9[%get3A_353] {strides = array<i32>} : memref<50000xf32, #tpu.memory_space<vmem>>, vector<16xf32>,
        %mul3A_355 = arith.mulf %get3A_354, %div3A_284 : vector<16xf32>
        %swap3A_356 = arith.index_cast %mul3A_352 : i32 to index
        %swap3A_357 = tpu.vector_load %arg9[%swap3A_356] {strides = array<i32>} : memref<50000xf32, #tpu.memory_space<vmem>>, vector<16xf32>,
        tpu.vector_store %arg9[%swap3A_356], %mul3A_355 {strides = array<i32>} : memref<50000xf32, #tpu.memory_space<vmem>>, vector<16xf32>,
        %scan3A_358 = arith.constant 4 : i32
        %scan3A_359 = arith.addi %scan3A_315, %scan3A_358 : i32
        %add3A_360 = arith.constant 0 : i32
        %add3A_361 = arith.addi %add3A_360, %scan3A_359 : i32
        %mul3A_362 = arith.constant 16 : i32
        %mul3A_363 = arith.muli %add3A_361, %mul3A_362 : i32
        %get3A_364 = arith.index_cast %mul3A_363 : i32 to index
        %get3A_365 = tpu.vector_load %arg9[%get3A_364] {strides = array<i32>} : memref<50000xf32, #tpu.memory_space<vmem>>, vector<16xf32>,
        %mul3A_366 = arith.mulf %get3A_365, %div3A_284 : vector<16xf32>
        %swap3A_367 = arith.index_cast %mul3A_363 : i32 to index
        %swap3A_368 = tpu.vector_load %arg9[%swap3A_367] {strides = array<i32>} : memref<50000xf32, #tpu.memory_space<vmem>>, vector<16xf32>,
        tpu.vector_store %arg9[%swap3A_367], %mul3A_366 {strides = array<i32>} : memref<50000xf32, #tpu.memory_space<vmem>>, vector<16xf32>,
      }
      %scan3A_289 = arith.constant 1560 : i32
      %scan3A_290 = arith.addi %scan3A_285, %scan3A_289 : i32
      %add3A_291 = arith.constant 0 : i32
      %add3A_292 = arith.addi %add3A_291, %scan3A_290 : i32
      %mul3A_293 = arith.constant 16 : i32
      %mul3A_294 = arith.muli %add3A_292, %mul3A_293 : i32
      %get3A_295 = arith.index_cast %mul3A_294 : i32 to index
      %get3A_296 = tpu.vector_load %arg9[%get3A_295] {strides = array<i32>} : memref<50000xf32, #tpu.memory_space<vmem>>, vector<16xf32>,
      %mul3A_297 = arith.mulf %get3A_296, %div3A_284 : vector<16xf32>
      %swap3A = arith.index_cast %mul3A_294 : i32 to index
      %swap3A_298 = tpu.vector_load %arg9[%swap3A] {strides = array<i32>} : memref<50000xf32, #tpu.memory_space<vmem>>, vector<16xf32>,
      tpu.vector_store %arg9[%swap3A], %mul3A_297 {strides = array<i32>} : memref<50000xf32, #tpu.memory_space<vmem>>, vector<16xf32>,
      %scan3A_299 = arith.constant 1561 : i32
      %scan3A_300 = arith.addi %scan3A_285, %scan3A_299 : i32
      %add3A_301 = arith.constant 0 : i32
      %add3A_302 = arith.addi %add3A_301, %scan3A_300 : i32
      %mul3A_303 = arith.constant 16 : i32
      %mul3A_304 = arith.muli %add3A_302, %mul3A_303 : i32
      %get3A_305 = arith.index_cast %mul3A_304 : i32 to index
      %get3A_306 = tpu.vector_load %arg9[%get3A_305] {strides = array<i32>} : memref<50000xf32, #tpu.memory_space<vmem>>, vector<16xf32>,
      %mul3A_307 = arith.mulf %get3A_306, %div3A_284 : vector<16xf32>
      %swap3A_308 = arith.index_cast %mul3A_304 : i32 to index
      %swap3A_309 = tpu.vector_load %arg9[%swap3A_308] {strides = array<i32>} : memref<50000xf32, #tpu.memory_space<vmem>>, vector<16xf32>,
      tpu.vector_store %arg9[%swap3A_308], %mul3A_307 {strides = array<i32>} : memref<50000xf32, #tpu.memory_space<vmem>>, vector<16xf32>,
      %scan3A_310 = arith.constant 1562 : i32
      %add3A_311 = arith.constant 0 : i32
      %add3A_312 = arith.addi %add3A_67, %add3A_311 : i32
      "tpu.region"() ({
        %run_scoped3A = tpu.sem_alloc : memref<!tpu.dma_semaphore, #tpu.memory_space<semaphore_mem>>
        %dma_start3A_315 = arith.constant 0 : i32
        %dma_start3A_316 = tpu.memref_slice %arg9[%dma_start3A_315] : memref<50000xf32, #tpu.memory_space<vmem>> -> memref<24992xf32, #tpu.memory_space<vmem>>
        %dma_start3A_317 = tpu.memref_slice %arg6[%add3A_312] : memref<2400000xf32, #tpu.memory_space<hbm>> -> memref<24992xf32, #tpu.memory_space<hbm>>
        %dma_start3A_318 = tpu.memref_slice %arg6[%add3A_312] : memref<2400000xf32, #tpu.memory_space<hbm>> -> memref<24992xf32, #tpu.memory_space<hbm>>
        %dma_start3A_319 = arith.constant 0 : i32
        %dma_start3A_320 = tpu.memref_slice %arg9[%dma_start3A_319] : memref<50000xf32, #tpu.memory_space<vmem>> -> memref<24992xf32, #tpu.memory_space<vmem>>
        tpu.enqueue_dma source(%dma_start3A_320 : memref<24992xf32, #tpu.memory_space<vmem>>) target(%dma_start3A_318 : memref<24992xf32, #tpu.memory_space<hbm>>) target_semaphore(%run_scoped3A : memref<!tpu.dma_semaphore, #tpu.memory_space<semaphore_mem>>)
        %dma_wait3A = arith.constant 0 : i32
        %dma_wait3A_321 = tpu.memref_slice %arg9[%dma_wait3A] : memref<50000xf32, #tpu.memory_space<vmem>> -> memref<24992xf32, #tpu.memory_space<vmem>>
        %dma_wait3A_322 = tpu.memref_slice %arg6[%add3A_312] : memref<2400000xf32, #tpu.memory_space<hbm>> -> memref<24992xf32, #tpu.memory_space<hbm>>
        %dma_wait3A_323 = tpu.memref_slice %arg6[%add3A_312] : memref<2400000xf32, #tpu.memory_space<hbm>> -> memref<24992xf32, #tpu.memory_space<hbm>>
        %dma_wait3A_324 = arith.constant 0 : i32
        %dma_wait3A_325 = tpu.memref_slice %arg9[%dma_wait3A_324] : memref<50000xf32, #tpu.memory_space<vmem>> -> memref<24992xf32, #tpu.memory_space<vmem>>
        tpu.wait_dma2 semaphore(%run_scoped3A : memref<!tpu.dma_semaphore, #tpu.memory_space<semaphore_mem>>) src(%dma_wait3A_325 : memref<24992xf32, #tpu.memory_space<vmem>>) dst(%dma_wait3A_323 : memref<24992xf32, #tpu.memory_space<hbm>>)
        tpu.yield
      }) : () -> ()
      %add3A_313 = arith.constant 0 : i32
      %add3A_314 = arith.addi %mul3A_63, %add3A_313 : i32
      "tpu.region"() ({
        %run_scoped3A = tpu.sem_alloc : memref<!tpu.dma_semaphore, #tpu.memory_space<semaphore_mem>>
        %dma_start3A_315 = arith.constant 0 : i32
        %dma_start3A_316 = tpu.memref_slice %arg9[%dma_start3A_315] : memref<50000xf32, #tpu.memory_space<vmem>> -> memref<24992xf32, #tpu.memory_space<vmem>>
        %dma_start3A_317 = tpu.memref_slice %arg7[%add3A_314] : memref<800000xf32, #tpu.memory_space<hbm>> -> memref<24992xf32, #tpu.memory_space<hbm>>
        %dma_start3A_318 = tpu.memref_slice %arg7[%add3A_314] : memref<800000xf32, #tpu.memory_space<hbm>> -> memref<24992xf32, #tpu.memory_space<hbm>>
        %dma_start3A_319 = arith.constant 0 : i32
        %dma_start3A_320 = tpu.memref_slice %arg9[%dma_start3A_319] : memref<50000xf32, #tpu.memory_space<vmem>> -> memref<24992xf32, #tpu.memory_space<vmem>>
        tpu.enqueue_dma source(%dma_start3A_320 : memref<24992xf32, #tpu.memory_space<vmem>>) target(%dma_start3A_318 : memref<24992xf32, #tpu.memory_space<hbm>>) target_semaphore(%run_scoped3A : memref<!tpu.dma_semaphore, #tpu.memory_space<semaphore_mem>>)
        %dma_wait3A = arith.constant 0 : i32
        %dma_wait3A_321 = tpu.memref_slice %arg9[%dma_wait3A] : memref<50000xf32, #tpu.memory_space<vmem>> -> memref<24992xf32, #tpu.memory_space<vmem>>
        %dma_wait3A_322 = tpu.memref_slice %arg7[%add3A_314] : memref<800000xf32, #tpu.memory_space<hbm>> -> memref<24992xf32, #tpu.memory_space<hbm>>
        %dma_wait3A_323 = tpu.memref_slice %arg7[%add3A_314] : memref<800000xf32, #tpu.memory_space<hbm>> -> memref<24992xf32, #tpu.memory_space<hbm>>
        %dma_wait3A_324 = arith.constant 0 : i32
        %dma_wait3A_325 = tpu.memref_slice %arg9[%dma_wait3A_324] : memref<50000xf32, #tpu.memory_space<vmem>> -> memref<24992xf32, #tpu.memory_space<vmem>>
        tpu.wait_dma2 semaphore(%run_scoped3A : memref<!tpu.dma_semaphore, #tpu.memory_space<semaphore_mem>>) src(%dma_wait3A_325 : memref<24992xf32, #tpu.memory_space<vmem>>) dst(%dma_wait3A_323 : memref<24992xf32, #tpu.memory_space<hbm>>)
        tpu.yield
      }) : () -> ()
    } else {
    }
    %eq3A_92 = arith.constant 1 : i32
    %eq3A_93 = arith.cmpi eq, %select_n3A_30, %eq3A_92 : i32
    %convert_element_type3A_94 = arith.extui %eq3A_93 : i1 to i32
    %cond3A_95 = arith.constant 0 : i32
    %cond3A_96 = arith.cmpi ne, %convert_element_type3A_94, %cond3A_95 : i32
    scf.if %cond3A_96 {
      %mul3A_265 = arith.constant 2 : i32
      %mul3A_266 = arith.muli %add3A_9, %mul3A_265 : i32
      %add3A_267 = arith.constant 0 : i32
      %add3A_268 = arith.addi %mul3A_266, %add3A_267 : i32
      %mul3A_269 = arith.constant 16 : i32
      %mul3A_270 = arith.muli %add3A_268, %mul3A_269 : i32
      "tpu.region"() ({
        %run_scoped3A = tpu.sem_alloc : memref<!tpu.dma_semaphore, #tpu.memory_space<semaphore_mem>>
        %dma_start3A_326 = tpu.memref_slice %arg8[%mul3A_270] : memref<512xf32, #tpu.memory_space<hbm>> -> memref<16xf32, #tpu.memory_space<hbm>>
        %dma_start3A_327 = tpu.memref_slice %arg8[%mul3A_270] : memref<512xf32, #tpu.memory_space<hbm>> -> memref<16xf32, #tpu.memory_space<hbm>>
        tpu.enqueue_dma source(%dma_start3A_327 : memref<16xf32, #tpu.memory_space<hbm>>) target(%arg13 : memref<16xf32, #tpu.memory_space<vmem>>) target_semaphore(%run_scoped3A : memref<!tpu.dma_semaphore, #tpu.memory_space<semaphore_mem>>)
        %dma_wait3A = tpu.memref_slice %arg8[%mul3A_270] : memref<512xf32, #tpu.memory_space<hbm>> -> memref<16xf32, #tpu.memory_space<hbm>>
        %dma_wait3A_328 = tpu.memref_slice %arg8[%mul3A_270] : memref<512xf32, #tpu.memory_space<hbm>> -> memref<16xf32, #tpu.memory_space<hbm>>
        tpu.wait_dma2 semaphore(%run_scoped3A : memref<!tpu.dma_semaphore, #tpu.memory_space<semaphore_mem>>) src(%dma_wait3A_328 : memref<16xf32, #tpu.memory_space<hbm>>) dst(%arg13 : memref<16xf32, #tpu.memory_space<vmem>>)
        tpu.yield
      }) : () -> ()
      %get3A = arith.constant 0 : index
      %get3A_271 = tpu.vector_load %arg12[%get3A] {strides = array<i32>} : memref<16xf32, #tpu.memory_space<vmem>>, vector<16xf32>,
      %get3A_272 = arith.constant 0 : index
      %get3A_273 = tpu.vector_load %arg13[%get3A_272] {strides = array<i32>} : memref<16xf32, #tpu.memory_space<vmem>>, vector<16xf32>,
      %add3A_274 = arith.addf %get3A_271, %get3A_273 : vector<16xf32>
      %reduce_sum3A = arith.constant true
      %reduce_sum3A_275 = vector.broadcast %reduce_sum3A : i1 to vector<16xi1>
      %reduce_sum3A_276 = tpu.scan <sum>, %add3A_274 masked %reduce_sum3A_275 : vector<16xf32>, vector<16xi1> -> vector<16xf32>
      %reduce_sum3A_277 = vector.extract %reduce_sum3A_276[15] : f32 from vector<16xf32>
      %broadcast_in_dim3A_278 = vector.broadcast %reduce_sum3A_277 : f32 to vector<16xf32>
      %add3A_279 = arith.constant 9.99999997E-7 : f32
      %add3A_280 = vector.broadcast %add3A_279 : f32 to vector<16xf32>
      %add3A_281 = arith.addf %broadcast_in_dim3A_278, %add3A_280 : vector<16xf32>
      %div3A_282 = arith.constant 1.000000e+00 : f32
      %div3A_283 = vector.broadcast %div3A_282 : f32 to vector<16xf32>
      %div3A_284 = arith.divf %div3A_283, %add3A_281 : vector<16xf32>
      %scan3A_285 = arith.constant 0 : i32
      %scan3A_286 = arith.constant 1560 : i32
      %scan3A_287 = arith.addi %scan3A_285, %scan3A_286 : i32
      %scan3A_288 = arith.constant 5 : i32
      scf.for %scan3A_326 = %scan3A_285 to %scan3A_287 step %scan3A_288  : i32 {
        %add3A_327 = arith.constant 1562 : i32
        %add3A_328 = arith.addi %add3A_327, %scan3A_326 : i32
        %mul3A_329 = arith.constant 16 : i32
        %mul3A_330 = arith.muli %add3A_328, %mul3A_329 : i32
        %get3A_331 = arith.index_cast %mul3A_330 : i32 to index
        %get3A_332 = tpu.vector_load %arg9[%get3A_331] {strides = array<i32>} : memref<50000xf32, #tpu.memory_space<vmem>>, vector<16xf32>,
        %mul3A_333 = arith.mulf %get3A_332, %div3A_284 : vector<16xf32>
        %swap3A_334 = arith.index_cast %mul3A_330 : i32 to index
        %swap3A_335 = tpu.vector_load %arg9[%swap3A_334] {strides = array<i32>} : memref<50000xf32, #tpu.memory_space<vmem>>, vector<16xf32>,
        tpu.vector_store %arg9[%swap3A_334], %mul3A_333 {strides = array<i32>} : memref<50000xf32, #tpu.memory_space<vmem>>, vector<16xf32>,
        %scan3A_336 = arith.constant 1 : i32
        %scan3A_337 = arith.addi %scan3A_326, %scan3A_336 : i32
        %add3A_338 = arith.constant 1562 : i32
        %add3A_339 = arith.addi %add3A_338, %scan3A_337 : i32
        %mul3A_340 = arith.constant 16 : i32
        %mul3A_341 = arith.muli %add3A_339, %mul3A_340 : i32
        %get3A_342 = arith.index_cast %mul3A_341 : i32 to index
        %get3A_343 = tpu.vector_load %arg9[%get3A_342] {strides = array<i32>} : memref<50000xf32, #tpu.memory_space<vmem>>, vector<16xf32>,
        %mul3A_344 = arith.mulf %get3A_343, %div3A_284 : vector<16xf32>
        %swap3A_345 = arith.index_cast %mul3A_341 : i32 to index
        %swap3A_346 = tpu.vector_load %arg9[%swap3A_345] {strides = array<i32>} : memref<50000xf32, #tpu.memory_space<vmem>>, vector<16xf32>,
        tpu.vector_store %arg9[%swap3A_345], %mul3A_344 {strides = array<i32>} : memref<50000xf32, #tpu.memory_space<vmem>>, vector<16xf32>,
        %scan3A_347 = arith.constant 2 : i32
        %scan3A_348 = arith.addi %scan3A_326, %scan3A_347 : i32
        %add3A_349 = arith.constant 1562 : i32
        %add3A_350 = arith.addi %add3A_349, %scan3A_348 : i32
        %mul3A_351 = arith.constant 16 : i32
        %mul3A_352 = arith.muli %add3A_350, %mul3A_351 : i32
        %get3A_353 = arith.index_cast %mul3A_352 : i32 to index
        %get3A_354 = tpu.vector_load %arg9[%get3A_353] {strides = array<i32>} : memref<50000xf32, #tpu.memory_space<vmem>>, vector<16xf32>,
        %mul3A_355 = arith.mulf %get3A_354, %div3A_284 : vector<16xf32>
        %swap3A_356 = arith.index_cast %mul3A_352 : i32 to index
        %swap3A_357 = tpu.vector_load %arg9[%swap3A_356] {strides = array<i32>} : memref<50000xf32, #tpu.memory_space<vmem>>, vector<16xf32>,
        tpu.vector_store %arg9[%swap3A_356], %mul3A_355 {strides = array<i32>} : memref<50000xf32, #tpu.memory_space<vmem>>, vector<16xf32>,
        %scan3A_358 = arith.constant 3 : i32
        %scan3A_359 = arith.addi %scan3A_326, %scan3A_358 : i32
        %add3A_360 = arith.constant 1562 : i32
        %add3A_361 = arith.addi %add3A_360, %scan3A_359 : i32
        %mul3A_362 = arith.constant 16 : i32
        %mul3A_363 = arith.muli %add3A_361, %mul3A_362 : i32
        %get3A_364 = arith.index_cast %mul3A_363 : i32 to index
        %get3A_365 = tpu.vector_load %arg9[%get3A_364] {strides = array<i32>} : memref<50000xf32, #tpu.memory_space<vmem>>, vector<16xf32>,
        %mul3A_366 = arith.mulf %get3A_365, %div3A_284 : vector<16xf32>
        %swap3A_367 = arith.index_cast %mul3A_363 : i32 to index
        %swap3A_368 = tpu.vector_load %arg9[%swap3A_367] {strides = array<i32>} : memref<50000xf32, #tpu.memory_space<vmem>>, vector<16xf32>,
        tpu.vector_store %arg9[%swap3A_367], %mul3A_366 {strides = array<i32>} : memref<50000xf32, #tpu.memory_space<vmem>>, vector<16xf32>,
        %scan3A_369 = arith.constant 4 : i32
        %scan3A_370 = arith.addi %scan3A_326, %scan3A_369 : i32
        %add3A_371 = arith.constant 1562 : i32
        %add3A_372 = arith.addi %add3A_371, %scan3A_370 : i32
        %mul3A_373 = arith.constant 16 : i32
        %mul3A_374 = arith.muli %add3A_372, %mul3A_373 : i32
        %get3A_375 = arith.index_cast %mul3A_374 : i32 to index
        %get3A_376 = tpu.vector_load %arg9[%get3A_375] {strides = array<i32>} : memref<50000xf32, #tpu.memory_space<vmem>>, vector<16xf32>,
        %mul3A_377 = arith.mulf %get3A_376, %div3A_284 : vector<16xf32>
        %swap3A_378 = arith.index_cast %mul3A_374 : i32 to index
        %swap3A_379 = tpu.vector_load %arg9[%swap3A_378] {strides = array<i32>} : memref<50000xf32, #tpu.memory_space<vmem>>, vector<16xf32>,
        tpu.vector_store %arg9[%swap3A_378], %mul3A_377 {strides = array<i32>} : memref<50000xf32, #tpu.memory_space<vmem>>, vector<16xf32>,
      }
      %scan3A_289 = arith.constant 1560 : i32
      %scan3A_290 = arith.addi %scan3A_285, %scan3A_289 : i32
      %add3A_291 = arith.constant 1562 : i32
      %add3A_292 = arith.addi %add3A_291, %scan3A_290 : i32
      %mul3A_293 = arith.constant 16 : i32
      %mul3A_294 = arith.muli %add3A_292, %mul3A_293 : i32
      %get3A_295 = arith.index_cast %mul3A_294 : i32 to index
      %get3A_296 = tpu.vector_load %arg9[%get3A_295] {strides = array<i32>} : memref<50000xf32, #tpu.memory_space<vmem>>, vector<16xf32>,
      %mul3A_297 = arith.mulf %get3A_296, %div3A_284 : vector<16xf32>
      %swap3A = arith.index_cast %mul3A_294 : i32 to index
      %swap3A_298 = tpu.vector_load %arg9[%swap3A] {strides = array<i32>} : memref<50000xf32, #tpu.memory_space<vmem>>, vector<16xf32>,
      tpu.vector_store %arg9[%swap3A], %mul3A_297 {strides = array<i32>} : memref<50000xf32, #tpu.memory_space<vmem>>, vector<16xf32>,
      %scan3A_299 = arith.constant 1561 : i32
      %scan3A_300 = arith.addi %scan3A_285, %scan3A_299 : i32
      %add3A_301 = arith.constant 1562 : i32
      %add3A_302 = arith.addi %add3A_301, %scan3A_300 : i32
      %mul3A_303 = arith.constant 16 : i32
      %mul3A_304 = arith.muli %add3A_302, %mul3A_303 : i32
      %get3A_305 = arith.index_cast %mul3A_304 : i32 to index
      %get3A_306 = tpu.vector_load %arg9[%get3A_305] {strides = array<i32>} : memref<50000xf32, #tpu.memory_space<vmem>>, vector<16xf32>,
      %mul3A_307 = arith.mulf %get3A_306, %div3A_284 : vector<16xf32>
      %swap3A_308 = arith.index_cast %mul3A_304 : i32 to index
      %swap3A_309 = tpu.vector_load %arg9[%swap3A_308] {strides = array<i32>} : memref<50000xf32, #tpu.memory_space<vmem>>, vector<16xf32>,
      tpu.vector_store %arg9[%swap3A_308], %mul3A_307 {strides = array<i32>} : memref<50000xf32, #tpu.memory_space<vmem>>, vector<16xf32>,
      %scan3A_310 = arith.constant 1562 : i32
      %scan3A_311 = arith.addi %scan3A_285, %scan3A_310 : i32
      %add3A_312 = arith.constant 1562 : i32
      %add3A_313 = arith.addi %add3A_312, %scan3A_311 : i32
      %mul3A_314 = arith.constant 16 : i32
      %mul3A_315 = arith.muli %add3A_313, %mul3A_314 : i32
      %get3A_316 = arith.index_cast %mul3A_315 : i32 to index
      %get3A_317 = tpu.vector_load %arg9[%get3A_316] {strides = array<i32>} : memref<50000xf32, #tpu.memory_space<vmem>>, vector<16xf32>,
      %mul3A_318 = arith.mulf %get3A_317, %div3A_284 : vector<16xf32>
      %swap3A_319 = arith.index_cast %mul3A_315 : i32 to index
      %swap3A_320 = tpu.vector_load %arg9[%swap3A_319] {strides = array<i32>} : memref<50000xf32, #tpu.memory_space<vmem>>, vector<16xf32>,
      tpu.vector_store %arg9[%swap3A_319], %mul3A_318 {strides = array<i32>} : memref<50000xf32, #tpu.memory_space<vmem>>, vector<16xf32>,
      %scan3A_321 = arith.constant 1563 : i32
      %add3A_322 = arith.constant 24992 : i32
      %add3A_323 = arith.addi %add3A_67, %add3A_322 : i32
      "tpu.region"() ({
        %run_scoped3A = tpu.sem_alloc : memref<!tpu.dma_semaphore, #tpu.memory_space<semaphore_mem>>
        %dma_start3A_326 = arith.constant 24992 : i32
        %dma_start3A_327 = tpu.memref_slice %arg9[%dma_start3A_326] : memref<50000xf32, #tpu.memory_space<vmem>> -> memref<25008xf32, #tpu.memory_space<vmem>>
        %dma_start3A_328 = tpu.memref_slice %arg6[%add3A_323] : memref<2400000xf32, #tpu.memory_space<hbm>> -> memref<25008xf32, #tpu.memory_space<hbm>>
        %dma_start3A_329 = tpu.memref_slice %arg6[%add3A_323] : memref<2400000xf32, #tpu.memory_space<hbm>> -> memref<25008xf32, #tpu.memory_space<hbm>>
        %dma_start3A_330 = arith.constant 24992 : i32
        %dma_start3A_331 = tpu.memref_slice %arg9[%dma_start3A_330] : memref<50000xf32, #tpu.memory_space<vmem>> -> memref<25008xf32, #tpu.memory_space<vmem>>
        tpu.enqueue_dma source(%dma_start3A_331 : memref<25008xf32, #tpu.memory_space<vmem>>) target(%dma_start3A_329 : memref<25008xf32, #tpu.memory_space<hbm>>) target_semaphore(%run_scoped3A : memref<!tpu.dma_semaphore, #tpu.memory_space<semaphore_mem>>)
        %dma_wait3A = arith.constant 24992 : i32
        %dma_wait3A_332 = tpu.memref_slice %arg9[%dma_wait3A] : memref<50000xf32, #tpu.memory_space<vmem>> -> memref<25008xf32, #tpu.memory_space<vmem>>
        %dma_wait3A_333 = tpu.memref_slice %arg6[%add3A_323] : memref<2400000xf32, #tpu.memory_space<hbm>> -> memref<25008xf32, #tpu.memory_space<hbm>>
        %dma_wait3A_334 = tpu.memref_slice %arg6[%add3A_323] : memref<2400000xf32, #tpu.memory_space<hbm>> -> memref<25008xf32, #tpu.memory_space<hbm>>
        %dma_wait3A_335 = arith.constant 24992 : i32
        %dma_wait3A_336 = tpu.memref_slice %arg9[%dma_wait3A_335] : memref<50000xf32, #tpu.memory_space<vmem>> -> memref<25008xf32, #tpu.memory_space<vmem>>
        tpu.wait_dma2 semaphore(%run_scoped3A : memref<!tpu.dma_semaphore, #tpu.memory_space<semaphore_mem>>) src(%dma_wait3A_336 : memref<25008xf32, #tpu.memory_space<vmem>>) dst(%dma_wait3A_334 : memref<25008xf32, #tpu.memory_space<hbm>>)
        tpu.yield
      }) : () -> ()
      %add3A_324 = arith.constant 24992 : i32
      %add3A_325 = arith.addi %mul3A_63, %add3A_324 : i32
      "tpu.region"() ({
        %run_scoped3A = tpu.sem_alloc : memref<!tpu.dma_semaphore, #tpu.memory_space<semaphore_mem>>
        %dma_start3A_326 = arith.constant 24992 : i32
        %dma_start3A_327 = tpu.memref_slice %arg9[%dma_start3A_326] : memref<50000xf32, #tpu.memory_space<vmem>> -> memref<25008xf32, #tpu.memory_space<vmem>>
        %dma_start3A_328 = tpu.memref_slice %arg7[%add3A_325] : memref<800000xf32, #tpu.memory_space<hbm>> -> memref<25008xf32, #tpu.memory_space<hbm>>
        %dma_start3A_329 = tpu.memref_slice %arg7[%add3A_325] : memref<800000xf32, #tpu.memory_space<hbm>> -> memref<25008xf32, #tpu.memory_space<hbm>>
        %dma_start3A_330 = arith.constant 24992 : i32
        %dma_start3A_331 = tpu.memref_slice %arg9[%dma_start3A_330] : memref<50000xf32, #tpu.memory_space<vmem>> -> memref<25008xf32, #tpu.memory_space<vmem>>
        tpu.enqueue_dma source(%dma_start3A_331 : memref<25008xf32, #tpu.memory_space<vmem>>) target(%dma_start3A_329 : memref<25008xf32, #tpu.memory_space<hbm>>) target_semaphore(%run_scoped3A : memref<!tpu.dma_semaphore, #tpu.memory_space<semaphore_mem>>)
        %dma_wait3A = arith.constant 24992 : i32
        %dma_wait3A_332 = tpu.memref_slice %arg9[%dma_wait3A] : memref<50000xf32, #tpu.memory_space<vmem>> -> memref<25008xf32, #tpu.memory_space<vmem>>
        %dma_wait3A_333 = tpu.memref_slice %arg7[%add3A_325] : memref<800000xf32, #tpu.memory_space<hbm>> -> memref<25008xf32, #tpu.memory_space<hbm>>
        %dma_wait3A_334 = tpu.memref_slice %arg7[%add3A_325] : memref<800000xf32, #tpu.memory_space<hbm>> -> memref<25008xf32, #tpu.memory_space<hbm>>
        %dma_wait3A_335 = arith.constant 24992 : i32
        %dma_wait3A_336 = tpu.memref_slice %arg9[%dma_wait3A_335] : memref<50000xf32, #tpu.memory_space<vmem>> -> memref<25008xf32, #tpu.memory_space<vmem>>
        tpu.wait_dma2 semaphore(%run_scoped3A : memref<!tpu.dma_semaphore, #tpu.memory_space<semaphore_mem>>) src(%dma_wait3A_336 : memref<25008xf32, #tpu.memory_space<vmem>>) dst(%dma_wait3A_334 : memref<25008xf32, #tpu.memory_space<hbm>>)
        tpu.yield
      }) : () -> ()
    } else {
    }
    %barrier3A_97 = arith.constant 0 : index
    tpu.barrier barrier_id(%barrier3A_97)
    %eq3A_98 = arith.constant 0 : i32
    %eq3A_99 = arith.cmpi eq, %select_n3A_30, %eq3A_98 : i32
    %convert_element_type3A_100 = arith.extui %eq3A_99 : i1 to i32
    %cond3A_101 = arith.constant 0 : i32
    %cond3A_102 = arith.cmpi ne, %convert_element_type3A_100, %cond3A_101 : i32
    scf.if %cond3A_102 {
      %add3A_265 = arith.constant 24992 : i32
      %add3A_266 = arith.addi %mul3A_63, %add3A_265 : i32
      "tpu.region"() ({
        %run_scoped3A = tpu.sem_alloc : memref<!tpu.dma_semaphore, #tpu.memory_space<semaphore_mem>>
        %dma_start3A_267 = arith.constant 24992 : i32
        %dma_start3A_268 = tpu.memref_slice %arg9[%dma_start3A_267] : memref<50000xf32, #tpu.memory_space<vmem>> -> memref<25008xf32, #tpu.memory_space<vmem>>
        %dma_start3A_269 = tpu.memref_slice %arg7[%add3A_266] : memref<800000xf32, #tpu.memory_space<hbm>> -> memref<25008xf32, #tpu.memory_space<hbm>>
        %dma_start3A_270 = arith.constant 24992 : i32
        %dma_start3A_271 = tpu.memref_slice %arg9[%dma_start3A_270] : memref<50000xf32, #tpu.memory_space<vmem>> -> memref<25008xf32, #tpu.memory_space<vmem>>
        %dma_start3A_272 = tpu.memref_slice %arg7[%add3A_266] : memref<800000xf32, #tpu.memory_space<hbm>> -> memref<25008xf32, #tpu.memory_space<hbm>>
        tpu.enqueue_dma source(%dma_start3A_272 : memref<25008xf32, #tpu.memory_space<hbm>>) target(%dma_start3A_271 : memref<25008xf32, #tpu.memory_space<vmem>>) target_semaphore(%run_scoped3A : memref<!tpu.dma_semaphore, #tpu.memory_space<semaphore_mem>>)
        %dma_wait3A = arith.constant 24992 : i32
        %dma_wait3A_273 = tpu.memref_slice %arg9[%dma_wait3A] : memref<50000xf32, #tpu.memory_space<vmem>> -> memref<25008xf32, #tpu.memory_space<vmem>>
        %dma_wait3A_274 = tpu.memref_slice %arg7[%add3A_266] : memref<800000xf32, #tpu.memory_space<hbm>> -> memref<25008xf32, #tpu.memory_space<hbm>>
        %dma_wait3A_275 = arith.constant 24992 : i32
        %dma_wait3A_276 = tpu.memref_slice %arg9[%dma_wait3A_275] : memref<50000xf32, #tpu.memory_space<vmem>> -> memref<25008xf32, #tpu.memory_space<vmem>>
        %dma_wait3A_277 = tpu.memref_slice %arg7[%add3A_266] : memref<800000xf32, #tpu.memory_space<hbm>> -> memref<25008xf32, #tpu.memory_space<hbm>>
        tpu.wait_dma2 semaphore(%run_scoped3A : memref<!tpu.dma_semaphore, #tpu.memory_space<semaphore_mem>>) src(%dma_wait3A_277 : memref<25008xf32, #tpu.memory_space<hbm>>) dst(%dma_wait3A_276 : memref<25008xf32, #tpu.memory_space<vmem>>)
        tpu.yield
      }) : () -> ()
    } else {
    }
    %eq3A_103 = arith.constant 1 : i32
    %eq3A_104 = arith.cmpi eq, %select_n3A_30, %eq3A_103 : i32
    %convert_element_type3A_105 = arith.extui %eq3A_104 : i1 to i32
    %cond3A_106 = arith.constant 0 : i32
    %cond3A_107 = arith.cmpi ne, %convert_element_type3A_105, %cond3A_106 : i32
    scf.if %cond3A_107 {
      %add3A_265 = arith.constant 0 : i32
      %add3A_266 = arith.addi %mul3A_63, %add3A_265 : i32
      "tpu.region"() ({
        %run_scoped3A = tpu.sem_alloc : memref<!tpu.dma_semaphore, #tpu.memory_space<semaphore_mem>>
        %dma_start3A_267 = arith.constant 0 : i32
        %dma_start3A_268 = tpu.memref_slice %arg9[%dma_start3A_267] : memref<50000xf32, #tpu.memory_space<vmem>> -> memref<24992xf32, #tpu.memory_space<vmem>>
        %dma_start3A_269 = tpu.memref_slice %arg7[%add3A_266] : memref<800000xf32, #tpu.memory_space<hbm>> -> memref<24992xf32, #tpu.memory_space<hbm>>
        %dma_start3A_270 = arith.constant 0 : i32
        %dma_start3A_271 = tpu.memref_slice %arg9[%dma_start3A_270] : memref<50000xf32, #tpu.memory_space<vmem>> -> memref<24992xf32, #tpu.memory_space<vmem>>
        %dma_start3A_272 = tpu.memref_slice %arg7[%add3A_266] : memref<800000xf32, #tpu.memory_space<hbm>> -> memref<24992xf32, #tpu.memory_space<hbm>>
        tpu.enqueue_dma source(%dma_start3A_272 : memref<24992xf32, #tpu.memory_space<hbm>>) target(%dma_start3A_271 : memref<24992xf32, #tpu.memory_space<vmem>>) target_semaphore(%run_scoped3A : memref<!tpu.dma_semaphore, #tpu.memory_space<semaphore_mem>>)
        %dma_wait3A = arith.constant 0 : i32
        %dma_wait3A_273 = tpu.memref_slice %arg9[%dma_wait3A] : memref<50000xf32, #tpu.memory_space<vmem>> -> memref<24992xf32, #tpu.memory_space<vmem>>
        %dma_wait3A_274 = tpu.memref_slice %arg7[%add3A_266] : memref<800000xf32, #tpu.memory_space<hbm>> -> memref<24992xf32, #tpu.memory_space<hbm>>
        %dma_wait3A_275 = arith.constant 0 : i32
        %dma_wait3A_276 = tpu.memref_slice %arg9[%dma_wait3A_275] : memref<50000xf32, #tpu.memory_space<vmem>> -> memref<24992xf32, #tpu.memory_space<vmem>>
        %dma_wait3A_277 = tpu.memref_slice %arg7[%add3A_266] : memref<800000xf32, #tpu.memory_space<hbm>> -> memref<24992xf32, #tpu.memory_space<hbm>>
        tpu.wait_dma2 semaphore(%run_scoped3A : memref<!tpu.dma_semaphore, #tpu.memory_space<semaphore_mem>>) src(%dma_wait3A_277 : memref<24992xf32, #tpu.memory_space<hbm>>) dst(%dma_wait3A_276 : memref<24992xf32, #tpu.memory_space<vmem>>)
        tpu.yield
      }) : () -> ()
    } else {
    }
    %barrier3A_108 = arith.constant 0 : index
    tpu.barrier barrier_id(%barrier3A_108)
    %mul3A_109 = arith.constant 3 : i32
    %mul3A_110 = arith.muli %add3A_9, %mul3A_109 : i32
    %add3A_111 = arith.constant 1 : i32
    %add3A_112 = arith.addi %mul3A_110, %add3A_111 : i32
    %mul3A_113 = arith.constant 4096 : i32
    %mul3A_114 = arith.muli %add3A_112, %mul3A_113 : i32
    "tpu.region"() ({
      %run_scoped3A = tpu.sem_alloc : memref<!tpu.dma_semaphore, #tpu.memory_space<semaphore_mem>>
      %dma_start3A_265 = tpu.memref_slice %arg4[%mul3A_114] : memref<196608xf32, #tpu.memory_space<hbm>> -> memref<4096xf32, #tpu.memory_space<hbm>>
      %dma_start3A_266 = tpu.memref_slice %arg4[%mul3A_114] : memref<196608xf32, #tpu.memory_space<hbm>> -> memref<4096xf32, #tpu.memory_space<hbm>>
      tpu.enqueue_dma source(%dma_start3A_266 : memref<4096xf32, #tpu.memory_space<hbm>>) target(%arg11 : memref<4096xf32, #tpu.memory_space<vmem>>) target_semaphore(%run_scoped3A : memref<!tpu.dma_semaphore, #tpu.memory_space<semaphore_mem>>)
      %dma_wait3A = tpu.memref_slice %arg4[%mul3A_114] : memref<196608xf32, #tpu.memory_space<hbm>> -> memref<4096xf32, #tpu.memory_space<hbm>>
      %dma_wait3A_267 = tpu.memref_slice %arg4[%mul3A_114] : memref<196608xf32, #tpu.memory_space<hbm>> -> memref<4096xf32, #tpu.memory_space<hbm>>
      tpu.wait_dma2 semaphore(%run_scoped3A : memref<!tpu.dma_semaphore, #tpu.memory_space<semaphore_mem>>) src(%dma_wait3A_267 : memref<4096xf32, #tpu.memory_space<hbm>>) dst(%arg11 : memref<4096xf32, #tpu.memory_space<vmem>>)
      tpu.yield
    }) : () -> ()
    %scan3A_115 = arith.constant 0 : i32
    %scan3A_116 = arith.constant 3125 : i32
    %scan3A_117 = arith.addi %scan3A_115, %scan3A_116 : i32
    %scan3A_118 = arith.constant 5 : i32
    scf.for %scan3A_265 = %scan3A_115 to %scan3A_117 step %scan3A_118  : i32 {
      %mul3A_266 = arith.constant 16 : i32
      %mul3A_267 = arith.muli %scan3A_265, %mul3A_266 : i32
      %swap3A = arith.index_cast %mul3A_267 : i32 to index
      %swap3A_268 = tpu.vector_load %arg10[%swap3A] {strides = array<i32>} : memref<50000xf32, #tpu.memory_space<vmem>>, vector<16xf32>,
      tpu.vector_store %arg10[%swap3A], %broadcast_in_dim3A_35 {strides = array<i32>} : memref<50000xf32, #tpu.memory_space<vmem>>, vector<16xf32>,
      %scan3A_269 = arith.constant 1 : i32
      %scan3A_270 = arith.addi %scan3A_265, %scan3A_269 : i32
      %mul3A_271 = arith.constant 16 : i32
      %mul3A_272 = arith.muli %scan3A_270, %mul3A_271 : i32
      %swap3A_273 = arith.index_cast %mul3A_272 : i32 to index
      %swap3A_274 = tpu.vector_load %arg10[%swap3A_273] {strides = array<i32>} : memref<50000xf32, #tpu.memory_space<vmem>>, vector<16xf32>,
      tpu.vector_store %arg10[%swap3A_273], %broadcast_in_dim3A_35 {strides = array<i32>} : memref<50000xf32, #tpu.memory_space<vmem>>, vector<16xf32>,
      %scan3A_275 = arith.constant 2 : i32
      %scan3A_276 = arith.addi %scan3A_265, %scan3A_275 : i32
      %mul3A_277 = arith.constant 16 : i32
      %mul3A_278 = arith.muli %scan3A_276, %mul3A_277 : i32
      %swap3A_279 = arith.index_cast %mul3A_278 : i32 to index
      %swap3A_280 = tpu.vector_load %arg10[%swap3A_279] {strides = array<i32>} : memref<50000xf32, #tpu.memory_space<vmem>>, vector<16xf32>,
      tpu.vector_store %arg10[%swap3A_279], %broadcast_in_dim3A_35 {strides = array<i32>} : memref<50000xf32, #tpu.memory_space<vmem>>, vector<16xf32>,
      %scan3A_281 = arith.constant 3 : i32
      %scan3A_282 = arith.addi %scan3A_265, %scan3A_281 : i32
      %mul3A_283 = arith.constant 16 : i32
      %mul3A_284 = arith.muli %scan3A_282, %mul3A_283 : i32
      %swap3A_285 = arith.index_cast %mul3A_284 : i32 to index
      %swap3A_286 = tpu.vector_load %arg10[%swap3A_285] {strides = array<i32>} : memref<50000xf32, #tpu.memory_space<vmem>>, vector<16xf32>,
      tpu.vector_store %arg10[%swap3A_285], %broadcast_in_dim3A_35 {strides = array<i32>} : memref<50000xf32, #tpu.memory_space<vmem>>, vector<16xf32>,
      %scan3A_287 = arith.constant 4 : i32
      %scan3A_288 = arith.addi %scan3A_265, %scan3A_287 : i32
      %mul3A_289 = arith.constant 16 : i32
      %mul3A_290 = arith.muli %scan3A_288, %mul3A_289 : i32
      %swap3A_291 = arith.index_cast %mul3A_290 : i32 to index
      %swap3A_292 = tpu.vector_load %arg10[%swap3A_291] {strides = array<i32>} : memref<50000xf32, #tpu.memory_space<vmem>>, vector<16xf32>,
      tpu.vector_store %arg10[%swap3A_291], %broadcast_in_dim3A_35 {strides = array<i32>} : memref<50000xf32, #tpu.memory_space<vmem>>, vector<16xf32>,
    }
    %scan3A_119 = arith.constant 3125 : i32
    %add3A_120 = arith.constant 0 : i32
    %add3A_121 = arith.addi %mul3A_32, %add3A_120 : i32
    %dma_start3A_122 = tpu.memref_slice %arg2[%add3A_121] : memref<800000xi32, #tpu.memory_space<hbm>> -> memref<4000xi32, #tpu.memory_space<hbm>>
    %dma_start3A_123 = tpu.memref_slice %arg2[%add3A_121] : memref<800000xi32, #tpu.memory_space<hbm>> -> memref<4000xi32, #tpu.memory_space<hbm>>
    tpu.enqueue_dma source(%dma_start3A_123 : memref<4000xi32, #tpu.memory_space<hbm>>) target(%arg14 : memref<4000xi32, #tpu.memory_space<vmem>>) target_semaphore(%arg18 : memref<!tpu.dma_semaphore, #tpu.memory_space<semaphore_mem>>)
    %dma_start3A_124 = tpu.memref_slice %arg3[%add3A_121] : memref<800000xi32, #tpu.memory_space<hbm>> -> memref<4000xi32, #tpu.memory_space<hbm>>
    %dma_start3A_125 = tpu.memref_slice %arg3[%add3A_121] : memref<800000xi32, #tpu.memory_space<hbm>> -> memref<4000xi32, #tpu.memory_space<hbm>>
    tpu.enqueue_dma source(%dma_start3A_125 : memref<4000xi32, #tpu.memory_space<hbm>>) target(%arg16 : memref<4000xi32, #tpu.memory_space<vmem>>) target_semaphore(%arg18 : memref<!tpu.dma_semaphore, #tpu.memory_space<semaphore_mem>>)
    %add3A_126 = arith.constant 4000 : i32
    %add3A_127 = arith.addi %mul3A_32, %add3A_126 : i32
    %dma_start3A_128 = tpu.memref_slice %arg2[%add3A_127] : memref<800000xi32, #tpu.memory_space<hbm>> -> memref<4000xi32, #tpu.memory_space<hbm>>
    %dma_start3A_129 = tpu.memref_slice %arg2[%add3A_127] : memref<800000xi32, #tpu.memory_space<hbm>> -> memref<4000xi32, #tpu.memory_space<hbm>>
    tpu.enqueue_dma source(%dma_start3A_129 : memref<4000xi32, #tpu.memory_space<hbm>>) target(%arg15 : memref<4000xi32, #tpu.memory_space<vmem>>) target_semaphore(%arg19 : memref<!tpu.dma_semaphore, #tpu.memory_space<semaphore_mem>>)
    %dma_start3A_130 = tpu.memref_slice %arg3[%add3A_127] : memref<800000xi32, #tpu.memory_space<hbm>> -> memref<4000xi32, #tpu.memory_space<hbm>>
    %dma_start3A_131 = tpu.memref_slice %arg3[%add3A_127] : memref<800000xi32, #tpu.memory_space<hbm>> -> memref<4000xi32, #tpu.memory_space<hbm>>
    tpu.enqueue_dma source(%dma_start3A_131 : memref<4000xi32, #tpu.memory_space<hbm>>) target(%arg17 : memref<4000xi32, #tpu.memory_space<vmem>>) target_semaphore(%arg19 : memref<!tpu.dma_semaphore, #tpu.memory_space<semaphore_mem>>)
    %scan3A_132 = arith.constant 0 : i32
    %scan3A_133 = arith.constant 50 : i32
    %scan3A_134 = arith.addi %scan3A_132, %scan3A_133 : i32
    %scan3A_135 = arith.constant 1 : i32
    scf.for %scan3A_265 = %scan3A_132 to %scan3A_134 step %scan3A_135  : i32 {
      %mul3A_266 = arith.constant 2 : i32
      %mul3A_267 = arith.muli %scan3A_265, %mul3A_266 : i32
      %dma_wait3A = arith.constant 0 : i32
      %dma_wait3A_268 = tpu.memref_slice %arg2[%dma_wait3A] : memref<800000xi32, #tpu.memory_space<hbm>> -> memref<4000xi32, #tpu.memory_space<hbm>>
      %dma_wait3A_269 = arith.constant 0 : i32
      %dma_wait3A_270 = tpu.memref_slice %arg2[%dma_wait3A_269] : memref<800000xi32, #tpu.memory_space<hbm>> -> memref<4000xi32, #tpu.memory_space<hbm>>
      tpu.wait_dma2 semaphore(%arg18 : memref<!tpu.dma_semaphore, #tpu.memory_space<semaphore_mem>>) src(%dma_wait3A_270 : memref<4000xi32, #tpu.memory_space<hbm>>) dst(%arg14 : memref<4000xi32, #tpu.memory_space<vmem>>)
      %dma_wait3A_271 = arith.constant 0 : i32
      %dma_wait3A_272 = tpu.memref_slice %arg3[%dma_wait3A_271] : memref<800000xi32, #tpu.memory_space<hbm>> -> memref<4000xi32, #tpu.memory_space<hbm>>
      %dma_wait3A_273 = arith.constant 0 : i32
      %dma_wait3A_274 = tpu.memref_slice %arg3[%dma_wait3A_273] : memref<800000xi32, #tpu.memory_space<hbm>> -> memref<4000xi32, #tpu.memory_space<hbm>>
      tpu.wait_dma2 semaphore(%arg18 : memref<!tpu.dma_semaphore, #tpu.memory_space<semaphore_mem>>) src(%dma_wait3A_274 : memref<4000xi32, #tpu.memory_space<hbm>>) dst(%arg16 : memref<4000xi32, #tpu.memory_space<vmem>>)
      %parallel_loop3A = arith.constant 0 : i32
      %parallel_loop3A_275 = arith.constant 250 : i32
      %parallel_loop3A_276 = arith.constant 1 : i32
      scf.for %parallel_loop3A_306 = %parallel_loop3A to %parallel_loop3A_275 step %parallel_loop3A_276  : i32 {
        %parallel_loop3A_307 = arith.constant 16 : i32
        %parallel_loop3A_308 = arith.muli %parallel_loop3A_306, %parallel_loop3A_307 : i32
        %parallel_loop3A_309 = arith.index_cast %parallel_loop3A_308 : i32 to index
        %parallel_loop3A_310 = tpu.vector_load %arg14[%parallel_loop3A_309] {strides = array<i32>} : memref<4000xi32, #tpu.memory_space<vmem>>, vector<16xi32>,
        %parallel_loop3A_311 = arith.index_cast %parallel_loop3A_308 : i32 to index
        %parallel_loop3A_312 = tpu.vector_load %arg16[%parallel_loop3A_311] {strides = array<i32>} : memref<4000xi32, #tpu.memory_space<vmem>>, vector<16xi32>,
        %parallel_loop3A_313 = arith.constant 16 : i32
        %parallel_loop3A_314 = vector.broadcast %parallel_loop3A_313 : i32 to vector<16xi32>
        %parallel_loop3A_315 = arith.shrui %parallel_loop3A_310, %parallel_loop3A_314 : vector<16xi32>
        %parallel_loop3A_316 = arith.constant 65535 : i32
        %parallel_loop3A_317 = vector.broadcast %parallel_loop3A_316 : i32 to vector<16xi32>
        %parallel_loop3A_318 = arith.andi %parallel_loop3A_310, %parallel_loop3A_317 : vector<16xi32>
        %parallel_loop3A_319 = arith.constant 4 : i32
        %parallel_loop3A_320 = vector.broadcast %parallel_loop3A_319 : i32 to vector<16xi32>
        %parallel_loop3A_321 = arith.shli %parallel_loop3A_312, %parallel_loop3A_320 : vector<16xi32>
        %parallel_loop3A_322 = arith.ori %parallel_loop3A_321, %iota3A : vector<16xi32>
        %parallel_loop3A_323 = tpu.vector_load_idx %arg11[%parallel_loop3A_322] : memref<4096xf32, #tpu.memory_space<vmem>>[vector<16xi32>], vector<16xf32>,
        %parallel_loop3A_324 = tpu.vector_load_idx %arg9[%parallel_loop3A_315] : memref<50000xf32, #tpu.memory_space<vmem>>[vector<16xi32>], vector<16xf32>,
        %parallel_loop3A_325 = arith.mulf %parallel_loop3A_323, %parallel_loop3A_324 : vector<16xf32>
        tpu.vector_store_idx %arg10[%parallel_loop3A_318], %parallel_loop3A_325 {add = true} : memref<50000xf32, #tpu.memory_space<vmem>>[vector<16xi32>], vector<16xf32>,
      } {sc.loop_unroll_factor = 10 : i64, sc.parallel_access}
      %add3A_277 = arith.constant 0 : i32
      %add3A_278 = arith.addi %mul3A_267, %add3A_277 : i32
      %add3A_279 = arith.constant 2 : i32
      %add3A_280 = arith.addi %add3A_278, %add3A_279 : i32
      %lt3A_281 = arith.constant 100 : i32
      %lt3A_282 = arith.cmpi slt, %add3A_280, %lt3A_281 : i32
      %convert_element_type3A_283 = arith.extui %lt3A_282 : i1 to i32
      %cond3A_284 = arith.constant 0 : i32
      %cond3A_285 = arith.cmpi ne, %convert_element_type3A_283, %cond3A_284 : i32
      scf.if %cond3A_285 {
        %mul3A_306 = arith.constant 4000 : i32
        %mul3A_307 = arith.muli %add3A_280, %mul3A_306 : i32
        %add3A_308 = arith.addi %mul3A_32, %mul3A_307 : i32
        %dma_start3A_309 = tpu.memref_slice %arg2[%add3A_308] : memref<800000xi32, #tpu.memory_space<hbm>> -> memref<4000xi32, #tpu.memory_space<hbm>>
        %dma_start3A_310 = tpu.memref_slice %arg2[%add3A_308] : memref<800000xi32, #tpu.memory_space<hbm>> -> memref<4000xi32, #tpu.memory_space<hbm>>
        tpu.enqueue_dma source(%dma_start3A_310 : memref<4000xi32, #tpu.memory_space<hbm>>) target(%arg14 : memref<4000xi32, #tpu.memory_space<vmem>>) target_semaphore(%arg18 : memref<!tpu.dma_semaphore, #tpu.memory_space<semaphore_mem>>)
        %dma_start3A_311 = tpu.memref_slice %arg3[%add3A_308] : memref<800000xi32, #tpu.memory_space<hbm>> -> memref<4000xi32, #tpu.memory_space<hbm>>
        %dma_start3A_312 = tpu.memref_slice %arg3[%add3A_308] : memref<800000xi32, #tpu.memory_space<hbm>> -> memref<4000xi32, #tpu.memory_space<hbm>>
        tpu.enqueue_dma source(%dma_start3A_312 : memref<4000xi32, #tpu.memory_space<hbm>>) target(%arg16 : memref<4000xi32, #tpu.memory_space<vmem>>) target_semaphore(%arg18 : memref<!tpu.dma_semaphore, #tpu.memory_space<semaphore_mem>>)
      } else {
      }
      %dma_wait3A_286 = arith.constant 0 : i32
      %dma_wait3A_287 = tpu.memref_slice %arg2[%dma_wait3A_286] : memref<800000xi32, #tpu.memory_space<hbm>> -> memref<4000xi32, #tpu.memory_space<hbm>>
      %dma_wait3A_288 = arith.constant 0 : i32
      %dma_wait3A_289 = tpu.memref_slice %arg2[%dma_wait3A_288] : memref<800000xi32, #tpu.memory_space<hbm>> -> memref<4000xi32, #tpu.memory_space<hbm>>
      tpu.wait_dma2 semaphore(%arg19 : memref<!tpu.dma_semaphore, #tpu.memory_space<semaphore_mem>>) src(%dma_wait3A_289 : memref<4000xi32, #tpu.memory_space<hbm>>) dst(%arg15 : memref<4000xi32, #tpu.memory_space<vmem>>)
      %dma_wait3A_290 = arith.constant 0 : i32
      %dma_wait3A_291 = tpu.memref_slice %arg3[%dma_wait3A_290] : memref<800000xi32, #tpu.memory_space<hbm>> -> memref<4000xi32, #tpu.memory_space<hbm>>
      %dma_wait3A_292 = arith.constant 0 : i32
      %dma_wait3A_293 = tpu.memref_slice %arg3[%dma_wait3A_292] : memref<800000xi32, #tpu.memory_space<hbm>> -> memref<4000xi32, #tpu.memory_space<hbm>>
      tpu.wait_dma2 semaphore(%arg19 : memref<!tpu.dma_semaphore, #tpu.memory_space<semaphore_mem>>) src(%dma_wait3A_293 : memref<4000xi32, #tpu.memory_space<hbm>>) dst(%arg17 : memref<4000xi32, #tpu.memory_space<vmem>>)
      %parallel_loop3A_294 = arith.constant 0 : i32
      %parallel_loop3A_295 = arith.constant 250 : i32
      %parallel_loop3A_296 = arith.constant 1 : i32
      scf.for %parallel_loop3A_306 = %parallel_loop3A_294 to %parallel_loop3A_295 step %parallel_loop3A_296  : i32 {
        %parallel_loop3A_307 = arith.constant 16 : i32
        %parallel_loop3A_308 = arith.muli %parallel_loop3A_306, %parallel_loop3A_307 : i32
        %parallel_loop3A_309 = arith.index_cast %parallel_loop3A_308 : i32 to index
        %parallel_loop3A_310 = tpu.vector_load %arg15[%parallel_loop3A_309] {strides = array<i32>} : memref<4000xi32, #tpu.memory_space<vmem>>, vector<16xi32>,
        %parallel_loop3A_311 = arith.index_cast %parallel_loop3A_308 : i32 to index
        %parallel_loop3A_312 = tpu.vector_load %arg17[%parallel_loop3A_311] {strides = array<i32>} : memref<4000xi32, #tpu.memory_space<vmem>>, vector<16xi32>,
        %parallel_loop3A_313 = arith.constant 16 : i32
        %parallel_loop3A_314 = vector.broadcast %parallel_loop3A_313 : i32 to vector<16xi32>
        %parallel_loop3A_315 = arith.shrui %parallel_loop3A_310, %parallel_loop3A_314 : vector<16xi32>
        %parallel_loop3A_316 = arith.constant 65535 : i32
        %parallel_loop3A_317 = vector.broadcast %parallel_loop3A_316 : i32 to vector<16xi32>
        %parallel_loop3A_318 = arith.andi %parallel_loop3A_310, %parallel_loop3A_317 : vector<16xi32>
        %parallel_loop3A_319 = arith.constant 4 : i32
        %parallel_loop3A_320 = vector.broadcast %parallel_loop3A_319 : i32 to vector<16xi32>
        %parallel_loop3A_321 = arith.shli %parallel_loop3A_312, %parallel_loop3A_320 : vector<16xi32>
        %parallel_loop3A_322 = arith.ori %parallel_loop3A_321, %iota3A : vector<16xi32>
        %parallel_loop3A_323 = tpu.vector_load_idx %arg11[%parallel_loop3A_322] : memref<4096xf32, #tpu.memory_space<vmem>>[vector<16xi32>], vector<16xf32>,
        %parallel_loop3A_324 = tpu.vector_load_idx %arg9[%parallel_loop3A_315] : memref<50000xf32, #tpu.memory_space<vmem>>[vector<16xi32>], vector<16xf32>,
        %parallel_loop3A_325 = arith.mulf %parallel_loop3A_323, %parallel_loop3A_324 : vector<16xf32>
        tpu.vector_store_idx %arg10[%parallel_loop3A_318], %parallel_loop3A_325 {add = true} : memref<50000xf32, #tpu.memory_space<vmem>>[vector<16xi32>], vector<16xf32>,
      } {sc.loop_unroll_factor = 10 : i64, sc.parallel_access}
      %add3A_297 = arith.constant 1 : i32
      %add3A_298 = arith.addi %mul3A_267, %add3A_297 : i32
      %add3A_299 = arith.constant 2 : i32
      %add3A_300 = arith.addi %add3A_298, %add3A_299 : i32
      %lt3A_301 = arith.constant 100 : i32
      %lt3A_302 = arith.cmpi slt, %add3A_300, %lt3A_301 : i32
      %convert_element_type3A_303 = arith.extui %lt3A_302 : i1 to i32
      %cond3A_304 = arith.constant 0 : i32
      %cond3A_305 = arith.cmpi ne, %convert_element_type3A_303, %cond3A_304 : i32
      scf.if %cond3A_305 {
        %mul3A_306 = arith.constant 4000 : i32
        %mul3A_307 = arith.muli %add3A_300, %mul3A_306 : i32
        %add3A_308 = arith.addi %mul3A_32, %mul3A_307 : i32
        %dma_start3A_309 = tpu.memref_slice %arg2[%add3A_308] : memref<800000xi32, #tpu.memory_space<hbm>> -> memref<4000xi32, #tpu.memory_space<hbm>>
        %dma_start3A_310 = tpu.memref_slice %arg2[%add3A_308] : memref<800000xi32, #tpu.memory_space<hbm>> -> memref<4000xi32, #tpu.memory_space<hbm>>
        tpu.enqueue_dma source(%dma_start3A_310 : memref<4000xi32, #tpu.memory_space<hbm>>) target(%arg15 : memref<4000xi32, #tpu.memory_space<vmem>>) target_semaphore(%arg19 : memref<!tpu.dma_semaphore, #tpu.memory_space<semaphore_mem>>)
        %dma_start3A_311 = tpu.memref_slice %arg3[%add3A_308] : memref<800000xi32, #tpu.memory_space<hbm>> -> memref<4000xi32, #tpu.memory_space<hbm>>
        %dma_start3A_312 = tpu.memref_slice %arg3[%add3A_308] : memref<800000xi32, #tpu.memory_space<hbm>> -> memref<4000xi32, #tpu.memory_space<hbm>>
        tpu.enqueue_dma source(%dma_start3A_312 : memref<4000xi32, #tpu.memory_space<hbm>>) target(%arg17 : memref<4000xi32, #tpu.memory_space<vmem>>) target_semaphore(%arg19 : memref<!tpu.dma_semaphore, #tpu.memory_space<semaphore_mem>>)
      } else {
      }
    }
    %scan3A_136 = arith.constant 50 : i32
    %mul3A_137 = arith.constant 50000 : i32
    %mul3A_138 = arith.muli %add3A_9, %mul3A_137 : i32
    %mul3A_139 = arith.constant 150000 : i32
    %mul3A_140 = arith.muli %add3A_9, %mul3A_139 : i32
    %add3A_141 = arith.constant 50000 : i32
    %add3A_142 = arith.addi %mul3A_140, %add3A_141 : i32
    %eq3A_143 = arith.constant 0 : i32
    %eq3A_144 = arith.cmpi eq, %select_n3A_30, %eq3A_143 : i32
    %convert_element_type3A_145 = arith.extui %eq3A_144 : i1 to i32
    %cond3A_146 = arith.constant 0 : i32
    %cond3A_147 = arith.cmpi ne, %convert_element_type3A_145, %cond3A_146 : i32
    scf.if %cond3A_147 {
      %add3A_265 = arith.constant 24992 : i32
      %add3A_266 = arith.addi %mul3A_138, %add3A_265 : i32
      "tpu.region"() ({
        %run_scoped3A = tpu.sem_alloc : memref<!tpu.dma_semaphore, #tpu.memory_space<semaphore_mem>>
        %dma_start3A_267 = arith.constant 24992 : i32
        %dma_start3A_268 = tpu.memref_slice %arg10[%dma_start3A_267] : memref<50000xf32, #tpu.memory_space<vmem>> -> memref<25008xf32, #tpu.memory_space<vmem>>
        %dma_start3A_269 = tpu.memref_slice %arg7[%add3A_266] : memref<800000xf32, #tpu.memory_space<hbm>> -> memref<25008xf32, #tpu.memory_space<hbm>>
        %dma_start3A_270 = tpu.memref_slice %arg7[%add3A_266] : memref<800000xf32, #tpu.memory_space<hbm>> -> memref<25008xf32, #tpu.memory_space<hbm>>
        %dma_start3A_271 = arith.constant 24992 : i32
        %dma_start3A_272 = tpu.memref_slice %arg10[%dma_start3A_271] : memref<50000xf32, #tpu.memory_space<vmem>> -> memref<25008xf32, #tpu.memory_space<vmem>>
        tpu.enqueue_dma source(%dma_start3A_272 : memref<25008xf32, #tpu.memory_space<vmem>>) target(%dma_start3A_270 : memref<25008xf32, #tpu.memory_space<hbm>>) target_semaphore(%run_scoped3A : memref<!tpu.dma_semaphore, #tpu.memory_space<semaphore_mem>>)
        %dma_wait3A = arith.constant 24992 : i32
        %dma_wait3A_273 = tpu.memref_slice %arg10[%dma_wait3A] : memref<50000xf32, #tpu.memory_space<vmem>> -> memref<25008xf32, #tpu.memory_space<vmem>>
        %dma_wait3A_274 = tpu.memref_slice %arg7[%add3A_266] : memref<800000xf32, #tpu.memory_space<hbm>> -> memref<25008xf32, #tpu.memory_space<hbm>>
        %dma_wait3A_275 = tpu.memref_slice %arg7[%add3A_266] : memref<800000xf32, #tpu.memory_space<hbm>> -> memref<25008xf32, #tpu.memory_space<hbm>>
        %dma_wait3A_276 = arith.constant 24992 : i32
        %dma_wait3A_277 = tpu.memref_slice %arg10[%dma_wait3A_276] : memref<50000xf32, #tpu.memory_space<vmem>> -> memref<25008xf32, #tpu.memory_space<vmem>>
        tpu.wait_dma2 semaphore(%run_scoped3A : memref<!tpu.dma_semaphore, #tpu.memory_space<semaphore_mem>>) src(%dma_wait3A_277 : memref<25008xf32, #tpu.memory_space<vmem>>) dst(%dma_wait3A_275 : memref<25008xf32, #tpu.memory_space<hbm>>)
        tpu.yield
      }) : () -> ()
    } else {
    }
    %eq3A_148 = arith.constant 1 : i32
    %eq3A_149 = arith.cmpi eq, %select_n3A_30, %eq3A_148 : i32
    %convert_element_type3A_150 = arith.extui %eq3A_149 : i1 to i32
    %cond3A_151 = arith.constant 0 : i32
    %cond3A_152 = arith.cmpi ne, %convert_element_type3A_150, %cond3A_151 : i32
    scf.if %cond3A_152 {
      %add3A_265 = arith.constant 0 : i32
      %add3A_266 = arith.addi %mul3A_138, %add3A_265 : i32
      "tpu.region"() ({
        %run_scoped3A = tpu.sem_alloc : memref<!tpu.dma_semaphore, #tpu.memory_space<semaphore_mem>>
        %dma_start3A_267 = arith.constant 0 : i32
        %dma_start3A_268 = tpu.memref_slice %arg10[%dma_start3A_267] : memref<50000xf32, #tpu.memory_space<vmem>> -> memref<24992xf32, #tpu.memory_space<vmem>>
        %dma_start3A_269 = tpu.memref_slice %arg7[%add3A_266] : memref<800000xf32, #tpu.memory_space<hbm>> -> memref<24992xf32, #tpu.memory_space<hbm>>
        %dma_start3A_270 = tpu.memref_slice %arg7[%add3A_266] : memref<800000xf32, #tpu.memory_space<hbm>> -> memref<24992xf32, #tpu.memory_space<hbm>>
        %dma_start3A_271 = arith.constant 0 : i32
        %dma_start3A_272 = tpu.memref_slice %arg10[%dma_start3A_271] : memref<50000xf32, #tpu.memory_space<vmem>> -> memref<24992xf32, #tpu.memory_space<vmem>>
        tpu.enqueue_dma source(%dma_start3A_272 : memref<24992xf32, #tpu.memory_space<vmem>>) target(%dma_start3A_270 : memref<24992xf32, #tpu.memory_space<hbm>>) target_semaphore(%run_scoped3A : memref<!tpu.dma_semaphore, #tpu.memory_space<semaphore_mem>>)
        %dma_wait3A = arith.constant 0 : i32
        %dma_wait3A_273 = tpu.memref_slice %arg10[%dma_wait3A] : memref<50000xf32, #tpu.memory_space<vmem>> -> memref<24992xf32, #tpu.memory_space<vmem>>
        %dma_wait3A_274 = tpu.memref_slice %arg7[%add3A_266] : memref<800000xf32, #tpu.memory_space<hbm>> -> memref<24992xf32, #tpu.memory_space<hbm>>
        %dma_wait3A_275 = tpu.memref_slice %arg7[%add3A_266] : memref<800000xf32, #tpu.memory_space<hbm>> -> memref<24992xf32, #tpu.memory_space<hbm>>
        %dma_wait3A_276 = arith.constant 0 : i32
        %dma_wait3A_277 = tpu.memref_slice %arg10[%dma_wait3A_276] : memref<50000xf32, #tpu.memory_space<vmem>> -> memref<24992xf32, #tpu.memory_space<vmem>>
        tpu.wait_dma2 semaphore(%run_scoped3A : memref<!tpu.dma_semaphore, #tpu.memory_space<semaphore_mem>>) src(%dma_wait3A_277 : memref<24992xf32, #tpu.memory_space<vmem>>) dst(%dma_wait3A_275 : memref<24992xf32, #tpu.memory_space<hbm>>)
        tpu.yield
      }) : () -> ()
    } else {
    }
    %barrier3A_153 = arith.constant 0 : index
    tpu.barrier barrier_id(%barrier3A_153)
    %eq3A_154 = arith.constant 0 : i32
    %eq3A_155 = arith.cmpi eq, %select_n3A_30, %eq3A_154 : i32
    %convert_element_type3A_156 = arith.extui %eq3A_155 : i1 to i32
    %cond3A_157 = arith.constant 0 : i32
    %cond3A_158 = arith.cmpi ne, %convert_element_type3A_156, %cond3A_157 : i32
    scf.if %cond3A_158 {
      %add3A_265 = arith.constant 0 : i32
      %add3A_266 = arith.addi %mul3A_138, %add3A_265 : i32
      "tpu.region"() ({
        %run_scoped3A = tpu.sem_alloc : memref<!tpu.dma_semaphore, #tpu.memory_space<semaphore_mem>>
        %dma_start3A_307 = arith.constant 0 : i32
        %dma_start3A_308 = tpu.memref_slice %arg9[%dma_start3A_307] : memref<50000xf32, #tpu.memory_space<vmem>> -> memref<24992xf32, #tpu.memory_space<vmem>>
        %dma_start3A_309 = tpu.memref_slice %arg7[%add3A_266] : memref<800000xf32, #tpu.memory_space<hbm>> -> memref<24992xf32, #tpu.memory_space<hbm>>
        %dma_start3A_310 = arith.constant 0 : i32
        %dma_start3A_311 = tpu.memref_slice %arg9[%dma_start3A_310] : memref<50000xf32, #tpu.memory_space<vmem>> -> memref<24992xf32, #tpu.memory_space<vmem>>
        %dma_start3A_312 = tpu.memref_slice %arg7[%add3A_266] : memref<800000xf32, #tpu.memory_space<hbm>> -> memref<24992xf32, #tpu.memory_space<hbm>>
        tpu.enqueue_dma source(%dma_start3A_312 : memref<24992xf32, #tpu.memory_space<hbm>>) target(%dma_start3A_311 : memref<24992xf32, #tpu.memory_space<vmem>>) target_semaphore(%run_scoped3A : memref<!tpu.dma_semaphore, #tpu.memory_space<semaphore_mem>>)
        %dma_wait3A = arith.constant 0 : i32
        %dma_wait3A_313 = tpu.memref_slice %arg9[%dma_wait3A] : memref<50000xf32, #tpu.memory_space<vmem>> -> memref<24992xf32, #tpu.memory_space<vmem>>
        %dma_wait3A_314 = tpu.memref_slice %arg7[%add3A_266] : memref<800000xf32, #tpu.memory_space<hbm>> -> memref<24992xf32, #tpu.memory_space<hbm>>
        %dma_wait3A_315 = arith.constant 0 : i32
        %dma_wait3A_316 = tpu.memref_slice %arg9[%dma_wait3A_315] : memref<50000xf32, #tpu.memory_space<vmem>> -> memref<24992xf32, #tpu.memory_space<vmem>>
        %dma_wait3A_317 = tpu.memref_slice %arg7[%add3A_266] : memref<800000xf32, #tpu.memory_space<hbm>> -> memref<24992xf32, #tpu.memory_space<hbm>>
        tpu.wait_dma2 semaphore(%run_scoped3A : memref<!tpu.dma_semaphore, #tpu.memory_space<semaphore_mem>>) src(%dma_wait3A_317 : memref<24992xf32, #tpu.memory_space<hbm>>) dst(%dma_wait3A_316 : memref<24992xf32, #tpu.memory_space<vmem>>)
        tpu.yield
      }) : () -> ()
      %scan3A_267 = arith.constant 0 : i32
      %scan3A_268 = arith.constant 1560 : i32
      %scan3A_269 = arith.addi %scan3A_267, %scan3A_268 : i32
      %scan3A_270 = arith.constant 5 : i32
      %scan3A_271 = scf.for %scan3A_307 = %scan3A_267 to %scan3A_269 step %scan3A_270 iter_args(%scan3A_308 = %broadcast_in_dim3A_35) -> (vector<16xf32>)  : i32 {
        %add3A_309 = arith.constant 0 : i32
        %add3A_310 = arith.addi %add3A_309, %scan3A_307 : i32
        %mul3A_311 = arith.constant 16 : i32
        %mul3A_312 = arith.muli %add3A_310, %mul3A_311 : i32
        %get3A_313 = arith.index_cast %mul3A_312 : i32 to index
        %get3A_314 = tpu.vector_load %arg9[%get3A_313] {strides = array<i32>} : memref<50000xf32, #tpu.memory_space<vmem>>, vector<16xf32>,
        %get3A_315 = arith.index_cast %mul3A_312 : i32 to index
        %get3A_316 = tpu.vector_load %arg10[%get3A_315] {strides = array<i32>} : memref<50000xf32, #tpu.memory_space<vmem>>, vector<16xf32>,
        %add3A_317 = arith.addf %get3A_314, %get3A_316 : vector<16xf32>
        %swap3A_318 = arith.index_cast %mul3A_312 : i32 to index
        %swap3A_319 = tpu.vector_load %arg9[%swap3A_318] {strides = array<i32>} : memref<50000xf32, #tpu.memory_space<vmem>>, vector<16xf32>,
        tpu.vector_store %arg9[%swap3A_318], %add3A_317 {strides = array<i32>} : memref<50000xf32, #tpu.memory_space<vmem>>, vector<16xf32>,
        %add3A_320 = arith.addf %scan3A_308, %add3A_317 : vector<16xf32>
        %scan3A_321 = arith.constant 1 : i32
        %scan3A_322 = arith.addi %scan3A_307, %scan3A_321 : i32
        %add3A_323 = arith.constant 0 : i32
        %add3A_324 = arith.addi %add3A_323, %scan3A_322 : i32
        %mul3A_325 = arith.constant 16 : i32
        %mul3A_326 = arith.muli %add3A_324, %mul3A_325 : i32
        %get3A_327 = arith.index_cast %mul3A_326 : i32 to index
        %get3A_328 = tpu.vector_load %arg9[%get3A_327] {strides = array<i32>} : memref<50000xf32, #tpu.memory_space<vmem>>, vector<16xf32>,
        %get3A_329 = arith.index_cast %mul3A_326 : i32 to index
        %get3A_330 = tpu.vector_load %arg10[%get3A_329] {strides = array<i32>} : memref<50000xf32, #tpu.memory_space<vmem>>, vector<16xf32>,
        %add3A_331 = arith.addf %get3A_328, %get3A_330 : vector<16xf32>
        %swap3A_332 = arith.index_cast %mul3A_326 : i32 to index
        %swap3A_333 = tpu.vector_load %arg9[%swap3A_332] {strides = array<i32>} : memref<50000xf32, #tpu.memory_space<vmem>>, vector<16xf32>,
        tpu.vector_store %arg9[%swap3A_332], %add3A_331 {strides = array<i32>} : memref<50000xf32, #tpu.memory_space<vmem>>, vector<16xf32>,
        %add3A_334 = arith.addf %add3A_320, %add3A_331 : vector<16xf32>
        %scan3A_335 = arith.constant 2 : i32
        %scan3A_336 = arith.addi %scan3A_307, %scan3A_335 : i32
        %add3A_337 = arith.constant 0 : i32
        %add3A_338 = arith.addi %add3A_337, %scan3A_336 : i32
        %mul3A_339 = arith.constant 16 : i32
        %mul3A_340 = arith.muli %add3A_338, %mul3A_339 : i32
        %get3A_341 = arith.index_cast %mul3A_340 : i32 to index
        %get3A_342 = tpu.vector_load %arg9[%get3A_341] {strides = array<i32>} : memref<50000xf32, #tpu.memory_space<vmem>>, vector<16xf32>,
        %get3A_343 = arith.index_cast %mul3A_340 : i32 to index
        %get3A_344 = tpu.vector_load %arg10[%get3A_343] {strides = array<i32>} : memref<50000xf32, #tpu.memory_space<vmem>>, vector<16xf32>,
        %add3A_345 = arith.addf %get3A_342, %get3A_344 : vector<16xf32>
        %swap3A_346 = arith.index_cast %mul3A_340 : i32 to index
        %swap3A_347 = tpu.vector_load %arg9[%swap3A_346] {strides = array<i32>} : memref<50000xf32, #tpu.memory_space<vmem>>, vector<16xf32>,
        tpu.vector_store %arg9[%swap3A_346], %add3A_345 {strides = array<i32>} : memref<50000xf32, #tpu.memory_space<vmem>>, vector<16xf32>,
        %add3A_348 = arith.addf %add3A_334, %add3A_345 : vector<16xf32>
        %scan3A_349 = arith.constant 3 : i32
        %scan3A_350 = arith.addi %scan3A_307, %scan3A_349 : i32
        %add3A_351 = arith.constant 0 : i32
        %add3A_352 = arith.addi %add3A_351, %scan3A_350 : i32
        %mul3A_353 = arith.constant 16 : i32
        %mul3A_354 = arith.muli %add3A_352, %mul3A_353 : i32
        %get3A_355 = arith.index_cast %mul3A_354 : i32 to index
        %get3A_356 = tpu.vector_load %arg9[%get3A_355] {strides = array<i32>} : memref<50000xf32, #tpu.memory_space<vmem>>, vector<16xf32>,
        %get3A_357 = arith.index_cast %mul3A_354 : i32 to index
        %get3A_358 = tpu.vector_load %arg10[%get3A_357] {strides = array<i32>} : memref<50000xf32, #tpu.memory_space<vmem>>, vector<16xf32>,
        %add3A_359 = arith.addf %get3A_356, %get3A_358 : vector<16xf32>
        %swap3A_360 = arith.index_cast %mul3A_354 : i32 to index
        %swap3A_361 = tpu.vector_load %arg9[%swap3A_360] {strides = array<i32>} : memref<50000xf32, #tpu.memory_space<vmem>>, vector<16xf32>,
        tpu.vector_store %arg9[%swap3A_360], %add3A_359 {strides = array<i32>} : memref<50000xf32, #tpu.memory_space<vmem>>, vector<16xf32>,
        %add3A_362 = arith.addf %add3A_348, %add3A_359 : vector<16xf32>
        %scan3A_363 = arith.constant 4 : i32
        %scan3A_364 = arith.addi %scan3A_307, %scan3A_363 : i32
        %add3A_365 = arith.constant 0 : i32
        %add3A_366 = arith.addi %add3A_365, %scan3A_364 : i32
        %mul3A_367 = arith.constant 16 : i32
        %mul3A_368 = arith.muli %add3A_366, %mul3A_367 : i32
        %get3A_369 = arith.index_cast %mul3A_368 : i32 to index
        %get3A_370 = tpu.vector_load %arg9[%get3A_369] {strides = array<i32>} : memref<50000xf32, #tpu.memory_space<vmem>>, vector<16xf32>,
        %get3A_371 = arith.index_cast %mul3A_368 : i32 to index
        %get3A_372 = tpu.vector_load %arg10[%get3A_371] {strides = array<i32>} : memref<50000xf32, #tpu.memory_space<vmem>>, vector<16xf32>,
        %add3A_373 = arith.addf %get3A_370, %get3A_372 : vector<16xf32>
        %swap3A_374 = arith.index_cast %mul3A_368 : i32 to index
        %swap3A_375 = tpu.vector_load %arg9[%swap3A_374] {strides = array<i32>} : memref<50000xf32, #tpu.memory_space<vmem>>, vector<16xf32>,
        tpu.vector_store %arg9[%swap3A_374], %add3A_373 {strides = array<i32>} : memref<50000xf32, #tpu.memory_space<vmem>>, vector<16xf32>,
        %add3A_376 = arith.addf %add3A_362, %add3A_373 : vector<16xf32>
        scf.yield %add3A_376 : vector<16xf32>
      }
      %scan3A_272 = arith.constant 1560 : i32
      %scan3A_273 = arith.addi %scan3A_267, %scan3A_272 : i32
      %add3A_274 = arith.constant 0 : i32
      %add3A_275 = arith.addi %add3A_274, %scan3A_273 : i32
      %mul3A_276 = arith.constant 16 : i32
      %mul3A_277 = arith.muli %add3A_275, %mul3A_276 : i32
      %get3A = arith.index_cast %mul3A_277 : i32 to index
      %get3A_278 = tpu.vector_load %arg9[%get3A] {strides = array<i32>} : memref<50000xf32, #tpu.memory_space<vmem>>, vector<16xf32>,
      %get3A_279 = arith.index_cast %mul3A_277 : i32 to index
      %get3A_280 = tpu.vector_load %arg10[%get3A_279] {strides = array<i32>} : memref<50000xf32, #tpu.memory_space<vmem>>, vector<16xf32>,
      %add3A_281 = arith.addf %get3A_278, %get3A_280 : vector<16xf32>
      %swap3A = arith.index_cast %mul3A_277 : i32 to index
      %swap3A_282 = tpu.vector_load %arg9[%swap3A] {strides = array<i32>} : memref<50000xf32, #tpu.memory_space<vmem>>, vector<16xf32>,
      tpu.vector_store %arg9[%swap3A], %add3A_281 {strides = array<i32>} : memref<50000xf32, #tpu.memory_space<vmem>>, vector<16xf32>,
      %add3A_283 = arith.addf %scan3A_271, %add3A_281 : vector<16xf32>
      %scan3A_284 = arith.constant 1561 : i32
      %scan3A_285 = arith.addi %scan3A_267, %scan3A_284 : i32
      %add3A_286 = arith.constant 0 : i32
      %add3A_287 = arith.addi %add3A_286, %scan3A_285 : i32
      %mul3A_288 = arith.constant 16 : i32
      %mul3A_289 = arith.muli %add3A_287, %mul3A_288 : i32
      %get3A_290 = arith.index_cast %mul3A_289 : i32 to index
      %get3A_291 = tpu.vector_load %arg9[%get3A_290] {strides = array<i32>} : memref<50000xf32, #tpu.memory_space<vmem>>, vector<16xf32>,
      %get3A_292 = arith.index_cast %mul3A_289 : i32 to index
      %get3A_293 = tpu.vector_load %arg10[%get3A_292] {strides = array<i32>} : memref<50000xf32, #tpu.memory_space<vmem>>, vector<16xf32>,
      %add3A_294 = arith.addf %get3A_291, %get3A_293 : vector<16xf32>
      %swap3A_295 = arith.index_cast %mul3A_289 : i32 to index
      %swap3A_296 = tpu.vector_load %arg9[%swap3A_295] {strides = array<i32>} : memref<50000xf32, #tpu.memory_space<vmem>>, vector<16xf32>,
      tpu.vector_store %arg9[%swap3A_295], %add3A_294 {strides = array<i32>} : memref<50000xf32, #tpu.memory_space<vmem>>, vector<16xf32>,
      %add3A_297 = arith.addf %add3A_283, %add3A_294 : vector<16xf32>
      %scan3A_298 = arith.constant 1562 : i32
      %swap3A_299 = arith.constant 0 : index
      %swap3A_300 = tpu.vector_load %arg12[%swap3A_299] {strides = array<i32>} : memref<16xf32, #tpu.memory_space<vmem>>, vector<16xf32>,
      tpu.vector_store %arg12[%swap3A_299], %add3A_297 {strides = array<i32>} : memref<16xf32, #tpu.memory_space<vmem>>, vector<16xf32>,
      %mul3A_301 = arith.constant 2 : i32
      %mul3A_302 = arith.muli %add3A_9, %mul3A_301 : i32
      %add3A_303 = arith.constant 0 : i32
      %add3A_304 = arith.addi %mul3A_302, %add3A_303 : i32
      %mul3A_305 = arith.constant 16 : i32
      %mul3A_306 = arith.muli %add3A_304, %mul3A_305 : i32
      "tpu.region"() ({
        %run_scoped3A = tpu.sem_alloc : memref<!tpu.dma_semaphore, #tpu.memory_space<semaphore_mem>>
        %dma_start3A_307 = tpu.memref_slice %arg8[%mul3A_306] : memref<512xf32, #tpu.memory_space<hbm>> -> memref<16xf32, #tpu.memory_space<hbm>>
        %dma_start3A_308 = tpu.memref_slice %arg8[%mul3A_306] : memref<512xf32, #tpu.memory_space<hbm>> -> memref<16xf32, #tpu.memory_space<hbm>>
        tpu.enqueue_dma source(%arg12 : memref<16xf32, #tpu.memory_space<vmem>>) target(%dma_start3A_308 : memref<16xf32, #tpu.memory_space<hbm>>) target_semaphore(%run_scoped3A : memref<!tpu.dma_semaphore, #tpu.memory_space<semaphore_mem>>)
        %dma_wait3A = tpu.memref_slice %arg8[%mul3A_306] : memref<512xf32, #tpu.memory_space<hbm>> -> memref<16xf32, #tpu.memory_space<hbm>>
        %dma_wait3A_309 = tpu.memref_slice %arg8[%mul3A_306] : memref<512xf32, #tpu.memory_space<hbm>> -> memref<16xf32, #tpu.memory_space<hbm>>
        tpu.wait_dma2 semaphore(%run_scoped3A : memref<!tpu.dma_semaphore, #tpu.memory_space<semaphore_mem>>) src(%arg12 : memref<16xf32, #tpu.memory_space<vmem>>) dst(%dma_wait3A_309 : memref<16xf32, #tpu.memory_space<hbm>>)
        tpu.yield
      }) : () -> ()
    } else {
    }
    %eq3A_159 = arith.constant 1 : i32
    %eq3A_160 = arith.cmpi eq, %select_n3A_30, %eq3A_159 : i32
    %convert_element_type3A_161 = arith.extui %eq3A_160 : i1 to i32
    %cond3A_162 = arith.constant 0 : i32
    %cond3A_163 = arith.cmpi ne, %convert_element_type3A_161, %cond3A_162 : i32
    scf.if %cond3A_163 {
      %add3A_265 = arith.constant 24992 : i32
      %add3A_266 = arith.addi %mul3A_138, %add3A_265 : i32
      "tpu.region"() ({
        %run_scoped3A = tpu.sem_alloc : memref<!tpu.dma_semaphore, #tpu.memory_space<semaphore_mem>>
        %dma_start3A_321 = arith.constant 24992 : i32
        %dma_start3A_322 = tpu.memref_slice %arg9[%dma_start3A_321] : memref<50000xf32, #tpu.memory_space<vmem>> -> memref<25008xf32, #tpu.memory_space<vmem>>
        %dma_start3A_323 = tpu.memref_slice %arg7[%add3A_266] : memref<800000xf32, #tpu.memory_space<hbm>> -> memref<25008xf32, #tpu.memory_space<hbm>>
        %dma_start3A_324 = arith.constant 24992 : i32
        %dma_start3A_325 = tpu.memref_slice %arg9[%dma_start3A_324] : memref<50000xf32, #tpu.memory_space<vmem>> -> memref<25008xf32, #tpu.memory_space<vmem>>
        %dma_start3A_326 = tpu.memref_slice %arg7[%add3A_266] : memref<800000xf32, #tpu.memory_space<hbm>> -> memref<25008xf32, #tpu.memory_space<hbm>>
        tpu.enqueue_dma source(%dma_start3A_326 : memref<25008xf32, #tpu.memory_space<hbm>>) target(%dma_start3A_325 : memref<25008xf32, #tpu.memory_space<vmem>>) target_semaphore(%run_scoped3A : memref<!tpu.dma_semaphore, #tpu.memory_space<semaphore_mem>>)
        %dma_wait3A = arith.constant 24992 : i32
        %dma_wait3A_327 = tpu.memref_slice %arg9[%dma_wait3A] : memref<50000xf32, #tpu.memory_space<vmem>> -> memref<25008xf32, #tpu.memory_space<vmem>>
        %dma_wait3A_328 = tpu.memref_slice %arg7[%add3A_266] : memref<800000xf32, #tpu.memory_space<hbm>> -> memref<25008xf32, #tpu.memory_space<hbm>>
        %dma_wait3A_329 = arith.constant 24992 : i32
        %dma_wait3A_330 = tpu.memref_slice %arg9[%dma_wait3A_329] : memref<50000xf32, #tpu.memory_space<vmem>> -> memref<25008xf32, #tpu.memory_space<vmem>>
        %dma_wait3A_331 = tpu.memref_slice %arg7[%add3A_266] : memref<800000xf32, #tpu.memory_space<hbm>> -> memref<25008xf32, #tpu.memory_space<hbm>>
        tpu.wait_dma2 semaphore(%run_scoped3A : memref<!tpu.dma_semaphore, #tpu.memory_space<semaphore_mem>>) src(%dma_wait3A_331 : memref<25008xf32, #tpu.memory_space<hbm>>) dst(%dma_wait3A_330 : memref<25008xf32, #tpu.memory_space<vmem>>)
        tpu.yield
      }) : () -> ()
      %scan3A_267 = arith.constant 0 : i32
      %scan3A_268 = arith.constant 1560 : i32
      %scan3A_269 = arith.addi %scan3A_267, %scan3A_268 : i32
      %scan3A_270 = arith.constant 5 : i32
      %scan3A_271 = scf.for %scan3A_321 = %scan3A_267 to %scan3A_269 step %scan3A_270 iter_args(%scan3A_322 = %broadcast_in_dim3A_35) -> (vector<16xf32>)  : i32 {
        %add3A_323 = arith.constant 1562 : i32
        %add3A_324 = arith.addi %add3A_323, %scan3A_321 : i32
        %mul3A_325 = arith.constant 16 : i32
        %mul3A_326 = arith.muli %add3A_324, %mul3A_325 : i32
        %get3A_327 = arith.index_cast %mul3A_326 : i32 to index
        %get3A_328 = tpu.vector_load %arg9[%get3A_327] {strides = array<i32>} : memref<50000xf32, #tpu.memory_space<vmem>>, vector<16xf32>,
        %get3A_329 = arith.index_cast %mul3A_326 : i32 to index
        %get3A_330 = tpu.vector_load %arg10[%get3A_329] {strides = array<i32>} : memref<50000xf32, #tpu.memory_space<vmem>>, vector<16xf32>,
        %add3A_331 = arith.addf %get3A_328, %get3A_330 : vector<16xf32>
        %swap3A_332 = arith.index_cast %mul3A_326 : i32 to index
        %swap3A_333 = tpu.vector_load %arg9[%swap3A_332] {strides = array<i32>} : memref<50000xf32, #tpu.memory_space<vmem>>, vector<16xf32>,
        tpu.vector_store %arg9[%swap3A_332], %add3A_331 {strides = array<i32>} : memref<50000xf32, #tpu.memory_space<vmem>>, vector<16xf32>,
        %add3A_334 = arith.addf %scan3A_322, %add3A_331 : vector<16xf32>
        %scan3A_335 = arith.constant 1 : i32
        %scan3A_336 = arith.addi %scan3A_321, %scan3A_335 : i32
        %add3A_337 = arith.constant 1562 : i32
        %add3A_338 = arith.addi %add3A_337, %scan3A_336 : i32
        %mul3A_339 = arith.constant 16 : i32
        %mul3A_340 = arith.muli %add3A_338, %mul3A_339 : i32
        %get3A_341 = arith.index_cast %mul3A_340 : i32 to index
        %get3A_342 = tpu.vector_load %arg9[%get3A_341] {strides = array<i32>} : memref<50000xf32, #tpu.memory_space<vmem>>, vector<16xf32>,
        %get3A_343 = arith.index_cast %mul3A_340 : i32 to index
        %get3A_344 = tpu.vector_load %arg10[%get3A_343] {strides = array<i32>} : memref<50000xf32, #tpu.memory_space<vmem>>, vector<16xf32>,
        %add3A_345 = arith.addf %get3A_342, %get3A_344 : vector<16xf32>
        %swap3A_346 = arith.index_cast %mul3A_340 : i32 to index
        %swap3A_347 = tpu.vector_load %arg9[%swap3A_346] {strides = array<i32>} : memref<50000xf32, #tpu.memory_space<vmem>>, vector<16xf32>,
        tpu.vector_store %arg9[%swap3A_346], %add3A_345 {strides = array<i32>} : memref<50000xf32, #tpu.memory_space<vmem>>, vector<16xf32>,
        %add3A_348 = arith.addf %add3A_334, %add3A_345 : vector<16xf32>
        %scan3A_349 = arith.constant 2 : i32
        %scan3A_350 = arith.addi %scan3A_321, %scan3A_349 : i32
        %add3A_351 = arith.constant 1562 : i32
        %add3A_352 = arith.addi %add3A_351, %scan3A_350 : i32
        %mul3A_353 = arith.constant 16 : i32
        %mul3A_354 = arith.muli %add3A_352, %mul3A_353 : i32
        %get3A_355 = arith.index_cast %mul3A_354 : i32 to index
        %get3A_356 = tpu.vector_load %arg9[%get3A_355] {strides = array<i32>} : memref<50000xf32, #tpu.memory_space<vmem>>, vector<16xf32>,
        %get3A_357 = arith.index_cast %mul3A_354 : i32 to index
        %get3A_358 = tpu.vector_load %arg10[%get3A_357] {strides = array<i32>} : memref<50000xf32, #tpu.memory_space<vmem>>, vector<16xf32>,
        %add3A_359 = arith.addf %get3A_356, %get3A_358 : vector<16xf32>
        %swap3A_360 = arith.index_cast %mul3A_354 : i32 to index
        %swap3A_361 = tpu.vector_load %arg9[%swap3A_360] {strides = array<i32>} : memref<50000xf32, #tpu.memory_space<vmem>>, vector<16xf32>,
        tpu.vector_store %arg9[%swap3A_360], %add3A_359 {strides = array<i32>} : memref<50000xf32, #tpu.memory_space<vmem>>, vector<16xf32>,
        %add3A_362 = arith.addf %add3A_348, %add3A_359 : vector<16xf32>
        %scan3A_363 = arith.constant 3 : i32
        %scan3A_364 = arith.addi %scan3A_321, %scan3A_363 : i32
        %add3A_365 = arith.constant 1562 : i32
        %add3A_366 = arith.addi %add3A_365, %scan3A_364 : i32
        %mul3A_367 = arith.constant 16 : i32
        %mul3A_368 = arith.muli %add3A_366, %mul3A_367 : i32
        %get3A_369 = arith.index_cast %mul3A_368 : i32 to index
        %get3A_370 = tpu.vector_load %arg9[%get3A_369] {strides = array<i32>} : memref<50000xf32, #tpu.memory_space<vmem>>, vector<16xf32>,
        %get3A_371 = arith.index_cast %mul3A_368 : i32 to index
        %get3A_372 = tpu.vector_load %arg10[%get3A_371] {strides = array<i32>} : memref<50000xf32, #tpu.memory_space<vmem>>, vector<16xf32>,
        %add3A_373 = arith.addf %get3A_370, %get3A_372 : vector<16xf32>
        %swap3A_374 = arith.index_cast %mul3A_368 : i32 to index
        %swap3A_375 = tpu.vector_load %arg9[%swap3A_374] {strides = array<i32>} : memref<50000xf32, #tpu.memory_space<vmem>>, vector<16xf32>,
        tpu.vector_store %arg9[%swap3A_374], %add3A_373 {strides = array<i32>} : memref<50000xf32, #tpu.memory_space<vmem>>, vector<16xf32>,
        %add3A_376 = arith.addf %add3A_362, %add3A_373 : vector<16xf32>
        %scan3A_377 = arith.constant 4 : i32
        %scan3A_378 = arith.addi %scan3A_321, %scan3A_377 : i32
        %add3A_379 = arith.constant 1562 : i32
        %add3A_380 = arith.addi %add3A_379, %scan3A_378 : i32
        %mul3A_381 = arith.constant 16 : i32
        %mul3A_382 = arith.muli %add3A_380, %mul3A_381 : i32
        %get3A_383 = arith.index_cast %mul3A_382 : i32 to index
        %get3A_384 = tpu.vector_load %arg9[%get3A_383] {strides = array<i32>} : memref<50000xf32, #tpu.memory_space<vmem>>, vector<16xf32>,
        %get3A_385 = arith.index_cast %mul3A_382 : i32 to index
        %get3A_386 = tpu.vector_load %arg10[%get3A_385] {strides = array<i32>} : memref<50000xf32, #tpu.memory_space<vmem>>, vector<16xf32>,
        %add3A_387 = arith.addf %get3A_384, %get3A_386 : vector<16xf32>
        %swap3A_388 = arith.index_cast %mul3A_382 : i32 to index
        %swap3A_389 = tpu.vector_load %arg9[%swap3A_388] {strides = array<i32>} : memref<50000xf32, #tpu.memory_space<vmem>>, vector<16xf32>,
        tpu.vector_store %arg9[%swap3A_388], %add3A_387 {strides = array<i32>} : memref<50000xf32, #tpu.memory_space<vmem>>, vector<16xf32>,
        %add3A_390 = arith.addf %add3A_376, %add3A_387 : vector<16xf32>
        scf.yield %add3A_390 : vector<16xf32>
      }
      %scan3A_272 = arith.constant 1560 : i32
      %scan3A_273 = arith.addi %scan3A_267, %scan3A_272 : i32
      %add3A_274 = arith.constant 1562 : i32
      %add3A_275 = arith.addi %add3A_274, %scan3A_273 : i32
      %mul3A_276 = arith.constant 16 : i32
      %mul3A_277 = arith.muli %add3A_275, %mul3A_276 : i32
      %get3A = arith.index_cast %mul3A_277 : i32 to index
      %get3A_278 = tpu.vector_load %arg9[%get3A] {strides = array<i32>} : memref<50000xf32, #tpu.memory_space<vmem>>, vector<16xf32>,
      %get3A_279 = arith.index_cast %mul3A_277 : i32 to index
      %get3A_280 = tpu.vector_load %arg10[%get3A_279] {strides = array<i32>} : memref<50000xf32, #tpu.memory_space<vmem>>, vector<16xf32>,
      %add3A_281 = arith.addf %get3A_278, %get3A_280 : vector<16xf32>
      %swap3A = arith.index_cast %mul3A_277 : i32 to index
      %swap3A_282 = tpu.vector_load %arg9[%swap3A] {strides = array<i32>} : memref<50000xf32, #tpu.memory_space<vmem>>, vector<16xf32>,
      tpu.vector_store %arg9[%swap3A], %add3A_281 {strides = array<i32>} : memref<50000xf32, #tpu.memory_space<vmem>>, vector<16xf32>,
      %add3A_283 = arith.addf %scan3A_271, %add3A_281 : vector<16xf32>
      %scan3A_284 = arith.constant 1561 : i32
      %scan3A_285 = arith.addi %scan3A_267, %scan3A_284 : i32
      %add3A_286 = arith.constant 1562 : i32
      %add3A_287 = arith.addi %add3A_286, %scan3A_285 : i32
      %mul3A_288 = arith.constant 16 : i32
      %mul3A_289 = arith.muli %add3A_287, %mul3A_288 : i32
      %get3A_290 = arith.index_cast %mul3A_289 : i32 to index
      %get3A_291 = tpu.vector_load %arg9[%get3A_290] {strides = array<i32>} : memref<50000xf32, #tpu.memory_space<vmem>>, vector<16xf32>,
      %get3A_292 = arith.index_cast %mul3A_289 : i32 to index
      %get3A_293 = tpu.vector_load %arg10[%get3A_292] {strides = array<i32>} : memref<50000xf32, #tpu.memory_space<vmem>>, vector<16xf32>,
      %add3A_294 = arith.addf %get3A_291, %get3A_293 : vector<16xf32>
      %swap3A_295 = arith.index_cast %mul3A_289 : i32 to index
      %swap3A_296 = tpu.vector_load %arg9[%swap3A_295] {strides = array<i32>} : memref<50000xf32, #tpu.memory_space<vmem>>, vector<16xf32>,
      tpu.vector_store %arg9[%swap3A_295], %add3A_294 {strides = array<i32>} : memref<50000xf32, #tpu.memory_space<vmem>>, vector<16xf32>,
      %add3A_297 = arith.addf %add3A_283, %add3A_294 : vector<16xf32>
      %scan3A_298 = arith.constant 1562 : i32
      %scan3A_299 = arith.addi %scan3A_267, %scan3A_298 : i32
      %add3A_300 = arith.constant 1562 : i32
      %add3A_301 = arith.addi %add3A_300, %scan3A_299 : i32
      %mul3A_302 = arith.constant 16 : i32
      %mul3A_303 = arith.muli %add3A_301, %mul3A_302 : i32
      %get3A_304 = arith.index_cast %mul3A_303 : i32 to index
      %get3A_305 = tpu.vector_load %arg9[%get3A_304] {strides = array<i32>} : memref<50000xf32, #tpu.memory_space<vmem>>, vector<16xf32>,
      %get3A_306 = arith.index_cast %mul3A_303 : i32 to index
      %get3A_307 = tpu.vector_load %arg10[%get3A_306] {strides = array<i32>} : memref<50000xf32, #tpu.memory_space<vmem>>, vector<16xf32>,
      %add3A_308 = arith.addf %get3A_305, %get3A_307 : vector<16xf32>
      %swap3A_309 = arith.index_cast %mul3A_303 : i32 to index
      %swap3A_310 = tpu.vector_load %arg9[%swap3A_309] {strides = array<i32>} : memref<50000xf32, #tpu.memory_space<vmem>>, vector<16xf32>,
      tpu.vector_store %arg9[%swap3A_309], %add3A_308 {strides = array<i32>} : memref<50000xf32, #tpu.memory_space<vmem>>, vector<16xf32>,
      %add3A_311 = arith.addf %add3A_297, %add3A_308 : vector<16xf32>
      %scan3A_312 = arith.constant 1563 : i32
      %swap3A_313 = arith.constant 0 : index
      %swap3A_314 = tpu.vector_load %arg12[%swap3A_313] {strides = array<i32>} : memref<16xf32, #tpu.memory_space<vmem>>, vector<16xf32>,
      tpu.vector_store %arg12[%swap3A_313], %add3A_311 {strides = array<i32>} : memref<16xf32, #tpu.memory_space<vmem>>, vector<16xf32>,
      %mul3A_315 = arith.constant 2 : i32
      %mul3A_316 = arith.muli %add3A_9, %mul3A_315 : i32
      %add3A_317 = arith.constant 1 : i32
      %add3A_318 = arith.addi %mul3A_316, %add3A_317 : i32
      %mul3A_319 = arith.constant 16 : i32
      %mul3A_320 = arith.muli %add3A_318, %mul3A_319 : i32
      "tpu.region"() ({
        %run_scoped3A = tpu.sem_alloc : memref<!tpu.dma_semaphore, #tpu.memory_space<semaphore_mem>>
        %dma_start3A_321 = tpu.memref_slice %arg8[%mul3A_320] : memref<512xf32, #tpu.memory_space<hbm>> -> memref<16xf32, #tpu.memory_space<hbm>>
        %dma_start3A_322 = tpu.memref_slice %arg8[%mul3A_320] : memref<512xf32, #tpu.memory_space<hbm>> -> memref<16xf32, #tpu.memory_space<hbm>>
        tpu.enqueue_dma source(%arg12 : memref<16xf32, #tpu.memory_space<vmem>>) target(%dma_start3A_322 : memref<16xf32, #tpu.memory_space<hbm>>) target_semaphore(%run_scoped3A : memref<!tpu.dma_semaphore, #tpu.memory_space<semaphore_mem>>)
        %dma_wait3A = tpu.memref_slice %arg8[%mul3A_320] : memref<512xf32, #tpu.memory_space<hbm>> -> memref<16xf32, #tpu.memory_space<hbm>>
        %dma_wait3A_323 = tpu.memref_slice %arg8[%mul3A_320] : memref<512xf32, #tpu.memory_space<hbm>> -> memref<16xf32, #tpu.memory_space<hbm>>
        tpu.wait_dma2 semaphore(%run_scoped3A : memref<!tpu.dma_semaphore, #tpu.memory_space<semaphore_mem>>) src(%arg12 : memref<16xf32, #tpu.memory_space<vmem>>) dst(%dma_wait3A_323 : memref<16xf32, #tpu.memory_space<hbm>>)
        tpu.yield
      }) : () -> ()
    } else {
    }
    %barrier3A_164 = arith.constant 0 : index
    tpu.barrier barrier_id(%barrier3A_164)
    %eq3A_165 = arith.constant 0 : i32
    %eq3A_166 = arith.cmpi eq, %select_n3A_30, %eq3A_165 : i32
    %convert_element_type3A_167 = arith.extui %eq3A_166 : i1 to i32
    %cond3A_168 = arith.constant 0 : i32
    %cond3A_169 = arith.cmpi ne, %convert_element_type3A_167, %cond3A_168 : i32
    scf.if %cond3A_169 {
      %mul3A_265 = arith.constant 2 : i32
      %mul3A_266 = arith.muli %add3A_9, %mul3A_265 : i32
      %add3A_267 = arith.constant 1 : i32
      %add3A_268 = arith.addi %mul3A_266, %add3A_267 : i32
      %mul3A_269 = arith.constant 16 : i32
      %mul3A_270 = arith.muli %add3A_268, %mul3A_269 : i32
      "tpu.region"() ({
        %run_scoped3A = tpu.sem_alloc : memref<!tpu.dma_semaphore, #tpu.memory_space<semaphore_mem>>
        %dma_start3A_315 = tpu.memref_slice %arg8[%mul3A_270] : memref<512xf32, #tpu.memory_space<hbm>> -> memref<16xf32, #tpu.memory_space<hbm>>
        %dma_start3A_316 = tpu.memref_slice %arg8[%mul3A_270] : memref<512xf32, #tpu.memory_space<hbm>> -> memref<16xf32, #tpu.memory_space<hbm>>
        tpu.enqueue_dma source(%dma_start3A_316 : memref<16xf32, #tpu.memory_space<hbm>>) target(%arg13 : memref<16xf32, #tpu.memory_space<vmem>>) target_semaphore(%run_scoped3A : memref<!tpu.dma_semaphore, #tpu.memory_space<semaphore_mem>>)
        %dma_wait3A = tpu.memref_slice %arg8[%mul3A_270] : memref<512xf32, #tpu.memory_space<hbm>> -> memref<16xf32, #tpu.memory_space<hbm>>
        %dma_wait3A_317 = tpu.memref_slice %arg8[%mul3A_270] : memref<512xf32, #tpu.memory_space<hbm>> -> memref<16xf32, #tpu.memory_space<hbm>>
        tpu.wait_dma2 semaphore(%run_scoped3A : memref<!tpu.dma_semaphore, #tpu.memory_space<semaphore_mem>>) src(%dma_wait3A_317 : memref<16xf32, #tpu.memory_space<hbm>>) dst(%arg13 : memref<16xf32, #tpu.memory_space<vmem>>)
        tpu.yield
      }) : () -> ()
      %get3A = arith.constant 0 : index
      %get3A_271 = tpu.vector_load %arg12[%get3A] {strides = array<i32>} : memref<16xf32, #tpu.memory_space<vmem>>, vector<16xf32>,
      %get3A_272 = arith.constant 0 : index
      %get3A_273 = tpu.vector_load %arg13[%get3A_272] {strides = array<i32>} : memref<16xf32, #tpu.memory_space<vmem>>, vector<16xf32>,
      %add3A_274 = arith.addf %get3A_271, %get3A_273 : vector<16xf32>
      %reduce_sum3A = arith.constant true
      %reduce_sum3A_275 = vector.broadcast %reduce_sum3A : i1 to vector<16xi1>
      %reduce_sum3A_276 = tpu.scan <sum>, %add3A_274 masked %reduce_sum3A_275 : vector<16xf32>, vector<16xi1> -> vector<16xf32>
      %reduce_sum3A_277 = vector.extract %reduce_sum3A_276[15] : f32 from vector<16xf32>
      %broadcast_in_dim3A_278 = vector.broadcast %reduce_sum3A_277 : f32 to vector<16xf32>
      %add3A_279 = arith.constant 9.99999997E-7 : f32
      %add3A_280 = vector.broadcast %add3A_279 : f32 to vector<16xf32>
      %add3A_281 = arith.addf %broadcast_in_dim3A_278, %add3A_280 : vector<16xf32>
      %div3A_282 = arith.constant 1.000000e+00 : f32
      %div3A_283 = vector.broadcast %div3A_282 : f32 to vector<16xf32>
      %div3A_284 = arith.divf %div3A_283, %add3A_281 : vector<16xf32>
      %scan3A_285 = arith.constant 0 : i32
      %scan3A_286 = arith.constant 1560 : i32
      %scan3A_287 = arith.addi %scan3A_285, %scan3A_286 : i32
      %scan3A_288 = arith.constant 5 : i32
      scf.for %scan3A_315 = %scan3A_285 to %scan3A_287 step %scan3A_288  : i32 {
        %add3A_316 = arith.constant 0 : i32
        %add3A_317 = arith.addi %add3A_316, %scan3A_315 : i32
        %mul3A_318 = arith.constant 16 : i32
        %mul3A_319 = arith.muli %add3A_317, %mul3A_318 : i32
        %get3A_320 = arith.index_cast %mul3A_319 : i32 to index
        %get3A_321 = tpu.vector_load %arg9[%get3A_320] {strides = array<i32>} : memref<50000xf32, #tpu.memory_space<vmem>>, vector<16xf32>,
        %mul3A_322 = arith.mulf %get3A_321, %div3A_284 : vector<16xf32>
        %swap3A_323 = arith.index_cast %mul3A_319 : i32 to index
        %swap3A_324 = tpu.vector_load %arg9[%swap3A_323] {strides = array<i32>} : memref<50000xf32, #tpu.memory_space<vmem>>, vector<16xf32>,
        tpu.vector_store %arg9[%swap3A_323], %mul3A_322 {strides = array<i32>} : memref<50000xf32, #tpu.memory_space<vmem>>, vector<16xf32>,
        %scan3A_325 = arith.constant 1 : i32
        %scan3A_326 = arith.addi %scan3A_315, %scan3A_325 : i32
        %add3A_327 = arith.constant 0 : i32
        %add3A_328 = arith.addi %add3A_327, %scan3A_326 : i32
        %mul3A_329 = arith.constant 16 : i32
        %mul3A_330 = arith.muli %add3A_328, %mul3A_329 : i32
        %get3A_331 = arith.index_cast %mul3A_330 : i32 to index
        %get3A_332 = tpu.vector_load %arg9[%get3A_331] {strides = array<i32>} : memref<50000xf32, #tpu.memory_space<vmem>>, vector<16xf32>,
        %mul3A_333 = arith.mulf %get3A_332, %div3A_284 : vector<16xf32>
        %swap3A_334 = arith.index_cast %mul3A_330 : i32 to index
        %swap3A_335 = tpu.vector_load %arg9[%swap3A_334] {strides = array<i32>} : memref<50000xf32, #tpu.memory_space<vmem>>, vector<16xf32>,
        tpu.vector_store %arg9[%swap3A_334], %mul3A_333 {strides = array<i32>} : memref<50000xf32, #tpu.memory_space<vmem>>, vector<16xf32>,
        %scan3A_336 = arith.constant 2 : i32
        %scan3A_337 = arith.addi %scan3A_315, %scan3A_336 : i32
        %add3A_338 = arith.constant 0 : i32
        %add3A_339 = arith.addi %add3A_338, %scan3A_337 : i32
        %mul3A_340 = arith.constant 16 : i32
        %mul3A_341 = arith.muli %add3A_339, %mul3A_340 : i32
        %get3A_342 = arith.index_cast %mul3A_341 : i32 to index
        %get3A_343 = tpu.vector_load %arg9[%get3A_342] {strides = array<i32>} : memref<50000xf32, #tpu.memory_space<vmem>>, vector<16xf32>,
        %mul3A_344 = arith.mulf %get3A_343, %div3A_284 : vector<16xf32>
        %swap3A_345 = arith.index_cast %mul3A_341 : i32 to index
        %swap3A_346 = tpu.vector_load %arg9[%swap3A_345] {strides = array<i32>} : memref<50000xf32, #tpu.memory_space<vmem>>, vector<16xf32>,
        tpu.vector_store %arg9[%swap3A_345], %mul3A_344 {strides = array<i32>} : memref<50000xf32, #tpu.memory_space<vmem>>, vector<16xf32>,
        %scan3A_347 = arith.constant 3 : i32
        %scan3A_348 = arith.addi %scan3A_315, %scan3A_347 : i32
        %add3A_349 = arith.constant 0 : i32
        %add3A_350 = arith.addi %add3A_349, %scan3A_348 : i32
        %mul3A_351 = arith.constant 16 : i32
        %mul3A_352 = arith.muli %add3A_350, %mul3A_351 : i32
        %get3A_353 = arith.index_cast %mul3A_352 : i32 to index
        %get3A_354 = tpu.vector_load %arg9[%get3A_353] {strides = array<i32>} : memref<50000xf32, #tpu.memory_space<vmem>>, vector<16xf32>,
        %mul3A_355 = arith.mulf %get3A_354, %div3A_284 : vector<16xf32>
        %swap3A_356 = arith.index_cast %mul3A_352 : i32 to index
        %swap3A_357 = tpu.vector_load %arg9[%swap3A_356] {strides = array<i32>} : memref<50000xf32, #tpu.memory_space<vmem>>, vector<16xf32>,
        tpu.vector_store %arg9[%swap3A_356], %mul3A_355 {strides = array<i32>} : memref<50000xf32, #tpu.memory_space<vmem>>, vector<16xf32>,
        %scan3A_358 = arith.constant 4 : i32
        %scan3A_359 = arith.addi %scan3A_315, %scan3A_358 : i32
        %add3A_360 = arith.constant 0 : i32
        %add3A_361 = arith.addi %add3A_360, %scan3A_359 : i32
        %mul3A_362 = arith.constant 16 : i32
        %mul3A_363 = arith.muli %add3A_361, %mul3A_362 : i32
        %get3A_364 = arith.index_cast %mul3A_363 : i32 to index
        %get3A_365 = tpu.vector_load %arg9[%get3A_364] {strides = array<i32>} : memref<50000xf32, #tpu.memory_space<vmem>>, vector<16xf32>,
        %mul3A_366 = arith.mulf %get3A_365, %div3A_284 : vector<16xf32>
        %swap3A_367 = arith.index_cast %mul3A_363 : i32 to index
        %swap3A_368 = tpu.vector_load %arg9[%swap3A_367] {strides = array<i32>} : memref<50000xf32, #tpu.memory_space<vmem>>, vector<16xf32>,
        tpu.vector_store %arg9[%swap3A_367], %mul3A_366 {strides = array<i32>} : memref<50000xf32, #tpu.memory_space<vmem>>, vector<16xf32>,
      }
      %scan3A_289 = arith.constant 1560 : i32
      %scan3A_290 = arith.addi %scan3A_285, %scan3A_289 : i32
      %add3A_291 = arith.constant 0 : i32
      %add3A_292 = arith.addi %add3A_291, %scan3A_290 : i32
      %mul3A_293 = arith.constant 16 : i32
      %mul3A_294 = arith.muli %add3A_292, %mul3A_293 : i32
      %get3A_295 = arith.index_cast %mul3A_294 : i32 to index
      %get3A_296 = tpu.vector_load %arg9[%get3A_295] {strides = array<i32>} : memref<50000xf32, #tpu.memory_space<vmem>>, vector<16xf32>,
      %mul3A_297 = arith.mulf %get3A_296, %div3A_284 : vector<16xf32>
      %swap3A = arith.index_cast %mul3A_294 : i32 to index
      %swap3A_298 = tpu.vector_load %arg9[%swap3A] {strides = array<i32>} : memref<50000xf32, #tpu.memory_space<vmem>>, vector<16xf32>,
      tpu.vector_store %arg9[%swap3A], %mul3A_297 {strides = array<i32>} : memref<50000xf32, #tpu.memory_space<vmem>>, vector<16xf32>,
      %scan3A_299 = arith.constant 1561 : i32
      %scan3A_300 = arith.addi %scan3A_285, %scan3A_299 : i32
      %add3A_301 = arith.constant 0 : i32
      %add3A_302 = arith.addi %add3A_301, %scan3A_300 : i32
      %mul3A_303 = arith.constant 16 : i32
      %mul3A_304 = arith.muli %add3A_302, %mul3A_303 : i32
      %get3A_305 = arith.index_cast %mul3A_304 : i32 to index
      %get3A_306 = tpu.vector_load %arg9[%get3A_305] {strides = array<i32>} : memref<50000xf32, #tpu.memory_space<vmem>>, vector<16xf32>,
      %mul3A_307 = arith.mulf %get3A_306, %div3A_284 : vector<16xf32>
      %swap3A_308 = arith.index_cast %mul3A_304 : i32 to index
      %swap3A_309 = tpu.vector_load %arg9[%swap3A_308] {strides = array<i32>} : memref<50000xf32, #tpu.memory_space<vmem>>, vector<16xf32>,
      tpu.vector_store %arg9[%swap3A_308], %mul3A_307 {strides = array<i32>} : memref<50000xf32, #tpu.memory_space<vmem>>, vector<16xf32>,
      %scan3A_310 = arith.constant 1562 : i32
      %add3A_311 = arith.constant 0 : i32
      %add3A_312 = arith.addi %add3A_142, %add3A_311 : i32
      "tpu.region"() ({
        %run_scoped3A = tpu.sem_alloc : memref<!tpu.dma_semaphore, #tpu.memory_space<semaphore_mem>>
        %dma_start3A_315 = arith.constant 0 : i32
        %dma_start3A_316 = tpu.memref_slice %arg9[%dma_start3A_315] : memref<50000xf32, #tpu.memory_space<vmem>> -> memref<24992xf32, #tpu.memory_space<vmem>>
        %dma_start3A_317 = tpu.memref_slice %arg6[%add3A_312] : memref<2400000xf32, #tpu.memory_space<hbm>> -> memref<24992xf32, #tpu.memory_space<hbm>>
        %dma_start3A_318 = tpu.memref_slice %arg6[%add3A_312] : memref<2400000xf32, #tpu.memory_space<hbm>> -> memref<24992xf32, #tpu.memory_space<hbm>>
        %dma_start3A_319 = arith.constant 0 : i32
        %dma_start3A_320 = tpu.memref_slice %arg9[%dma_start3A_319] : memref<50000xf32, #tpu.memory_space<vmem>> -> memref<24992xf32, #tpu.memory_space<vmem>>
        tpu.enqueue_dma source(%dma_start3A_320 : memref<24992xf32, #tpu.memory_space<vmem>>) target(%dma_start3A_318 : memref<24992xf32, #tpu.memory_space<hbm>>) target_semaphore(%run_scoped3A : memref<!tpu.dma_semaphore, #tpu.memory_space<semaphore_mem>>)
        %dma_wait3A = arith.constant 0 : i32
        %dma_wait3A_321 = tpu.memref_slice %arg9[%dma_wait3A] : memref<50000xf32, #tpu.memory_space<vmem>> -> memref<24992xf32, #tpu.memory_space<vmem>>
        %dma_wait3A_322 = tpu.memref_slice %arg6[%add3A_312] : memref<2400000xf32, #tpu.memory_space<hbm>> -> memref<24992xf32, #tpu.memory_space<hbm>>
        %dma_wait3A_323 = tpu.memref_slice %arg6[%add3A_312] : memref<2400000xf32, #tpu.memory_space<hbm>> -> memref<24992xf32, #tpu.memory_space<hbm>>
        %dma_wait3A_324 = arith.constant 0 : i32
        %dma_wait3A_325 = tpu.memref_slice %arg9[%dma_wait3A_324] : memref<50000xf32, #tpu.memory_space<vmem>> -> memref<24992xf32, #tpu.memory_space<vmem>>
        tpu.wait_dma2 semaphore(%run_scoped3A : memref<!tpu.dma_semaphore, #tpu.memory_space<semaphore_mem>>) src(%dma_wait3A_325 : memref<24992xf32, #tpu.memory_space<vmem>>) dst(%dma_wait3A_323 : memref<24992xf32, #tpu.memory_space<hbm>>)
        tpu.yield
      }) : () -> ()
      %add3A_313 = arith.constant 0 : i32
      %add3A_314 = arith.addi %mul3A_138, %add3A_313 : i32
      "tpu.region"() ({
        %run_scoped3A = tpu.sem_alloc : memref<!tpu.dma_semaphore, #tpu.memory_space<semaphore_mem>>
        %dma_start3A_315 = arith.constant 0 : i32
        %dma_start3A_316 = tpu.memref_slice %arg9[%dma_start3A_315] : memref<50000xf32, #tpu.memory_space<vmem>> -> memref<24992xf32, #tpu.memory_space<vmem>>
        %dma_start3A_317 = tpu.memref_slice %arg7[%add3A_314] : memref<800000xf32, #tpu.memory_space<hbm>> -> memref<24992xf32, #tpu.memory_space<hbm>>
        %dma_start3A_318 = tpu.memref_slice %arg7[%add3A_314] : memref<800000xf32, #tpu.memory_space<hbm>> -> memref<24992xf32, #tpu.memory_space<hbm>>
        %dma_start3A_319 = arith.constant 0 : i32
        %dma_start3A_320 = tpu.memref_slice %arg9[%dma_start3A_319] : memref<50000xf32, #tpu.memory_space<vmem>> -> memref<24992xf32, #tpu.memory_space<vmem>>
        tpu.enqueue_dma source(%dma_start3A_320 : memref<24992xf32, #tpu.memory_space<vmem>>) target(%dma_start3A_318 : memref<24992xf32, #tpu.memory_space<hbm>>) target_semaphore(%run_scoped3A : memref<!tpu.dma_semaphore, #tpu.memory_space<semaphore_mem>>)
        %dma_wait3A = arith.constant 0 : i32
        %dma_wait3A_321 = tpu.memref_slice %arg9[%dma_wait3A] : memref<50000xf32, #tpu.memory_space<vmem>> -> memref<24992xf32, #tpu.memory_space<vmem>>
        %dma_wait3A_322 = tpu.memref_slice %arg7[%add3A_314] : memref<800000xf32, #tpu.memory_space<hbm>> -> memref<24992xf32, #tpu.memory_space<hbm>>
        %dma_wait3A_323 = tpu.memref_slice %arg7[%add3A_314] : memref<800000xf32, #tpu.memory_space<hbm>> -> memref<24992xf32, #tpu.memory_space<hbm>>
        %dma_wait3A_324 = arith.constant 0 : i32
        %dma_wait3A_325 = tpu.memref_slice %arg9[%dma_wait3A_324] : memref<50000xf32, #tpu.memory_space<vmem>> -> memref<24992xf32, #tpu.memory_space<vmem>>
        tpu.wait_dma2 semaphore(%run_scoped3A : memref<!tpu.dma_semaphore, #tpu.memory_space<semaphore_mem>>) src(%dma_wait3A_325 : memref<24992xf32, #tpu.memory_space<vmem>>) dst(%dma_wait3A_323 : memref<24992xf32, #tpu.memory_space<hbm>>)
        tpu.yield
      }) : () -> ()
    } else {
    }
    %eq3A_170 = arith.constant 1 : i32
    %eq3A_171 = arith.cmpi eq, %select_n3A_30, %eq3A_170 : i32
    %convert_element_type3A_172 = arith.extui %eq3A_171 : i1 to i32
    %cond3A_173 = arith.constant 0 : i32
    %cond3A_174 = arith.cmpi ne, %convert_element_type3A_172, %cond3A_173 : i32
    scf.if %cond3A_174 {
      %mul3A_265 = arith.constant 2 : i32
      %mul3A_266 = arith.muli %add3A_9, %mul3A_265 : i32
      %add3A_267 = arith.constant 0 : i32
      %add3A_268 = arith.addi %mul3A_266, %add3A_267 : i32
      %mul3A_269 = arith.constant 16 : i32
      %mul3A_270 = arith.muli %add3A_268, %mul3A_269 : i32
      "tpu.region"() ({
        %run_scoped3A = tpu.sem_alloc : memref<!tpu.dma_semaphore, #tpu.memory_space<semaphore_mem>>
        %dma_start3A_326 = tpu.memref_slice %arg8[%mul3A_270] : memref<512xf32, #tpu.memory_space<hbm>> -> memref<16xf32, #tpu.memory_space<hbm>>
        %dma_start3A_327 = tpu.memref_slice %arg8[%mul3A_270] : memref<512xf32, #tpu.memory_space<hbm>> -> memref<16xf32, #tpu.memory_space<hbm>>
        tpu.enqueue_dma source(%dma_start3A_327 : memref<16xf32, #tpu.memory_space<hbm>>) target(%arg13 : memref<16xf32, #tpu.memory_space<vmem>>) target_semaphore(%run_scoped3A : memref<!tpu.dma_semaphore, #tpu.memory_space<semaphore_mem>>)
        %dma_wait3A = tpu.memref_slice %arg8[%mul3A_270] : memref<512xf32, #tpu.memory_space<hbm>> -> memref<16xf32, #tpu.memory_space<hbm>>
        %dma_wait3A_328 = tpu.memref_slice %arg8[%mul3A_270] : memref<512xf32, #tpu.memory_space<hbm>> -> memref<16xf32, #tpu.memory_space<hbm>>
        tpu.wait_dma2 semaphore(%run_scoped3A : memref<!tpu.dma_semaphore, #tpu.memory_space<semaphore_mem>>) src(%dma_wait3A_328 : memref<16xf32, #tpu.memory_space<hbm>>) dst(%arg13 : memref<16xf32, #tpu.memory_space<vmem>>)
        tpu.yield
      }) : () -> ()
      %get3A = arith.constant 0 : index
      %get3A_271 = tpu.vector_load %arg12[%get3A] {strides = array<i32>} : memref<16xf32, #tpu.memory_space<vmem>>, vector<16xf32>,
      %get3A_272 = arith.constant 0 : index
      %get3A_273 = tpu.vector_load %arg13[%get3A_272] {strides = array<i32>} : memref<16xf32, #tpu.memory_space<vmem>>, vector<16xf32>,
      %add3A_274 = arith.addf %get3A_271, %get3A_273 : vector<16xf32>
      %reduce_sum3A = arith.constant true
      %reduce_sum3A_275 = vector.broadcast %reduce_sum3A : i1 to vector<16xi1>
      %reduce_sum3A_276 = tpu.scan <sum>, %add3A_274 masked %reduce_sum3A_275 : vector<16xf32>, vector<16xi1> -> vector<16xf32>
      %reduce_sum3A_277 = vector.extract %reduce_sum3A_276[15] : f32 from vector<16xf32>
      %broadcast_in_dim3A_278 = vector.broadcast %reduce_sum3A_277 : f32 to vector<16xf32>
      %add3A_279 = arith.constant 9.99999997E-7 : f32
      %add3A_280 = vector.broadcast %add3A_279 : f32 to vector<16xf32>
      %add3A_281 = arith.addf %broadcast_in_dim3A_278, %add3A_280 : vector<16xf32>
      %div3A_282 = arith.constant 1.000000e+00 : f32
      %div3A_283 = vector.broadcast %div3A_282 : f32 to vector<16xf32>
      %div3A_284 = arith.divf %div3A_283, %add3A_281 : vector<16xf32>
      %scan3A_285 = arith.constant 0 : i32
      %scan3A_286 = arith.constant 1560 : i32
      %scan3A_287 = arith.addi %scan3A_285, %scan3A_286 : i32
      %scan3A_288 = arith.constant 5 : i32
      scf.for %scan3A_326 = %scan3A_285 to %scan3A_287 step %scan3A_288  : i32 {
        %add3A_327 = arith.constant 1562 : i32
        %add3A_328 = arith.addi %add3A_327, %scan3A_326 : i32
        %mul3A_329 = arith.constant 16 : i32
        %mul3A_330 = arith.muli %add3A_328, %mul3A_329 : i32
        %get3A_331 = arith.index_cast %mul3A_330 : i32 to index
        %get3A_332 = tpu.vector_load %arg9[%get3A_331] {strides = array<i32>} : memref<50000xf32, #tpu.memory_space<vmem>>, vector<16xf32>,
        %mul3A_333 = arith.mulf %get3A_332, %div3A_284 : vector<16xf32>
        %swap3A_334 = arith.index_cast %mul3A_330 : i32 to index
        %swap3A_335 = tpu.vector_load %arg9[%swap3A_334] {strides = array<i32>} : memref<50000xf32, #tpu.memory_space<vmem>>, vector<16xf32>,
        tpu.vector_store %arg9[%swap3A_334], %mul3A_333 {strides = array<i32>} : memref<50000xf32, #tpu.memory_space<vmem>>, vector<16xf32>,
        %scan3A_336 = arith.constant 1 : i32
        %scan3A_337 = arith.addi %scan3A_326, %scan3A_336 : i32
        %add3A_338 = arith.constant 1562 : i32
        %add3A_339 = arith.addi %add3A_338, %scan3A_337 : i32
        %mul3A_340 = arith.constant 16 : i32
        %mul3A_341 = arith.muli %add3A_339, %mul3A_340 : i32
        %get3A_342 = arith.index_cast %mul3A_341 : i32 to index
        %get3A_343 = tpu.vector_load %arg9[%get3A_342] {strides = array<i32>} : memref<50000xf32, #tpu.memory_space<vmem>>, vector<16xf32>,
        %mul3A_344 = arith.mulf %get3A_343, %div3A_284 : vector<16xf32>
        %swap3A_345 = arith.index_cast %mul3A_341 : i32 to index
        %swap3A_346 = tpu.vector_load %arg9[%swap3A_345] {strides = array<i32>} : memref<50000xf32, #tpu.memory_space<vmem>>, vector<16xf32>,
        tpu.vector_store %arg9[%swap3A_345], %mul3A_344 {strides = array<i32>} : memref<50000xf32, #tpu.memory_space<vmem>>, vector<16xf32>,
        %scan3A_347 = arith.constant 2 : i32
        %scan3A_348 = arith.addi %scan3A_326, %scan3A_347 : i32
        %add3A_349 = arith.constant 1562 : i32
        %add3A_350 = arith.addi %add3A_349, %scan3A_348 : i32
        %mul3A_351 = arith.constant 16 : i32
        %mul3A_352 = arith.muli %add3A_350, %mul3A_351 : i32
        %get3A_353 = arith.index_cast %mul3A_352 : i32 to index
        %get3A_354 = tpu.vector_load %arg9[%get3A_353] {strides = array<i32>} : memref<50000xf32, #tpu.memory_space<vmem>>, vector<16xf32>,
        %mul3A_355 = arith.mulf %get3A_354, %div3A_284 : vector<16xf32>
        %swap3A_356 = arith.index_cast %mul3A_352 : i32 to index
        %swap3A_357 = tpu.vector_load %arg9[%swap3A_356] {strides = array<i32>} : memref<50000xf32, #tpu.memory_space<vmem>>, vector<16xf32>,
        tpu.vector_store %arg9[%swap3A_356], %mul3A_355 {strides = array<i32>} : memref<50000xf32, #tpu.memory_space<vmem>>, vector<16xf32>,
        %scan3A_358 = arith.constant 3 : i32
        %scan3A_359 = arith.addi %scan3A_326, %scan3A_358 : i32
        %add3A_360 = arith.constant 1562 : i32
        %add3A_361 = arith.addi %add3A_360, %scan3A_359 : i32
        %mul3A_362 = arith.constant 16 : i32
        %mul3A_363 = arith.muli %add3A_361, %mul3A_362 : i32
        %get3A_364 = arith.index_cast %mul3A_363 : i32 to index
        %get3A_365 = tpu.vector_load %arg9[%get3A_364] {strides = array<i32>} : memref<50000xf32, #tpu.memory_space<vmem>>, vector<16xf32>,
        %mul3A_366 = arith.mulf %get3A_365, %div3A_284 : vector<16xf32>
        %swap3A_367 = arith.index_cast %mul3A_363 : i32 to index
        %swap3A_368 = tpu.vector_load %arg9[%swap3A_367] {strides = array<i32>} : memref<50000xf32, #tpu.memory_space<vmem>>, vector<16xf32>,
        tpu.vector_store %arg9[%swap3A_367], %mul3A_366 {strides = array<i32>} : memref<50000xf32, #tpu.memory_space<vmem>>, vector<16xf32>,
        %scan3A_369 = arith.constant 4 : i32
        %scan3A_370 = arith.addi %scan3A_326, %scan3A_369 : i32
        %add3A_371 = arith.constant 1562 : i32
        %add3A_372 = arith.addi %add3A_371, %scan3A_370 : i32
        %mul3A_373 = arith.constant 16 : i32
        %mul3A_374 = arith.muli %add3A_372, %mul3A_373 : i32
        %get3A_375 = arith.index_cast %mul3A_374 : i32 to index
        %get3A_376 = tpu.vector_load %arg9[%get3A_375] {strides = array<i32>} : memref<50000xf32, #tpu.memory_space<vmem>>, vector<16xf32>,
        %mul3A_377 = arith.mulf %get3A_376, %div3A_284 : vector<16xf32>
        %swap3A_378 = arith.index_cast %mul3A_374 : i32 to index
        %swap3A_379 = tpu.vector_load %arg9[%swap3A_378] {strides = array<i32>} : memref<50000xf32, #tpu.memory_space<vmem>>, vector<16xf32>,
        tpu.vector_store %arg9[%swap3A_378], %mul3A_377 {strides = array<i32>} : memref<50000xf32, #tpu.memory_space<vmem>>, vector<16xf32>,
      }
      %scan3A_289 = arith.constant 1560 : i32
      %scan3A_290 = arith.addi %scan3A_285, %scan3A_289 : i32
      %add3A_291 = arith.constant 1562 : i32
      %add3A_292 = arith.addi %add3A_291, %scan3A_290 : i32
      %mul3A_293 = arith.constant 16 : i32
      %mul3A_294 = arith.muli %add3A_292, %mul3A_293 : i32
      %get3A_295 = arith.index_cast %mul3A_294 : i32 to index
      %get3A_296 = tpu.vector_load %arg9[%get3A_295] {strides = array<i32>} : memref<50000xf32, #tpu.memory_space<vmem>>, vector<16xf32>,
      %mul3A_297 = arith.mulf %get3A_296, %div3A_284 : vector<16xf32>
      %swap3A = arith.index_cast %mul3A_294 : i32 to index
      %swap3A_298 = tpu.vector_load %arg9[%swap3A] {strides = array<i32>} : memref<50000xf32, #tpu.memory_space<vmem>>, vector<16xf32>,
      tpu.vector_store %arg9[%swap3A], %mul3A_297 {strides = array<i32>} : memref<50000xf32, #tpu.memory_space<vmem>>, vector<16xf32>,
      %scan3A_299 = arith.constant 1561 : i32
      %scan3A_300 = arith.addi %scan3A_285, %scan3A_299 : i32
      %add3A_301 = arith.constant 1562 : i32
      %add3A_302 = arith.addi %add3A_301, %scan3A_300 : i32
      %mul3A_303 = arith.constant 16 : i32
      %mul3A_304 = arith.muli %add3A_302, %mul3A_303 : i32
      %get3A_305 = arith.index_cast %mul3A_304 : i32 to index
      %get3A_306 = tpu.vector_load %arg9[%get3A_305] {strides = array<i32>} : memref<50000xf32, #tpu.memory_space<vmem>>, vector<16xf32>,
      %mul3A_307 = arith.mulf %get3A_306, %div3A_284 : vector<16xf32>
      %swap3A_308 = arith.index_cast %mul3A_304 : i32 to index
      %swap3A_309 = tpu.vector_load %arg9[%swap3A_308] {strides = array<i32>} : memref<50000xf32, #tpu.memory_space<vmem>>, vector<16xf32>,
      tpu.vector_store %arg9[%swap3A_308], %mul3A_307 {strides = array<i32>} : memref<50000xf32, #tpu.memory_space<vmem>>, vector<16xf32>,
      %scan3A_310 = arith.constant 1562 : i32
      %scan3A_311 = arith.addi %scan3A_285, %scan3A_310 : i32
      %add3A_312 = arith.constant 1562 : i32
      %add3A_313 = arith.addi %add3A_312, %scan3A_311 : i32
      %mul3A_314 = arith.constant 16 : i32
      %mul3A_315 = arith.muli %add3A_313, %mul3A_314 : i32
      %get3A_316 = arith.index_cast %mul3A_315 : i32 to index
      %get3A_317 = tpu.vector_load %arg9[%get3A_316] {strides = array<i32>} : memref<50000xf32, #tpu.memory_space<vmem>>, vector<16xf32>,
      %mul3A_318 = arith.mulf %get3A_317, %div3A_284 : vector<16xf32>
      %swap3A_319 = arith.index_cast %mul3A_315 : i32 to index
      %swap3A_320 = tpu.vector_load %arg9[%swap3A_319] {strides = array<i32>} : memref<50000xf32, #tpu.memory_space<vmem>>, vector<16xf32>,
      tpu.vector_store %arg9[%swap3A_319], %mul3A_318 {strides = array<i32>} : memref<50000xf32, #tpu.memory_space<vmem>>, vector<16xf32>,
      %scan3A_321 = arith.constant 1563 : i32
      %add3A_322 = arith.constant 24992 : i32
      %add3A_323 = arith.addi %add3A_142, %add3A_322 : i32
      "tpu.region"() ({
        %run_scoped3A = tpu.sem_alloc : memref<!tpu.dma_semaphore, #tpu.memory_space<semaphore_mem>>
        %dma_start3A_326 = arith.constant 24992 : i32
        %dma_start3A_327 = tpu.memref_slice %arg9[%dma_start3A_326] : memref<50000xf32, #tpu.memory_space<vmem>> -> memref<25008xf32, #tpu.memory_space<vmem>>
        %dma_start3A_328 = tpu.memref_slice %arg6[%add3A_323] : memref<2400000xf32, #tpu.memory_space<hbm>> -> memref<25008xf32, #tpu.memory_space<hbm>>
        %dma_start3A_329 = tpu.memref_slice %arg6[%add3A_323] : memref<2400000xf32, #tpu.memory_space<hbm>> -> memref<25008xf32, #tpu.memory_space<hbm>>
        %dma_start3A_330 = arith.constant 24992 : i32
        %dma_start3A_331 = tpu.memref_slice %arg9[%dma_start3A_330] : memref<50000xf32, #tpu.memory_space<vmem>> -> memref<25008xf32, #tpu.memory_space<vmem>>
        tpu.enqueue_dma source(%dma_start3A_331 : memref<25008xf32, #tpu.memory_space<vmem>>) target(%dma_start3A_329 : memref<25008xf32, #tpu.memory_space<hbm>>) target_semaphore(%run_scoped3A : memref<!tpu.dma_semaphore, #tpu.memory_space<semaphore_mem>>)
        %dma_wait3A = arith.constant 24992 : i32
        %dma_wait3A_332 = tpu.memref_slice %arg9[%dma_wait3A] : memref<50000xf32, #tpu.memory_space<vmem>> -> memref<25008xf32, #tpu.memory_space<vmem>>
        %dma_wait3A_333 = tpu.memref_slice %arg6[%add3A_323] : memref<2400000xf32, #tpu.memory_space<hbm>> -> memref<25008xf32, #tpu.memory_space<hbm>>
        %dma_wait3A_334 = tpu.memref_slice %arg6[%add3A_323] : memref<2400000xf32, #tpu.memory_space<hbm>> -> memref<25008xf32, #tpu.memory_space<hbm>>
        %dma_wait3A_335 = arith.constant 24992 : i32
        %dma_wait3A_336 = tpu.memref_slice %arg9[%dma_wait3A_335] : memref<50000xf32, #tpu.memory_space<vmem>> -> memref<25008xf32, #tpu.memory_space<vmem>>
        tpu.wait_dma2 semaphore(%run_scoped3A : memref<!tpu.dma_semaphore, #tpu.memory_space<semaphore_mem>>) src(%dma_wait3A_336 : memref<25008xf32, #tpu.memory_space<vmem>>) dst(%dma_wait3A_334 : memref<25008xf32, #tpu.memory_space<hbm>>)
        tpu.yield
      }) : () -> ()
      %add3A_324 = arith.constant 24992 : i32
      %add3A_325 = arith.addi %mul3A_138, %add3A_324 : i32
      "tpu.region"() ({
        %run_scoped3A = tpu.sem_alloc : memref<!tpu.dma_semaphore, #tpu.memory_space<semaphore_mem>>
        %dma_start3A_326 = arith.constant 24992 : i32
        %dma_start3A_327 = tpu.memref_slice %arg9[%dma_start3A_326] : memref<50000xf32, #tpu.memory_space<vmem>> -> memref<25008xf32, #tpu.memory_space<vmem>>
        %dma_start3A_328 = tpu.memref_slice %arg7[%add3A_325] : memref<800000xf32, #tpu.memory_space<hbm>> -> memref<25008xf32, #tpu.memory_space<hbm>>
        %dma_start3A_329 = tpu.memref_slice %arg7[%add3A_325] : memref<800000xf32, #tpu.memory_space<hbm>> -> memref<25008xf32, #tpu.memory_space<hbm>>
        %dma_start3A_330 = arith.constant 24992 : i32
        %dma_start3A_331 = tpu.memref_slice %arg9[%dma_start3A_330] : memref<50000xf32, #tpu.memory_space<vmem>> -> memref<25008xf32, #tpu.memory_space<vmem>>
        tpu.enqueue_dma source(%dma_start3A_331 : memref<25008xf32, #tpu.memory_space<vmem>>) target(%dma_start3A_329 : memref<25008xf32, #tpu.memory_space<hbm>>) target_semaphore(%run_scoped3A : memref<!tpu.dma_semaphore, #tpu.memory_space<semaphore_mem>>)
        %dma_wait3A = arith.constant 24992 : i32
        %dma_wait3A_332 = tpu.memref_slice %arg9[%dma_wait3A] : memref<50000xf32, #tpu.memory_space<vmem>> -> memref<25008xf32, #tpu.memory_space<vmem>>
        %dma_wait3A_333 = tpu.memref_slice %arg7[%add3A_325] : memref<800000xf32, #tpu.memory_space<hbm>> -> memref<25008xf32, #tpu.memory_space<hbm>>
        %dma_wait3A_334 = tpu.memref_slice %arg7[%add3A_325] : memref<800000xf32, #tpu.memory_space<hbm>> -> memref<25008xf32, #tpu.memory_space<hbm>>
        %dma_wait3A_335 = arith.constant 24992 : i32
        %dma_wait3A_336 = tpu.memref_slice %arg9[%dma_wait3A_335] : memref<50000xf32, #tpu.memory_space<vmem>> -> memref<25008xf32, #tpu.memory_space<vmem>>
        tpu.wait_dma2 semaphore(%run_scoped3A : memref<!tpu.dma_semaphore, #tpu.memory_space<semaphore_mem>>) src(%dma_wait3A_336 : memref<25008xf32, #tpu.memory_space<vmem>>) dst(%dma_wait3A_334 : memref<25008xf32, #tpu.memory_space<hbm>>)
        tpu.yield
      }) : () -> ()
    } else {
    }
    %barrier3A_175 = arith.constant 0 : index
    tpu.barrier barrier_id(%barrier3A_175)
    %eq3A_176 = arith.constant 0 : i32
    %eq3A_177 = arith.cmpi eq, %select_n3A_30, %eq3A_176 : i32
    %convert_element_type3A_178 = arith.extui %eq3A_177 : i1 to i32
    %cond3A_179 = arith.constant 0 : i32
    %cond3A_180 = arith.cmpi ne, %convert_element_type3A_178, %cond3A_179 : i32
    scf.if %cond3A_180 {
      %add3A_265 = arith.constant 24992 : i32
      %add3A_266 = arith.addi %mul3A_138, %add3A_265 : i32
      "tpu.region"() ({
        %run_scoped3A = tpu.sem_alloc : memref<!tpu.dma_semaphore, #tpu.memory_space<semaphore_mem>>
        %dma_start3A_267 = arith.constant 24992 : i32
        %dma_start3A_268 = tpu.memref_slice %arg9[%dma_start3A_267] : memref<50000xf32, #tpu.memory_space<vmem>> -> memref<25008xf32, #tpu.memory_space<vmem>>
        %dma_start3A_269 = tpu.memref_slice %arg7[%add3A_266] : memref<800000xf32, #tpu.memory_space<hbm>> -> memref<25008xf32, #tpu.memory_space<hbm>>
        %dma_start3A_270 = arith.constant 24992 : i32
        %dma_start3A_271 = tpu.memref_slice %arg9[%dma_start3A_270] : memref<50000xf32, #tpu.memory_space<vmem>> -> memref<25008xf32, #tpu.memory_space<vmem>>
        %dma_start3A_272 = tpu.memref_slice %arg7[%add3A_266] : memref<800000xf32, #tpu.memory_space<hbm>> -> memref<25008xf32, #tpu.memory_space<hbm>>
        tpu.enqueue_dma source(%dma_start3A_272 : memref<25008xf32, #tpu.memory_space<hbm>>) target(%dma_start3A_271 : memref<25008xf32, #tpu.memory_space<vmem>>) target_semaphore(%run_scoped3A : memref<!tpu.dma_semaphore, #tpu.memory_space<semaphore_mem>>)
        %dma_wait3A = arith.constant 24992 : i32
        %dma_wait3A_273 = tpu.memref_slice %arg9[%dma_wait3A] : memref<50000xf32, #tpu.memory_space<vmem>> -> memref<25008xf32, #tpu.memory_space<vmem>>
        %dma_wait3A_274 = tpu.memref_slice %arg7[%add3A_266] : memref<800000xf32, #tpu.memory_space<hbm>> -> memref<25008xf32, #tpu.memory_space<hbm>>
        %dma_wait3A_275 = arith.constant 24992 : i32
        %dma_wait3A_276 = tpu.memref_slice %arg9[%dma_wait3A_275] : memref<50000xf32, #tpu.memory_space<vmem>> -> memref<25008xf32, #tpu.memory_space<vmem>>
        %dma_wait3A_277 = tpu.memref_slice %arg7[%add3A_266] : memref<800000xf32, #tpu.memory_space<hbm>> -> memref<25008xf32, #tpu.memory_space<hbm>>
        tpu.wait_dma2 semaphore(%run_scoped3A : memref<!tpu.dma_semaphore, #tpu.memory_space<semaphore_mem>>) src(%dma_wait3A_277 : memref<25008xf32, #tpu.memory_space<hbm>>) dst(%dma_wait3A_276 : memref<25008xf32, #tpu.memory_space<vmem>>)
        tpu.yield
      }) : () -> ()
    } else {
    }
    %eq3A_181 = arith.constant 1 : i32
    %eq3A_182 = arith.cmpi eq, %select_n3A_30, %eq3A_181 : i32
    %convert_element_type3A_183 = arith.extui %eq3A_182 : i1 to i32
    %cond3A_184 = arith.constant 0 : i32
    %cond3A_185 = arith.cmpi ne, %convert_element_type3A_183, %cond3A_184 : i32
    scf.if %cond3A_185 {
      %add3A_265 = arith.constant 0 : i32
      %add3A_266 = arith.addi %mul3A_138, %add3A_265 : i32
      "tpu.region"() ({
        %run_scoped3A = tpu.sem_alloc : memref<!tpu.dma_semaphore, #tpu.memory_space<semaphore_mem>>
        %dma_start3A_267 = arith.constant 0 : i32
        %dma_start3A_268 = tpu.memref_slice %arg9[%dma_start3A_267] : memref<50000xf32, #tpu.memory_space<vmem>> -> memref<24992xf32, #tpu.memory_space<vmem>>
        %dma_start3A_269 = tpu.memref_slice %arg7[%add3A_266] : memref<800000xf32, #tpu.memory_space<hbm>> -> memref<24992xf32, #tpu.memory_space<hbm>>
        %dma_start3A_270 = arith.constant 0 : i32
        %dma_start3A_271 = tpu.memref_slice %arg9[%dma_start3A_270] : memref<50000xf32, #tpu.memory_space<vmem>> -> memref<24992xf32, #tpu.memory_space<vmem>>
        %dma_start3A_272 = tpu.memref_slice %arg7[%add3A_266] : memref<800000xf32, #tpu.memory_space<hbm>> -> memref<24992xf32, #tpu.memory_space<hbm>>
        tpu.enqueue_dma source(%dma_start3A_272 : memref<24992xf32, #tpu.memory_space<hbm>>) target(%dma_start3A_271 : memref<24992xf32, #tpu.memory_space<vmem>>) target_semaphore(%run_scoped3A : memref<!tpu.dma_semaphore, #tpu.memory_space<semaphore_mem>>)
        %dma_wait3A = arith.constant 0 : i32
        %dma_wait3A_273 = tpu.memref_slice %arg9[%dma_wait3A] : memref<50000xf32, #tpu.memory_space<vmem>> -> memref<24992xf32, #tpu.memory_space<vmem>>
        %dma_wait3A_274 = tpu.memref_slice %arg7[%add3A_266] : memref<800000xf32, #tpu.memory_space<hbm>> -> memref<24992xf32, #tpu.memory_space<hbm>>
        %dma_wait3A_275 = arith.constant 0 : i32
        %dma_wait3A_276 = tpu.memref_slice %arg9[%dma_wait3A_275] : memref<50000xf32, #tpu.memory_space<vmem>> -> memref<24992xf32, #tpu.memory_space<vmem>>
        %dma_wait3A_277 = tpu.memref_slice %arg7[%add3A_266] : memref<800000xf32, #tpu.memory_space<hbm>> -> memref<24992xf32, #tpu.memory_space<hbm>>
        tpu.wait_dma2 semaphore(%run_scoped3A : memref<!tpu.dma_semaphore, #tpu.memory_space<semaphore_mem>>) src(%dma_wait3A_277 : memref<24992xf32, #tpu.memory_space<hbm>>) dst(%dma_wait3A_276 : memref<24992xf32, #tpu.memory_space<vmem>>)
        tpu.yield
      }) : () -> ()
    } else {
    }
    %barrier3A_186 = arith.constant 0 : index
    tpu.barrier barrier_id(%barrier3A_186)
    %mul3A_187 = arith.constant 3 : i32
    %mul3A_188 = arith.muli %add3A_9, %mul3A_187 : i32
    %add3A_189 = arith.constant 2 : i32
    %add3A_190 = arith.addi %mul3A_188, %add3A_189 : i32
    %mul3A_191 = arith.constant 4096 : i32
    %mul3A_192 = arith.muli %add3A_190, %mul3A_191 : i32
    "tpu.region"() ({
      %run_scoped3A = tpu.sem_alloc : memref<!tpu.dma_semaphore, #tpu.memory_space<semaphore_mem>>
      %dma_start3A_265 = tpu.memref_slice %arg4[%mul3A_192] : memref<196608xf32, #tpu.memory_space<hbm>> -> memref<4096xf32, #tpu.memory_space<hbm>>
      %dma_start3A_266 = tpu.memref_slice %arg4[%mul3A_192] : memref<196608xf32, #tpu.memory_space<hbm>> -> memref<4096xf32, #tpu.memory_space<hbm>>
      tpu.enqueue_dma source(%dma_start3A_266 : memref<4096xf32, #tpu.memory_space<hbm>>) target(%arg11 : memref<4096xf32, #tpu.memory_space<vmem>>) target_semaphore(%run_scoped3A : memref<!tpu.dma_semaphore, #tpu.memory_space<semaphore_mem>>)
      %dma_wait3A = tpu.memref_slice %arg4[%mul3A_192] : memref<196608xf32, #tpu.memory_space<hbm>> -> memref<4096xf32, #tpu.memory_space<hbm>>
      %dma_wait3A_267 = tpu.memref_slice %arg4[%mul3A_192] : memref<196608xf32, #tpu.memory_space<hbm>> -> memref<4096xf32, #tpu.memory_space<hbm>>
      tpu.wait_dma2 semaphore(%run_scoped3A : memref<!tpu.dma_semaphore, #tpu.memory_space<semaphore_mem>>) src(%dma_wait3A_267 : memref<4096xf32, #tpu.memory_space<hbm>>) dst(%arg11 : memref<4096xf32, #tpu.memory_space<vmem>>)
      tpu.yield
    }) : () -> ()
    %scan3A_193 = arith.constant 0 : i32
    %scan3A_194 = arith.constant 3125 : i32
    %scan3A_195 = arith.addi %scan3A_193, %scan3A_194 : i32
    %scan3A_196 = arith.constant 5 : i32
    scf.for %scan3A_265 = %scan3A_193 to %scan3A_195 step %scan3A_196  : i32 {
      %mul3A_266 = arith.constant 16 : i32
      %mul3A_267 = arith.muli %scan3A_265, %mul3A_266 : i32
      %swap3A = arith.index_cast %mul3A_267 : i32 to index
      %swap3A_268 = tpu.vector_load %arg10[%swap3A] {strides = array<i32>} : memref<50000xf32, #tpu.memory_space<vmem>>, vector<16xf32>,
      tpu.vector_store %arg10[%swap3A], %broadcast_in_dim3A_35 {strides = array<i32>} : memref<50000xf32, #tpu.memory_space<vmem>>, vector<16xf32>,
      %scan3A_269 = arith.constant 1 : i32
      %scan3A_270 = arith.addi %scan3A_265, %scan3A_269 : i32
      %mul3A_271 = arith.constant 16 : i32
      %mul3A_272 = arith.muli %scan3A_270, %mul3A_271 : i32
      %swap3A_273 = arith.index_cast %mul3A_272 : i32 to index
      %swap3A_274 = tpu.vector_load %arg10[%swap3A_273] {strides = array<i32>} : memref<50000xf32, #tpu.memory_space<vmem>>, vector<16xf32>,
      tpu.vector_store %arg10[%swap3A_273], %broadcast_in_dim3A_35 {strides = array<i32>} : memref<50000xf32, #tpu.memory_space<vmem>>, vector<16xf32>,
      %scan3A_275 = arith.constant 2 : i32
      %scan3A_276 = arith.addi %scan3A_265, %scan3A_275 : i32
      %mul3A_277 = arith.constant 16 : i32
      %mul3A_278 = arith.muli %scan3A_276, %mul3A_277 : i32
      %swap3A_279 = arith.index_cast %mul3A_278 : i32 to index
      %swap3A_280 = tpu.vector_load %arg10[%swap3A_279] {strides = array<i32>} : memref<50000xf32, #tpu.memory_space<vmem>>, vector<16xf32>,
      tpu.vector_store %arg10[%swap3A_279], %broadcast_in_dim3A_35 {strides = array<i32>} : memref<50000xf32, #tpu.memory_space<vmem>>, vector<16xf32>,
      %scan3A_281 = arith.constant 3 : i32
      %scan3A_282 = arith.addi %scan3A_265, %scan3A_281 : i32
      %mul3A_283 = arith.constant 16 : i32
      %mul3A_284 = arith.muli %scan3A_282, %mul3A_283 : i32
      %swap3A_285 = arith.index_cast %mul3A_284 : i32 to index
      %swap3A_286 = tpu.vector_load %arg10[%swap3A_285] {strides = array<i32>} : memref<50000xf32, #tpu.memory_space<vmem>>, vector<16xf32>,
      tpu.vector_store %arg10[%swap3A_285], %broadcast_in_dim3A_35 {strides = array<i32>} : memref<50000xf32, #tpu.memory_space<vmem>>, vector<16xf32>,
      %scan3A_287 = arith.constant 4 : i32
      %scan3A_288 = arith.addi %scan3A_265, %scan3A_287 : i32
      %mul3A_289 = arith.constant 16 : i32
      %mul3A_290 = arith.muli %scan3A_288, %mul3A_289 : i32
      %swap3A_291 = arith.index_cast %mul3A_290 : i32 to index
      %swap3A_292 = tpu.vector_load %arg10[%swap3A_291] {strides = array<i32>} : memref<50000xf32, #tpu.memory_space<vmem>>, vector<16xf32>,
      tpu.vector_store %arg10[%swap3A_291], %broadcast_in_dim3A_35 {strides = array<i32>} : memref<50000xf32, #tpu.memory_space<vmem>>, vector<16xf32>,
    }
    %scan3A_197 = arith.constant 3125 : i32
    %add3A_198 = arith.constant 0 : i32
    %add3A_199 = arith.addi %mul3A_32, %add3A_198 : i32
    %dma_start3A_200 = tpu.memref_slice %arg2[%add3A_199] : memref<800000xi32, #tpu.memory_space<hbm>> -> memref<4000xi32, #tpu.memory_space<hbm>>
    %dma_start3A_201 = tpu.memref_slice %arg2[%add3A_199] : memref<800000xi32, #tpu.memory_space<hbm>> -> memref<4000xi32, #tpu.memory_space<hbm>>
    tpu.enqueue_dma source(%dma_start3A_201 : memref<4000xi32, #tpu.memory_space<hbm>>) target(%arg14 : memref<4000xi32, #tpu.memory_space<vmem>>) target_semaphore(%arg18 : memref<!tpu.dma_semaphore, #tpu.memory_space<semaphore_mem>>)
    %dma_start3A_202 = tpu.memref_slice %arg3[%add3A_199] : memref<800000xi32, #tpu.memory_space<hbm>> -> memref<4000xi32, #tpu.memory_space<hbm>>
    %dma_start3A_203 = tpu.memref_slice %arg3[%add3A_199] : memref<800000xi32, #tpu.memory_space<hbm>> -> memref<4000xi32, #tpu.memory_space<hbm>>
    tpu.enqueue_dma source(%dma_start3A_203 : memref<4000xi32, #tpu.memory_space<hbm>>) target(%arg16 : memref<4000xi32, #tpu.memory_space<vmem>>) target_semaphore(%arg18 : memref<!tpu.dma_semaphore, #tpu.memory_space<semaphore_mem>>)
    %add3A_204 = arith.constant 4000 : i32
    %add3A_205 = arith.addi %mul3A_32, %add3A_204 : i32
    %dma_start3A_206 = tpu.memref_slice %arg2[%add3A_205] : memref<800000xi32, #tpu.memory_space<hbm>> -> memref<4000xi32, #tpu.memory_space<hbm>>
    %dma_start3A_207 = tpu.memref_slice %arg2[%add3A_205] : memref<800000xi32, #tpu.memory_space<hbm>> -> memref<4000xi32, #tpu.memory_space<hbm>>
    tpu.enqueue_dma source(%dma_start3A_207 : memref<4000xi32, #tpu.memory_space<hbm>>) target(%arg15 : memref<4000xi32, #tpu.memory_space<vmem>>) target_semaphore(%arg19 : memref<!tpu.dma_semaphore, #tpu.memory_space<semaphore_mem>>)
    %dma_start3A_208 = tpu.memref_slice %arg3[%add3A_205] : memref<800000xi32, #tpu.memory_space<hbm>> -> memref<4000xi32, #tpu.memory_space<hbm>>
    %dma_start3A_209 = tpu.memref_slice %arg3[%add3A_205] : memref<800000xi32, #tpu.memory_space<hbm>> -> memref<4000xi32, #tpu.memory_space<hbm>>
    tpu.enqueue_dma source(%dma_start3A_209 : memref<4000xi32, #tpu.memory_space<hbm>>) target(%arg17 : memref<4000xi32, #tpu.memory_space<vmem>>) target_semaphore(%arg19 : memref<!tpu.dma_semaphore, #tpu.memory_space<semaphore_mem>>)
    %scan3A_210 = arith.constant 0 : i32
    %scan3A_211 = arith.constant 50 : i32
    %scan3A_212 = arith.addi %scan3A_210, %scan3A_211 : i32
    %scan3A_213 = arith.constant 1 : i32
    scf.for %scan3A_265 = %scan3A_210 to %scan3A_212 step %scan3A_213  : i32 {
      %mul3A_266 = arith.constant 2 : i32
      %mul3A_267 = arith.muli %scan3A_265, %mul3A_266 : i32
      %dma_wait3A = arith.constant 0 : i32
      %dma_wait3A_268 = tpu.memref_slice %arg2[%dma_wait3A] : memref<800000xi32, #tpu.memory_space<hbm>> -> memref<4000xi32, #tpu.memory_space<hbm>>
      %dma_wait3A_269 = arith.constant 0 : i32
      %dma_wait3A_270 = tpu.memref_slice %arg2[%dma_wait3A_269] : memref<800000xi32, #tpu.memory_space<hbm>> -> memref<4000xi32, #tpu.memory_space<hbm>>
      tpu.wait_dma2 semaphore(%arg18 : memref<!tpu.dma_semaphore, #tpu.memory_space<semaphore_mem>>) src(%dma_wait3A_270 : memref<4000xi32, #tpu.memory_space<hbm>>) dst(%arg14 : memref<4000xi32, #tpu.memory_space<vmem>>)
      %dma_wait3A_271 = arith.constant 0 : i32
      %dma_wait3A_272 = tpu.memref_slice %arg3[%dma_wait3A_271] : memref<800000xi32, #tpu.memory_space<hbm>> -> memref<4000xi32, #tpu.memory_space<hbm>>
      %dma_wait3A_273 = arith.constant 0 : i32
      %dma_wait3A_274 = tpu.memref_slice %arg3[%dma_wait3A_273] : memref<800000xi32, #tpu.memory_space<hbm>> -> memref<4000xi32, #tpu.memory_space<hbm>>
      tpu.wait_dma2 semaphore(%arg18 : memref<!tpu.dma_semaphore, #tpu.memory_space<semaphore_mem>>) src(%dma_wait3A_274 : memref<4000xi32, #tpu.memory_space<hbm>>) dst(%arg16 : memref<4000xi32, #tpu.memory_space<vmem>>)
      %parallel_loop3A = arith.constant 0 : i32
      %parallel_loop3A_275 = arith.constant 250 : i32
      %parallel_loop3A_276 = arith.constant 1 : i32
      scf.for %parallel_loop3A_306 = %parallel_loop3A to %parallel_loop3A_275 step %parallel_loop3A_276  : i32 {
        %parallel_loop3A_307 = arith.constant 16 : i32
        %parallel_loop3A_308 = arith.muli %parallel_loop3A_306, %parallel_loop3A_307 : i32
        %parallel_loop3A_309 = arith.index_cast %parallel_loop3A_308 : i32 to index
        %parallel_loop3A_310 = tpu.vector_load %arg14[%parallel_loop3A_309] {strides = array<i32>} : memref<4000xi32, #tpu.memory_space<vmem>>, vector<16xi32>,
        %parallel_loop3A_311 = arith.index_cast %parallel_loop3A_308 : i32 to index
        %parallel_loop3A_312 = tpu.vector_load %arg16[%parallel_loop3A_311] {strides = array<i32>} : memref<4000xi32, #tpu.memory_space<vmem>>, vector<16xi32>,
        %parallel_loop3A_313 = arith.constant 16 : i32
        %parallel_loop3A_314 = vector.broadcast %parallel_loop3A_313 : i32 to vector<16xi32>
        %parallel_loop3A_315 = arith.shrui %parallel_loop3A_310, %parallel_loop3A_314 : vector<16xi32>
        %parallel_loop3A_316 = arith.constant 65535 : i32
        %parallel_loop3A_317 = vector.broadcast %parallel_loop3A_316 : i32 to vector<16xi32>
        %parallel_loop3A_318 = arith.andi %parallel_loop3A_310, %parallel_loop3A_317 : vector<16xi32>
        %parallel_loop3A_319 = arith.constant 4 : i32
        %parallel_loop3A_320 = vector.broadcast %parallel_loop3A_319 : i32 to vector<16xi32>
        %parallel_loop3A_321 = arith.shli %parallel_loop3A_312, %parallel_loop3A_320 : vector<16xi32>
        %parallel_loop3A_322 = arith.ori %parallel_loop3A_321, %iota3A : vector<16xi32>
        %parallel_loop3A_323 = tpu.vector_load_idx %arg11[%parallel_loop3A_322] : memref<4096xf32, #tpu.memory_space<vmem>>[vector<16xi32>], vector<16xf32>,
        %parallel_loop3A_324 = tpu.vector_load_idx %arg9[%parallel_loop3A_315] : memref<50000xf32, #tpu.memory_space<vmem>>[vector<16xi32>], vector<16xf32>,
        %parallel_loop3A_325 = arith.mulf %parallel_loop3A_323, %parallel_loop3A_324 : vector<16xf32>
        tpu.vector_store_idx %arg10[%parallel_loop3A_318], %parallel_loop3A_325 {add = true} : memref<50000xf32, #tpu.memory_space<vmem>>[vector<16xi32>], vector<16xf32>,
      } {sc.loop_unroll_factor = 10 : i64, sc.parallel_access}
      %add3A_277 = arith.constant 0 : i32
      %add3A_278 = arith.addi %mul3A_267, %add3A_277 : i32
      %add3A_279 = arith.constant 2 : i32
      %add3A_280 = arith.addi %add3A_278, %add3A_279 : i32
      %lt3A_281 = arith.constant 100 : i32
      %lt3A_282 = arith.cmpi slt, %add3A_280, %lt3A_281 : i32
      %convert_element_type3A_283 = arith.extui %lt3A_282 : i1 to i32
      %cond3A_284 = arith.constant 0 : i32
      %cond3A_285 = arith.cmpi ne, %convert_element_type3A_283, %cond3A_284 : i32
      scf.if %cond3A_285 {
        %mul3A_306 = arith.constant 4000 : i32
        %mul3A_307 = arith.muli %add3A_280, %mul3A_306 : i32
        %add3A_308 = arith.addi %mul3A_32, %mul3A_307 : i32
        %dma_start3A_309 = tpu.memref_slice %arg2[%add3A_308] : memref<800000xi32, #tpu.memory_space<hbm>> -> memref<4000xi32, #tpu.memory_space<hbm>>
        %dma_start3A_310 = tpu.memref_slice %arg2[%add3A_308] : memref<800000xi32, #tpu.memory_space<hbm>> -> memref<4000xi32, #tpu.memory_space<hbm>>
        tpu.enqueue_dma source(%dma_start3A_310 : memref<4000xi32, #tpu.memory_space<hbm>>) target(%arg14 : memref<4000xi32, #tpu.memory_space<vmem>>) target_semaphore(%arg18 : memref<!tpu.dma_semaphore, #tpu.memory_space<semaphore_mem>>)
        %dma_start3A_311 = tpu.memref_slice %arg3[%add3A_308] : memref<800000xi32, #tpu.memory_space<hbm>> -> memref<4000xi32, #tpu.memory_space<hbm>>
        %dma_start3A_312 = tpu.memref_slice %arg3[%add3A_308] : memref<800000xi32, #tpu.memory_space<hbm>> -> memref<4000xi32, #tpu.memory_space<hbm>>
        tpu.enqueue_dma source(%dma_start3A_312 : memref<4000xi32, #tpu.memory_space<hbm>>) target(%arg16 : memref<4000xi32, #tpu.memory_space<vmem>>) target_semaphore(%arg18 : memref<!tpu.dma_semaphore, #tpu.memory_space<semaphore_mem>>)
      } else {
      }
      %dma_wait3A_286 = arith.constant 0 : i32
      %dma_wait3A_287 = tpu.memref_slice %arg2[%dma_wait3A_286] : memref<800000xi32, #tpu.memory_space<hbm>> -> memref<4000xi32, #tpu.memory_space<hbm>>
      %dma_wait3A_288 = arith.constant 0 : i32
      %dma_wait3A_289 = tpu.memref_slice %arg2[%dma_wait3A_288] : memref<800000xi32, #tpu.memory_space<hbm>> -> memref<4000xi32, #tpu.memory_space<hbm>>
      tpu.wait_dma2 semaphore(%arg19 : memref<!tpu.dma_semaphore, #tpu.memory_space<semaphore_mem>>) src(%dma_wait3A_289 : memref<4000xi32, #tpu.memory_space<hbm>>) dst(%arg15 : memref<4000xi32, #tpu.memory_space<vmem>>)
      %dma_wait3A_290 = arith.constant 0 : i32
      %dma_wait3A_291 = tpu.memref_slice %arg3[%dma_wait3A_290] : memref<800000xi32, #tpu.memory_space<hbm>> -> memref<4000xi32, #tpu.memory_space<hbm>>
      %dma_wait3A_292 = arith.constant 0 : i32
      %dma_wait3A_293 = tpu.memref_slice %arg3[%dma_wait3A_292] : memref<800000xi32, #tpu.memory_space<hbm>> -> memref<4000xi32, #tpu.memory_space<hbm>>
      tpu.wait_dma2 semaphore(%arg19 : memref<!tpu.dma_semaphore, #tpu.memory_space<semaphore_mem>>) src(%dma_wait3A_293 : memref<4000xi32, #tpu.memory_space<hbm>>) dst(%arg17 : memref<4000xi32, #tpu.memory_space<vmem>>)
      %parallel_loop3A_294 = arith.constant 0 : i32
      %parallel_loop3A_295 = arith.constant 250 : i32
      %parallel_loop3A_296 = arith.constant 1 : i32
      scf.for %parallel_loop3A_306 = %parallel_loop3A_294 to %parallel_loop3A_295 step %parallel_loop3A_296  : i32 {
        %parallel_loop3A_307 = arith.constant 16 : i32
        %parallel_loop3A_308 = arith.muli %parallel_loop3A_306, %parallel_loop3A_307 : i32
        %parallel_loop3A_309 = arith.index_cast %parallel_loop3A_308 : i32 to index
        %parallel_loop3A_310 = tpu.vector_load %arg15[%parallel_loop3A_309] {strides = array<i32>} : memref<4000xi32, #tpu.memory_space<vmem>>, vector<16xi32>,
        %parallel_loop3A_311 = arith.index_cast %parallel_loop3A_308 : i32 to index
        %parallel_loop3A_312 = tpu.vector_load %arg17[%parallel_loop3A_311] {strides = array<i32>} : memref<4000xi32, #tpu.memory_space<vmem>>, vector<16xi32>,
        %parallel_loop3A_313 = arith.constant 16 : i32
        %parallel_loop3A_314 = vector.broadcast %parallel_loop3A_313 : i32 to vector<16xi32>
        %parallel_loop3A_315 = arith.shrui %parallel_loop3A_310, %parallel_loop3A_314 : vector<16xi32>
        %parallel_loop3A_316 = arith.constant 65535 : i32
        %parallel_loop3A_317 = vector.broadcast %parallel_loop3A_316 : i32 to vector<16xi32>
        %parallel_loop3A_318 = arith.andi %parallel_loop3A_310, %parallel_loop3A_317 : vector<16xi32>
        %parallel_loop3A_319 = arith.constant 4 : i32
        %parallel_loop3A_320 = vector.broadcast %parallel_loop3A_319 : i32 to vector<16xi32>
        %parallel_loop3A_321 = arith.shli %parallel_loop3A_312, %parallel_loop3A_320 : vector<16xi32>
        %parallel_loop3A_322 = arith.ori %parallel_loop3A_321, %iota3A : vector<16xi32>
        %parallel_loop3A_323 = tpu.vector_load_idx %arg11[%parallel_loop3A_322] : memref<4096xf32, #tpu.memory_space<vmem>>[vector<16xi32>], vector<16xf32>,
        %parallel_loop3A_324 = tpu.vector_load_idx %arg9[%parallel_loop3A_315] : memref<50000xf32, #tpu.memory_space<vmem>>[vector<16xi32>], vector<16xf32>,
        %parallel_loop3A_325 = arith.mulf %parallel_loop3A_323, %parallel_loop3A_324 : vector<16xf32>
        tpu.vector_store_idx %arg10[%parallel_loop3A_318], %parallel_loop3A_325 {add = true} : memref<50000xf32, #tpu.memory_space<vmem>>[vector<16xi32>], vector<16xf32>,
      } {sc.loop_unroll_factor = 10 : i64, sc.parallel_access}
      %add3A_297 = arith.constant 1 : i32
      %add3A_298 = arith.addi %mul3A_267, %add3A_297 : i32
      %add3A_299 = arith.constant 2 : i32
      %add3A_300 = arith.addi %add3A_298, %add3A_299 : i32
      %lt3A_301 = arith.constant 100 : i32
      %lt3A_302 = arith.cmpi slt, %add3A_300, %lt3A_301 : i32
      %convert_element_type3A_303 = arith.extui %lt3A_302 : i1 to i32
      %cond3A_304 = arith.constant 0 : i32
      %cond3A_305 = arith.cmpi ne, %convert_element_type3A_303, %cond3A_304 : i32
      scf.if %cond3A_305 {
        %mul3A_306 = arith.constant 4000 : i32
        %mul3A_307 = arith.muli %add3A_300, %mul3A_306 : i32
        %add3A_308 = arith.addi %mul3A_32, %mul3A_307 : i32
        %dma_start3A_309 = tpu.memref_slice %arg2[%add3A_308] : memref<800000xi32, #tpu.memory_space<hbm>> -> memref<4000xi32, #tpu.memory_space<hbm>>
        %dma_start3A_310 = tpu.memref_slice %arg2[%add3A_308] : memref<800000xi32, #tpu.memory_space<hbm>> -> memref<4000xi32, #tpu.memory_space<hbm>>
        tpu.enqueue_dma source(%dma_start3A_310 : memref<4000xi32, #tpu.memory_space<hbm>>) target(%arg15 : memref<4000xi32, #tpu.memory_space<vmem>>) target_semaphore(%arg19 : memref<!tpu.dma_semaphore, #tpu.memory_space<semaphore_mem>>)
        %dma_start3A_311 = tpu.memref_slice %arg3[%add3A_308] : memref<800000xi32, #tpu.memory_space<hbm>> -> memref<4000xi32, #tpu.memory_space<hbm>>
        %dma_start3A_312 = tpu.memref_slice %arg3[%add3A_308] : memref<800000xi32, #tpu.memory_space<hbm>> -> memref<4000xi32, #tpu.memory_space<hbm>>
        tpu.enqueue_dma source(%dma_start3A_312 : memref<4000xi32, #tpu.memory_space<hbm>>) target(%arg17 : memref<4000xi32, #tpu.memory_space<vmem>>) target_semaphore(%arg19 : memref<!tpu.dma_semaphore, #tpu.memory_space<semaphore_mem>>)
      } else {
      }
    }
    %scan3A_214 = arith.constant 50 : i32
    %mul3A_215 = arith.constant 50000 : i32
    %mul3A_216 = arith.muli %add3A_9, %mul3A_215 : i32
    %mul3A_217 = arith.constant 150000 : i32
    %mul3A_218 = arith.muli %add3A_9, %mul3A_217 : i32
    %add3A_219 = arith.constant 100000 : i32
    %add3A_220 = arith.addi %mul3A_218, %add3A_219 : i32
    %eq3A_221 = arith.constant 0 : i32
    %eq3A_222 = arith.cmpi eq, %select_n3A_30, %eq3A_221 : i32
    %convert_element_type3A_223 = arith.extui %eq3A_222 : i1 to i32
    %cond3A_224 = arith.constant 0 : i32
    %cond3A_225 = arith.cmpi ne, %convert_element_type3A_223, %cond3A_224 : i32
    scf.if %cond3A_225 {
      %add3A_265 = arith.constant 24992 : i32
      %add3A_266 = arith.addi %mul3A_216, %add3A_265 : i32
      "tpu.region"() ({
        %run_scoped3A = tpu.sem_alloc : memref<!tpu.dma_semaphore, #tpu.memory_space<semaphore_mem>>
        %dma_start3A_267 = arith.constant 24992 : i32
        %dma_start3A_268 = tpu.memref_slice %arg10[%dma_start3A_267] : memref<50000xf32, #tpu.memory_space<vmem>> -> memref<25008xf32, #tpu.memory_space<vmem>>
        %dma_start3A_269 = tpu.memref_slice %arg7[%add3A_266] : memref<800000xf32, #tpu.memory_space<hbm>> -> memref<25008xf32, #tpu.memory_space<hbm>>
        %dma_start3A_270 = tpu.memref_slice %arg7[%add3A_266] : memref<800000xf32, #tpu.memory_space<hbm>> -> memref<25008xf32, #tpu.memory_space<hbm>>
        %dma_start3A_271 = arith.constant 24992 : i32
        %dma_start3A_272 = tpu.memref_slice %arg10[%dma_start3A_271] : memref<50000xf32, #tpu.memory_space<vmem>> -> memref<25008xf32, #tpu.memory_space<vmem>>
        tpu.enqueue_dma source(%dma_start3A_272 : memref<25008xf32, #tpu.memory_space<vmem>>) target(%dma_start3A_270 : memref<25008xf32, #tpu.memory_space<hbm>>) target_semaphore(%run_scoped3A : memref<!tpu.dma_semaphore, #tpu.memory_space<semaphore_mem>>)
        %dma_wait3A = arith.constant 24992 : i32
        %dma_wait3A_273 = tpu.memref_slice %arg10[%dma_wait3A] : memref<50000xf32, #tpu.memory_space<vmem>> -> memref<25008xf32, #tpu.memory_space<vmem>>
        %dma_wait3A_274 = tpu.memref_slice %arg7[%add3A_266] : memref<800000xf32, #tpu.memory_space<hbm>> -> memref<25008xf32, #tpu.memory_space<hbm>>
        %dma_wait3A_275 = tpu.memref_slice %arg7[%add3A_266] : memref<800000xf32, #tpu.memory_space<hbm>> -> memref<25008xf32, #tpu.memory_space<hbm>>
        %dma_wait3A_276 = arith.constant 24992 : i32
        %dma_wait3A_277 = tpu.memref_slice %arg10[%dma_wait3A_276] : memref<50000xf32, #tpu.memory_space<vmem>> -> memref<25008xf32, #tpu.memory_space<vmem>>
        tpu.wait_dma2 semaphore(%run_scoped3A : memref<!tpu.dma_semaphore, #tpu.memory_space<semaphore_mem>>) src(%dma_wait3A_277 : memref<25008xf32, #tpu.memory_space<vmem>>) dst(%dma_wait3A_275 : memref<25008xf32, #tpu.memory_space<hbm>>)
        tpu.yield
      }) : () -> ()
    } else {
    }
    %eq3A_226 = arith.constant 1 : i32
    %eq3A_227 = arith.cmpi eq, %select_n3A_30, %eq3A_226 : i32
    %convert_element_type3A_228 = arith.extui %eq3A_227 : i1 to i32
    %cond3A_229 = arith.constant 0 : i32
    %cond3A_230 = arith.cmpi ne, %convert_element_type3A_228, %cond3A_229 : i32
    scf.if %cond3A_230 {
      %add3A_265 = arith.constant 0 : i32
      %add3A_266 = arith.addi %mul3A_216, %add3A_265 : i32
      "tpu.region"() ({
        %run_scoped3A = tpu.sem_alloc : memref<!tpu.dma_semaphore, #tpu.memory_space<semaphore_mem>>
        %dma_start3A_267 = arith.constant 0 : i32
        %dma_start3A_268 = tpu.memref_slice %arg10[%dma_start3A_267] : memref<50000xf32, #tpu.memory_space<vmem>> -> memref<24992xf32, #tpu.memory_space<vmem>>
        %dma_start3A_269 = tpu.memref_slice %arg7[%add3A_266] : memref<800000xf32, #tpu.memory_space<hbm>> -> memref<24992xf32, #tpu.memory_space<hbm>>
        %dma_start3A_270 = tpu.memref_slice %arg7[%add3A_266] : memref<800000xf32, #tpu.memory_space<hbm>> -> memref<24992xf32, #tpu.memory_space<hbm>>
        %dma_start3A_271 = arith.constant 0 : i32
        %dma_start3A_272 = tpu.memref_slice %arg10[%dma_start3A_271] : memref<50000xf32, #tpu.memory_space<vmem>> -> memref<24992xf32, #tpu.memory_space<vmem>>
        tpu.enqueue_dma source(%dma_start3A_272 : memref<24992xf32, #tpu.memory_space<vmem>>) target(%dma_start3A_270 : memref<24992xf32, #tpu.memory_space<hbm>>) target_semaphore(%run_scoped3A : memref<!tpu.dma_semaphore, #tpu.memory_space<semaphore_mem>>)
        %dma_wait3A = arith.constant 0 : i32
        %dma_wait3A_273 = tpu.memref_slice %arg10[%dma_wait3A] : memref<50000xf32, #tpu.memory_space<vmem>> -> memref<24992xf32, #tpu.memory_space<vmem>>
        %dma_wait3A_274 = tpu.memref_slice %arg7[%add3A_266] : memref<800000xf32, #tpu.memory_space<hbm>> -> memref<24992xf32, #tpu.memory_space<hbm>>
        %dma_wait3A_275 = tpu.memref_slice %arg7[%add3A_266] : memref<800000xf32, #tpu.memory_space<hbm>> -> memref<24992xf32, #tpu.memory_space<hbm>>
        %dma_wait3A_276 = arith.constant 0 : i32
        %dma_wait3A_277 = tpu.memref_slice %arg10[%dma_wait3A_276] : memref<50000xf32, #tpu.memory_space<vmem>> -> memref<24992xf32, #tpu.memory_space<vmem>>
        tpu.wait_dma2 semaphore(%run_scoped3A : memref<!tpu.dma_semaphore, #tpu.memory_space<semaphore_mem>>) src(%dma_wait3A_277 : memref<24992xf32, #tpu.memory_space<vmem>>) dst(%dma_wait3A_275 : memref<24992xf32, #tpu.memory_space<hbm>>)
        tpu.yield
      }) : () -> ()
    } else {
    }
    %barrier3A_231 = arith.constant 0 : index
    tpu.barrier barrier_id(%barrier3A_231)
    %eq3A_232 = arith.constant 0 : i32
    %eq3A_233 = arith.cmpi eq, %select_n3A_30, %eq3A_232 : i32
    %convert_element_type3A_234 = arith.extui %eq3A_233 : i1 to i32
    %cond3A_235 = arith.constant 0 : i32
    %cond3A_236 = arith.cmpi ne, %convert_element_type3A_234, %cond3A_235 : i32
    scf.if %cond3A_236 {
      %add3A_265 = arith.constant 0 : i32
      %add3A_266 = arith.addi %mul3A_216, %add3A_265 : i32
      "tpu.region"() ({
        %run_scoped3A = tpu.sem_alloc : memref<!tpu.dma_semaphore, #tpu.memory_space<semaphore_mem>>
        %dma_start3A_307 = arith.constant 0 : i32
        %dma_start3A_308 = tpu.memref_slice %arg9[%dma_start3A_307] : memref<50000xf32, #tpu.memory_space<vmem>> -> memref<24992xf32, #tpu.memory_space<vmem>>
        %dma_start3A_309 = tpu.memref_slice %arg7[%add3A_266] : memref<800000xf32, #tpu.memory_space<hbm>> -> memref<24992xf32, #tpu.memory_space<hbm>>
        %dma_start3A_310 = arith.constant 0 : i32
        %dma_start3A_311 = tpu.memref_slice %arg9[%dma_start3A_310] : memref<50000xf32, #tpu.memory_space<vmem>> -> memref<24992xf32, #tpu.memory_space<vmem>>
        %dma_start3A_312 = tpu.memref_slice %arg7[%add3A_266] : memref<800000xf32, #tpu.memory_space<hbm>> -> memref<24992xf32, #tpu.memory_space<hbm>>
        tpu.enqueue_dma source(%dma_start3A_312 : memref<24992xf32, #tpu.memory_space<hbm>>) target(%dma_start3A_311 : memref<24992xf32, #tpu.memory_space<vmem>>) target_semaphore(%run_scoped3A : memref<!tpu.dma_semaphore, #tpu.memory_space<semaphore_mem>>)
        %dma_wait3A = arith.constant 0 : i32
        %dma_wait3A_313 = tpu.memref_slice %arg9[%dma_wait3A] : memref<50000xf32, #tpu.memory_space<vmem>> -> memref<24992xf32, #tpu.memory_space<vmem>>
        %dma_wait3A_314 = tpu.memref_slice %arg7[%add3A_266] : memref<800000xf32, #tpu.memory_space<hbm>> -> memref<24992xf32, #tpu.memory_space<hbm>>
        %dma_wait3A_315 = arith.constant 0 : i32
        %dma_wait3A_316 = tpu.memref_slice %arg9[%dma_wait3A_315] : memref<50000xf32, #tpu.memory_space<vmem>> -> memref<24992xf32, #tpu.memory_space<vmem>>
        %dma_wait3A_317 = tpu.memref_slice %arg7[%add3A_266] : memref<800000xf32, #tpu.memory_space<hbm>> -> memref<24992xf32, #tpu.memory_space<hbm>>
        tpu.wait_dma2 semaphore(%run_scoped3A : memref<!tpu.dma_semaphore, #tpu.memory_space<semaphore_mem>>) src(%dma_wait3A_317 : memref<24992xf32, #tpu.memory_space<hbm>>) dst(%dma_wait3A_316 : memref<24992xf32, #tpu.memory_space<vmem>>)
        tpu.yield
      }) : () -> ()
      %scan3A_267 = arith.constant 0 : i32
      %scan3A_268 = arith.constant 1560 : i32
      %scan3A_269 = arith.addi %scan3A_267, %scan3A_268 : i32
      %scan3A_270 = arith.constant 5 : i32
      %scan3A_271 = scf.for %scan3A_307 = %scan3A_267 to %scan3A_269 step %scan3A_270 iter_args(%scan3A_308 = %broadcast_in_dim3A_35) -> (vector<16xf32>)  : i32 {
        %add3A_309 = arith.constant 0 : i32
        %add3A_310 = arith.addi %add3A_309, %scan3A_307 : i32
        %mul3A_311 = arith.constant 16 : i32
        %mul3A_312 = arith.muli %add3A_310, %mul3A_311 : i32
        %get3A_313 = arith.index_cast %mul3A_312 : i32 to index
        %get3A_314 = tpu.vector_load %arg9[%get3A_313] {strides = array<i32>} : memref<50000xf32, #tpu.memory_space<vmem>>, vector<16xf32>,
        %get3A_315 = arith.index_cast %mul3A_312 : i32 to index
        %get3A_316 = tpu.vector_load %arg10[%get3A_315] {strides = array<i32>} : memref<50000xf32, #tpu.memory_space<vmem>>, vector<16xf32>,
        %add3A_317 = arith.addf %get3A_314, %get3A_316 : vector<16xf32>
        %swap3A_318 = arith.index_cast %mul3A_312 : i32 to index
        %swap3A_319 = tpu.vector_load %arg9[%swap3A_318] {strides = array<i32>} : memref<50000xf32, #tpu.memory_space<vmem>>, vector<16xf32>,
        tpu.vector_store %arg9[%swap3A_318], %add3A_317 {strides = array<i32>} : memref<50000xf32, #tpu.memory_space<vmem>>, vector<16xf32>,
        %add3A_320 = arith.addf %scan3A_308, %add3A_317 : vector<16xf32>
        %scan3A_321 = arith.constant 1 : i32
        %scan3A_322 = arith.addi %scan3A_307, %scan3A_321 : i32
        %add3A_323 = arith.constant 0 : i32
        %add3A_324 = arith.addi %add3A_323, %scan3A_322 : i32
        %mul3A_325 = arith.constant 16 : i32
        %mul3A_326 = arith.muli %add3A_324, %mul3A_325 : i32
        %get3A_327 = arith.index_cast %mul3A_326 : i32 to index
        %get3A_328 = tpu.vector_load %arg9[%get3A_327] {strides = array<i32>} : memref<50000xf32, #tpu.memory_space<vmem>>, vector<16xf32>,
        %get3A_329 = arith.index_cast %mul3A_326 : i32 to index
        %get3A_330 = tpu.vector_load %arg10[%get3A_329] {strides = array<i32>} : memref<50000xf32, #tpu.memory_space<vmem>>, vector<16xf32>,
        %add3A_331 = arith.addf %get3A_328, %get3A_330 : vector<16xf32>
        %swap3A_332 = arith.index_cast %mul3A_326 : i32 to index
        %swap3A_333 = tpu.vector_load %arg9[%swap3A_332] {strides = array<i32>} : memref<50000xf32, #tpu.memory_space<vmem>>, vector<16xf32>,
        tpu.vector_store %arg9[%swap3A_332], %add3A_331 {strides = array<i32>} : memref<50000xf32, #tpu.memory_space<vmem>>, vector<16xf32>,
        %add3A_334 = arith.addf %add3A_320, %add3A_331 : vector<16xf32>
        %scan3A_335 = arith.constant 2 : i32
        %scan3A_336 = arith.addi %scan3A_307, %scan3A_335 : i32
        %add3A_337 = arith.constant 0 : i32
        %add3A_338 = arith.addi %add3A_337, %scan3A_336 : i32
        %mul3A_339 = arith.constant 16 : i32
        %mul3A_340 = arith.muli %add3A_338, %mul3A_339 : i32
        %get3A_341 = arith.index_cast %mul3A_340 : i32 to index
        %get3A_342 = tpu.vector_load %arg9[%get3A_341] {strides = array<i32>} : memref<50000xf32, #tpu.memory_space<vmem>>, vector<16xf32>,
        %get3A_343 = arith.index_cast %mul3A_340 : i32 to index
        %get3A_344 = tpu.vector_load %arg10[%get3A_343] {strides = array<i32>} : memref<50000xf32, #tpu.memory_space<vmem>>, vector<16xf32>,
        %add3A_345 = arith.addf %get3A_342, %get3A_344 : vector<16xf32>
        %swap3A_346 = arith.index_cast %mul3A_340 : i32 to index
        %swap3A_347 = tpu.vector_load %arg9[%swap3A_346] {strides = array<i32>} : memref<50000xf32, #tpu.memory_space<vmem>>, vector<16xf32>,
        tpu.vector_store %arg9[%swap3A_346], %add3A_345 {strides = array<i32>} : memref<50000xf32, #tpu.memory_space<vmem>>, vector<16xf32>,
        %add3A_348 = arith.addf %add3A_334, %add3A_345 : vector<16xf32>
        %scan3A_349 = arith.constant 3 : i32
        %scan3A_350 = arith.addi %scan3A_307, %scan3A_349 : i32
        %add3A_351 = arith.constant 0 : i32
        %add3A_352 = arith.addi %add3A_351, %scan3A_350 : i32
        %mul3A_353 = arith.constant 16 : i32
        %mul3A_354 = arith.muli %add3A_352, %mul3A_353 : i32
        %get3A_355 = arith.index_cast %mul3A_354 : i32 to index
        %get3A_356 = tpu.vector_load %arg9[%get3A_355] {strides = array<i32>} : memref<50000xf32, #tpu.memory_space<vmem>>, vector<16xf32>,
        %get3A_357 = arith.index_cast %mul3A_354 : i32 to index
        %get3A_358 = tpu.vector_load %arg10[%get3A_357] {strides = array<i32>} : memref<50000xf32, #tpu.memory_space<vmem>>, vector<16xf32>,
        %add3A_359 = arith.addf %get3A_356, %get3A_358 : vector<16xf32>
        %swap3A_360 = arith.index_cast %mul3A_354 : i32 to index
        %swap3A_361 = tpu.vector_load %arg9[%swap3A_360] {strides = array<i32>} : memref<50000xf32, #tpu.memory_space<vmem>>, vector<16xf32>,
        tpu.vector_store %arg9[%swap3A_360], %add3A_359 {strides = array<i32>} : memref<50000xf32, #tpu.memory_space<vmem>>, vector<16xf32>,
        %add3A_362 = arith.addf %add3A_348, %add3A_359 : vector<16xf32>
        %scan3A_363 = arith.constant 4 : i32
        %scan3A_364 = arith.addi %scan3A_307, %scan3A_363 : i32
        %add3A_365 = arith.constant 0 : i32
        %add3A_366 = arith.addi %add3A_365, %scan3A_364 : i32
        %mul3A_367 = arith.constant 16 : i32
        %mul3A_368 = arith.muli %add3A_366, %mul3A_367 : i32
        %get3A_369 = arith.index_cast %mul3A_368 : i32 to index
        %get3A_370 = tpu.vector_load %arg9[%get3A_369] {strides = array<i32>} : memref<50000xf32, #tpu.memory_space<vmem>>, vector<16xf32>,
        %get3A_371 = arith.index_cast %mul3A_368 : i32 to index
        %get3A_372 = tpu.vector_load %arg10[%get3A_371] {strides = array<i32>} : memref<50000xf32, #tpu.memory_space<vmem>>, vector<16xf32>,
        %add3A_373 = arith.addf %get3A_370, %get3A_372 : vector<16xf32>
        %swap3A_374 = arith.index_cast %mul3A_368 : i32 to index
        %swap3A_375 = tpu.vector_load %arg9[%swap3A_374] {strides = array<i32>} : memref<50000xf32, #tpu.memory_space<vmem>>, vector<16xf32>,
        tpu.vector_store %arg9[%swap3A_374], %add3A_373 {strides = array<i32>} : memref<50000xf32, #tpu.memory_space<vmem>>, vector<16xf32>,
        %add3A_376 = arith.addf %add3A_362, %add3A_373 : vector<16xf32>
        scf.yield %add3A_376 : vector<16xf32>
      }
      %scan3A_272 = arith.constant 1560 : i32
      %scan3A_273 = arith.addi %scan3A_267, %scan3A_272 : i32
      %add3A_274 = arith.constant 0 : i32
      %add3A_275 = arith.addi %add3A_274, %scan3A_273 : i32
      %mul3A_276 = arith.constant 16 : i32
      %mul3A_277 = arith.muli %add3A_275, %mul3A_276 : i32
      %get3A = arith.index_cast %mul3A_277 : i32 to index
      %get3A_278 = tpu.vector_load %arg9[%get3A] {strides = array<i32>} : memref<50000xf32, #tpu.memory_space<vmem>>, vector<16xf32>,
      %get3A_279 = arith.index_cast %mul3A_277 : i32 to index
      %get3A_280 = tpu.vector_load %arg10[%get3A_279] {strides = array<i32>} : memref<50000xf32, #tpu.memory_space<vmem>>, vector<16xf32>,
      %add3A_281 = arith.addf %get3A_278, %get3A_280 : vector<16xf32>
      %swap3A = arith.index_cast %mul3A_277 : i32 to index
      %swap3A_282 = tpu.vector_load %arg9[%swap3A] {strides = array<i32>} : memref<50000xf32, #tpu.memory_space<vmem>>, vector<16xf32>,
      tpu.vector_store %arg9[%swap3A], %add3A_281 {strides = array<i32>} : memref<50000xf32, #tpu.memory_space<vmem>>, vector<16xf32>,
      %add3A_283 = arith.addf %scan3A_271, %add3A_281 : vector<16xf32>
      %scan3A_284 = arith.constant 1561 : i32
      %scan3A_285 = arith.addi %scan3A_267, %scan3A_284 : i32
      %add3A_286 = arith.constant 0 : i32
      %add3A_287 = arith.addi %add3A_286, %scan3A_285 : i32
      %mul3A_288 = arith.constant 16 : i32
      %mul3A_289 = arith.muli %add3A_287, %mul3A_288 : i32
      %get3A_290 = arith.index_cast %mul3A_289 : i32 to index
      %get3A_291 = tpu.vector_load %arg9[%get3A_290] {strides = array<i32>} : memref<50000xf32, #tpu.memory_space<vmem>>, vector<16xf32>,
      %get3A_292 = arith.index_cast %mul3A_289 : i32 to index
      %get3A_293 = tpu.vector_load %arg10[%get3A_292] {strides = array<i32>} : memref<50000xf32, #tpu.memory_space<vmem>>, vector<16xf32>,
      %add3A_294 = arith.addf %get3A_291, %get3A_293 : vector<16xf32>
      %swap3A_295 = arith.index_cast %mul3A_289 : i32 to index
      %swap3A_296 = tpu.vector_load %arg9[%swap3A_295] {strides = array<i32>} : memref<50000xf32, #tpu.memory_space<vmem>>, vector<16xf32>,
      tpu.vector_store %arg9[%swap3A_295], %add3A_294 {strides = array<i32>} : memref<50000xf32, #tpu.memory_space<vmem>>, vector<16xf32>,
      %add3A_297 = arith.addf %add3A_283, %add3A_294 : vector<16xf32>
      %scan3A_298 = arith.constant 1562 : i32
      %swap3A_299 = arith.constant 0 : index
      %swap3A_300 = tpu.vector_load %arg12[%swap3A_299] {strides = array<i32>} : memref<16xf32, #tpu.memory_space<vmem>>, vector<16xf32>,
      tpu.vector_store %arg12[%swap3A_299], %add3A_297 {strides = array<i32>} : memref<16xf32, #tpu.memory_space<vmem>>, vector<16xf32>,
      %mul3A_301 = arith.constant 2 : i32
      %mul3A_302 = arith.muli %add3A_9, %mul3A_301 : i32
      %add3A_303 = arith.constant 0 : i32
      %add3A_304 = arith.addi %mul3A_302, %add3A_303 : i32
      %mul3A_305 = arith.constant 16 : i32
      %mul3A_306 = arith.muli %add3A_304, %mul3A_305 : i32
      "tpu.region"() ({
        %run_scoped3A = tpu.sem_alloc : memref<!tpu.dma_semaphore, #tpu.memory_space<semaphore_mem>>
        %dma_start3A_307 = tpu.memref_slice %arg8[%mul3A_306] : memref<512xf32, #tpu.memory_space<hbm>> -> memref<16xf32, #tpu.memory_space<hbm>>
        %dma_start3A_308 = tpu.memref_slice %arg8[%mul3A_306] : memref<512xf32, #tpu.memory_space<hbm>> -> memref<16xf32, #tpu.memory_space<hbm>>
        tpu.enqueue_dma source(%arg12 : memref<16xf32, #tpu.memory_space<vmem>>) target(%dma_start3A_308 : memref<16xf32, #tpu.memory_space<hbm>>) target_semaphore(%run_scoped3A : memref<!tpu.dma_semaphore, #tpu.memory_space<semaphore_mem>>)
        %dma_wait3A = tpu.memref_slice %arg8[%mul3A_306] : memref<512xf32, #tpu.memory_space<hbm>> -> memref<16xf32, #tpu.memory_space<hbm>>
        %dma_wait3A_309 = tpu.memref_slice %arg8[%mul3A_306] : memref<512xf32, #tpu.memory_space<hbm>> -> memref<16xf32, #tpu.memory_space<hbm>>
        tpu.wait_dma2 semaphore(%run_scoped3A : memref<!tpu.dma_semaphore, #tpu.memory_space<semaphore_mem>>) src(%arg12 : memref<16xf32, #tpu.memory_space<vmem>>) dst(%dma_wait3A_309 : memref<16xf32, #tpu.memory_space<hbm>>)
        tpu.yield
      }) : () -> ()
    } else {
    }
    %eq3A_237 = arith.constant 1 : i32
    %eq3A_238 = arith.cmpi eq, %select_n3A_30, %eq3A_237 : i32
    %convert_element_type3A_239 = arith.extui %eq3A_238 : i1 to i32
    %cond3A_240 = arith.constant 0 : i32
    %cond3A_241 = arith.cmpi ne, %convert_element_type3A_239, %cond3A_240 : i32
    scf.if %cond3A_241 {
      %add3A_265 = arith.constant 24992 : i32
      %add3A_266 = arith.addi %mul3A_216, %add3A_265 : i32
      "tpu.region"() ({
        %run_scoped3A = tpu.sem_alloc : memref<!tpu.dma_semaphore, #tpu.memory_space<semaphore_mem>>
        %dma_start3A_321 = arith.constant 24992 : i32
        %dma_start3A_322 = tpu.memref_slice %arg9[%dma_start3A_321] : memref<50000xf32, #tpu.memory_space<vmem>> -> memref<25008xf32, #tpu.memory_space<vmem>>
        %dma_start3A_323 = tpu.memref_slice %arg7[%add3A_266] : memref<800000xf32, #tpu.memory_space<hbm>> -> memref<25008xf32, #tpu.memory_space<hbm>>
        %dma_start3A_324 = arith.constant 24992 : i32
        %dma_start3A_325 = tpu.memref_slice %arg9[%dma_start3A_324] : memref<50000xf32, #tpu.memory_space<vmem>> -> memref<25008xf32, #tpu.memory_space<vmem>>
        %dma_start3A_326 = tpu.memref_slice %arg7[%add3A_266] : memref<800000xf32, #tpu.memory_space<hbm>> -> memref<25008xf32, #tpu.memory_space<hbm>>
        tpu.enqueue_dma source(%dma_start3A_326 : memref<25008xf32, #tpu.memory_space<hbm>>) target(%dma_start3A_325 : memref<25008xf32, #tpu.memory_space<vmem>>) target_semaphore(%run_scoped3A : memref<!tpu.dma_semaphore, #tpu.memory_space<semaphore_mem>>)
        %dma_wait3A = arith.constant 24992 : i32
        %dma_wait3A_327 = tpu.memref_slice %arg9[%dma_wait3A] : memref<50000xf32, #tpu.memory_space<vmem>> -> memref<25008xf32, #tpu.memory_space<vmem>>
        %dma_wait3A_328 = tpu.memref_slice %arg7[%add3A_266] : memref<800000xf32, #tpu.memory_space<hbm>> -> memref<25008xf32, #tpu.memory_space<hbm>>
        %dma_wait3A_329 = arith.constant 24992 : i32
        %dma_wait3A_330 = tpu.memref_slice %arg9[%dma_wait3A_329] : memref<50000xf32, #tpu.memory_space<vmem>> -> memref<25008xf32, #tpu.memory_space<vmem>>
        %dma_wait3A_331 = tpu.memref_slice %arg7[%add3A_266] : memref<800000xf32, #tpu.memory_space<hbm>> -> memref<25008xf32, #tpu.memory_space<hbm>>
        tpu.wait_dma2 semaphore(%run_scoped3A : memref<!tpu.dma_semaphore, #tpu.memory_space<semaphore_mem>>) src(%dma_wait3A_331 : memref<25008xf32, #tpu.memory_space<hbm>>) dst(%dma_wait3A_330 : memref<25008xf32, #tpu.memory_space<vmem>>)
        tpu.yield
      }) : () -> ()
      %scan3A_267 = arith.constant 0 : i32
      %scan3A_268 = arith.constant 1560 : i32
      %scan3A_269 = arith.addi %scan3A_267, %scan3A_268 : i32
      %scan3A_270 = arith.constant 5 : i32
      %scan3A_271 = scf.for %scan3A_321 = %scan3A_267 to %scan3A_269 step %scan3A_270 iter_args(%scan3A_322 = %broadcast_in_dim3A_35) -> (vector<16xf32>)  : i32 {
        %add3A_323 = arith.constant 1562 : i32
        %add3A_324 = arith.addi %add3A_323, %scan3A_321 : i32
        %mul3A_325 = arith.constant 16 : i32
        %mul3A_326 = arith.muli %add3A_324, %mul3A_325 : i32
        %get3A_327 = arith.index_cast %mul3A_326 : i32 to index
        %get3A_328 = tpu.vector_load %arg9[%get3A_327] {strides = array<i32>} : memref<50000xf32, #tpu.memory_space<vmem>>, vector<16xf32>,
        %get3A_329 = arith.index_cast %mul3A_326 : i32 to index
        %get3A_330 = tpu.vector_load %arg10[%get3A_329] {strides = array<i32>} : memref<50000xf32, #tpu.memory_space<vmem>>, vector<16xf32>,
        %add3A_331 = arith.addf %get3A_328, %get3A_330 : vector<16xf32>
        %swap3A_332 = arith.index_cast %mul3A_326 : i32 to index
        %swap3A_333 = tpu.vector_load %arg9[%swap3A_332] {strides = array<i32>} : memref<50000xf32, #tpu.memory_space<vmem>>, vector<16xf32>,
        tpu.vector_store %arg9[%swap3A_332], %add3A_331 {strides = array<i32>} : memref<50000xf32, #tpu.memory_space<vmem>>, vector<16xf32>,
        %add3A_334 = arith.addf %scan3A_322, %add3A_331 : vector<16xf32>
        %scan3A_335 = arith.constant 1 : i32
        %scan3A_336 = arith.addi %scan3A_321, %scan3A_335 : i32
        %add3A_337 = arith.constant 1562 : i32
        %add3A_338 = arith.addi %add3A_337, %scan3A_336 : i32
        %mul3A_339 = arith.constant 16 : i32
        %mul3A_340 = arith.muli %add3A_338, %mul3A_339 : i32
        %get3A_341 = arith.index_cast %mul3A_340 : i32 to index
        %get3A_342 = tpu.vector_load %arg9[%get3A_341] {strides = array<i32>} : memref<50000xf32, #tpu.memory_space<vmem>>, vector<16xf32>,
        %get3A_343 = arith.index_cast %mul3A_340 : i32 to index
        %get3A_344 = tpu.vector_load %arg10[%get3A_343] {strides = array<i32>} : memref<50000xf32, #tpu.memory_space<vmem>>, vector<16xf32>,
        %add3A_345 = arith.addf %get3A_342, %get3A_344 : vector<16xf32>
        %swap3A_346 = arith.index_cast %mul3A_340 : i32 to index
        %swap3A_347 = tpu.vector_load %arg9[%swap3A_346] {strides = array<i32>} : memref<50000xf32, #tpu.memory_space<vmem>>, vector<16xf32>,
        tpu.vector_store %arg9[%swap3A_346], %add3A_345 {strides = array<i32>} : memref<50000xf32, #tpu.memory_space<vmem>>, vector<16xf32>,
        %add3A_348 = arith.addf %add3A_334, %add3A_345 : vector<16xf32>
        %scan3A_349 = arith.constant 2 : i32
        %scan3A_350 = arith.addi %scan3A_321, %scan3A_349 : i32
        %add3A_351 = arith.constant 1562 : i32
        %add3A_352 = arith.addi %add3A_351, %scan3A_350 : i32
        %mul3A_353 = arith.constant 16 : i32
        %mul3A_354 = arith.muli %add3A_352, %mul3A_353 : i32
        %get3A_355 = arith.index_cast %mul3A_354 : i32 to index
        %get3A_356 = tpu.vector_load %arg9[%get3A_355] {strides = array<i32>} : memref<50000xf32, #tpu.memory_space<vmem>>, vector<16xf32>,
        %get3A_357 = arith.index_cast %mul3A_354 : i32 to index
        %get3A_358 = tpu.vector_load %arg10[%get3A_357] {strides = array<i32>} : memref<50000xf32, #tpu.memory_space<vmem>>, vector<16xf32>,
        %add3A_359 = arith.addf %get3A_356, %get3A_358 : vector<16xf32>
        %swap3A_360 = arith.index_cast %mul3A_354 : i32 to index
        %swap3A_361 = tpu.vector_load %arg9[%swap3A_360] {strides = array<i32>} : memref<50000xf32, #tpu.memory_space<vmem>>, vector<16xf32>,
        tpu.vector_store %arg9[%swap3A_360], %add3A_359 {strides = array<i32>} : memref<50000xf32, #tpu.memory_space<vmem>>, vector<16xf32>,
        %add3A_362 = arith.addf %add3A_348, %add3A_359 : vector<16xf32>
        %scan3A_363 = arith.constant 3 : i32
        %scan3A_364 = arith.addi %scan3A_321, %scan3A_363 : i32
        %add3A_365 = arith.constant 1562 : i32
        %add3A_366 = arith.addi %add3A_365, %scan3A_364 : i32
        %mul3A_367 = arith.constant 16 : i32
        %mul3A_368 = arith.muli %add3A_366, %mul3A_367 : i32
        %get3A_369 = arith.index_cast %mul3A_368 : i32 to index
        %get3A_370 = tpu.vector_load %arg9[%get3A_369] {strides = array<i32>} : memref<50000xf32, #tpu.memory_space<vmem>>, vector<16xf32>,
        %get3A_371 = arith.index_cast %mul3A_368 : i32 to index
        %get3A_372 = tpu.vector_load %arg10[%get3A_371] {strides = array<i32>} : memref<50000xf32, #tpu.memory_space<vmem>>, vector<16xf32>,
        %add3A_373 = arith.addf %get3A_370, %get3A_372 : vector<16xf32>
        %swap3A_374 = arith.index_cast %mul3A_368 : i32 to index
        %swap3A_375 = tpu.vector_load %arg9[%swap3A_374] {strides = array<i32>} : memref<50000xf32, #tpu.memory_space<vmem>>, vector<16xf32>,
        tpu.vector_store %arg9[%swap3A_374], %add3A_373 {strides = array<i32>} : memref<50000xf32, #tpu.memory_space<vmem>>, vector<16xf32>,
        %add3A_376 = arith.addf %add3A_362, %add3A_373 : vector<16xf32>
        %scan3A_377 = arith.constant 4 : i32
        %scan3A_378 = arith.addi %scan3A_321, %scan3A_377 : i32
        %add3A_379 = arith.constant 1562 : i32
        %add3A_380 = arith.addi %add3A_379, %scan3A_378 : i32
        %mul3A_381 = arith.constant 16 : i32
        %mul3A_382 = arith.muli %add3A_380, %mul3A_381 : i32
        %get3A_383 = arith.index_cast %mul3A_382 : i32 to index
        %get3A_384 = tpu.vector_load %arg9[%get3A_383] {strides = array<i32>} : memref<50000xf32, #tpu.memory_space<vmem>>, vector<16xf32>,
        %get3A_385 = arith.index_cast %mul3A_382 : i32 to index
        %get3A_386 = tpu.vector_load %arg10[%get3A_385] {strides = array<i32>} : memref<50000xf32, #tpu.memory_space<vmem>>, vector<16xf32>,
        %add3A_387 = arith.addf %get3A_384, %get3A_386 : vector<16xf32>
        %swap3A_388 = arith.index_cast %mul3A_382 : i32 to index
        %swap3A_389 = tpu.vector_load %arg9[%swap3A_388] {strides = array<i32>} : memref<50000xf32, #tpu.memory_space<vmem>>, vector<16xf32>,
        tpu.vector_store %arg9[%swap3A_388], %add3A_387 {strides = array<i32>} : memref<50000xf32, #tpu.memory_space<vmem>>, vector<16xf32>,
        %add3A_390 = arith.addf %add3A_376, %add3A_387 : vector<16xf32>
        scf.yield %add3A_390 : vector<16xf32>
      }
      %scan3A_272 = arith.constant 1560 : i32
      %scan3A_273 = arith.addi %scan3A_267, %scan3A_272 : i32
      %add3A_274 = arith.constant 1562 : i32
      %add3A_275 = arith.addi %add3A_274, %scan3A_273 : i32
      %mul3A_276 = arith.constant 16 : i32
      %mul3A_277 = arith.muli %add3A_275, %mul3A_276 : i32
      %get3A = arith.index_cast %mul3A_277 : i32 to index
      %get3A_278 = tpu.vector_load %arg9[%get3A] {strides = array<i32>} : memref<50000xf32, #tpu.memory_space<vmem>>, vector<16xf32>,
      %get3A_279 = arith.index_cast %mul3A_277 : i32 to index
      %get3A_280 = tpu.vector_load %arg10[%get3A_279] {strides = array<i32>} : memref<50000xf32, #tpu.memory_space<vmem>>, vector<16xf32>,
      %add3A_281 = arith.addf %get3A_278, %get3A_280 : vector<16xf32>
      %swap3A = arith.index_cast %mul3A_277 : i32 to index
      %swap3A_282 = tpu.vector_load %arg9[%swap3A] {strides = array<i32>} : memref<50000xf32, #tpu.memory_space<vmem>>, vector<16xf32>,
      tpu.vector_store %arg9[%swap3A], %add3A_281 {strides = array<i32>} : memref<50000xf32, #tpu.memory_space<vmem>>, vector<16xf32>,
      %add3A_283 = arith.addf %scan3A_271, %add3A_281 : vector<16xf32>
      %scan3A_284 = arith.constant 1561 : i32
      %scan3A_285 = arith.addi %scan3A_267, %scan3A_284 : i32
      %add3A_286 = arith.constant 1562 : i32
      %add3A_287 = arith.addi %add3A_286, %scan3A_285 : i32
      %mul3A_288 = arith.constant 16 : i32
      %mul3A_289 = arith.muli %add3A_287, %mul3A_288 : i32
      %get3A_290 = arith.index_cast %mul3A_289 : i32 to index
      %get3A_291 = tpu.vector_load %arg9[%get3A_290] {strides = array<i32>} : memref<50000xf32, #tpu.memory_space<vmem>>, vector<16xf32>,
      %get3A_292 = arith.index_cast %mul3A_289 : i32 to index
      %get3A_293 = tpu.vector_load %arg10[%get3A_292] {strides = array<i32>} : memref<50000xf32, #tpu.memory_space<vmem>>, vector<16xf32>,
      %add3A_294 = arith.addf %get3A_291, %get3A_293 : vector<16xf32>
      %swap3A_295 = arith.index_cast %mul3A_289 : i32 to index
      %swap3A_296 = tpu.vector_load %arg9[%swap3A_295] {strides = array<i32>} : memref<50000xf32, #tpu.memory_space<vmem>>, vector<16xf32>,
      tpu.vector_store %arg9[%swap3A_295], %add3A_294 {strides = array<i32>} : memref<50000xf32, #tpu.memory_space<vmem>>, vector<16xf32>,
      %add3A_297 = arith.addf %add3A_283, %add3A_294 : vector<16xf32>
      %scan3A_298 = arith.constant 1562 : i32
      %scan3A_299 = arith.addi %scan3A_267, %scan3A_298 : i32
      %add3A_300 = arith.constant 1562 : i32
      %add3A_301 = arith.addi %add3A_300, %scan3A_299 : i32
      %mul3A_302 = arith.constant 16 : i32
      %mul3A_303 = arith.muli %add3A_301, %mul3A_302 : i32
      %get3A_304 = arith.index_cast %mul3A_303 : i32 to index
      %get3A_305 = tpu.vector_load %arg9[%get3A_304] {strides = array<i32>} : memref<50000xf32, #tpu.memory_space<vmem>>, vector<16xf32>,
      %get3A_306 = arith.index_cast %mul3A_303 : i32 to index
      %get3A_307 = tpu.vector_load %arg10[%get3A_306] {strides = array<i32>} : memref<50000xf32, #tpu.memory_space<vmem>>, vector<16xf32>,
      %add3A_308 = arith.addf %get3A_305, %get3A_307 : vector<16xf32>
      %swap3A_309 = arith.index_cast %mul3A_303 : i32 to index
      %swap3A_310 = tpu.vector_load %arg9[%swap3A_309] {strides = array<i32>} : memref<50000xf32, #tpu.memory_space<vmem>>, vector<16xf32>,
      tpu.vector_store %arg9[%swap3A_309], %add3A_308 {strides = array<i32>} : memref<50000xf32, #tpu.memory_space<vmem>>, vector<16xf32>,
      %add3A_311 = arith.addf %add3A_297, %add3A_308 : vector<16xf32>
      %scan3A_312 = arith.constant 1563 : i32
      %swap3A_313 = arith.constant 0 : index
      %swap3A_314 = tpu.vector_load %arg12[%swap3A_313] {strides = array<i32>} : memref<16xf32, #tpu.memory_space<vmem>>, vector<16xf32>,
      tpu.vector_store %arg12[%swap3A_313], %add3A_311 {strides = array<i32>} : memref<16xf32, #tpu.memory_space<vmem>>, vector<16xf32>,
      %mul3A_315 = arith.constant 2 : i32
      %mul3A_316 = arith.muli %add3A_9, %mul3A_315 : i32
      %add3A_317 = arith.constant 1 : i32
      %add3A_318 = arith.addi %mul3A_316, %add3A_317 : i32
      %mul3A_319 = arith.constant 16 : i32
      %mul3A_320 = arith.muli %add3A_318, %mul3A_319 : i32
      "tpu.region"() ({
        %run_scoped3A = tpu.sem_alloc : memref<!tpu.dma_semaphore, #tpu.memory_space<semaphore_mem>>
        %dma_start3A_321 = tpu.memref_slice %arg8[%mul3A_320] : memref<512xf32, #tpu.memory_space<hbm>> -> memref<16xf32, #tpu.memory_space<hbm>>
        %dma_start3A_322 = tpu.memref_slice %arg8[%mul3A_320] : memref<512xf32, #tpu.memory_space<hbm>> -> memref<16xf32, #tpu.memory_space<hbm>>
        tpu.enqueue_dma source(%arg12 : memref<16xf32, #tpu.memory_space<vmem>>) target(%dma_start3A_322 : memref<16xf32, #tpu.memory_space<hbm>>) target_semaphore(%run_scoped3A : memref<!tpu.dma_semaphore, #tpu.memory_space<semaphore_mem>>)
        %dma_wait3A = tpu.memref_slice %arg8[%mul3A_320] : memref<512xf32, #tpu.memory_space<hbm>> -> memref<16xf32, #tpu.memory_space<hbm>>
        %dma_wait3A_323 = tpu.memref_slice %arg8[%mul3A_320] : memref<512xf32, #tpu.memory_space<hbm>> -> memref<16xf32, #tpu.memory_space<hbm>>
        tpu.wait_dma2 semaphore(%run_scoped3A : memref<!tpu.dma_semaphore, #tpu.memory_space<semaphore_mem>>) src(%arg12 : memref<16xf32, #tpu.memory_space<vmem>>) dst(%dma_wait3A_323 : memref<16xf32, #tpu.memory_space<hbm>>)
        tpu.yield
      }) : () -> ()
    } else {
    }
    %barrier3A_242 = arith.constant 0 : index
    tpu.barrier barrier_id(%barrier3A_242)
    %eq3A_243 = arith.constant 0 : i32
    %eq3A_244 = arith.cmpi eq, %select_n3A_30, %eq3A_243 : i32
    %convert_element_type3A_245 = arith.extui %eq3A_244 : i1 to i32
    %cond3A_246 = arith.constant 0 : i32
    %cond3A_247 = arith.cmpi ne, %convert_element_type3A_245, %cond3A_246 : i32
    scf.if %cond3A_247 {
      %mul3A_265 = arith.constant 2 : i32
      %mul3A_266 = arith.muli %add3A_9, %mul3A_265 : i32
      %add3A_267 = arith.constant 1 : i32
      %add3A_268 = arith.addi %mul3A_266, %add3A_267 : i32
      %mul3A_269 = arith.constant 16 : i32
      %mul3A_270 = arith.muli %add3A_268, %mul3A_269 : i32
      "tpu.region"() ({
        %run_scoped3A = tpu.sem_alloc : memref<!tpu.dma_semaphore, #tpu.memory_space<semaphore_mem>>
        %dma_start3A_315 = tpu.memref_slice %arg8[%mul3A_270] : memref<512xf32, #tpu.memory_space<hbm>> -> memref<16xf32, #tpu.memory_space<hbm>>
        %dma_start3A_316 = tpu.memref_slice %arg8[%mul3A_270] : memref<512xf32, #tpu.memory_space<hbm>> -> memref<16xf32, #tpu.memory_space<hbm>>
        tpu.enqueue_dma source(%dma_start3A_316 : memref<16xf32, #tpu.memory_space<hbm>>) target(%arg13 : memref<16xf32, #tpu.memory_space<vmem>>) target_semaphore(%run_scoped3A : memref<!tpu.dma_semaphore, #tpu.memory_space<semaphore_mem>>)
        %dma_wait3A = tpu.memref_slice %arg8[%mul3A_270] : memref<512xf32, #tpu.memory_space<hbm>> -> memref<16xf32, #tpu.memory_space<hbm>>
        %dma_wait3A_317 = tpu.memref_slice %arg8[%mul3A_270] : memref<512xf32, #tpu.memory_space<hbm>> -> memref<16xf32, #tpu.memory_space<hbm>>
        tpu.wait_dma2 semaphore(%run_scoped3A : memref<!tpu.dma_semaphore, #tpu.memory_space<semaphore_mem>>) src(%dma_wait3A_317 : memref<16xf32, #tpu.memory_space<hbm>>) dst(%arg13 : memref<16xf32, #tpu.memory_space<vmem>>)
        tpu.yield
      }) : () -> ()
      %get3A = arith.constant 0 : index
      %get3A_271 = tpu.vector_load %arg12[%get3A] {strides = array<i32>} : memref<16xf32, #tpu.memory_space<vmem>>, vector<16xf32>,
      %get3A_272 = arith.constant 0 : index
      %get3A_273 = tpu.vector_load %arg13[%get3A_272] {strides = array<i32>} : memref<16xf32, #tpu.memory_space<vmem>>, vector<16xf32>,
      %add3A_274 = arith.addf %get3A_271, %get3A_273 : vector<16xf32>
      %reduce_sum3A = arith.constant true
      %reduce_sum3A_275 = vector.broadcast %reduce_sum3A : i1 to vector<16xi1>
      %reduce_sum3A_276 = tpu.scan <sum>, %add3A_274 masked %reduce_sum3A_275 : vector<16xf32>, vector<16xi1> -> vector<16xf32>
      %reduce_sum3A_277 = vector.extract %reduce_sum3A_276[15] : f32 from vector<16xf32>
      %broadcast_in_dim3A_278 = vector.broadcast %reduce_sum3A_277 : f32 to vector<16xf32>
      %add3A_279 = arith.constant 9.99999997E-7 : f32
      %add3A_280 = vector.broadcast %add3A_279 : f32 to vector<16xf32>
      %add3A_281 = arith.addf %broadcast_in_dim3A_278, %add3A_280 : vector<16xf32>
      %div3A_282 = arith.constant 1.000000e+00 : f32
      %div3A_283 = vector.broadcast %div3A_282 : f32 to vector<16xf32>
      %div3A_284 = arith.divf %div3A_283, %add3A_281 : vector<16xf32>
      %scan3A_285 = arith.constant 0 : i32
      %scan3A_286 = arith.constant 1560 : i32
      %scan3A_287 = arith.addi %scan3A_285, %scan3A_286 : i32
      %scan3A_288 = arith.constant 5 : i32
      scf.for %scan3A_315 = %scan3A_285 to %scan3A_287 step %scan3A_288  : i32 {
        %add3A_316 = arith.constant 0 : i32
        %add3A_317 = arith.addi %add3A_316, %scan3A_315 : i32
        %mul3A_318 = arith.constant 16 : i32
        %mul3A_319 = arith.muli %add3A_317, %mul3A_318 : i32
        %get3A_320 = arith.index_cast %mul3A_319 : i32 to index
        %get3A_321 = tpu.vector_load %arg9[%get3A_320] {strides = array<i32>} : memref<50000xf32, #tpu.memory_space<vmem>>, vector<16xf32>,
        %mul3A_322 = arith.mulf %get3A_321, %div3A_284 : vector<16xf32>
        %swap3A_323 = arith.index_cast %mul3A_319 : i32 to index
        %swap3A_324 = tpu.vector_load %arg9[%swap3A_323] {strides = array<i32>} : memref<50000xf32, #tpu.memory_space<vmem>>, vector<16xf32>,
        tpu.vector_store %arg9[%swap3A_323], %mul3A_322 {strides = array<i32>} : memref<50000xf32, #tpu.memory_space<vmem>>, vector<16xf32>,
        %scan3A_325 = arith.constant 1 : i32
        %scan3A_326 = arith.addi %scan3A_315, %scan3A_325 : i32
        %add3A_327 = arith.constant 0 : i32
        %add3A_328 = arith.addi %add3A_327, %scan3A_326 : i32
        %mul3A_329 = arith.constant 16 : i32
        %mul3A_330 = arith.muli %add3A_328, %mul3A_329 : i32
        %get3A_331 = arith.index_cast %mul3A_330 : i32 to index
        %get3A_332 = tpu.vector_load %arg9[%get3A_331] {strides = array<i32>} : memref<50000xf32, #tpu.memory_space<vmem>>, vector<16xf32>,
        %mul3A_333 = arith.mulf %get3A_332, %div3A_284 : vector<16xf32>
        %swap3A_334 = arith.index_cast %mul3A_330 : i32 to index
        %swap3A_335 = tpu.vector_load %arg9[%swap3A_334] {strides = array<i32>} : memref<50000xf32, #tpu.memory_space<vmem>>, vector<16xf32>,
        tpu.vector_store %arg9[%swap3A_334], %mul3A_333 {strides = array<i32>} : memref<50000xf32, #tpu.memory_space<vmem>>, vector<16xf32>,
        %scan3A_336 = arith.constant 2 : i32
        %scan3A_337 = arith.addi %scan3A_315, %scan3A_336 : i32
        %add3A_338 = arith.constant 0 : i32
        %add3A_339 = arith.addi %add3A_338, %scan3A_337 : i32
        %mul3A_340 = arith.constant 16 : i32
        %mul3A_341 = arith.muli %add3A_339, %mul3A_340 : i32
        %get3A_342 = arith.index_cast %mul3A_341 : i32 to index
        %get3A_343 = tpu.vector_load %arg9[%get3A_342] {strides = array<i32>} : memref<50000xf32, #tpu.memory_space<vmem>>, vector<16xf32>,
        %mul3A_344 = arith.mulf %get3A_343, %div3A_284 : vector<16xf32>
        %swap3A_345 = arith.index_cast %mul3A_341 : i32 to index
        %swap3A_346 = tpu.vector_load %arg9[%swap3A_345] {strides = array<i32>} : memref<50000xf32, #tpu.memory_space<vmem>>, vector<16xf32>,
        tpu.vector_store %arg9[%swap3A_345], %mul3A_344 {strides = array<i32>} : memref<50000xf32, #tpu.memory_space<vmem>>, vector<16xf32>,
        %scan3A_347 = arith.constant 3 : i32
        %scan3A_348 = arith.addi %scan3A_315, %scan3A_347 : i32
        %add3A_349 = arith.constant 0 : i32
        %add3A_350 = arith.addi %add3A_349, %scan3A_348 : i32
        %mul3A_351 = arith.constant 16 : i32
        %mul3A_352 = arith.muli %add3A_350, %mul3A_351 : i32
        %get3A_353 = arith.index_cast %mul3A_352 : i32 to index
        %get3A_354 = tpu.vector_load %arg9[%get3A_353] {strides = array<i32>} : memref<50000xf32, #tpu.memory_space<vmem>>, vector<16xf32>,
        %mul3A_355 = arith.mulf %get3A_354, %div3A_284 : vector<16xf32>
        %swap3A_356 = arith.index_cast %mul3A_352 : i32 to index
        %swap3A_357 = tpu.vector_load %arg9[%swap3A_356] {strides = array<i32>} : memref<50000xf32, #tpu.memory_space<vmem>>, vector<16xf32>,
        tpu.vector_store %arg9[%swap3A_356], %mul3A_355 {strides = array<i32>} : memref<50000xf32, #tpu.memory_space<vmem>>, vector<16xf32>,
        %scan3A_358 = arith.constant 4 : i32
        %scan3A_359 = arith.addi %scan3A_315, %scan3A_358 : i32
        %add3A_360 = arith.constant 0 : i32
        %add3A_361 = arith.addi %add3A_360, %scan3A_359 : i32
        %mul3A_362 = arith.constant 16 : i32
        %mul3A_363 = arith.muli %add3A_361, %mul3A_362 : i32
        %get3A_364 = arith.index_cast %mul3A_363 : i32 to index
        %get3A_365 = tpu.vector_load %arg9[%get3A_364] {strides = array<i32>} : memref<50000xf32, #tpu.memory_space<vmem>>, vector<16xf32>,
        %mul3A_366 = arith.mulf %get3A_365, %div3A_284 : vector<16xf32>
        %swap3A_367 = arith.index_cast %mul3A_363 : i32 to index
        %swap3A_368 = tpu.vector_load %arg9[%swap3A_367] {strides = array<i32>} : memref<50000xf32, #tpu.memory_space<vmem>>, vector<16xf32>,
        tpu.vector_store %arg9[%swap3A_367], %mul3A_366 {strides = array<i32>} : memref<50000xf32, #tpu.memory_space<vmem>>, vector<16xf32>,
      }
      %scan3A_289 = arith.constant 1560 : i32
      %scan3A_290 = arith.addi %scan3A_285, %scan3A_289 : i32
      %add3A_291 = arith.constant 0 : i32
      %add3A_292 = arith.addi %add3A_291, %scan3A_290 : i32
      %mul3A_293 = arith.constant 16 : i32
      %mul3A_294 = arith.muli %add3A_292, %mul3A_293 : i32
      %get3A_295 = arith.index_cast %mul3A_294 : i32 to index
      %get3A_296 = tpu.vector_load %arg9[%get3A_295] {strides = array<i32>} : memref<50000xf32, #tpu.memory_space<vmem>>, vector<16xf32>,
      %mul3A_297 = arith.mulf %get3A_296, %div3A_284 : vector<16xf32>
      %swap3A = arith.index_cast %mul3A_294 : i32 to index
      %swap3A_298 = tpu.vector_load %arg9[%swap3A] {strides = array<i32>} : memref<50000xf32, #tpu.memory_space<vmem>>, vector<16xf32>,
      tpu.vector_store %arg9[%swap3A], %mul3A_297 {strides = array<i32>} : memref<50000xf32, #tpu.memory_space<vmem>>, vector<16xf32>,
      %scan3A_299 = arith.constant 1561 : i32
      %scan3A_300 = arith.addi %scan3A_285, %scan3A_299 : i32
      %add3A_301 = arith.constant 0 : i32
      %add3A_302 = arith.addi %add3A_301, %scan3A_300 : i32
      %mul3A_303 = arith.constant 16 : i32
      %mul3A_304 = arith.muli %add3A_302, %mul3A_303 : i32
      %get3A_305 = arith.index_cast %mul3A_304 : i32 to index
      %get3A_306 = tpu.vector_load %arg9[%get3A_305] {strides = array<i32>} : memref<50000xf32, #tpu.memory_space<vmem>>, vector<16xf32>,
      %mul3A_307 = arith.mulf %get3A_306, %div3A_284 : vector<16xf32>
      %swap3A_308 = arith.index_cast %mul3A_304 : i32 to index
      %swap3A_309 = tpu.vector_load %arg9[%swap3A_308] {strides = array<i32>} : memref<50000xf32, #tpu.memory_space<vmem>>, vector<16xf32>,
      tpu.vector_store %arg9[%swap3A_308], %mul3A_307 {strides = array<i32>} : memref<50000xf32, #tpu.memory_space<vmem>>, vector<16xf32>,
      %scan3A_310 = arith.constant 1562 : i32
      %add3A_311 = arith.constant 0 : i32
      %add3A_312 = arith.addi %add3A_220, %add3A_311 : i32
      "tpu.region"() ({
        %run_scoped3A = tpu.sem_alloc : memref<!tpu.dma_semaphore, #tpu.memory_space<semaphore_mem>>
        %dma_start3A_315 = arith.constant 0 : i32
        %dma_start3A_316 = tpu.memref_slice %arg9[%dma_start3A_315] : memref<50000xf32, #tpu.memory_space<vmem>> -> memref<24992xf32, #tpu.memory_space<vmem>>
        %dma_start3A_317 = tpu.memref_slice %arg6[%add3A_312] : memref<2400000xf32, #tpu.memory_space<hbm>> -> memref<24992xf32, #tpu.memory_space<hbm>>
        %dma_start3A_318 = tpu.memref_slice %arg6[%add3A_312] : memref<2400000xf32, #tpu.memory_space<hbm>> -> memref<24992xf32, #tpu.memory_space<hbm>>
        %dma_start3A_319 = arith.constant 0 : i32
        %dma_start3A_320 = tpu.memref_slice %arg9[%dma_start3A_319] : memref<50000xf32, #tpu.memory_space<vmem>> -> memref<24992xf32, #tpu.memory_space<vmem>>
        tpu.enqueue_dma source(%dma_start3A_320 : memref<24992xf32, #tpu.memory_space<vmem>>) target(%dma_start3A_318 : memref<24992xf32, #tpu.memory_space<hbm>>) target_semaphore(%run_scoped3A : memref<!tpu.dma_semaphore, #tpu.memory_space<semaphore_mem>>)
        %dma_wait3A = arith.constant 0 : i32
        %dma_wait3A_321 = tpu.memref_slice %arg9[%dma_wait3A] : memref<50000xf32, #tpu.memory_space<vmem>> -> memref<24992xf32, #tpu.memory_space<vmem>>
        %dma_wait3A_322 = tpu.memref_slice %arg6[%add3A_312] : memref<2400000xf32, #tpu.memory_space<hbm>> -> memref<24992xf32, #tpu.memory_space<hbm>>
        %dma_wait3A_323 = tpu.memref_slice %arg6[%add3A_312] : memref<2400000xf32, #tpu.memory_space<hbm>> -> memref<24992xf32, #tpu.memory_space<hbm>>
        %dma_wait3A_324 = arith.constant 0 : i32
        %dma_wait3A_325 = tpu.memref_slice %arg9[%dma_wait3A_324] : memref<50000xf32, #tpu.memory_space<vmem>> -> memref<24992xf32, #tpu.memory_space<vmem>>
        tpu.wait_dma2 semaphore(%run_scoped3A : memref<!tpu.dma_semaphore, #tpu.memory_space<semaphore_mem>>) src(%dma_wait3A_325 : memref<24992xf32, #tpu.memory_space<vmem>>) dst(%dma_wait3A_323 : memref<24992xf32, #tpu.memory_space<hbm>>)
        tpu.yield
      }) : () -> ()
      %add3A_313 = arith.constant 0 : i32
      %add3A_314 = arith.addi %mul3A_216, %add3A_313 : i32
      "tpu.region"() ({
        %run_scoped3A = tpu.sem_alloc : memref<!tpu.dma_semaphore, #tpu.memory_space<semaphore_mem>>
        %dma_start3A_315 = arith.constant 0 : i32
        %dma_start3A_316 = tpu.memref_slice %arg9[%dma_start3A_315] : memref<50000xf32, #tpu.memory_space<vmem>> -> memref<24992xf32, #tpu.memory_space<vmem>>
        %dma_start3A_317 = tpu.memref_slice %arg7[%add3A_314] : memref<800000xf32, #tpu.memory_space<hbm>> -> memref<24992xf32, #tpu.memory_space<hbm>>
        %dma_start3A_318 = tpu.memref_slice %arg7[%add3A_314] : memref<800000xf32, #tpu.memory_space<hbm>> -> memref<24992xf32, #tpu.memory_space<hbm>>
        %dma_start3A_319 = arith.constant 0 : i32
        %dma_start3A_320 = tpu.memref_slice %arg9[%dma_start3A_319] : memref<50000xf32, #tpu.memory_space<vmem>> -> memref<24992xf32, #tpu.memory_space<vmem>>
        tpu.enqueue_dma source(%dma_start3A_320 : memref<24992xf32, #tpu.memory_space<vmem>>) target(%dma_start3A_318 : memref<24992xf32, #tpu.memory_space<hbm>>) target_semaphore(%run_scoped3A : memref<!tpu.dma_semaphore, #tpu.memory_space<semaphore_mem>>)
        %dma_wait3A = arith.constant 0 : i32
        %dma_wait3A_321 = tpu.memref_slice %arg9[%dma_wait3A] : memref<50000xf32, #tpu.memory_space<vmem>> -> memref<24992xf32, #tpu.memory_space<vmem>>
        %dma_wait3A_322 = tpu.memref_slice %arg7[%add3A_314] : memref<800000xf32, #tpu.memory_space<hbm>> -> memref<24992xf32, #tpu.memory_space<hbm>>
        %dma_wait3A_323 = tpu.memref_slice %arg7[%add3A_314] : memref<800000xf32, #tpu.memory_space<hbm>> -> memref<24992xf32, #tpu.memory_space<hbm>>
        %dma_wait3A_324 = arith.constant 0 : i32
        %dma_wait3A_325 = tpu.memref_slice %arg9[%dma_wait3A_324] : memref<50000xf32, #tpu.memory_space<vmem>> -> memref<24992xf32, #tpu.memory_space<vmem>>
        tpu.wait_dma2 semaphore(%run_scoped3A : memref<!tpu.dma_semaphore, #tpu.memory_space<semaphore_mem>>) src(%dma_wait3A_325 : memref<24992xf32, #tpu.memory_space<vmem>>) dst(%dma_wait3A_323 : memref<24992xf32, #tpu.memory_space<hbm>>)
        tpu.yield
      }) : () -> ()
    } else {
    }
    %eq3A_248 = arith.constant 1 : i32
    %eq3A_249 = arith.cmpi eq, %select_n3A_30, %eq3A_248 : i32
    %convert_element_type3A_250 = arith.extui %eq3A_249 : i1 to i32
    %cond3A_251 = arith.constant 0 : i32
    %cond3A_252 = arith.cmpi ne, %convert_element_type3A_250, %cond3A_251 : i32
    scf.if %cond3A_252 {
      %mul3A_265 = arith.constant 2 : i32
      %mul3A_266 = arith.muli %add3A_9, %mul3A_265 : i32
      %add3A_267 = arith.constant 0 : i32
      %add3A_268 = arith.addi %mul3A_266, %add3A_267 : i32
      %mul3A_269 = arith.constant 16 : i32
      %mul3A_270 = arith.muli %add3A_268, %mul3A_269 : i32
      "tpu.region"() ({
        %run_scoped3A = tpu.sem_alloc : memref<!tpu.dma_semaphore, #tpu.memory_space<semaphore_mem>>
        %dma_start3A_326 = tpu.memref_slice %arg8[%mul3A_270] : memref<512xf32, #tpu.memory_space<hbm>> -> memref<16xf32, #tpu.memory_space<hbm>>
        %dma_start3A_327 = tpu.memref_slice %arg8[%mul3A_270] : memref<512xf32, #tpu.memory_space<hbm>> -> memref<16xf32, #tpu.memory_space<hbm>>
        tpu.enqueue_dma source(%dma_start3A_327 : memref<16xf32, #tpu.memory_space<hbm>>) target(%arg13 : memref<16xf32, #tpu.memory_space<vmem>>) target_semaphore(%run_scoped3A : memref<!tpu.dma_semaphore, #tpu.memory_space<semaphore_mem>>)
        %dma_wait3A = tpu.memref_slice %arg8[%mul3A_270] : memref<512xf32, #tpu.memory_space<hbm>> -> memref<16xf32, #tpu.memory_space<hbm>>
        %dma_wait3A_328 = tpu.memref_slice %arg8[%mul3A_270] : memref<512xf32, #tpu.memory_space<hbm>> -> memref<16xf32, #tpu.memory_space<hbm>>
        tpu.wait_dma2 semaphore(%run_scoped3A : memref<!tpu.dma_semaphore, #tpu.memory_space<semaphore_mem>>) src(%dma_wait3A_328 : memref<16xf32, #tpu.memory_space<hbm>>) dst(%arg13 : memref<16xf32, #tpu.memory_space<vmem>>)
        tpu.yield
      }) : () -> ()
      %get3A = arith.constant 0 : index
      %get3A_271 = tpu.vector_load %arg12[%get3A] {strides = array<i32>} : memref<16xf32, #tpu.memory_space<vmem>>, vector<16xf32>,
      %get3A_272 = arith.constant 0 : index
      %get3A_273 = tpu.vector_load %arg13[%get3A_272] {strides = array<i32>} : memref<16xf32, #tpu.memory_space<vmem>>, vector<16xf32>,
      %add3A_274 = arith.addf %get3A_271, %get3A_273 : vector<16xf32>
      %reduce_sum3A = arith.constant true
      %reduce_sum3A_275 = vector.broadcast %reduce_sum3A : i1 to vector<16xi1>
      %reduce_sum3A_276 = tpu.scan <sum>, %add3A_274 masked %reduce_sum3A_275 : vector<16xf32>, vector<16xi1> -> vector<16xf32>
      %reduce_sum3A_277 = vector.extract %reduce_sum3A_276[15] : f32 from vector<16xf32>
      %broadcast_in_dim3A_278 = vector.broadcast %reduce_sum3A_277 : f32 to vector<16xf32>
      %add3A_279 = arith.constant 9.99999997E-7 : f32
      %add3A_280 = vector.broadcast %add3A_279 : f32 to vector<16xf32>
      %add3A_281 = arith.addf %broadcast_in_dim3A_278, %add3A_280 : vector<16xf32>
      %div3A_282 = arith.constant 1.000000e+00 : f32
      %div3A_283 = vector.broadcast %div3A_282 : f32 to vector<16xf32>
      %div3A_284 = arith.divf %div3A_283, %add3A_281 : vector<16xf32>
      %scan3A_285 = arith.constant 0 : i32
      %scan3A_286 = arith.constant 1560 : i32
      %scan3A_287 = arith.addi %scan3A_285, %scan3A_286 : i32
      %scan3A_288 = arith.constant 5 : i32
      scf.for %scan3A_326 = %scan3A_285 to %scan3A_287 step %scan3A_288  : i32 {
        %add3A_327 = arith.constant 1562 : i32
        %add3A_328 = arith.addi %add3A_327, %scan3A_326 : i32
        %mul3A_329 = arith.constant 16 : i32
        %mul3A_330 = arith.muli %add3A_328, %mul3A_329 : i32
        %get3A_331 = arith.index_cast %mul3A_330 : i32 to index
        %get3A_332 = tpu.vector_load %arg9[%get3A_331] {strides = array<i32>} : memref<50000xf32, #tpu.memory_space<vmem>>, vector<16xf32>,
        %mul3A_333 = arith.mulf %get3A_332, %div3A_284 : vector<16xf32>
        %swap3A_334 = arith.index_cast %mul3A_330 : i32 to index
        %swap3A_335 = tpu.vector_load %arg9[%swap3A_334] {strides = array<i32>} : memref<50000xf32, #tpu.memory_space<vmem>>, vector<16xf32>,
        tpu.vector_store %arg9[%swap3A_334], %mul3A_333 {strides = array<i32>} : memref<50000xf32, #tpu.memory_space<vmem>>, vector<16xf32>,
        %scan3A_336 = arith.constant 1 : i32
        %scan3A_337 = arith.addi %scan3A_326, %scan3A_336 : i32
        %add3A_338 = arith.constant 1562 : i32
        %add3A_339 = arith.addi %add3A_338, %scan3A_337 : i32
        %mul3A_340 = arith.constant 16 : i32
        %mul3A_341 = arith.muli %add3A_339, %mul3A_340 : i32
        %get3A_342 = arith.index_cast %mul3A_341 : i32 to index
        %get3A_343 = tpu.vector_load %arg9[%get3A_342] {strides = array<i32>} : memref<50000xf32, #tpu.memory_space<vmem>>, vector<16xf32>,
        %mul3A_344 = arith.mulf %get3A_343, %div3A_284 : vector<16xf32>
        %swap3A_345 = arith.index_cast %mul3A_341 : i32 to index
        %swap3A_346 = tpu.vector_load %arg9[%swap3A_345] {strides = array<i32>} : memref<50000xf32, #tpu.memory_space<vmem>>, vector<16xf32>,
        tpu.vector_store %arg9[%swap3A_345], %mul3A_344 {strides = array<i32>} : memref<50000xf32, #tpu.memory_space<vmem>>, vector<16xf32>,
        %scan3A_347 = arith.constant 2 : i32
        %scan3A_348 = arith.addi %scan3A_326, %scan3A_347 : i32
        %add3A_349 = arith.constant 1562 : i32
        %add3A_350 = arith.addi %add3A_349, %scan3A_348 : i32
        %mul3A_351 = arith.constant 16 : i32
        %mul3A_352 = arith.muli %add3A_350, %mul3A_351 : i32
        %get3A_353 = arith.index_cast %mul3A_352 : i32 to index
        %get3A_354 = tpu.vector_load %arg9[%get3A_353] {strides = array<i32>} : memref<50000xf32, #tpu.memory_space<vmem>>, vector<16xf32>,
        %mul3A_355 = arith.mulf %get3A_354, %div3A_284 : vector<16xf32>
        %swap3A_356 = arith.index_cast %mul3A_352 : i32 to index
        %swap3A_357 = tpu.vector_load %arg9[%swap3A_356] {strides = array<i32>} : memref<50000xf32, #tpu.memory_space<vmem>>, vector<16xf32>,
        tpu.vector_store %arg9[%swap3A_356], %mul3A_355 {strides = array<i32>} : memref<50000xf32, #tpu.memory_space<vmem>>, vector<16xf32>,
        %scan3A_358 = arith.constant 3 : i32
        %scan3A_359 = arith.addi %scan3A_326, %scan3A_358 : i32
        %add3A_360 = arith.constant 1562 : i32
        %add3A_361 = arith.addi %add3A_360, %scan3A_359 : i32
        %mul3A_362 = arith.constant 16 : i32
        %mul3A_363 = arith.muli %add3A_361, %mul3A_362 : i32
        %get3A_364 = arith.index_cast %mul3A_363 : i32 to index
        %get3A_365 = tpu.vector_load %arg9[%get3A_364] {strides = array<i32>} : memref<50000xf32, #tpu.memory_space<vmem>>, vector<16xf32>,
        %mul3A_366 = arith.mulf %get3A_365, %div3A_284 : vector<16xf32>
        %swap3A_367 = arith.index_cast %mul3A_363 : i32 to index
        %swap3A_368 = tpu.vector_load %arg9[%swap3A_367] {strides = array<i32>} : memref<50000xf32, #tpu.memory_space<vmem>>, vector<16xf32>,
        tpu.vector_store %arg9[%swap3A_367], %mul3A_366 {strides = array<i32>} : memref<50000xf32, #tpu.memory_space<vmem>>, vector<16xf32>,
        %scan3A_369 = arith.constant 4 : i32
        %scan3A_370 = arith.addi %scan3A_326, %scan3A_369 : i32
        %add3A_371 = arith.constant 1562 : i32
        %add3A_372 = arith.addi %add3A_371, %scan3A_370 : i32
        %mul3A_373 = arith.constant 16 : i32
        %mul3A_374 = arith.muli %add3A_372, %mul3A_373 : i32
        %get3A_375 = arith.index_cast %mul3A_374 : i32 to index
        %get3A_376 = tpu.vector_load %arg9[%get3A_375] {strides = array<i32>} : memref<50000xf32, #tpu.memory_space<vmem>>, vector<16xf32>,
        %mul3A_377 = arith.mulf %get3A_376, %div3A_284 : vector<16xf32>
        %swap3A_378 = arith.index_cast %mul3A_374 : i32 to index
        %swap3A_379 = tpu.vector_load %arg9[%swap3A_378] {strides = array<i32>} : memref<50000xf32, #tpu.memory_space<vmem>>, vector<16xf32>,
        tpu.vector_store %arg9[%swap3A_378], %mul3A_377 {strides = array<i32>} : memref<50000xf32, #tpu.memory_space<vmem>>, vector<16xf32>,
      }
      %scan3A_289 = arith.constant 1560 : i32
      %scan3A_290 = arith.addi %scan3A_285, %scan3A_289 : i32
      %add3A_291 = arith.constant 1562 : i32
      %add3A_292 = arith.addi %add3A_291, %scan3A_290 : i32
      %mul3A_293 = arith.constant 16 : i32
      %mul3A_294 = arith.muli %add3A_292, %mul3A_293 : i32
      %get3A_295 = arith.index_cast %mul3A_294 : i32 to index
      %get3A_296 = tpu.vector_load %arg9[%get3A_295] {strides = array<i32>} : memref<50000xf32, #tpu.memory_space<vmem>>, vector<16xf32>,
      %mul3A_297 = arith.mulf %get3A_296, %div3A_284 : vector<16xf32>
      %swap3A = arith.index_cast %mul3A_294 : i32 to index
      %swap3A_298 = tpu.vector_load %arg9[%swap3A] {strides = array<i32>} : memref<50000xf32, #tpu.memory_space<vmem>>, vector<16xf32>,
      tpu.vector_store %arg9[%swap3A], %mul3A_297 {strides = array<i32>} : memref<50000xf32, #tpu.memory_space<vmem>>, vector<16xf32>,
      %scan3A_299 = arith.constant 1561 : i32
      %scan3A_300 = arith.addi %scan3A_285, %scan3A_299 : i32
      %add3A_301 = arith.constant 1562 : i32
      %add3A_302 = arith.addi %add3A_301, %scan3A_300 : i32
      %mul3A_303 = arith.constant 16 : i32
      %mul3A_304 = arith.muli %add3A_302, %mul3A_303 : i32
      %get3A_305 = arith.index_cast %mul3A_304 : i32 to index
      %get3A_306 = tpu.vector_load %arg9[%get3A_305] {strides = array<i32>} : memref<50000xf32, #tpu.memory_space<vmem>>, vector<16xf32>,
      %mul3A_307 = arith.mulf %get3A_306, %div3A_284 : vector<16xf32>
      %swap3A_308 = arith.index_cast %mul3A_304 : i32 to index
      %swap3A_309 = tpu.vector_load %arg9[%swap3A_308] {strides = array<i32>} : memref<50000xf32, #tpu.memory_space<vmem>>, vector<16xf32>,
      tpu.vector_store %arg9[%swap3A_308], %mul3A_307 {strides = array<i32>} : memref<50000xf32, #tpu.memory_space<vmem>>, vector<16xf32>,
      %scan3A_310 = arith.constant 1562 : i32
      %scan3A_311 = arith.addi %scan3A_285, %scan3A_310 : i32
      %add3A_312 = arith.constant 1562 : i32
      %add3A_313 = arith.addi %add3A_312, %scan3A_311 : i32
      %mul3A_314 = arith.constant 16 : i32
      %mul3A_315 = arith.muli %add3A_313, %mul3A_314 : i32
      %get3A_316 = arith.index_cast %mul3A_315 : i32 to index
      %get3A_317 = tpu.vector_load %arg9[%get3A_316] {strides = array<i32>} : memref<50000xf32, #tpu.memory_space<vmem>>, vector<16xf32>,
      %mul3A_318 = arith.mulf %get3A_317, %div3A_284 : vector<16xf32>
      %swap3A_319 = arith.index_cast %mul3A_315 : i32 to index
      %swap3A_320 = tpu.vector_load %arg9[%swap3A_319] {strides = array<i32>} : memref<50000xf32, #tpu.memory_space<vmem>>, vector<16xf32>,
      tpu.vector_store %arg9[%swap3A_319], %mul3A_318 {strides = array<i32>} : memref<50000xf32, #tpu.memory_space<vmem>>, vector<16xf32>,
      %scan3A_321 = arith.constant 1563 : i32
      %add3A_322 = arith.constant 24992 : i32
      %add3A_323 = arith.addi %add3A_220, %add3A_322 : i32
      "tpu.region"() ({
        %run_scoped3A = tpu.sem_alloc : memref<!tpu.dma_semaphore, #tpu.memory_space<semaphore_mem>>
        %dma_start3A_326 = arith.constant 24992 : i32
        %dma_start3A_327 = tpu.memref_slice %arg9[%dma_start3A_326] : memref<50000xf32, #tpu.memory_space<vmem>> -> memref<25008xf32, #tpu.memory_space<vmem>>
        %dma_start3A_328 = tpu.memref_slice %arg6[%add3A_323] : memref<2400000xf32, #tpu.memory_space<hbm>> -> memref<25008xf32, #tpu.memory_space<hbm>>
        %dma_start3A_329 = tpu.memref_slice %arg6[%add3A_323] : memref<2400000xf32, #tpu.memory_space<hbm>> -> memref<25008xf32, #tpu.memory_space<hbm>>
        %dma_start3A_330 = arith.constant 24992 : i32
        %dma_start3A_331 = tpu.memref_slice %arg9[%dma_start3A_330] : memref<50000xf32, #tpu.memory_space<vmem>> -> memref<25008xf32, #tpu.memory_space<vmem>>
        tpu.enqueue_dma source(%dma_start3A_331 : memref<25008xf32, #tpu.memory_space<vmem>>) target(%dma_start3A_329 : memref<25008xf32, #tpu.memory_space<hbm>>) target_semaphore(%run_scoped3A : memref<!tpu.dma_semaphore, #tpu.memory_space<semaphore_mem>>)
        %dma_wait3A = arith.constant 24992 : i32
        %dma_wait3A_332 = tpu.memref_slice %arg9[%dma_wait3A] : memref<50000xf32, #tpu.memory_space<vmem>> -> memref<25008xf32, #tpu.memory_space<vmem>>
        %dma_wait3A_333 = tpu.memref_slice %arg6[%add3A_323] : memref<2400000xf32, #tpu.memory_space<hbm>> -> memref<25008xf32, #tpu.memory_space<hbm>>
        %dma_wait3A_334 = tpu.memref_slice %arg6[%add3A_323] : memref<2400000xf32, #tpu.memory_space<hbm>> -> memref<25008xf32, #tpu.memory_space<hbm>>
        %dma_wait3A_335 = arith.constant 24992 : i32
        %dma_wait3A_336 = tpu.memref_slice %arg9[%dma_wait3A_335] : memref<50000xf32, #tpu.memory_space<vmem>> -> memref<25008xf32, #tpu.memory_space<vmem>>
        tpu.wait_dma2 semaphore(%run_scoped3A : memref<!tpu.dma_semaphore, #tpu.memory_space<semaphore_mem>>) src(%dma_wait3A_336 : memref<25008xf32, #tpu.memory_space<vmem>>) dst(%dma_wait3A_334 : memref<25008xf32, #tpu.memory_space<hbm>>)
        tpu.yield
      }) : () -> ()
      %add3A_324 = arith.constant 24992 : i32
      %add3A_325 = arith.addi %mul3A_216, %add3A_324 : i32
      "tpu.region"() ({
        %run_scoped3A = tpu.sem_alloc : memref<!tpu.dma_semaphore, #tpu.memory_space<semaphore_mem>>
        %dma_start3A_326 = arith.constant 24992 : i32
        %dma_start3A_327 = tpu.memref_slice %arg9[%dma_start3A_326] : memref<50000xf32, #tpu.memory_space<vmem>> -> memref<25008xf32, #tpu.memory_space<vmem>>
        %dma_start3A_328 = tpu.memref_slice %arg7[%add3A_325] : memref<800000xf32, #tpu.memory_space<hbm>> -> memref<25008xf32, #tpu.memory_space<hbm>>
        %dma_start3A_329 = tpu.memref_slice %arg7[%add3A_325] : memref<800000xf32, #tpu.memory_space<hbm>> -> memref<25008xf32, #tpu.memory_space<hbm>>
        %dma_start3A_330 = arith.constant 24992 : i32
        %dma_start3A_331 = tpu.memref_slice %arg9[%dma_start3A_330] : memref<50000xf32, #tpu.memory_space<vmem>> -> memref<25008xf32, #tpu.memory_space<vmem>>
        tpu.enqueue_dma source(%dma_start3A_331 : memref<25008xf32, #tpu.memory_space<vmem>>) target(%dma_start3A_329 : memref<25008xf32, #tpu.memory_space<hbm>>) target_semaphore(%run_scoped3A : memref<!tpu.dma_semaphore, #tpu.memory_space<semaphore_mem>>)
        %dma_wait3A = arith.constant 24992 : i32
        %dma_wait3A_332 = tpu.memref_slice %arg9[%dma_wait3A] : memref<50000xf32, #tpu.memory_space<vmem>> -> memref<25008xf32, #tpu.memory_space<vmem>>
        %dma_wait3A_333 = tpu.memref_slice %arg7[%add3A_325] : memref<800000xf32, #tpu.memory_space<hbm>> -> memref<25008xf32, #tpu.memory_space<hbm>>
        %dma_wait3A_334 = tpu.memref_slice %arg7[%add3A_325] : memref<800000xf32, #tpu.memory_space<hbm>> -> memref<25008xf32, #tpu.memory_space<hbm>>
        %dma_wait3A_335 = arith.constant 24992 : i32
        %dma_wait3A_336 = tpu.memref_slice %arg9[%dma_wait3A_335] : memref<50000xf32, #tpu.memory_space<vmem>> -> memref<25008xf32, #tpu.memory_space<vmem>>
        tpu.wait_dma2 semaphore(%run_scoped3A : memref<!tpu.dma_semaphore, #tpu.memory_space<semaphore_mem>>) src(%dma_wait3A_336 : memref<25008xf32, #tpu.memory_space<vmem>>) dst(%dma_wait3A_334 : memref<25008xf32, #tpu.memory_space<hbm>>)
        tpu.yield
      }) : () -> ()
    } else {
    }
    %barrier3A_253 = arith.constant 0 : index
    tpu.barrier barrier_id(%barrier3A_253)
    %eq3A_254 = arith.constant 0 : i32
    %eq3A_255 = arith.cmpi eq, %select_n3A_30, %eq3A_254 : i32
    %convert_element_type3A_256 = arith.extui %eq3A_255 : i1 to i32
    %cond3A_257 = arith.constant 0 : i32
    %cond3A_258 = arith.cmpi ne, %convert_element_type3A_256, %cond3A_257 : i32
    scf.if %cond3A_258 {
      %add3A_265 = arith.constant 24992 : i32
      %add3A_266 = arith.addi %mul3A_216, %add3A_265 : i32
      "tpu.region"() ({
        %run_scoped3A = tpu.sem_alloc : memref<!tpu.dma_semaphore, #tpu.memory_space<semaphore_mem>>
        %dma_start3A_267 = arith.constant 24992 : i32
        %dma_start3A_268 = tpu.memref_slice %arg9[%dma_start3A_267] : memref<50000xf32, #tpu.memory_space<vmem>> -> memref<25008xf32, #tpu.memory_space<vmem>>
        %dma_start3A_269 = tpu.memref_slice %arg7[%add3A_266] : memref<800000xf32, #tpu.memory_space<hbm>> -> memref<25008xf32, #tpu.memory_space<hbm>>
        %dma_start3A_270 = arith.constant 24992 : i32
        %dma_start3A_271 = tpu.memref_slice %arg9[%dma_start3A_270] : memref<50000xf32, #tpu.memory_space<vmem>> -> memref<25008xf32, #tpu.memory_space<vmem>>
        %dma_start3A_272 = tpu.memref_slice %arg7[%add3A_266] : memref<800000xf32, #tpu.memory_space<hbm>> -> memref<25008xf32, #tpu.memory_space<hbm>>
        tpu.enqueue_dma source(%dma_start3A_272 : memref<25008xf32, #tpu.memory_space<hbm>>) target(%dma_start3A_271 : memref<25008xf32, #tpu.memory_space<vmem>>) target_semaphore(%run_scoped3A : memref<!tpu.dma_semaphore, #tpu.memory_space<semaphore_mem>>)
        %dma_wait3A = arith.constant 24992 : i32
        %dma_wait3A_273 = tpu.memref_slice %arg9[%dma_wait3A] : memref<50000xf32, #tpu.memory_space<vmem>> -> memref<25008xf32, #tpu.memory_space<vmem>>
        %dma_wait3A_274 = tpu.memref_slice %arg7[%add3A_266] : memref<800000xf32, #tpu.memory_space<hbm>> -> memref<25008xf32, #tpu.memory_space<hbm>>
        %dma_wait3A_275 = arith.constant 24992 : i32
        %dma_wait3A_276 = tpu.memref_slice %arg9[%dma_wait3A_275] : memref<50000xf32, #tpu.memory_space<vmem>> -> memref<25008xf32, #tpu.memory_space<vmem>>
        %dma_wait3A_277 = tpu.memref_slice %arg7[%add3A_266] : memref<800000xf32, #tpu.memory_space<hbm>> -> memref<25008xf32, #tpu.memory_space<hbm>>
        tpu.wait_dma2 semaphore(%run_scoped3A : memref<!tpu.dma_semaphore, #tpu.memory_space<semaphore_mem>>) src(%dma_wait3A_277 : memref<25008xf32, #tpu.memory_space<hbm>>) dst(%dma_wait3A_276 : memref<25008xf32, #tpu.memory_space<vmem>>)
        tpu.yield
      }) : () -> ()
    } else {
    }
    %eq3A_259 = arith.constant 1 : i32
    %eq3A_260 = arith.cmpi eq, %select_n3A_30, %eq3A_259 : i32
    %convert_element_type3A_261 = arith.extui %eq3A_260 : i1 to i32
    %cond3A_262 = arith.constant 0 : i32
    %cond3A_263 = arith.cmpi ne, %convert_element_type3A_261, %cond3A_262 : i32
    scf.if %cond3A_263 {
      %add3A_265 = arith.constant 0 : i32
      %add3A_266 = arith.addi %mul3A_216, %add3A_265 : i32
      "tpu.region"() ({
        %run_scoped3A = tpu.sem_alloc : memref<!tpu.dma_semaphore, #tpu.memory_space<semaphore_mem>>
        %dma_start3A_267 = arith.constant 0 : i32
        %dma_start3A_268 = tpu.memref_slice %arg9[%dma_start3A_267] : memref<50000xf32, #tpu.memory_space<vmem>> -> memref<24992xf32, #tpu.memory_space<vmem>>
        %dma_start3A_269 = tpu.memref_slice %arg7[%add3A_266] : memref<800000xf32, #tpu.memory_space<hbm>> -> memref<24992xf32, #tpu.memory_space<hbm>>
        %dma_start3A_270 = arith.constant 0 : i32
        %dma_start3A_271 = tpu.memref_slice %arg9[%dma_start3A_270] : memref<50000xf32, #tpu.memory_space<vmem>> -> memref<24992xf32, #tpu.memory_space<vmem>>
        %dma_start3A_272 = tpu.memref_slice %arg7[%add3A_266] : memref<800000xf32, #tpu.memory_space<hbm>> -> memref<24992xf32, #tpu.memory_space<hbm>>
        tpu.enqueue_dma source(%dma_start3A_272 : memref<24992xf32, #tpu.memory_space<hbm>>) target(%dma_start3A_271 : memref<24992xf32, #tpu.memory_space<vmem>>) target_semaphore(%run_scoped3A : memref<!tpu.dma_semaphore, #tpu.memory_space<semaphore_mem>>)
        %dma_wait3A = arith.constant 0 : i32
        %dma_wait3A_273 = tpu.memref_slice %arg9[%dma_wait3A] : memref<50000xf32, #tpu.memory_space<vmem>> -> memref<24992xf32, #tpu.memory_space<vmem>>
        %dma_wait3A_274 = tpu.memref_slice %arg7[%add3A_266] : memref<800000xf32, #tpu.memory_space<hbm>> -> memref<24992xf32, #tpu.memory_space<hbm>>
        %dma_wait3A_275 = arith.constant 0 : i32
        %dma_wait3A_276 = tpu.memref_slice %arg9[%dma_wait3A_275] : memref<50000xf32, #tpu.memory_space<vmem>> -> memref<24992xf32, #tpu.memory_space<vmem>>
        %dma_wait3A_277 = tpu.memref_slice %arg7[%add3A_266] : memref<800000xf32, #tpu.memory_space<hbm>> -> memref<24992xf32, #tpu.memory_space<hbm>>
        tpu.wait_dma2 semaphore(%run_scoped3A : memref<!tpu.dma_semaphore, #tpu.memory_space<semaphore_mem>>) src(%dma_wait3A_277 : memref<24992xf32, #tpu.memory_space<hbm>>) dst(%dma_wait3A_276 : memref<24992xf32, #tpu.memory_space<vmem>>)
        tpu.yield
      }) : () -> ()
    } else {
    }
    %barrier3A_264 = arith.constant 0 : index
    tpu.barrier barrier_id(%barrier3A_264)
    return
  }
}

</mosaic_0001>

<sc_bundles>
// kernel: kernel.3.cloned.1.call-start
scs
__scs_entry_jumppad:
0x0: {  	(pc) =	sbr.rel $0x88, $3  }
0x1: {  	(tag) =	ssettag $0x0;
	lr =	simm.s32 $0x1  }
0x2: {  	[smem:$0x3F9C] =	sst lr;
	_ =	strace $0xD0000000  }
0x3: {  	_ = 	snop  }
0x4: {  	_ = 	snop  }
0x5: {  	_ = 	snop  }
0x6: {  	_ = 	snop  }
0x7: {  	_ = 	snop  }
__scs_overlays_trampoline_lowered:
0x8: {  	[smem:$0x3FAB] =	sst s0  }
0x9: {  	[smem:$0x3FAC] =	sst s1  }
0xa: {  	[smem:$0x3FAD] =	sst s2  }
0xb: {  	[smem:$0x3FAE] =	sst s3  }
0xc: {  	[smem:$0x3FAF] =	sst s4  }
0xd: {  	[smem:$0x3FB0] =	sst s5  }
0xe: {  	[smem:$0x3FB1] =	sst s6  }
0xf: {  	[smem:$0x3FB2] =	sst s7  }
0x10: {  	[smem:$0x3FB3] =	sst s8  }
0x11: {  	[smem:$0x3FB4] =	sst s9;
	s0 =	simm.s32 @!p0 $0x0  }
0x12: {  	s1 =	sld [smem:$0x3F9A];
	s0 =	simm.s32 @p0 $0x1  }
0x13: {  	[smem:$0x3FB5] =	sst s0;
	s0 =	simm.s32 @!p1 $0x0  }
0x14: {  	s2 =	sld [smem:$0x3F99];
	s0 =	simm.s32 @p1 $0x1  }
0x15: {  	[smem:$0x3FB6] =	sst s0;
	s0 =	simm.s32 @!p2 $0x0  }
0x16: {  	s3 =	sld [smem:$0x3FDB];
	s0 =	simm.s32 @p2 $0x1  }
0x17: {  	s4 =	simm.s32 $0x1BF5;
	[smem:$0x3FB8] =	sst s0  }
0x18: {  	s0 =	sld [smem:$0x3F9B];
	_ =	swait.ge [sflag:s4], $0x0  }
0x19: {  	s7 =	sld [smem:$0x3F9C]  }
0x1a: {  	s8 =	sadd.s32 $0xFFFFE003, lr  }
0x1b: {  	s9 =	sadd.s32 $0xFFFFFEF7, lr;
	s5 =	simm.s32 $0xFFFFFFFF;
	p2 =	slt.u32 s8, $0xFFFFF086  }
0x1c: {  	p1 =	slt.u32 s9, $0xF7A;
	s5 =	simm.s32 @!p2 $0x0  }
0x1d: {  	s5 =	simm.s32 @p1 $0x1;
	p0 =	seq.s32 s7, s2  }
0x1e: {  	s7 =	smul.u32 @!p0 $0xF7A, s2;
	p2 =	seq.s32 @!p0 s5, $0x0  }
0x1f: {  	s9 =	smul.u32 $0xF7A, s1;
	s8 =	simm.s32 @!p0 $0x1BF5;
	p2 =	por !p2, p0  }
0x20: {  	[sflag:s8] =	ssyncset.s32 @!p0 $0xFFFFF086;
	s6 =	sadd.s32 @!p0 s3, s7;
	s7 =	simm.s32 @!p0 $0x108  }
0x21: {  	s3 =	sadd.s32 s3, s9;
	s6 =	sadd.s32 @!p0 $0x88, s6;
	s7 =	simm.s32 @p2 $0x1082  }
0x22: {  	[simem:s7], [sflag:s8] =	dma.local @!p0 [hbm:s6], $0xF7A  }
0x23: {  	s9 =	sor.u32 $0xD0000000, s2;
	s6 =	simm.s32 $0x108;
	_ =	swait.ge @!p0 [sflag:s8], $0x0  }
0x24: {  	s3 =	sadd.s32 $0x88, s3;
	s6 =	simm.s32 @!p1 $0x1082;
	[sflag:s4] =	ssyncset.s32 $0xFFFFF086  }
0x25: {  	[simem:s6], [sflag:s4] =	dma.local [hbm:s3], $0xF7A  }
0x26: {  	[smem:$0x3F9C] =	sst s1;
	(tag) =	ssettag s2;
	_ =	strace s9  }
0x27: {  	s1 =	sld [smem:$0x3FAC]  }
0x28: {  	s2 =	sld [smem:$0x3FAD]  }
0x29: {  	s4 =	sld [smem:$0x3FAF]  }
0x2a: {  	p0 =	seq.s32 s5, $0x0;
	s5 =	sld [smem:$0x3FB0]  }
0x2b: {  	s6 =	sld [smem:$0x3FB1]  }
0x2c: {  	s7 =	sld [smem:$0x3FB2]  }
0x2d: {  	s3 =	simm.s32 $0x108;
	s8 =	sld [smem:$0x3FB3]  }
0x2e: {  	s3 =	simm.s32 @!p0 $0x1082;
	s9 =	sld [smem:$0x3FB4]  }
0x2f: {  	lr =	sadd.s32 s0, s3;
	s0 =	sld [smem:$0x3FAB]  }
0x30: {  	s3 =	sld [smem:$0x3FAE]  }
0x31: {  	[smem:$0x3FB7] =	sst s10  }
0x32: {  	s10 =	sld [smem:$0x3FB5];
	_ =	sdelay $0x3  }
0x33: {  	p0 =	seq.s32 s10, $0x1;
	s10 =	sld [smem:$0x3FB7];
	_ =	sdelay $0x3  }
0x34: {  	[smem:$0x3FB7] =	sst s10  }
0x35: {  	s10 =	sld [smem:$0x3FB6];
	_ =	sdelay $0x3  }
0x36: {  	p1 =	seq.s32 s10, $0x1;
	s10 =	sld [smem:$0x3FB7];
	_ =	sdelay $0x3  }
0x37: {  	[smem:$0x3FB7] =	sst s10  }
0x38: {  	s10 =	sld [smem:$0x3FB8]  }
0x39: {  	_ = 	snop;
	(pc) =	sbr.ind lr, $3  }
0x3a: {  	_ = 	snop  }
0x3b: {  	_ = 	snop  }
0x3c: {  	p2 =	seq.s32 s10, $0x1;
	s10 =	sld [smem:$0x3FB7]  }
0x3d: {  	_ =	shalt  }
0x3e: {  	_ =	shalt  }
0x3f: {  	_ =	shalt  }
0x40: {  	_ =	shalt  }
0x41: {  	_ =	shalt  }
0x42: {  	_ =	shalt  }
0x43: {  	_ =	shalt  }
0x44: {  	_ =	shalt  }
0x45: {  	_ =	shalt  }
0x46: {  	_ =	shalt  }
0x47: {  	_ =	shalt  }
0x48: {  	_ =	shalt  }
0x49: {  	_ =	shalt  }
0x4a: {  	_ =	shalt  }
0x4b: {  	_ =	shalt  }
0x4c: {  	_ =	shalt  }
0x4d: {  	_ =	shalt  }
0x4e: {  	_ =	shalt  }
0x4f: {  	_ =	shalt  }
0x50: {  	_ =	shalt  }
0x51: {  	_ =	shalt  }
0x52: {  	_ =	shalt  }
0x53: {  	_ =	shalt  }
0x54: {  	_ =	shalt  }
0x55: {  	_ =	shalt  }
0x56: {  	_ =	shalt  }
0x57: {  	_ =	shalt  }
0x58: {  	_ =	shalt  }
0x59: {  	_ =	shalt  }
0x5a: {  	_ =	shalt  }
0x5b: {  	_ =	shalt  }
0x5c: {  	_ =	shalt  }
0x5d: {  	_ =	shalt  }
0x5e: {  	_ =	shalt  }
0x5f: {  	_ =	shalt  }
0x60: {  	_ =	shalt  }
0x61: {  	_ =	shalt  }
0x62: {  	_ =	shalt  }
0x63: {  	_ =	shalt  }
0x64: {  	_ =	shalt  }
0x65: {  	_ =	shalt  }
0x66: {  	_ =	shalt  }
0x67: {  	_ =	shalt  }
0x68: {  	_ =	shalt  }
0x69: {  	_ =	shalt  }
0x6a: {  	_ =	shalt  }
0x6b: {  	_ =	shalt  }
0x6c: {  	_ =	shalt  }
0x6d: {  	_ =	shalt  }
0x6e: {  	_ =	shalt  }
0x6f: {  	_ =	shalt  }
0x70: {  	_ =	shalt  }
0x71: {  	_ =	shalt  }
0x72: {  	_ =	shalt  }
0x73: {  	_ =	shalt  }
0x74: {  	_ =	shalt  }
0x75: {  	_ =	shalt  }
0x76: {  	_ =	shalt  }
0x77: {  	_ =	shalt  }
0x78: {  	_ =	shalt  }
0x79: {  	_ =	shalt  }
0x7a: {  	_ =	shalt  }
0x7b: {  	_ =	shalt  }
0x7c: {  	_ =	shalt  }
0x7d: {  	_ =	shalt  }
0x7e: {  	_ =	shalt  }
0x7f: {  	_ =	shalt  }
0x80: {  	_ =	shalt  }
0x81: {  	_ =	shalt  }
0x82: {  	_ =	shalt  }
0x83: {  	_ =	shalt  }
0x84: {  	_ =	shalt  }
0x85: {  	_ =	shalt  }
0x86: {  	_ =	shalt  }
0x87: {  	_ =	shalt  }
.Lfunc_end0:
.L_simem_size_0:
called_computation_lowered:
.L_overlay_start_0:
0x88: {  	s2 =	sld [smem:$0x3FD9]  }
0x89: {  	s3 =	sld [smem:$0x3FFE];
	_ =	sdelay $0x1  }
0x8a: {  	s1 =	srdreg.scid  }
0x8b: {  	s0 =	sand.u32 $0x1, s1  }
0x8c: {  	s17 =	sshll.u32 s0, $0xA;
	s2 =	sadd.s32 s3, s2  }
0x8d: {  	s2 =	sadd.s32 s2, s17  }
0x8e: {  	[smem:$0x3FC3] =	sst s2  }
0x8f: {  	_ = 	snop  }
0x90: {  	s2 =	sld [smem:$0x3FC8]  }
0x91: {  	s18 =	sld [smem:$0x3FD0];
	(tm) =	ssettm $0x1  }
0x92: {  	s4 =	sld [smem:$0x3FFB];
	_ =	sdelay $0x3  }
0x93: {  	_ =	strace s4  }
0x94: {  	s4 =	sld [smem:$0x3FFC];
	_ =	sdelay $0x3  }
0x95: {  	_ =	strace s4  }
0x96: {  	s4 =	sld [smem:$0x3FFD];
	_ =	sdelay $0x3  }
0x97: {  	_ =	strace s4  }
0x98: {  	_ =	strace $0x8FFFFFFF  }
0x99: {  	s19 =	sld [smem:$0x3FDB];
	_ =	sdelay $0x1  }
0x9a: {  	s5 =	simm.s32 $_scs_section_size  }
0x9b: {  	s6 =	simm.s32 $_size__tile_overlayer_lowered;
	s7 =	simm.s32 $_tile_overlayer_lowered  }
0x9c: {  	s22 =	simm.s32 $0x1BFF;
	s21 =	sshll.u32 s7, $0x1;
	s4 =	sadd.s32 s5, s19  }
0x9d: {  	s8 =	simm.s32 $0x0;
	s20 =	sshll.u32 s6, $0x1;
	s6 =	sadd.s32 s21, s4  }
0x9e: {  	[timem:s8], [sflag:s22] =	dma.local [hbm:s6], s20  }
0x9f: {  	_ =	swait.ge [sflag:s22], s20  }
0xa0: {  	s5 =	ssub.s32 $0x0, s20;
	[sflag:s22] =	ssyncset.done $0x0  }
0xa1: {  	[sflag:s22] =	ssyncadd.s32 s5;
	_ =	sdelay $0x1  }
0xa2: {  	s23 =	simm.s32 $0x1B8B  }
0xa3: {  	_ =	swait.ge [sflag:s23], $0x1  }
0xa4: {  	[sflag:s23] =	ssyncset.done $0x0  }
0xa5: {  	s25 =	simm.s32 $0x1B8E;
	s24 =	sld [smem:$0x3FFE];
	[sflag:s23] =	ssyncadd.s32 $0xFFFFFFFF  }
0xa6: {  	s26 =	simm.s32 $execute0_lowered;
	[smem:$0x3FD2] =	sst s25  }
0xa7: {  	s6 =	sshll.u32 s26, $0x1;
	_ =	strace $0x80000046;
	[dreg:$0x1] =	wrdreg $0xFFFFFFFF  }
0xa8: {  	s28 =	simm.s32 $_size_execute0_lowered;
	s4 =	sadd.s32 s4, s6;
	[dreg:$0x0] =	wrdreg $0x0  }
0xa9: {  	s6 =	sshll.u32 s28, $0x1;
	[dreg:$0x2] =	wrdreg s4  }
0xaa: {  	[dreg:$0x3] =	wrdreg s6  }
0xab: {  	[dreg:$0x4] =	wrdreg $0xC0  }
0xac: {  	_ =	task [dreg:s8], $0x5FFFF  }
0xad: {  	[dreg:$0x1] =	wrdreg $0xFFFFFFFF  }
0xae: {  	[dreg:$0x0] =	wrdreg $0x60  }
0xaf: {  	[dreg:$0x2] =	wrdreg s24  }
0xb0: {  	[dreg:$0x3] =	wrdreg s2  }
0xb1: {  	[dreg:$0x4] =	wrdreg s18  }
0xb2: {  	[dreg:$0x5] =	wrdreg $0x9  }
0xb3: {  	_ =	task.clear_ibuf [dreg:s8], $0x6FFFF;
	_ =	strace $0x90000046  }
0xb4: {  	s29 =	simm.s32 $0x9;
	_ =	strace $0x80000048  }
0xb5: {  	_ =	swait.ge [sflag:s29], $0x1  }
0xb6: {  	[sflag:s29] =	ssyncadd.s32 $0xFFFFFFFF  }
0xb7: {  	_ =	strace $0x90000048  }
0xb8: {  	_ =	sfence  }
0xb9: {  	s30 =	sld [smem:$0x0];
	_ =	sdelay $0x2  }
0xba: {  	s31 =	sshll.u32 s1, $0xD;
	s1 =	sshrl.u32 s1, $0x2  }
0xbb: {  	s3 =	sand.u32 $0x4000, s31;
	s1 =	sadd.s32 s1, s30  }
0xbc: {  	s0 =	sor.u32 s3, s0;
	s1 =	sshll.u32 s1, $0x11  }
0xbd: {  	s0 =	sor.u32 s1, s0  }
0xbe: {  	s0 =	sadd.s32 $0x8F2B, s0  }
0xbf: {  	[sflag:s0] =	ssyncadd.remote.s32 $0x1  }
0xc0: {  	_ =	sfence.sel $0xFFFF  }
0xc1: {  	[dreg:$0x0] =	wrdreg $0xFFFFFFFF;
	(pc) =	sbr.abs _section_cstart, $3  }
0xc2: {  	[dreg:$0x1] =	wrdreg $0xFFFFFFFF  }
0xc3: {  	_ =	task.clear_ibuf [dreg:s8], $0x2FFFF;
	_ =	strace $0x9FFFFFFF  }
0xc4: {  	(tm) =	ssettm $0x7FFFFFFF  }
0xc5: {  	_ =	shalt  }
tec
execute0_lowered:
.L_overlay_start_1:
0x0: {  	(tag) =	ssettag $0x1  }
0x1: {  	s0 =	rddreg [dreg:$0x0]  }
0x2: {  	s1 =	srdreg.scid;
	s2 =	rddreg [dreg:$0x1]  }
0x3: {  	s8 =	stileid.u32;
	s5 =	rddreg [dreg:$0x2]  }
0x4: {  	s3 =	simm.s32 $0x0;
	s28 =	simm.s32 $0x18700;
	s31 =	simm.s32 $0x1A800  }
0x5: {  	s1 =	sand.u32 $0x1, s1;
	s4 =	sand.u32 $0x7, s8;
	[smem:$0x7FF] =	sst s3  }
0x6: {  	s16 =	sadd.s32 $0x19600, s0;
	s18 =	sshrl.u32 s8, $0x3;
	s6 =	sshll.u32 s1, $0x3  }
0x7: {  	_ =	strace $0x80000047;
	s12 =	smul.u32 $0x61A80, s18;
	s6 =	sor.u32 s4, s6  }
0x8: {  	s1 =	ssub.s32 $0x2, s1;
	p0 =	seq.s32 s18, $0x0;
	s7 =	smul.u32 $0xC350, s6  }
0x9: {  	s18 =	simm.s32 $0x19780;
	s15 =	sshrl.u32 s1, $0x1;
	s9 =	smul.u32 $0x600, s6  }
0xa: {  	s4 =	sadd.s32 $0x1F600, s0;
	s1 =	ssub.s32 s1, s15;
	s15 =	smul.u32 $0x249F0, s6  }
0xb: {  	s13 =	sshll.u32 s6, $0x2;
	s10 =	sshrl.u32 s12, $0x3;
	s6 =	smul.u32 $0x3000, s6  }
0xc: {  	s11 =	sadd.s32 $0x1F40, s12;
	s12 =	sadd.s32 $0x2EE0, s12;
	s8 =	sadd.s32 s2, s10  }
0xd: {  	s30 =	smax.u32 s1, $0x1;
	s1 =	simm.s32 $0x1C800;
	s7 =	sshrl.u32 s7, $0x3  }
0xe: {  	s19 =	sadd.s32 s16, s9;
	s6 =	sshrl.u32 s6, $0x3;
	[dreg:$0xe] =	wrdreg s30  }
0xf: {  	s14 =	sadd.s32 s7, s0;
	s0 =	sadd.s32 s13, s0;
	[dreg:$0x5] =	wrdreg s19  }
0x10: {  	s7 =	sadd.s32 s4, s10;
	s10 =	sadd.s32 $0x1F4, s10;
	s20 =	sadd.s32 s16, s6  }
0x11: {  	s16 =	simm.s32 $0x19700;
	s17 =	sadd.s32 $0xE00, s14;
	s9 =	sadd.s32 s4, s10  }
0x12: {  	s10 =	sadd.s32 s2, s10;
	s22 =	sadd.s32 $0x200, s20;
	[dreg:$0x4] =	wrdreg s17  }
0x13: {  	s25 =	sadd.s32 $0x400, s20;
	s17 =	sshrl.u32 s15, $0x3;
	[dreg:$0x8] =	wrdreg s22  }
0x14: {  	s13 =	sadd.s32 $0x37E00, s14;
	[dreg:$0xb] =	wrdreg s25;
	s19 =	sadd.s32 s5, s17  }
0x15: {  	s14 =	sadd.s32 $0x38A34, s14;
	s21 =	sadd.s32 $0xC34, s19;
	[dreg:$0x6] =	wrdreg s19  }
0x16: {  	s20 =	simm.s32 $0xC380;
	s23 =	sadd.s32 $0x186A, s19;
	[dreg:$0x7] =	wrdreg s21  }
.Ltmp0:
0x17: {  	s24 =	sadd.s32 $0x249E, s19;
	[dreg:$0x9] =	wrdreg s23;
	(pc) =	sbr.rel .LBB2_1-.Ltmp0, $4  }
0x18: {  	s15 =	sadd.s32 $0x50602, s0;
	s26 =	sadd.s32 $0x30D4, s19;
	[dreg:$0xa] =	wrdreg s24  }
0x19: {  	s17 =	sadd.s32 $0x50600, s0;
	s29 =	sadd.s32 $0x3D08, s19;
	[dreg:$0xc] =	wrdreg s26  }
0x1a: {  	s0 =	simm.s32 $0x1;
	[dreg:$0xd] =	wrdreg s29;
	s26 =	simm.s32 $0x3  }
0x1b: {  	v0 =	vimm.f32 $0.0e+00;
	v1 =	vlaneseq.u32;
	s23 =	simm.s32 $0x2;
	s21 =	simm.s32 $0x61A0;
	s24 =	simm.s32 $0x0  }
.LBB2_61:
0x1c: {  	s24 =	sadd.s32 $0x1, s24;
	s5 =	rddreg [dreg:$0xe]  }
0x1d: {  	p1 =	sne.s32 s24, s5  }
.Ltmp1:
0x1e: {  	_ = 	snop;
	(pc) =	sbr.rel @!p1 .LBB2_62-.Ltmp1, $2  }
0x1f: {  	_ =	sdelay $0x1  }
0x20: {  	[bflag:$0x0] =	sbarrier.arrive $0xFFFF;
	_ =	sdelay $0x1  }
.LBB2_1:
0x21: {  	s5 =	rddreg [dreg:$0x4]  }
0x22: {  	[tilespmem:s3], [sflag:$0x3] =	stream.linear.gather [hbm4b:s5+s3], $0xC350, $0x38;
	[tilespmem:$0x1D800] =	vst v63  }
0x23: {  	_ =	swait.ge [sflag:s26], $0xC350  }
0x24: {  	[sflag:s26] =	ssyncset.done $0x0  }
0x25: {  	s30 =	rddreg [dreg:$0x5];
	[sflag:s26] =	ssyncadd.s32 $0xFFFF3CB0  }
0x26: {  	[tilespmem:s28], [sflag:$0x3] =	stream.linear.gather [hbm4b:s30+s3], $0x1000, $0x38;
	[tilespmem:$0x1D800] =	vst v63  }
0x27: {  	_ =	swait.ge [sflag:s26], $0x1000  }
0x28: {  	[sflag:s26] =	ssyncset.done $0x0  }
0x29: {  	s5 =	simm.s32 $0xC3A0;
	[sflag:s26] =	ssyncadd.s32 $0xFFFFF000  }
0x2a: {  	[tilespmem:s5+$0xFFFFFFE0] =	vst v0  }
0x2b: {  	[tilespmem:s5+$0x20] =	vst v0  }
0x2c: {  	[tilespmem:s5+$0x10] =	vst v0  }
0x2d: {  	s6 =	simm.s32 $0x0;
	[tilespmem:s5+$0x0] =	vst v0  }
.LBB2_2:
0x2e: {  	s6 =	sadd.s32 $0x5, s6  }
0x2f: {  	[tilespmem:s5+$0xFFFFFFF0] =	vst v0;
	s5 =	sadd.s32 $0x50, s5;
	p1 =	slt.u32 s6, $0xC30  }
.Ltmp2:
0x30: {  	[tilespmem:s5+$0xFFFFFFE0] =	vst v0;
	(pc) =	sbr.rel @p1 .LBB2_2-.Ltmp2, $4  }
0x31: {  	_ = 	snop  }
0x32: {  	[tilespmem:s5+$0x20] =	vst v0  }
0x33: {  	[tilespmem:s5+$0x10] =	vst v0  }
0x34: {  	[tilespmem:s5+$0x0] =	vst v0  }
0x35: {  	[tilespmem:s5+$0xFFFFFFF0] =	vst v0;
	s5 =	simm.s32 $0x0;
	s6 =	simm.s32 $0x19800  }
0x36: {  	[tilespmem:s6], [sflag:$0x1] =	stream.linear.gather [hbm4b:s7+s5], $0xFA0, $0x38;
	[tilespmem:$0x1D800] =	vst v63  }
0x37: {  	s30 =	simm.s32 $0x1B800  }
0x38: {  	[tilespmem:s30], [sflag:$0x1] =	stream.linear.gather [hbm4b:s8+s5], $0xFA0, $0x38;
	[tilespmem:$0x1D800] =	vst v63  }
0x39: {  	_ = 	snop  }
0x3a: {  	[tilespmem:s31], [sflag:$0x2] =	stream.linear.gather [hbm4b:s9+s5], $0xFA0, $0x38;
	[tilespmem:$0x1D800] =	vst v63  }
0x3b: {  	s6 =	simm.s32 $0x0  }
0x3c: {  	[tilespmem:s1], [sflag:$0x2] =	stream.linear.gather [hbm4b:s10+s5], $0xFA0, $0x38;
	[tilespmem:$0x1D800] =	vst v63  }
.LBB2_4:
0x3d: {  	_ =	swait.ge [sflag:s0], $0xFA0  }
0x3e: {  	[sflag:s0] =	ssyncset.done $0x0  }
0x3f: {  	[sflag:s0] =	ssyncadd.s32 $0xFFFFF060  }
0x40: {  	_ =	swait.ge [sflag:s0], $0xFA0  }
0x41: {  	[sflag:s0] =	ssyncset.done $0x0  }
0x42: {  	s22 =	simm.s32 $0x19850;
	[sflag:s0] =	ssyncadd.s32 $0xFFFFF060  }
0x43: {  	s19 =	simm.s32 $0x1B850;
	v2 =	vld [tilespmem:s22+$0x40]  }
0x44: {  	s25 =	sand.u32 $0xFE0, s5;
	v3 =	vld [tilespmem:s19+$0x40]  }
0x45: {  	v4 =	vld [tilespmem:s25+$0x19880]  }
0x46: {  	v5 =	vld [tilespmem:s25+$0x1B880]  }
0x47: {  	v6 =	vld [tilespmem:s19+$0xFFFFFFB0]  }
0x48: {  	v7 =	vld [tilespmem:s19+$0xFFFFFFC0]  }
0x49: {  	v8 =	vld [tilespmem:s19+$0xFFFFFFD0]  }
0x4a: {  	v10 =	vld [tilespmem:s19+$0xFFFFFFE0]  }
0x4b: {  	v11 =	vld [tilespmem:s19+$0xFFFFFFF0]  }
0x4c: {  	v13 =	vld [tilespmem:s19+$0x0]  }
0x4d: {  	v14 =	vld [tilespmem:s19+$0x10]  }
0x4e: {  	v15 =	vld [tilespmem:s19+$0x20]  }
0x4f: {  	v16 =	vld [tilespmem:s22+$0xFFFFFFC0]  }
0x50: {  	v54 =	vld [tilespmem:s22+$0xFFFFFFB0]  }
0x51: {  	v17 =	vld [tilespmem:s22+$0xFFFFFFD0]  }
0x52: {  	v18 =	vld [tilespmem:s22+$0xFFFFFFE0];
	v9 =	vshrl.u32 v2, $0x10  }
0x53: {  	v19 =	vld [tilespmem:s22+$0xFFFFFFF0];
	v12 =	vshrl.u32 v4, $0x10  }
0x54: {  	v48 =	vld [tilespmem:s22+$0x0];
	v57 =	vshrl.u32 v16, $0x10  }
0x55: {  	v50 =	vld [tilespmem:s22+$0x10];
	v3 =	vshll.u32 v3, $0x4;
	v58 =	vshrl.u32 v54, $0x10  }
0x56: {  	v52 =	vld [tilespmem:s22+$0x20];
	v3 =	vor.u32 v1, v3  }
0x57: {  	v20 =	vshrl.u32 v17, $0x10;
	v9 =	vld.idx.msk [tilespmem:v9+s3+$0x0], $0xffff  }
0x58: {  	v21 =	vshrl.u32 v18, $0x10;
	v12 =	vld.idx.msk [tilespmem:v12+s3+$0x0], $0xffff  }
0x59: {  	v5 =	vshll.u32 v5, $0x4;
	v55 =	vshll.u32 v14, $0x4;
	v22 =	vshrl.u32 v19, $0x10;
	v14 =	vld.idx.msk [tilespmem:v57+s3+$0x0], $0xffff  }
0x5a: {  	v56 =	vshll.u32 v15, $0x4;
	v5 =	vor.u32 v1, v5;
	v15 =	vld.idx.msk [tilespmem:v58+s3+$0x0], $0xffff  }
0x5b: {  	v23 =	vshrl.u32 v48, $0x10;
	v3 =	vld.idx.msk [tilespmem:v3+s28+$0x0], $0xffff  }
0x5c: {  	v24 =	vshrl.u32 v50, $0x10;
	v20 =	vld.idx.msk [tilespmem:v20+s3+$0x0], $0xffff  }
0x5d: {  	v2 =	vand.u32 $0xFFFF, v2;
	v6 =	vshll.u32 v6, $0x4;
	v21 =	vld.idx.msk [tilespmem:v21+s3+$0x0], $0xffff  }
0x5e: {  	v6 =	vor.u32 v1, v6;
	v22 =	vld.idx.msk [tilespmem:v22+s3+$0x0], $0xffff  }
0x5f: {  	v53 =	vshll.u32 v13, $0x4;
	v25 =	vshrl.u32 v52, $0x10;
	v5 =	vld.idx.msk [tilespmem:v5+s28+$0x0], $0xffff  }
0x60: {  	v49 =	vshll.u32 v10, $0x4;
	v10 =	vor.u32 v1, v53;
	v23 =	vld.idx.msk [tilespmem:v23+s3+$0x0], $0xffff;
	v3 =	vmul.f32 v9, v3  }
0x61: {  	v4 =	vand.u32 $0xFFFF, v4;
	v7 =	vshll.u32 v7, $0x4;
	v59 =	vld.idx.msk [tilespmem:v24+s3+$0x0], $0xffff  }
0x62: {  	[tilespmem:v2+s20+$0x0] =	vst.idx.add.f32.msk $0xffff, v3;
	v2 =	vor.u32 v1, v7  }
0x63: {  	v13 =	vor.u32 v1, v56;
	v6 =	vld.idx.msk [tilespmem:v6+s28+$0x0], $0xffff;
	v3 =	vshll.u32 v8, $0x4  }
0x64: {  	v60 =	vld.idx.msk [tilespmem:v25+s3+$0x0], $0xffff;
	v5 =	vmul.f32 v12, v5;
	v3 =	vor.u32 v1, v3  }
0x65: {  	v51 =	vshll.u32 v11, $0x4;
	v11 =	vand.u32 $0xFFFF, v54;
	v10 =	vld.idx.msk [tilespmem:v10+s28+$0x0], $0xffff  }
0x66: {  	[tilespmem:v4+s20+$0x0] =	vst.idx.add.f32.msk $0xffff, v5;
	v7 =	vor.u32 v1, v51  }
0x67: {  	v4 =	vor.u32 v1, v49;
	v2 =	vld.idx.msk [tilespmem:v2+s28+$0x0], $0xffff  }
0x68: {  	v13 =	vld.idx.msk [tilespmem:v13+s28+$0x0], $0xffff;
	v12 =	vor.u32 v1, v55;
	v6 =	vmul.f32 v15, v6  }
0x69: {  	v16 =	vand.u32 $0xFFFF, v16;
	v3 =	vld.idx.msk [tilespmem:v3+s28+$0x0], $0xffff  }
0x6a: {  	v61 =	vand.u32 $0xFFFF, v52;
	[tilespmem:v11+s20+$0x0] =	vst.idx.add.f32.msk $0xffff, v6  }
0x6b: {  	v17 =	vand.u32 $0xFFFF, v17;
	v7 =	vld.idx.msk [tilespmem:v7+s28+$0x0], $0xffff  }
0x6c: {  	v9 =	vand.u32 $0xFFFF, v48;
	v4 =	vld.idx.msk [tilespmem:v4+s28+$0x0], $0xffff;
	v2 =	vmul.f32 v14, v2  }
0x6d: {  	v19 =	vand.u32 $0xFFFF, v19;
	v63 =	vmul.f32 v60, v13;
	v12 =	vld.idx.msk [tilespmem:v12+s28+$0x0], $0xffff  }
0x6e: {  	v18 =	vand.u32 $0xFFFF, v18;
	[tilespmem:v16+s20+$0x0] =	vst.idx.add.f32.msk $0xffff, v2;
	v2 =	vmul.f32 v20, v3  }
0x6f: {  	v62 =	vmul.f32 v23, v10;
	[tilespmem:v61+s20+$0x0] =	vst.idx.add.f32.msk $0xffff, v63;
	v3 =	vand.u32 $0xFFFF, v50  }
0x70: {  	[tilespmem:v17+s20+$0x0] =	vst.idx.add.f32.msk $0xffff, v2;
	v2 =	vmul.f32 v22, v7  }
0x71: {  	[tilespmem:v9+s20+$0x0] =	vst.idx.add.f32.msk $0xffff, v62;
	v4 =	vmul.f32 v21, v4  }
0x72: {  	[tilespmem:v19+s20+$0x0] =	vst.idx.add.f32.msk $0xffff, v2;
	v2 =	vmul.f32 v59, v12  }
0x73: {  	[tilespmem:v18+s20+$0x0] =	vst.idx.add.f32.msk $0xffff, v4  }
0x74: {  	s29 =	simm.s32 $0x0;
	s22 =	simm.s32 $0x0;
	s25 =	simm.s32 $0x198F0;
	[tilespmem:v3+s20+$0x0] =	vst.idx.add.f32.msk $0xffff, v2  }
.LBB2_5:
0x75: {  	v2 =	vld [tilespmem:s25+$0x40];
	s19 =	sadd.s32 $0xA0, s19;
	s29 =	sadd.s32 $0xA0, s29  }
0x76: {  	s30 =	sand.u32 $0xFE0, s29;
	v3 =	vld [tilespmem:s19+$0x40]  }
0x77: {  	s22 =	sadd.s32 $0xA, s22;
	v4 =	vld [tilespmem:s30+$0x19880]  }
0x78: {  	p1 =	slt.u32 s22, $0xF0;
	v5 =	vld [tilespmem:s30+$0x1B880]  }
0x79: {  	v6 =	vld [tilespmem:s19+$0xFFFFFFB0]  }
0x7a: {  	v7 =	vld [tilespmem:s19+$0xFFFFFFC0]  }
0x7b: {  	v9 =	vshrl.u32 v2, $0x10;
	v8 =	vld [tilespmem:s19+$0xFFFFFFD0];
	v3 =	vshll.u32 v3, $0x4  }
0x7c: {  	v10 =	vld [tilespmem:s19+$0xFFFFFFE0];
	v3 =	vor.u32 v1, v3  }
0x7d: {  	v12 =	vshrl.u32 v4, $0x10;
	v11 =	vld [tilespmem:s19+$0xFFFFFFF0];
	v5 =	vshll.u32 v5, $0x4  }
0x7e: {  	v6 =	vshll.u32 v6, $0x4;
	v13 =	vld [tilespmem:s19+$0x0];
	v5 =	vor.u32 v1, v5  }
0x7f: {  	v6 =	vor.u32 v1, v6;
	v7 =	vshll.u32 v7, $0x4;
	v14 =	vld [tilespmem:s19+$0x10]  }
0x80: {  	v7 =	vor.u32 v1, v7;
	v8 =	vshll.u32 v8, $0x4;
	v9 =	vld.idx.msk [tilespmem:v9+s3+$0x0], $0xffff  }
0x81: {  	v8 =	vor.u32 v1, v8;
	v10 =	vshll.u32 v10, $0x4;
	v3 =	vld.idx.msk [tilespmem:v3+s28+$0x0], $0xffff  }
0x82: {  	v10 =	vor.u32 v1, v10;
	v11 =	vshll.u32 v11, $0x4;
	v12 =	vld.idx.msk [tilespmem:v12+s3+$0x0], $0xffff  }
0x83: {  	v11 =	vor.u32 v1, v11;
	v13 =	vshll.u32 v13, $0x4;
	v5 =	vld.idx.msk [tilespmem:v5+s28+$0x0], $0xffff  }
0x84: {  	v13 =	vor.u32 v1, v13;
	v14 =	vshll.u32 v14, $0x4;
	v15 =	vld [tilespmem:s19+$0x20]  }
0x85: {  	v2 =	vand.u32 $0xFFFF, v2;
	v16 =	vld [tilespmem:s25+$0xFFFFFFC0];
	v14 =	vor.u32 v1, v14  }
0x86: {  	v4 =	vand.u32 $0xFFFF, v4;
	v17 =	vld [tilespmem:s25+$0xFFFFFFD0]  }
0x87: {  	v18 =	vld [tilespmem:s25+$0xFFFFFFE0]  }
0x88: {  	v3 =	vmul.f32 v9, v3;
	v19 =	vld [tilespmem:s25+$0xFFFFFFF0]  }
0x89: {  	v5 =	vmul.f32 v12, v5;
	v9 =	vld [tilespmem:s25+$0x0];
	v15 =	vshll.u32 v15, $0x4  }
0x8a: {  	v12 =	vshrl.u32 v16, $0x10;
	v16 =	vand.u32 $0xFFFF, v16;
	v15 =	vor.u32 v1, v15;
	[tilespmem:v2+s20+$0x0] =	vst.idx.add.f32.msk $0xffff, v3  }
0x8b: {  	v2 =	vshrl.u32 v17, $0x10;
	v3 =	vand.u32 $0xFFFF, v17;
	[tilespmem:v4+s20+$0x0] =	vst.idx.add.f32.msk $0xffff, v5  }
0x8c: {  	v4 =	vshrl.u32 v18, $0x10;
	v5 =	vand.u32 $0xFFFF, v18;
	v17 =	vld [tilespmem:s25+$0x10]  }
0x8d: {  	v18 =	vshrl.u32 v19, $0x10;
	v19 =	vand.u32 $0xFFFF, v19;
	v20 =	vld [tilespmem:s25+$0x20]  }
0x8e: {  	v21 =	vld [tilespmem:s25+$0xFFFFFFB0];
	v22 =	vshrl.u32 v9, $0x10;
	v9 =	vand.u32 $0xFFFF, v9  }
0x8f: {  	v6 =	vld.idx.msk [tilespmem:v6+s28+$0x0], $0xffff  }
0x90: {  	v7 =	vld.idx.msk [tilespmem:v7+s28+$0x0], $0xffff  }
0x91: {  	v8 =	vld.idx.msk [tilespmem:v8+s28+$0x0], $0xffff;
	v23 =	vshrl.u32 v17, $0x10;
	v17 =	vand.u32 $0xFFFF, v17  }
0x92: {  	v10 =	vld.idx.msk [tilespmem:v10+s28+$0x0], $0xffff;
	v24 =	vshrl.u32 v20, $0x10;
	v20 =	vand.u32 $0xFFFF, v20  }
0x93: {  	v25 =	vshrl.u32 v21, $0x10;
	v21 =	vand.u32 $0xFFFF, v21;
	v11 =	vld.idx.msk [tilespmem:v11+s28+$0x0], $0xffff  }
0x94: {  	v13 =	vld.idx.msk [tilespmem:v13+s28+$0x0], $0xffff  }
0x95: {  	v14 =	vld.idx.msk [tilespmem:v14+s28+$0x0], $0xffff  }
0x96: {  	v15 =	vld.idx.msk [tilespmem:v15+s28+$0x0], $0xffff  }
0x97: {  	v12 =	vld.idx.msk [tilespmem:v12+s3+$0x0], $0xffff  }
0x98: {  	v25 =	vld.idx.msk [tilespmem:v25+s3+$0x0], $0xffff  }
0x99: {  	v2 =	vld.idx.msk [tilespmem:v2+s3+$0x0], $0xffff  }
0x9a: {  	v4 =	vld.idx.msk [tilespmem:v4+s3+$0x0], $0xffff  }
0x9b: {  	v18 =	vld.idx.msk [tilespmem:v18+s3+$0x0], $0xffff  }
0x9c: {  	v22 =	vld.idx.msk [tilespmem:v22+s3+$0x0], $0xffff  }
0x9d: {  	v7 =	vmul.f32 v12, v7;
	v12 =	vld.idx.msk [tilespmem:v23+s3+$0x0], $0xffff  }
0x9e: {  	v6 =	vmul.f32 v25, v6;
	v23 =	vld.idx.msk [tilespmem:v24+s3+$0x0], $0xffff  }
0x9f: {  	v2 =	vmul.f32 v2, v8;
	[tilespmem:v16+s20+$0x0] =	vst.idx.add.f32.msk $0xffff, v7  }
0xa0: {  	v4 =	vmul.f32 v4, v10;
	[tilespmem:v21+s20+$0x0] =	vst.idx.add.f32.msk $0xffff, v6  }
0xa1: {  	[tilespmem:v3+s20+$0x0] =	vst.idx.add.f32.msk $0xffff, v2;
	v2 =	vmul.f32 v18, v11  }
.Ltmp3:
0xa2: {  	v3 =	vmul.f32 v22, v13;
	[tilespmem:v5+s20+$0x0] =	vst.idx.add.f32.msk $0xffff, v4;
	(pc) =	sbr.rel @p1 .LBB2_5-.Ltmp3, $4  }
0xa3: {  	[tilespmem:v19+s20+$0x0] =	vst.idx.add.f32.msk $0xffff, v2;
	v2 =	vmul.f32 v12, v14  }
0xa4: {  	[tilespmem:v9+s20+$0x0] =	vst.idx.add.f32.msk $0xffff, v3;
	v3 =	vmul.f32 v23, v15  }
0xa5: {  	[tilespmem:v17+s20+$0x0] =	vst.idx.add.f32.msk $0xffff, v2  }
0xa6: {  	s25 =	sadd.s32 $0xA0, s25;
	[tilespmem:v20+s20+$0x0] =	vst.idx.add.f32.msk $0xffff, v3  }
0xa7: {  	p1 =	seq.s32 s6, $0x31  }
0xa8: {  	s19 =	smul.u32 @!p1 $0x1F40, s6;
	_ =	sdelay $0x1  }
0xa9: {  	s19 =	sadd.s32 @!p1 s19, s11  }
0xaa: {  	s19 =	sshrl.u32 @!p1 s19, $0x3  }
0xab: {  	s25 =	simm.s32 @!p1 $0x0;
	s29 =	simm.s32 @!p1 $0x19800;
	s22 =	sadd.s32 @!p1 s4, s19  }
0xac: {  	[tilespmem:s29], [sflag:$0x1] =	stream.linear.gather @!p1 [hbm4b:s22+s25], $0xFA0, $0x38;
	[tilespmem:$0x1D800] =	vst v63  }
0xad: {  	s19 =	sadd.s32 @!p1 s2, s19;
	s22 =	simm.s32 @!p1 $0x1B800  }
0xae: {  	[tilespmem:s22], [sflag:$0x1] =	stream.linear.gather @!p1 [hbm4b:s19+s25], $0xFA0, $0x38;
	[tilespmem:$0x1D800] =	vst v63  }
0xaf: {  	_ =	swait.ge [sflag:s23], $0xFA0  }
0xb0: {  	[sflag:s23] =	ssyncset.done $0x0  }
0xb1: {  	[sflag:s23] =	ssyncadd.s32 $0xFFFFF060  }
0xb2: {  	_ =	swait.ge [sflag:s23], $0xFA0  }
0xb3: {  	[sflag:s23] =	ssyncset.done $0x0  }
0xb4: {  	s30 =	simm.s32 $0x1A850;
	[sflag:s23] =	ssyncadd.s32 $0xFFFFF060  }
0xb5: {  	s19 =	simm.s32 $0x1C850;
	s22 =	simm.s32 $0x0;
	v2 =	vld [tilespmem:s30+$0x40]  }
0xb6: {  	s29 =	sand.u32 $0xFE0, s22;
	v3 =	vld [tilespmem:s19+$0x40]  }
0xb7: {  	v4 =	vld [tilespmem:s29+$0x1A880]  }
0xb8: {  	v5 =	vld [tilespmem:s29+$0x1C880]  }
0xb9: {  	v6 =	vld [tilespmem:s19+$0xFFFFFFB0]  }
0xba: {  	v7 =	vld [tilespmem:s19+$0xFFFFFFC0]  }
0xbb: {  	v8 =	vld [tilespmem:s19+$0xFFFFFFD0]  }
0xbc: {  	v10 =	vld [tilespmem:s19+$0xFFFFFFE0]  }
0xbd: {  	v11 =	vld [tilespmem:s19+$0xFFFFFFF0]  }
0xbe: {  	v13 =	vld [tilespmem:s19+$0x0]  }
0xbf: {  	v14 =	vld [tilespmem:s19+$0x10]  }
0xc0: {  	v15 =	vld [tilespmem:s19+$0x20]  }
0xc1: {  	v16 =	vld [tilespmem:s30+$0xFFFFFFC0]  }
0xc2: {  	v54 =	vld [tilespmem:s30+$0xFFFFFFB0]  }
0xc3: {  	v17 =	vld [tilespmem:s30+$0xFFFFFFD0]  }
0xc4: {  	v18 =	vld [tilespmem:s30+$0xFFFFFFE0];
	v9 =	vshrl.u32 v2, $0x10  }
0xc5: {  	v19 =	vld [tilespmem:s30+$0xFFFFFFF0];
	v12 =	vshrl.u32 v4, $0x10  }
0xc6: {  	v48 =	vld [tilespmem:s30+$0x0];
	v57 =	vshrl.u32 v16, $0x10  }
0xc7: {  	v50 =	vld [tilespmem:s30+$0x10];
	v3 =	vshll.u32 v3, $0x4;
	v58 =	vshrl.u32 v54, $0x10  }
0xc8: {  	v52 =	vld [tilespmem:s30+$0x20];
	v3 =	vor.u32 v1, v3  }
0xc9: {  	v20 =	vshrl.u32 v17, $0x10;
	v9 =	vld.idx.msk [tilespmem:v9+s3+$0x0], $0xffff  }
0xca: {  	v21 =	vshrl.u32 v18, $0x10;
	v12 =	vld.idx.msk [tilespmem:v12+s3+$0x0], $0xffff  }
0xcb: {  	v5 =	vshll.u32 v5, $0x4;
	v55 =	vshll.u32 v14, $0x4;
	v22 =	vshrl.u32 v19, $0x10;
	v14 =	vld.idx.msk [tilespmem:v57+s3+$0x0], $0xffff  }
0xcc: {  	v56 =	vshll.u32 v15, $0x4;
	v5 =	vor.u32 v1, v5;
	v15 =	vld.idx.msk [tilespmem:v58+s3+$0x0], $0xffff  }
0xcd: {  	v23 =	vshrl.u32 v48, $0x10;
	v3 =	vld.idx.msk [tilespmem:v3+s28+$0x0], $0xffff  }
0xce: {  	v24 =	vshrl.u32 v50, $0x10;
	v20 =	vld.idx.msk [tilespmem:v20+s3+$0x0], $0xffff  }
0xcf: {  	v2 =	vand.u32 $0xFFFF, v2;
	v6 =	vshll.u32 v6, $0x4;
	v21 =	vld.idx.msk [tilespmem:v21+s3+$0x0], $0xffff  }
0xd0: {  	v6 =	vor.u32 v1, v6;
	v22 =	vld.idx.msk [tilespmem:v22+s3+$0x0], $0xffff  }
0xd1: {  	v53 =	vshll.u32 v13, $0x4;
	v25 =	vshrl.u32 v52, $0x10;
	v5 =	vld.idx.msk [tilespmem:v5+s28+$0x0], $0xffff  }
0xd2: {  	v49 =	vshll.u32 v10, $0x4;
	v10 =	vor.u32 v1, v53;
	v23 =	vld.idx.msk [tilespmem:v23+s3+$0x0], $0xffff;
	v3 =	vmul.f32 v9, v3  }
0xd3: {  	v4 =	vand.u32 $0xFFFF, v4;
	v7 =	vshll.u32 v7, $0x4;
	v59 =	vld.idx.msk [tilespmem:v24+s3+$0x0], $0xffff  }
0xd4: {  	[tilespmem:v2+s20+$0x0] =	vst.idx.add.f32.msk $0xffff, v3;
	v2 =	vor.u32 v1, v7  }
0xd5: {  	v13 =	vor.u32 v1, v56;
	v6 =	vld.idx.msk [tilespmem:v6+s28+$0x0], $0xffff;
	v3 =	vshll.u32 v8, $0x4  }
0xd6: {  	v60 =	vld.idx.msk [tilespmem:v25+s3+$0x0], $0xffff;
	v5 =	vmul.f32 v12, v5;
	v3 =	vor.u32 v1, v3  }
0xd7: {  	v51 =	vshll.u32 v11, $0x4;
	v11 =	vand.u32 $0xFFFF, v54;
	v10 =	vld.idx.msk [tilespmem:v10+s28+$0x0], $0xffff  }
0xd8: {  	[tilespmem:v4+s20+$0x0] =	vst.idx.add.f32.msk $0xffff, v5;
	v7 =	vor.u32 v1, v51  }
0xd9: {  	v4 =	vor.u32 v1, v49;
	v2 =	vld.idx.msk [tilespmem:v2+s28+$0x0], $0xffff  }
0xda: {  	v13 =	vld.idx.msk [tilespmem:v13+s28+$0x0], $0xffff;
	v12 =	vor.u32 v1, v55;
	v6 =	vmul.f32 v15, v6  }
0xdb: {  	v16 =	vand.u32 $0xFFFF, v16;
	v3 =	vld.idx.msk [tilespmem:v3+s28+$0x0], $0xffff  }
0xdc: {  	v61 =	vand.u32 $0xFFFF, v52;
	[tilespmem:v11+s20+$0x0] =	vst.idx.add.f32.msk $0xffff, v6  }
0xdd: {  	v17 =	vand.u32 $0xFFFF, v17;
	v7 =	vld.idx.msk [tilespmem:v7+s28+$0x0], $0xffff  }
0xde: {  	v9 =	vand.u32 $0xFFFF, v48;
	v4 =	vld.idx.msk [tilespmem:v4+s28+$0x0], $0xffff;
	v2 =	vmul.f32 v14, v2  }
0xdf: {  	v19 =	vand.u32 $0xFFFF, v19;
	v63 =	vmul.f32 v60, v13;
	v12 =	vld.idx.msk [tilespmem:v12+s28+$0x0], $0xffff  }
0xe0: {  	v18 =	vand.u32 $0xFFFF, v18;
	[tilespmem:v16+s20+$0x0] =	vst.idx.add.f32.msk $0xffff, v2;
	v2 =	vmul.f32 v20, v3  }
0xe1: {  	v62 =	vmul.f32 v23, v10;
	[tilespmem:v61+s20+$0x0] =	vst.idx.add.f32.msk $0xffff, v63;
	v3 =	vand.u32 $0xFFFF, v50  }
0xe2: {  	[tilespmem:v17+s20+$0x0] =	vst.idx.add.f32.msk $0xffff, v2;
	v2 =	vmul.f32 v22, v7  }
0xe3: {  	[tilespmem:v9+s20+$0x0] =	vst.idx.add.f32.msk $0xffff, v62;
	v4 =	vmul.f32 v21, v4  }
0xe4: {  	[tilespmem:v19+s20+$0x0] =	vst.idx.add.f32.msk $0xffff, v2;
	v2 =	vmul.f32 v59, v12  }
0xe5: {  	[tilespmem:v18+s20+$0x0] =	vst.idx.add.f32.msk $0xffff, v4  }
0xe6: {  	s25 =	simm.s32 $0x0;
	s29 =	simm.s32 $0x1A8F0;
	[tilespmem:v3+s20+$0x0] =	vst.idx.add.f32.msk $0xffff, v2  }
.LBB2_7:
0xe7: {  	v2 =	vld [tilespmem:s29+$0x40];
	s19 =	sadd.s32 $0xA0, s19;
	s22 =	sadd.s32 $0xA0, s22  }
0xe8: {  	s30 =	sand.u32 $0xFE0, s22;
	v3 =	vld [tilespmem:s19+$0x40]  }
0xe9: {  	s25 =	sadd.s32 $0xA, s25;
	v4 =	vld [tilespmem:s30+$0x1A880]  }
0xea: {  	p2 =	slt.u32 s25, $0xF0;
	v5 =	vld [tilespmem:s30+$0x1C880]  }
0xeb: {  	v6 =	vld [tilespmem:s19+$0xFFFFFFB0]  }
0xec: {  	v7 =	vld [tilespmem:s19+$0xFFFFFFC0]  }
0xed: {  	v9 =	vshrl.u32 v2, $0x10;
	v8 =	vld [tilespmem:s19+$0xFFFFFFD0];
	v3 =	vshll.u32 v3, $0x4  }
0xee: {  	v10 =	vld [tilespmem:s19+$0xFFFFFFE0];
	v3 =	vor.u32 v1, v3  }
0xef: {  	v12 =	vshrl.u32 v4, $0x10;
	v11 =	vld [tilespmem:s19+$0xFFFFFFF0];
	v5 =	vshll.u32 v5, $0x4  }
0xf0: {  	v6 =	vshll.u32 v6, $0x4;
	v13 =	vld [tilespmem:s19+$0x0];
	v5 =	vor.u32 v1, v5  }
0xf1: {  	v6 =	vor.u32 v1, v6;
	v7 =	vshll.u32 v7, $0x4;
	v14 =	vld [tilespmem:s19+$0x10]  }
0xf2: {  	v7 =	vor.u32 v1, v7;
	v8 =	vshll.u32 v8, $0x4;
	v9 =	vld.idx.msk [tilespmem:v9+s3+$0x0], $0xffff  }
0xf3: {  	v8 =	vor.u32 v1, v8;
	v10 =	vshll.u32 v10, $0x4;
	v3 =	vld.idx.msk [tilespmem:v3+s28+$0x0], $0xffff  }
0xf4: {  	v10 =	vor.u32 v1, v10;
	v11 =	vshll.u32 v11, $0x4;
	v12 =	vld.idx.msk [tilespmem:v12+s3+$0x0], $0xffff  }
0xf5: {  	v11 =	vor.u32 v1, v11;
	v13 =	vshll.u32 v13, $0x4;
	v5 =	vld.idx.msk [tilespmem:v5+s28+$0x0], $0xffff  }
0xf6: {  	v13 =	vor.u32 v1, v13;
	v14 =	vshll.u32 v14, $0x4;
	v15 =	vld [tilespmem:s19+$0x20]  }
0xf7: {  	v2 =	vand.u32 $0xFFFF, v2;
	v16 =	vld [tilespmem:s29+$0xFFFFFFC0];
	v14 =	vor.u32 v1, v14  }
0xf8: {  	v4 =	vand.u32 $0xFFFF, v4;
	v17 =	vld [tilespmem:s29+$0xFFFFFFD0]  }
0xf9: {  	v18 =	vld [tilespmem:s29+$0xFFFFFFE0]  }
0xfa: {  	v3 =	vmul.f32 v9, v3;
	v19 =	vld [tilespmem:s29+$0xFFFFFFF0]  }
0xfb: {  	v5 =	vmul.f32 v12, v5;
	v9 =	vld [tilespmem:s29+$0x0];
	v15 =	vshll.u32 v15, $0x4  }
0xfc: {  	v12 =	vshrl.u32 v16, $0x10;
	v16 =	vand.u32 $0xFFFF, v16;
	v15 =	vor.u32 v1, v15;
	[tilespmem:v2+s20+$0x0] =	vst.idx.add.f32.msk $0xffff, v3  }
0xfd: {  	v2 =	vshrl.u32 v17, $0x10;
	v3 =	vand.u32 $0xFFFF, v17;
	[tilespmem:v4+s20+$0x0] =	vst.idx.add.f32.msk $0xffff, v5  }
0xfe: {  	v4 =	vshrl.u32 v18, $0x10;
	v5 =	vand.u32 $0xFFFF, v18;
	v17 =	vld [tilespmem:s29+$0x10]  }
0xff: {  	v18 =	vshrl.u32 v19, $0x10;
	v19 =	vand.u32 $0xFFFF, v19;
	v20 =	vld [tilespmem:s29+$0x20]  }
0x100: {  	v21 =	vld [tilespmem:s29+$0xFFFFFFB0];
	v22 =	vshrl.u32 v9, $0x10;
	v9 =	vand.u32 $0xFFFF, v9  }
0x101: {  	v6 =	vld.idx.msk [tilespmem:v6+s28+$0x0], $0xffff  }
0x102: {  	v7 =	vld.idx.msk [tilespmem:v7+s28+$0x0], $0xffff  }
0x103: {  	v8 =	vld.idx.msk [tilespmem:v8+s28+$0x0], $0xffff;
	v23 =	vshrl.u32 v17, $0x10;
	v17 =	vand.u32 $0xFFFF, v17  }
0x104: {  	v10 =	vld.idx.msk [tilespmem:v10+s28+$0x0], $0xffff;
	v24 =	vshrl.u32 v20, $0x10;
	v20 =	vand.u32 $0xFFFF, v20  }
0x105: {  	v25 =	vshrl.u32 v21, $0x10;
	v21 =	vand.u32 $0xFFFF, v21;
	v11 =	vld.idx.msk [tilespmem:v11+s28+$0x0], $0xffff  }
0x106: {  	v13 =	vld.idx.msk [tilespmem:v13+s28+$0x0], $0xffff  }
0x107: {  	v14 =	vld.idx.msk [tilespmem:v14+s28+$0x0], $0xffff  }
0x108: {  	v15 =	vld.idx.msk [tilespmem:v15+s28+$0x0], $0xffff  }
0x109: {  	v12 =	vld.idx.msk [tilespmem:v12+s3+$0x0], $0xffff  }
0x10a: {  	v25 =	vld.idx.msk [tilespmem:v25+s3+$0x0], $0xffff  }
0x10b: {  	v2 =	vld.idx.msk [tilespmem:v2+s3+$0x0], $0xffff  }
0x10c: {  	v4 =	vld.idx.msk [tilespmem:v4+s3+$0x0], $0xffff  }
0x10d: {  	v18 =	vld.idx.msk [tilespmem:v18+s3+$0x0], $0xffff  }
0x10e: {  	v22 =	vld.idx.msk [tilespmem:v22+s3+$0x0], $0xffff  }
0x10f: {  	v7 =	vmul.f32 v12, v7;
	v12 =	vld.idx.msk [tilespmem:v23+s3+$0x0], $0xffff  }
0x110: {  	v6 =	vmul.f32 v25, v6;
	v23 =	vld.idx.msk [tilespmem:v24+s3+$0x0], $0xffff  }
0x111: {  	v2 =	vmul.f32 v2, v8;
	[tilespmem:v16+s20+$0x0] =	vst.idx.add.f32.msk $0xffff, v7  }
0x112: {  	v4 =	vmul.f32 v4, v10;
	[tilespmem:v21+s20+$0x0] =	vst.idx.add.f32.msk $0xffff, v6  }
0x113: {  	[tilespmem:v3+s20+$0x0] =	vst.idx.add.f32.msk $0xffff, v2;
	v2 =	vmul.f32 v18, v11  }
.Ltmp4:
0x114: {  	v3 =	vmul.f32 v22, v13;
	[tilespmem:v5+s20+$0x0] =	vst.idx.add.f32.msk $0xffff, v4;
	(pc) =	sbr.rel @p2 .LBB2_7-.Ltmp4, $4  }
0x115: {  	[tilespmem:v19+s20+$0x0] =	vst.idx.add.f32.msk $0xffff, v2;
	v2 =	vmul.f32 v12, v14  }
0x116: {  	[tilespmem:v9+s20+$0x0] =	vst.idx.add.f32.msk $0xffff, v3;
	v3 =	vmul.f32 v23, v15  }
0x117: {  	[tilespmem:v17+s20+$0x0] =	vst.idx.add.f32.msk $0xffff, v2  }
0x118: {  	s29 =	sadd.s32 $0xA0, s29;
	[tilespmem:v20+s20+$0x0] =	vst.idx.add.f32.msk $0xffff, v3  }
.Ltmp5:
0x119: {  	(pc) =	sbr.rel @p1 .LBB2_10-.Ltmp5, $1  }
0x11a: {  	_ =	sdelay $0x3  }
0x11b: {  	s19 =	smul.u32 $0x1F40, s6;
	_ =	sdelay $0x1  }
0x11c: {  	s19 =	sadd.s32 s19, s12  }
.Ltmp6:
0x11d: {  	s19 =	sshrl.u32 s19, $0x3;
	(pc) =	sbr.rel .LBB2_4-.Ltmp6, $4  }
0x11e: {  	s22 =	sadd.s32 s4, s19  }
0x11f: {  	[tilespmem:s31], [sflag:$0x2] =	stream.linear.gather [hbm4b:s22+s3], $0xFA0, $0x38;
	[tilespmem:$0x1D800] =	vst v63  }
0x120: {  	s6 =	sadd.s32 $0x1, s6;
	s19 =	sadd.s32 s2, s19  }
0x121: {  	[tilespmem:s1], [sflag:$0x2] =	stream.linear.gather [hbm4b:s19+s3], $0xFA0, $0x38;
	[tilespmem:$0x1D800] =	vst v63  }
.LBB2_10:
.Ltmp7:
0x122: {  	(pc) =	sbr.rel @p0 .LBB2_16-.Ltmp7, $1  }
0x123: {  	_ =	sdelay $0x3  }
0x124: {  	s5 =	simm.s32 $0x0  }
0x125: {  	[hbm4b:s13+s5] =	stream.linear.scatter [tilespmem:s20], [sflag:$0x3], $0x61A0, $0x38;
	[tilespmem:$0x1D800] =	vst v63  }
0x126: {  	_ =	swait.ge [sflag:s26], $0x61A0  }
0x127: {  	[sflag:s26] =	ssyncset.done $0x0  }
0x128: {  	[sflag:s26] =	ssyncadd.s32 $0xFFFF9E60  }
0x129: {  	[bflag:$0x0] =	sbarrier.arrive $0xFFFF  }
0x12a: {  	[tilespmem:s21], [sflag:$0x3] =	stream.linear.gather [hbm4b:s14+s5], $0x61B0, $0x38;
	[tilespmem:$0x1D800] =	vst v63  }
0x12b: {  	_ =	swait.ge [sflag:s26], $0x61B0  }
0x12c: {  	[sflag:s26] =	ssyncset.done $0x0  }
0x12d: {  	s5 =	simm.s32 $0x0;
	[sflag:s26] =	ssyncadd.s32 $0xFFFF9E50  }
0x12e: {  	v3 =	vld [tilespmem:s5+$0x12520]  }
0x12f: {  	v6 =	vld [tilespmem:s5+$0x61A0]  }
0x130: {  	v7 =	vld [tilespmem:s5+$0x12530]  }
0x131: {  	v9 =	vld [tilespmem:s5+$0x61B0]  }
0x132: {  	v2 =	vld [tilespmem:s5+$0x12540]  }
0x133: {  	v4 =	vld [tilespmem:s5+$0x61C0]  }
0x134: {  	v8 =	vadd.f32 v3, v6;
	v3 =	vld [tilespmem:s5+$0x12550]  }
0x135: {  	v5 =	vimm.f32 $0.0e+00;
	v6 =	vld [tilespmem:s5+$0x61D0]  }
0x136: {  	s6 =	simm.s32 $0x0;
	s19 =	simm.s32 $0x140;
	v7 =	vadd.f32 v7, v9;
	[tilespmem:s5+$0x61A0] =	vst v8;
	v8 =	vadd.f32 v8, v5;
	v5 =	vld [tilespmem:s5+$0x12560]  }
.LBB2_12:
0x137: {  	s22 =	sshra.s32 s19, $0x2;
	v9 =	vld [tilespmem:s5+$0x61E0]  }
0x138: {  	s6 =	sadd.s32 $0x5, s6;
	v10 =	vld [tilespmem:s22+$0x12520];
	[tilespmem:s5+$0x61B0] =	vst v7;
	v7 =	vadd.f32 v7, v8;
	v2 =	vadd.f32 v2, v4  }
0x139: {  	p1 =	slt.u32 s6, $0x613;
	v8 =	vld [tilespmem:s22+$0x61A0]  }
0x13a: {  	v11 =	vld [tilespmem:s22+$0x12530];
	[tilespmem:s5+$0x61C0] =	vst v2;
	v4 =	vadd.f32 v2, v7;
	v3 =	vadd.f32 v3, v6  }
0x13b: {  	v7 =	vld [tilespmem:s22+$0x61B0]  }
.Ltmp8:
0x13c: {  	v2 =	vld [tilespmem:s22+$0x12540];
	[tilespmem:s5+$0x61D0] =	vst v3;
	v6 =	vadd.f32 v3, v4;
	v5 =	vadd.f32 v5, v9;
	(pc) =	sbr.rel @p1 .LBB2_12-.Ltmp8, $4  }
0x13d: {  	v4 =	vld [tilespmem:s22+$0x61C0]  }
0x13e: {  	v8 =	vadd.f32 v10, v8;
	v3 =	vld [tilespmem:s22+$0x12550];
	[tilespmem:s5+$0x61E0] =	vst v5;
	v5 =	vadd.f32 v5, v6;
	s5 =	smov.u32 s22  }
0x13f: {  	v6 =	vld [tilespmem:s5+$0x61D0]  }
0x140: {  	s19 =	sadd.s32 $0x140, s19;
	[tilespmem:s5+$0x61A0] =	vst v8;
	v8 =	vadd.f32 v8, v5;
	v7 =	vadd.f32 v11, v7;
	v5 =	vld [tilespmem:s5+$0x12560]  }
0x141: {  	v9 =	vld [tilespmem:s5+$0x61E0]  }
0x142: {  	v8 =	vadd.f32 v7, v8;
	v2 =	vadd.f32 v2, v4;
	_ =	sdelay $0x1  }
0x143: {  	v4 =	vadd.f32 v2, v8;
	v3 =	vadd.f32 v3, v6  }
0x144: {  	[tilespmem:s5+$0x61B0] =	vst v7  }
0x145: {  	[tilespmem:s5+$0x61C0] =	vst v2;
	v2 =	vadd.f32 v3, v4;
	v4 =	vadd.f32 v5, v9  }
0x146: {  	[tilespmem:s5+$0x61D0] =	vst v3  }
0x147: {  	[tilespmem:s5+$0x61E0] =	vst v4  }
0x148: {  	v3 =	vld [tilespmem:$0xC320]  }
0x149: {  	v2 =	vadd.f32 v4, v2;
	v4 =	vld [tilespmem:$0x186A0]  }
0x14a: {  	v5 =	vld [tilespmem:$0xC330]  }
0x14b: {  	v6 =	vld [tilespmem:$0x186B0]  }
0x14c: {  	v7 =	vld [tilespmem:$0xC340]  }
0x14d: {  	v8 =	vld [tilespmem:$0x186C0]  }
0x14e: {  	v3 =	vadd.f32 v4, v3;
	_ =	sdelay $0x1  }
0x14f: {  	v4 =	vadd.f32 v6, v5;
	v2 =	vadd.f32 v3, v2;
	_ =	sdelay $0x1  }
0x150: {  	v5 =	vadd.f32 v8, v7;
	v2 =	vadd.f32 v4, v2  }
0x151: {  	[tilespmem:$0xC320] =	vst v3  }
0x152: {  	[tilespmem:$0xC330] =	vst v4;
	v2 =	vadd.f32 v5, v2  }
0x153: {  	[tilespmem:$0xC340] =	vst v5  }
0x154: {  	[tilespmem:$0x19700] =	vst v2  }
0x155: {  	[hbm4b:s15+s3] =	stream.linear.scatter [tilespmem:s16], [sflag:$0x3], $0x10, $0x38;
	[tilespmem:$0x1D800] =	vst v63  }
0x156: {  	_ =	swait.ge [sflag:s26], $0x10  }
0x157: {  	[sflag:s26] =	ssyncset.done $0x0  }
0x158: {  	[sflag:s26] =	ssyncadd.s32 $0xFFFFFFF0  }
0x159: {  	[bflag:$0x0] =	sbarrier.arrive $0xFFFF  }
0x15a: {  	[tilespmem:s18], [sflag:$0x3] =	stream.linear.gather [hbm4b:s17+s3], $0x10, $0x38;
	[tilespmem:$0x1D800] =	vst v63  }
0x15b: {  	_ =	swait.ge [sflag:s26], $0x10  }
0x15c: {  	[sflag:s26] =	ssyncset.done $0x0  }
0x15d: {  	[sflag:s26] =	ssyncadd.s32 $0xFFFFFFF0  }
0x15e: {  	v2 =	vld [tilespmem:$0x19700]  }
0x15f: {  	v3 =	vld [tilespmem:$0x19780];
	_ =	sdelay $0x4  }
0x160: {  	v2 =	vadd.f32 v3, v2;
	_ =	sdelay $0x1  }
0x161: {  	(xrf2) =	vadd.scan.msk.f32 $0xffff, v2;
	_ =	sdelay $0x9  }
0x162: {  	v2, _, _ =	vpop (xrf2)  }
0x163: {  	v2 =	vadd.f32 $9.999999970e-07, v2;
	_ =	sdelay $0x1  }
0x164: {  	v2 =	vbroadcast v2, $0xF;
	_ =	sdelay $0x1  }
0x165: {  	(erf) = vrcp.f32 v2;
	_ =	sdelay $0x3  }
0x166: {  	s5 =	simm.s32 $0x61E0  }
0x167: {  	v3 =	vld [tilespmem:s5+$0xFFFFFFC0];
	_ =	sdelay $0x1  }
0x168: {  	v5 =	vld [tilespmem:s5+$0xFFFFFFD0]  }
0x169: {  	v7 =	vld [tilespmem:s5+$0xFFFFFFE0]  }
0x16a: {  	v4 =	vld [tilespmem:s5+$0x0];
	v2 =	vpop (erf)  }
0x16b: {  	v8 =	vmul.f32 v3, v2;
	v3 =	vld [tilespmem:s5+$0xFFFFFFF0];
	_ =	sdelay $0x1  }
0x16c: {  	v6 =	vmul.f32 v5, v2  }
0x16d: {  	s6 =	simm.s32 $0x0;
	s19 =	simm.s32 $0x6230;
	v5 =	vmul.f32 v7, v2;
	[tilespmem:s5+$0xFFFFFFC0] =	vst v8  }
.LBB2_14:
0x16e: {  	v7 =	vld [tilespmem:s19+$0xFFFFFFC0];
	[tilespmem:s5+$0xFFFFFFD0] =	vst v6;
	v4 =	vmul.f32 v4, v2  }
0x16f: {  	s6 =	sadd.s32 $0x5, s6;
	v6 =	vld [tilespmem:s19+$0xFFFFFFD0];
	[tilespmem:s5+$0xFFFFFFE0] =	vst v5;
	v3 =	vmul.f32 v3, v2  }
0x170: {  	p1 =	slt.u32 s6, $0x613;
	v5 =	vld [tilespmem:s19+$0xFFFFFFE0];
	[tilespmem:s5+$0x0] =	vst v4  }
.Ltmp9:
0x171: {  	v4 =	vld [tilespmem:s19+$0x0];
	[tilespmem:s5+$0xFFFFFFF0] =	vst v3;
	s5 =	smov.u32 s19;
	(pc) =	sbr.rel @p1 .LBB2_14-.Ltmp9, $4  }
0x172: {  	v3 =	vld [tilespmem:s19+$0xFFFFFFF0]  }
0x173: {  	v7 =	vmul.f32 v7, v2  }
0x174: {  	v6 =	vmul.f32 v6, v2  }
0x175: {  	s19 =	sadd.s32 $0x50, s19;
	[tilespmem:s5+$0xFFFFFFC0] =	vst v7;
	v5 =	vmul.f32 v5, v2  }
0x176: {  	[tilespmem:s5+$0xFFFFFFD0] =	vst v6;
	v4 =	vmul.f32 v4, v2  }
0x177: {  	[tilespmem:s5+$0xFFFFFFE0] =	vst v5;
	v3 =	vmul.f32 v3, v2  }
0x178: {  	[tilespmem:s5+$0x0] =	vst v4  }
0x179: {  	[tilespmem:s5+$0xFFFFFFF0] =	vst v3  }
0x17a: {  	v3 =	vld [tilespmem:$0xC320]  }
0x17b: {  	v4 =	vld [tilespmem:$0xC330]  }
0x17c: {  	v5 =	vld [tilespmem:$0xC340];
	_ =	sdelay $0x2  }
0x17d: {  	v3 =	vmul.f32 v3, v2  }
0x17e: {  	v4 =	vmul.f32 v4, v2  }
0x17f: {  	v2 =	vmul.f32 v5, v2;
	[tilespmem:$0xC320] =	vst v3  }
0x180: {  	[tilespmem:$0xC330] =	vst v4  }
0x181: {  	s30 =	rddreg [dreg:$0x7];
	[tilespmem:$0xC340] =	vst v2  }
0x182: {  	[hbm4b:s30+s3] =	stream.linear.scatter [tilespmem:s21], [sflag:$0x3], $0x61B0, $0x38;
	[tilespmem:$0x1D800] =	vst v63  }
0x183: {  	_ =	swait.ge [sflag:s26], $0x61B0  }
0x184: {  	[sflag:s26] =	ssyncset.done $0x0  }
0x185: {  	[sflag:s26] =	ssyncadd.s32 $0xFFFF9E50  }
0x186: {  	[hbm4b:s14+s3] =	stream.linear.scatter [tilespmem:s21], [sflag:$0x3], $0x61B0, $0x38;
	[tilespmem:$0x1D800] =	vst v63  }
0x187: {  	_ =	swait.ge [sflag:s26], $0x61B0  }
0x188: {  	[sflag:s26] =	ssyncset.done $0x0  }
0x189: {  	[sflag:s26] =	ssyncadd.s32 $0xFFFF9E50  }
.Ltmp10:
0x18a: {  	[bflag:$0x0] =	sbarrier.arrive $0xFFFF;
	(pc) =	sbr.rel .LBB2_21-.Ltmp10, $4  }
0x18b: {  	[tilespmem:s3], [sflag:$0x3] =	stream.linear.gather [hbm4b:s13+s3], $0x61A0, $0x38;
	[tilespmem:$0x1D800] =	vst v63  }
0x18c: {  	_ =	swait.ge [sflag:s26], $0x61A0  }
0x18d: {  	[sflag:s26] =	ssyncset.done $0x0  }
0x18e: {  	[sflag:s26] =	ssyncadd.s32 $0xFFFF9E60  }
.LBB2_16:
0x18f: {  	s5 =	simm.s32 $0x12520  }
0x190: {  	[hbm4b:s14+s3] =	stream.linear.scatter [tilespmem:s5], [sflag:$0x3], $0x61B0, $0x38;
	[tilespmem:$0x1D800] =	vst v63  }
0x191: {  	_ =	swait.ge [sflag:s26], $0x61B0  }
0x192: {  	[sflag:s26] =	ssyncset.done $0x0  }
0x193: {  	[sflag:s26] =	ssyncadd.s32 $0xFFFF9E50  }
0x194: {  	[bflag:$0x0] =	sbarrier.arrive $0xFFFF  }
0x195: {  	[tilespmem:s3], [sflag:$0x3] =	stream.linear.gather [hbm4b:s13+s3], $0x61A0, $0x38;
	[tilespmem:$0x1D800] =	vst v63  }
0x196: {  	_ =	swait.ge [sflag:s26], $0x61A0  }
0x197: {  	[sflag:s26] =	ssyncset.done $0x0  }
0x198: {  	s6 =	simm.s32 $0x20;
	[sflag:s26] =	ssyncadd.s32 $0xFFFF9E60  }
0x199: {  	s5 =	simm.s32 $0xC3A0;
	v2 =	vld [tilespmem:s6+$0xFFFFFFE0]  }
0x19a: {  	v3 =	vld [tilespmem:s5+$0xFFFFFFE0];
	_ =	sdelay $0x4  }
0x19b: {  	v2 =	vadd.f32 v3, v2;
	_ =	sdelay $0x1  }
0x19c: {  	v3 =	vld [tilespmem:s6+$0xFFFFFFF0];
	[tilespmem:s6+$0xFFFFFFE0] =	vst v2  }
0x19d: {  	v4 =	vld [tilespmem:s5+$0xFFFFFFF0];
	_ =	sdelay $0x4  }
0x19e: {  	v3 =	vadd.f32 v4, v3;
	_ =	sdelay $0x1  }
0x19f: {  	v4 =	vld [tilespmem:s6+$0x0];
	[tilespmem:s6+$0xFFFFFFF0] =	vst v3  }
0x1a0: {  	v5 =	vld [tilespmem:s5+$0x0];
	_ =	sdelay $0x4  }
0x1a1: {  	v4 =	vadd.f32 v5, v4;
	_ =	sdelay $0x1  }
0x1a2: {  	v5 =	vld [tilespmem:s6+$0x10];
	[tilespmem:s6+$0x0] =	vst v4  }
0x1a3: {  	v6 =	vld [tilespmem:s5+$0x10];
	_ =	sdelay $0x4  }
0x1a4: {  	v5 =	vadd.f32 v6, v5  }
0x1a5: {  	v62 =	vimm.f32 $0.0e+00  }
0x1a6: {  	v63 =	vld [tilespmem:s6+$0x20];
	v2 =	vadd.f32 v2, v62;
	[tilespmem:s6+$0x10] =	vst v5  }
0x1a7: {  	v7 =	vld [tilespmem:s5+$0x20]  }
0x1a8: {  	v2 =	vadd.f32 v3, v2;
	_ =	sdelay $0x1  }
0x1a9: {  	v2 =	vadd.f32 v4, v2;
	_ =	sdelay $0x1  }
0x1aa: {  	v2 =	vadd.f32 v5, v2;
	v3 =	vadd.f32 v7, v63  }
0x1ab: {  	s19 =	simm.s32 $0x0;
	s22 =	simm.s32 $0x70  }
.LBB2_17:
0x1ac: {  	v4 =	vld [tilespmem:s22+$0xFFFFFFE0];
	[tilespmem:s6+$0x20] =	vst v3;
	v2 =	vadd.f32 v3, v2;
	s5 =	sadd.s32 $0x50, s5;
	s6 =	smov.u32 s22  }
0x1ad: {  	s19 =	sadd.s32 $0x5, s19;
	v3 =	vld [tilespmem:s5+$0xFFFFFFE0]  }
0x1ae: {  	p1 =	slt.u32 s19, $0x613;
	_ =	sdelay $0x3  }
0x1af: {  	v3 =	vadd.f32 v3, v4;
	_ =	sdelay $0x1  }
0x1b0: {  	[tilespmem:s22+$0xFFFFFFE0] =	vst v3;
	v2 =	vadd.f32 v3, v2;
	v3 =	vld [tilespmem:s22+$0xFFFFFFF0]  }
0x1b1: {  	v4 =	vld [tilespmem:s5+$0xFFFFFFF0];
	_ =	sdelay $0x4  }
0x1b2: {  	v3 =	vadd.f32 v4, v3;
	_ =	sdelay $0x1  }
0x1b3: {  	[tilespmem:s22+$0xFFFFFFF0] =	vst v3;
	v2 =	vadd.f32 v3, v2;
	v3 =	vld [tilespmem:s22+$0x0]  }
0x1b4: {  	v4 =	vld [tilespmem:s5+$0x0];
	_ =	sdelay $0x4  }
0x1b5: {  	v3 =	vadd.f32 v4, v3;
	_ =	sdelay $0x1  }
0x1b6: {  	[tilespmem:s22+$0x0] =	vst v3;
	v2 =	vadd.f32 v3, v2;
	v3 =	vld [tilespmem:s22+$0x10]  }
0x1b7: {  	v4 =	vld [tilespmem:s5+$0x10];
	_ =	sdelay $0x4  }
0x1b8: {  	v3 =	vadd.f32 v4, v3;
	_ =	sdelay $0x1  }
0x1b9: {  	[tilespmem:s22+$0x10] =	vst v3;
	v2 =	vadd.f32 v3, v2;
	v3 =	vld [tilespmem:s22+$0x20]  }
0x1ba: {  	v4 =	vld [tilespmem:s5+$0x20];
	_ =	sdelay $0x1  }
.Ltmp11:
0x1bb: {  	(pc) =	sbr.rel @p1 .LBB2_17-.Ltmp11, $3  }
0x1bc: {  	_ =	sdelay $0x1  }
0x1bd: {  	v3 =	vadd.f32 v4, v3  }
0x1be: {  	s22 =	sadd.s32 $0x50, s22  }
0x1bf: {  	[tilespmem:s6+$0x20] =	vst v3  }
0x1c0: {  	v4 =	vld [tilespmem:$0x6180]  }
0x1c1: {  	v5 =	vld [tilespmem:$0x12500]  }
0x1c2: {  	v6 =	vld [tilespmem:$0x6190]  }
0x1c3: {  	v7 =	vld [tilespmem:$0x12510];
	_ =	sdelay $0x2  }
0x1c4: {  	v2 =	vadd.f32 v3, v2;
	v3 =	vadd.f32 v5, v4;
	_ =	sdelay $0x1  }
0x1c5: {  	v4 =	vadd.f32 v7, v6;
	v2 =	vadd.f32 v3, v2;
	_ =	sdelay $0x1  }
0x1c6: {  	[tilespmem:$0x6180] =	vst v3;
	v2 =	vadd.f32 v4, v2  }
0x1c7: {  	[tilespmem:$0x6190] =	vst v4  }
0x1c8: {  	[tilespmem:$0x19700] =	vst v2  }
0x1c9: {  	[hbm4b:s17+s3] =	stream.linear.scatter [tilespmem:s16], [sflag:$0x3], $0x10, $0x38;
	[tilespmem:$0x1D800] =	vst v63  }
0x1ca: {  	_ =	swait.ge [sflag:s26], $0x10  }
0x1cb: {  	[sflag:s26] =	ssyncset.done $0x0  }
0x1cc: {  	[sflag:s26] =	ssyncadd.s32 $0xFFFFFFF0  }
0x1cd: {  	[bflag:$0x0] =	sbarrier.arrive $0xFFFF  }
0x1ce: {  	[tilespmem:s18], [sflag:$0x3] =	stream.linear.gather [hbm4b:s15+s3], $0x10, $0x38;
	[tilespmem:$0x1D800] =	vst v63  }
0x1cf: {  	_ =	swait.ge [sflag:s26], $0x10  }
0x1d0: {  	[sflag:s26] =	ssyncset.done $0x0  }
0x1d1: {  	[sflag:s26] =	ssyncadd.s32 $0xFFFFFFF0  }
0x1d2: {  	v2 =	vld [tilespmem:$0x19700]  }
0x1d3: {  	v3 =	vld [tilespmem:$0x19780];
	_ =	sdelay $0x4  }
0x1d4: {  	v2 =	vadd.f32 v3, v2;
	_ =	sdelay $0x1  }
0x1d5: {  	(xrf2) =	vadd.scan.msk.f32 $0xffff, v2;
	_ =	sdelay $0x9  }
0x1d6: {  	v2, _, _ =	vpop (xrf2)  }
0x1d7: {  	v2 =	vadd.f32 $9.999999970e-07, v2;
	_ =	sdelay $0x1  }
0x1d8: {  	v2 =	vbroadcast v2, $0xF;
	_ =	sdelay $0x1  }
0x1d9: {  	(erf) = vrcp.f32 v2;
	_ =	sdelay $0x3  }
0x1da: {  	s5 =	simm.s32 $0x20  }
0x1db: {  	v3 =	vld [tilespmem:s5+$0xFFFFFFE0];
	_ =	sdelay $0x2  }
0x1dc: {  	v5 =	vld [tilespmem:s5+$0x0]  }
0x1dd: {  	v7 =	vld [tilespmem:s5+$0x10];
	v2 =	vpop (erf)  }
0x1de: {  	v8 =	vmul.f32 v3, v2;
	v3 =	vld [tilespmem:s5+$0x20]  }
0x1df: {  	v4 =	vld [tilespmem:s5+$0xFFFFFFF0];
	_ =	sdelay $0x1  }
0x1e0: {  	v6 =	vmul.f32 v5, v2  }
0x1e1: {  	s6 =	simm.s32 $0x0;
	s19 =	simm.s32 $0x70;
	v5 =	vmul.f32 v7, v2;
	[tilespmem:s5+$0xFFFFFFE0] =	vst v8  }
.LBB2_19:
0x1e2: {  	v7 =	vld [tilespmem:s19+$0xFFFFFFE0];
	[tilespmem:s5+$0x0] =	vst v6;
	v3 =	vmul.f32 v3, v2  }
0x1e3: {  	s6 =	sadd.s32 $0x5, s6;
	v6 =	vld [tilespmem:s19+$0x0];
	v4 =	vmul.f32 v4, v2;
	[tilespmem:s5+$0x10] =	vst v5  }
0x1e4: {  	p1 =	slt.u32 s6, $0x613;
	v5 =	vld [tilespmem:s19+$0x10];
	[tilespmem:s5+$0x20] =	vst v3  }
.Ltmp12:
0x1e5: {  	v3 =	vld [tilespmem:s19+$0x20];
	[tilespmem:s5+$0xFFFFFFF0] =	vst v4;
	s5 =	smov.u32 s19;
	(pc) =	sbr.rel @p1 .LBB2_19-.Ltmp12, $4  }
0x1e6: {  	v4 =	vld [tilespmem:s19+$0xFFFFFFF0]  }
0x1e7: {  	v7 =	vmul.f32 v7, v2  }
0x1e8: {  	v6 =	vmul.f32 v6, v2  }
0x1e9: {  	s19 =	sadd.s32 $0x50, s19;
	[tilespmem:s5+$0xFFFFFFE0] =	vst v7;
	v5 =	vmul.f32 v5, v2  }
0x1ea: {  	[tilespmem:s5+$0x0] =	vst v6;
	v3 =	vmul.f32 v3, v2  }
0x1eb: {  	v4 =	vmul.f32 v4, v2;
	[tilespmem:s5+$0x10] =	vst v5  }
0x1ec: {  	[tilespmem:s5+$0x20] =	vst v3  }
0x1ed: {  	[tilespmem:s5+$0xFFFFFFF0] =	vst v4  }
0x1ee: {  	v3 =	vld [tilespmem:$0x6180]  }
0x1ef: {  	v4 =	vld [tilespmem:$0x6190];
	_ =	sdelay $0x3  }
0x1f0: {  	v3 =	vmul.f32 v3, v2  }
0x1f1: {  	v2 =	vmul.f32 v4, v2  }
0x1f2: {  	[tilespmem:$0x6180] =	vst v3  }
0x1f3: {  	s30 =	rddreg [dreg:$0x6];
	[tilespmem:$0x6190] =	vst v2  }
0x1f4: {  	[hbm4b:s30+s3] =	stream.linear.scatter [tilespmem:s3], [sflag:$0x3], $0x61A0, $0x38;
	[tilespmem:$0x1D800] =	vst v63  }
0x1f5: {  	_ =	swait.ge [sflag:s26], $0x61A0  }
0x1f6: {  	[sflag:s26] =	ssyncset.done $0x0  }
0x1f7: {  	[sflag:s26] =	ssyncadd.s32 $0xFFFF9E60  }
0x1f8: {  	[hbm4b:s13+s3] =	stream.linear.scatter [tilespmem:s3], [sflag:$0x3], $0x61A0, $0x38;
	[tilespmem:$0x1D800] =	vst v63  }
0x1f9: {  	_ =	swait.ge [sflag:s26], $0x61A0  }
0x1fa: {  	[sflag:s26] =	ssyncset.done $0x0  }
0x1fb: {  	[sflag:s26] =	ssyncadd.s32 $0xFFFF9E60  }
0x1fc: {  	[bflag:$0x0] =	sbarrier.arrive $0xFFFF  }
0x1fd: {  	[tilespmem:s21], [sflag:$0x3] =	stream.linear.gather [hbm4b:s14+s3], $0x61B0, $0x38;
	[tilespmem:$0x1D800] =	vst v63  }
0x1fe: {  	_ =	swait.ge [sflag:s26], $0x61B0  }
0x1ff: {  	[sflag:s26] =	ssyncset.done $0x0  }
0x200: {  	[sflag:s26] =	ssyncadd.s32 $0xFFFF9E50  }
.LBB2_21:
0x201: {  	[bflag:$0x0] =	sbarrier.arrive $0xFFFF  }
0x202: {  	s5 =	rddreg [dreg:$0x8]  }
0x203: {  	[tilespmem:s28], [sflag:$0x3] =	stream.linear.gather [hbm4b:s5+s3], $0x1000, $0x38;
	[tilespmem:$0x1D800] =	vst v63  }
0x204: {  	_ =	swait.ge [sflag:s26], $0x1000  }
0x205: {  	[sflag:s26] =	ssyncset.done $0x0  }
0x206: {  	s5 =	simm.s32 $0xC3A0;
	[sflag:s26] =	ssyncadd.s32 $0xFFFFF000  }
0x207: {  	[tilespmem:s5+$0xFFFFFFE0] =	vst v0  }
0x208: {  	[tilespmem:s5+$0x20] =	vst v0  }
0x209: {  	[tilespmem:s5+$0x10] =	vst v0  }
0x20a: {  	s6 =	simm.s32 $0x0;
	[tilespmem:s5+$0x0] =	vst v0  }
.LBB2_22:
0x20b: {  	s6 =	sadd.s32 $0x5, s6  }
0x20c: {  	[tilespmem:s5+$0xFFFFFFF0] =	vst v0;
	s5 =	sadd.s32 $0x50, s5;
	p1 =	slt.u32 s6, $0xC30  }
.Ltmp13:
0x20d: {  	[tilespmem:s5+$0xFFFFFFE0] =	vst v0;
	(pc) =	sbr.rel @p1 .LBB2_22-.Ltmp13, $4  }
0x20e: {  	_ = 	snop  }
0x20f: {  	[tilespmem:s5+$0x20] =	vst v0  }
0x210: {  	[tilespmem:s5+$0x10] =	vst v0  }
0x211: {  	[tilespmem:s5+$0x0] =	vst v0  }
0x212: {  	[tilespmem:s5+$0xFFFFFFF0] =	vst v0;
	s5 =	simm.s32 $0x0;
	s6 =	simm.s32 $0x19800  }
0x213: {  	[tilespmem:s6], [sflag:$0x1] =	stream.linear.gather [hbm4b:s7+s5], $0xFA0, $0x38;
	[tilespmem:$0x1D800] =	vst v63  }
0x214: {  	s30 =	simm.s32 $0x1B800  }
0x215: {  	[tilespmem:s30], [sflag:$0x1] =	stream.linear.gather [hbm4b:s8+s5], $0xFA0, $0x38;
	[tilespmem:$0x1D800] =	vst v63  }
0x216: {  	_ = 	snop  }
0x217: {  	[tilespmem:s31], [sflag:$0x2] =	stream.linear.gather [hbm4b:s9+s5], $0xFA0, $0x38;
	[tilespmem:$0x1D800] =	vst v63  }
0x218: {  	s6 =	simm.s32 $0x0  }
0x219: {  	[tilespmem:s1], [sflag:$0x2] =	stream.linear.gather [hbm4b:s10+s5], $0xFA0, $0x38;
	[tilespmem:$0x1D800] =	vst v63  }
.LBB2_24:
0x21a: {  	_ =	swait.ge [sflag:s0], $0xFA0  }
0x21b: {  	[sflag:s0] =	ssyncset.done $0x0  }
0x21c: {  	[sflag:s0] =	ssyncadd.s32 $0xFFFFF060  }
0x21d: {  	_ =	swait.ge [sflag:s0], $0xFA0  }
0x21e: {  	[sflag:s0] =	ssyncset.done $0x0  }
0x21f: {  	s22 =	simm.s32 $0x19850;
	[sflag:s0] =	ssyncadd.s32 $0xFFFFF060  }
0x220: {  	s19 =	simm.s32 $0x1B850;
	v2 =	vld [tilespmem:s22+$0x40]  }
0x221: {  	s25 =	sand.u32 $0xFE0, s5;
	v3 =	vld [tilespmem:s19+$0x40]  }
0x222: {  	v4 =	vld [tilespmem:s25+$0x19880]  }
0x223: {  	v5 =	vld [tilespmem:s25+$0x1B880]  }
0x224: {  	v6 =	vld [tilespmem:s19+$0xFFFFFFB0]  }
0x225: {  	v7 =	vld [tilespmem:s19+$0xFFFFFFC0]  }
0x226: {  	v8 =	vld [tilespmem:s19+$0xFFFFFFD0]  }
0x227: {  	v10 =	vld [tilespmem:s19+$0xFFFFFFE0]  }
0x228: {  	v11 =	vld [tilespmem:s19+$0xFFFFFFF0]  }
0x229: {  	v13 =	vld [tilespmem:s19+$0x0]  }
0x22a: {  	v14 =	vld [tilespmem:s19+$0x10]  }
0x22b: {  	v15 =	vld [tilespmem:s19+$0x20]  }
0x22c: {  	v16 =	vld [tilespmem:s22+$0xFFFFFFC0]  }
0x22d: {  	v54 =	vld [tilespmem:s22+$0xFFFFFFB0]  }
0x22e: {  	v17 =	vld [tilespmem:s22+$0xFFFFFFD0]  }
0x22f: {  	v18 =	vld [tilespmem:s22+$0xFFFFFFE0];
	v9 =	vshrl.u32 v2, $0x10  }
0x230: {  	v19 =	vld [tilespmem:s22+$0xFFFFFFF0];
	v12 =	vshrl.u32 v4, $0x10  }
0x231: {  	v48 =	vld [tilespmem:s22+$0x0];
	v57 =	vshrl.u32 v16, $0x10  }
0x232: {  	v50 =	vld [tilespmem:s22+$0x10];
	v3 =	vshll.u32 v3, $0x4;
	v58 =	vshrl.u32 v54, $0x10  }
0x233: {  	v52 =	vld [tilespmem:s22+$0x20];
	v3 =	vor.u32 v1, v3  }
0x234: {  	v20 =	vshrl.u32 v17, $0x10;
	v9 =	vld.idx.msk [tilespmem:v9+s3+$0x0], $0xffff  }
0x235: {  	v21 =	vshrl.u32 v18, $0x10;
	v12 =	vld.idx.msk [tilespmem:v12+s3+$0x0], $0xffff  }
0x236: {  	v5 =	vshll.u32 v5, $0x4;
	v55 =	vshll.u32 v14, $0x4;
	v22 =	vshrl.u32 v19, $0x10;
	v14 =	vld.idx.msk [tilespmem:v57+s3+$0x0], $0xffff  }
0x237: {  	v56 =	vshll.u32 v15, $0x4;
	v5 =	vor.u32 v1, v5;
	v15 =	vld.idx.msk [tilespmem:v58+s3+$0x0], $0xffff  }
0x238: {  	v23 =	vshrl.u32 v48, $0x10;
	v3 =	vld.idx.msk [tilespmem:v3+s28+$0x0], $0xffff  }
0x239: {  	v24 =	vshrl.u32 v50, $0x10;
	v20 =	vld.idx.msk [tilespmem:v20+s3+$0x0], $0xffff  }
0x23a: {  	v2 =	vand.u32 $0xFFFF, v2;
	v6 =	vshll.u32 v6, $0x4;
	v21 =	vld.idx.msk [tilespmem:v21+s3+$0x0], $0xffff  }
0x23b: {  	v6 =	vor.u32 v1, v6;
	v22 =	vld.idx.msk [tilespmem:v22+s3+$0x0], $0xffff  }
0x23c: {  	v53 =	vshll.u32 v13, $0x4;
	v25 =	vshrl.u32 v52, $0x10;
	v5 =	vld.idx.msk [tilespmem:v5+s28+$0x0], $0xffff  }
0x23d: {  	v49 =	vshll.u32 v10, $0x4;
	v10 =	vor.u32 v1, v53;
	v23 =	vld.idx.msk [tilespmem:v23+s3+$0x0], $0xffff;
	v3 =	vmul.f32 v9, v3  }
0x23e: {  	v4 =	vand.u32 $0xFFFF, v4;
	v7 =	vshll.u32 v7, $0x4;
	v59 =	vld.idx.msk [tilespmem:v24+s3+$0x0], $0xffff  }
0x23f: {  	[tilespmem:v2+s20+$0x0] =	vst.idx.add.f32.msk $0xffff, v3;
	v2 =	vor.u32 v1, v7  }
0x240: {  	v13 =	vor.u32 v1, v56;
	v6 =	vld.idx.msk [tilespmem:v6+s28+$0x0], $0xffff;
	v3 =	vshll.u32 v8, $0x4  }
0x241: {  	v60 =	vld.idx.msk [tilespmem:v25+s3+$0x0], $0xffff;
	v5 =	vmul.f32 v12, v5;
	v3 =	vor.u32 v1, v3  }
0x242: {  	v51 =	vshll.u32 v11, $0x4;
	v11 =	vand.u32 $0xFFFF, v54;
	v10 =	vld.idx.msk [tilespmem:v10+s28+$0x0], $0xffff  }
0x243: {  	[tilespmem:v4+s20+$0x0] =	vst.idx.add.f32.msk $0xffff, v5;
	v7 =	vor.u32 v1, v51  }
0x244: {  	v4 =	vor.u32 v1, v49;
	v2 =	vld.idx.msk [tilespmem:v2+s28+$0x0], $0xffff  }
0x245: {  	v13 =	vld.idx.msk [tilespmem:v13+s28+$0x0], $0xffff;
	v12 =	vor.u32 v1, v55;
	v6 =	vmul.f32 v15, v6  }
0x246: {  	v16 =	vand.u32 $0xFFFF, v16;
	v3 =	vld.idx.msk [tilespmem:v3+s28+$0x0], $0xffff  }
0x247: {  	v61 =	vand.u32 $0xFFFF, v52;
	[tilespmem:v11+s20+$0x0] =	vst.idx.add.f32.msk $0xffff, v6  }
0x248: {  	v17 =	vand.u32 $0xFFFF, v17;
	v7 =	vld.idx.msk [tilespmem:v7+s28+$0x0], $0xffff  }
0x249: {  	v9 =	vand.u32 $0xFFFF, v48;
	v4 =	vld.idx.msk [tilespmem:v4+s28+$0x0], $0xffff;
	v2 =	vmul.f32 v14, v2  }
0x24a: {  	v19 =	vand.u32 $0xFFFF, v19;
	v63 =	vmul.f32 v60, v13;
	v12 =	vld.idx.msk [tilespmem:v12+s28+$0x0], $0xffff  }
0x24b: {  	v18 =	vand.u32 $0xFFFF, v18;
	[tilespmem:v16+s20+$0x0] =	vst.idx.add.f32.msk $0xffff, v2;
	v2 =	vmul.f32 v20, v3  }
0x24c: {  	v62 =	vmul.f32 v23, v10;
	[tilespmem:v61+s20+$0x0] =	vst.idx.add.f32.msk $0xffff, v63;
	v3 =	vand.u32 $0xFFFF, v50  }
0x24d: {  	[tilespmem:v17+s20+$0x0] =	vst.idx.add.f32.msk $0xffff, v2;
	v2 =	vmul.f32 v22, v7  }
0x24e: {  	[tilespmem:v9+s20+$0x0] =	vst.idx.add.f32.msk $0xffff, v62;
	v4 =	vmul.f32 v21, v4  }
0x24f: {  	[tilespmem:v19+s20+$0x0] =	vst.idx.add.f32.msk $0xffff, v2;
	v2 =	vmul.f32 v59, v12  }
0x250: {  	[tilespmem:v18+s20+$0x0] =	vst.idx.add.f32.msk $0xffff, v4  }
0x251: {  	s29 =	simm.s32 $0x0;
	s22 =	simm.s32 $0x0;
	s25 =	simm.s32 $0x198F0;
	[tilespmem:v3+s20+$0x0] =	vst.idx.add.f32.msk $0xffff, v2  }
.LBB2_25:
0x252: {  	v2 =	vld [tilespmem:s25+$0x40];
	s19 =	sadd.s32 $0xA0, s19;
	s29 =	sadd.s32 $0xA0, s29  }
0x253: {  	s30 =	sand.u32 $0xFE0, s29;
	v3 =	vld [tilespmem:s19+$0x40]  }
0x254: {  	s22 =	sadd.s32 $0xA, s22;
	v4 =	vld [tilespmem:s30+$0x19880]  }
0x255: {  	p1 =	slt.u32 s22, $0xF0;
	v5 =	vld [tilespmem:s30+$0x1B880]  }
0x256: {  	v6 =	vld [tilespmem:s19+$0xFFFFFFB0]  }
0x257: {  	v7 =	vld [tilespmem:s19+$0xFFFFFFC0]  }
0x258: {  	v9 =	vshrl.u32 v2, $0x10;
	v8 =	vld [tilespmem:s19+$0xFFFFFFD0];
	v3 =	vshll.u32 v3, $0x4  }
0x259: {  	v10 =	vld [tilespmem:s19+$0xFFFFFFE0];
	v3 =	vor.u32 v1, v3  }
0x25a: {  	v12 =	vshrl.u32 v4, $0x10;
	v11 =	vld [tilespmem:s19+$0xFFFFFFF0];
	v5 =	vshll.u32 v5, $0x4  }
0x25b: {  	v6 =	vshll.u32 v6, $0x4;
	v13 =	vld [tilespmem:s19+$0x0];
	v5 =	vor.u32 v1, v5  }
0x25c: {  	v6 =	vor.u32 v1, v6;
	v7 =	vshll.u32 v7, $0x4;
	v14 =	vld [tilespmem:s19+$0x10]  }
0x25d: {  	v7 =	vor.u32 v1, v7;
	v8 =	vshll.u32 v8, $0x4;
	v9 =	vld.idx.msk [tilespmem:v9+s3+$0x0], $0xffff  }
0x25e: {  	v8 =	vor.u32 v1, v8;
	v10 =	vshll.u32 v10, $0x4;
	v3 =	vld.idx.msk [tilespmem:v3+s28+$0x0], $0xffff  }
0x25f: {  	v10 =	vor.u32 v1, v10;
	v11 =	vshll.u32 v11, $0x4;
	v12 =	vld.idx.msk [tilespmem:v12+s3+$0x0], $0xffff  }
0x260: {  	v11 =	vor.u32 v1, v11;
	v13 =	vshll.u32 v13, $0x4;
	v5 =	vld.idx.msk [tilespmem:v5+s28+$0x0], $0xffff  }
0x261: {  	v13 =	vor.u32 v1, v13;
	v14 =	vshll.u32 v14, $0x4;
	v15 =	vld [tilespmem:s19+$0x20]  }
0x262: {  	v2 =	vand.u32 $0xFFFF, v2;
	v16 =	vld [tilespmem:s25+$0xFFFFFFC0];
	v14 =	vor.u32 v1, v14  }
0x263: {  	v4 =	vand.u32 $0xFFFF, v4;
	v17 =	vld [tilespmem:s25+$0xFFFFFFD0]  }
0x264: {  	v18 =	vld [tilespmem:s25+$0xFFFFFFE0]  }
0x265: {  	v3 =	vmul.f32 v9, v3;
	v19 =	vld [tilespmem:s25+$0xFFFFFFF0]  }
0x266: {  	v5 =	vmul.f32 v12, v5;
	v9 =	vld [tilespmem:s25+$0x0];
	v15 =	vshll.u32 v15, $0x4  }
0x267: {  	v12 =	vshrl.u32 v16, $0x10;
	v16 =	vand.u32 $0xFFFF, v16;
	v15 =	vor.u32 v1, v15;
	[tilespmem:v2+s20+$0x0] =	vst.idx.add.f32.msk $0xffff, v3  }
0x268: {  	v2 =	vshrl.u32 v17, $0x10;
	v3 =	vand.u32 $0xFFFF, v17;
	[tilespmem:v4+s20+$0x0] =	vst.idx.add.f32.msk $0xffff, v5  }
0x269: {  	v4 =	vshrl.u32 v18, $0x10;
	v5 =	vand.u32 $0xFFFF, v18;
	v17 =	vld [tilespmem:s25+$0x10]  }
0x26a: {  	v18 =	vshrl.u32 v19, $0x10;
	v19 =	vand.u32 $0xFFFF, v19;
	v20 =	vld [tilespmem:s25+$0x20]  }
0x26b: {  	v21 =	vld [tilespmem:s25+$0xFFFFFFB0];
	v22 =	vshrl.u32 v9, $0x10;
	v9 =	vand.u32 $0xFFFF, v9  }
0x26c: {  	v6 =	vld.idx.msk [tilespmem:v6+s28+$0x0], $0xffff  }
0x26d: {  	v7 =	vld.idx.msk [tilespmem:v7+s28+$0x0], $0xffff  }
0x26e: {  	v8 =	vld.idx.msk [tilespmem:v8+s28+$0x0], $0xffff;
	v23 =	vshrl.u32 v17, $0x10;
	v17 =	vand.u32 $0xFFFF, v17  }
0x26f: {  	v10 =	vld.idx.msk [tilespmem:v10+s28+$0x0], $0xffff;
	v24 =	vshrl.u32 v20, $0x10;
	v20 =	vand.u32 $0xFFFF, v20  }
0x270: {  	v25 =	vshrl.u32 v21, $0x10;
	v21 =	vand.u32 $0xFFFF, v21;
	v11 =	vld.idx.msk [tilespmem:v11+s28+$0x0], $0xffff  }
0x271: {  	v13 =	vld.idx.msk [tilespmem:v13+s28+$0x0], $0xffff  }
0x272: {  	v14 =	vld.idx.msk [tilespmem:v14+s28+$0x0], $0xffff  }
0x273: {  	v15 =	vld.idx.msk [tilespmem:v15+s28+$0x0], $0xffff  }
0x274: {  	v12 =	vld.idx.msk [tilespmem:v12+s3+$0x0], $0xffff  }
0x275: {  	v25 =	vld.idx.msk [tilespmem:v25+s3+$0x0], $0xffff  }
0x276: {  	v2 =	vld.idx.msk [tilespmem:v2+s3+$0x0], $0xffff  }
0x277: {  	v4 =	vld.idx.msk [tilespmem:v4+s3+$0x0], $0xffff  }
0x278: {  	v18 =	vld.idx.msk [tilespmem:v18+s3+$0x0], $0xffff  }
0x279: {  	v22 =	vld.idx.msk [tilespmem:v22+s3+$0x0], $0xffff  }
0x27a: {  	v7 =	vmul.f32 v12, v7;
	v12 =	vld.idx.msk [tilespmem:v23+s3+$0x0], $0xffff  }
0x27b: {  	v6 =	vmul.f32 v25, v6;
	v23 =	vld.idx.msk [tilespmem:v24+s3+$0x0], $0xffff  }
0x27c: {  	v2 =	vmul.f32 v2, v8;
	[tilespmem:v16+s20+$0x0] =	vst.idx.add.f32.msk $0xffff, v7  }
0x27d: {  	v4 =	vmul.f32 v4, v10;
	[tilespmem:v21+s20+$0x0] =	vst.idx.add.f32.msk $0xffff, v6  }
0x27e: {  	[tilespmem:v3+s20+$0x0] =	vst.idx.add.f32.msk $0xffff, v2;
	v2 =	vmul.f32 v18, v11  }
.Ltmp14:
0x27f: {  	v3 =	vmul.f32 v22, v13;
	[tilespmem:v5+s20+$0x0] =	vst.idx.add.f32.msk $0xffff, v4;
	(pc) =	sbr.rel @p1 .LBB2_25-.Ltmp14, $4  }
0x280: {  	[tilespmem:v19+s20+$0x0] =	vst.idx.add.f32.msk $0xffff, v2;
	v2 =	vmul.f32 v12, v14  }
0x281: {  	[tilespmem:v9+s20+$0x0] =	vst.idx.add.f32.msk $0xffff, v3;
	v3 =	vmul.f32 v23, v15  }
0x282: {  	[tilespmem:v17+s20+$0x0] =	vst.idx.add.f32.msk $0xffff, v2  }
0x283: {  	s25 =	sadd.s32 $0xA0, s25;
	[tilespmem:v20+s20+$0x0] =	vst.idx.add.f32.msk $0xffff, v3  }
0x284: {  	p1 =	seq.s32 s6, $0x31  }
0x285: {  	s19 =	smul.u32 @!p1 $0x1F40, s6;
	_ =	sdelay $0x1  }
0x286: {  	s19 =	sadd.s32 @!p1 s19, s11  }
0x287: {  	s19 =	sshrl.u32 @!p1 s19, $0x3  }
0x288: {  	s25 =	simm.s32 @!p1 $0x0;
	s29 =	simm.s32 @!p1 $0x19800;
	s22 =	sadd.s32 @!p1 s4, s19  }
0x289: {  	[tilespmem:s29], [sflag:$0x1] =	stream.linear.gather @!p1 [hbm4b:s22+s25], $0xFA0, $0x38;
	[tilespmem:$0x1D800] =	vst v63  }
0x28a: {  	s19 =	sadd.s32 @!p1 s2, s19;
	s22 =	simm.s32 @!p1 $0x1B800  }
0x28b: {  	[tilespmem:s22], [sflag:$0x1] =	stream.linear.gather @!p1 [hbm4b:s19+s25], $0xFA0, $0x38;
	[tilespmem:$0x1D800] =	vst v63  }
0x28c: {  	_ =	swait.ge [sflag:s23], $0xFA0  }
0x28d: {  	[sflag:s23] =	ssyncset.done $0x0  }
0x28e: {  	[sflag:s23] =	ssyncadd.s32 $0xFFFFF060  }
0x28f: {  	_ =	swait.ge [sflag:s23], $0xFA0  }
0x290: {  	[sflag:s23] =	ssyncset.done $0x0  }
0x291: {  	s30 =	simm.s32 $0x1A850;
	[sflag:s23] =	ssyncadd.s32 $0xFFFFF060  }
0x292: {  	s19 =	simm.s32 $0x1C850;
	s22 =	simm.s32 $0x0;
	v2 =	vld [tilespmem:s30+$0x40]  }
0x293: {  	s29 =	sand.u32 $0xFE0, s22;
	v3 =	vld [tilespmem:s19+$0x40]  }
0x294: {  	v4 =	vld [tilespmem:s29+$0x1A880]  }
0x295: {  	v5 =	vld [tilespmem:s29+$0x1C880]  }
0x296: {  	v6 =	vld [tilespmem:s19+$0xFFFFFFB0]  }
0x297: {  	v7 =	vld [tilespmem:s19+$0xFFFFFFC0]  }
0x298: {  	v8 =	vld [tilespmem:s19+$0xFFFFFFD0]  }
0x299: {  	v10 =	vld [tilespmem:s19+$0xFFFFFFE0]  }
0x29a: {  	v11 =	vld [tilespmem:s19+$0xFFFFFFF0]  }
0x29b: {  	v13 =	vld [tilespmem:s19+$0x0]  }
0x29c: {  	v14 =	vld [tilespmem:s19+$0x10]  }
0x29d: {  	v15 =	vld [tilespmem:s19+$0x20]  }
0x29e: {  	v16 =	vld [tilespmem:s30+$0xFFFFFFC0]  }
0x29f: {  	v54 =	vld [tilespmem:s30+$0xFFFFFFB0]  }
0x2a0: {  	v17 =	vld [tilespmem:s30+$0xFFFFFFD0]  }
0x2a1: {  	v18 =	vld [tilespmem:s30+$0xFFFFFFE0];
	v9 =	vshrl.u32 v2, $0x10  }
0x2a2: {  	v19 =	vld [tilespmem:s30+$0xFFFFFFF0];
	v12 =	vshrl.u32 v4, $0x10  }
0x2a3: {  	v48 =	vld [tilespmem:s30+$0x0];
	v57 =	vshrl.u32 v16, $0x10  }
0x2a4: {  	v50 =	vld [tilespmem:s30+$0x10];
	v3 =	vshll.u32 v3, $0x4;
	v58 =	vshrl.u32 v54, $0x10  }
0x2a5: {  	v52 =	vld [tilespmem:s30+$0x20];
	v3 =	vor.u32 v1, v3  }
0x2a6: {  	v20 =	vshrl.u32 v17, $0x10;
	v9 =	vld.idx.msk [tilespmem:v9+s3+$0x0], $0xffff  }
0x2a7: {  	v21 =	vshrl.u32 v18, $0x10;
	v12 =	vld.idx.msk [tilespmem:v12+s3+$0x0], $0xffff  }
0x2a8: {  	v5 =	vshll.u32 v5, $0x4;
	v55 =	vshll.u32 v14, $0x4;
	v22 =	vshrl.u32 v19, $0x10;
	v14 =	vld.idx.msk [tilespmem:v57+s3+$0x0], $0xffff  }
0x2a9: {  	v56 =	vshll.u32 v15, $0x4;
	v5 =	vor.u32 v1, v5;
	v15 =	vld.idx.msk [tilespmem:v58+s3+$0x0], $0xffff  }
0x2aa: {  	v23 =	vshrl.u32 v48, $0x10;
	v3 =	vld.idx.msk [tilespmem:v3+s28+$0x0], $0xffff  }
0x2ab: {  	v24 =	vshrl.u32 v50, $0x10;
	v20 =	vld.idx.msk [tilespmem:v20+s3+$0x0], $0xffff  }
0x2ac: {  	v2 =	vand.u32 $0xFFFF, v2;
	v6 =	vshll.u32 v6, $0x4;
	v21 =	vld.idx.msk [tilespmem:v21+s3+$0x0], $0xffff  }
0x2ad: {  	v6 =	vor.u32 v1, v6;
	v22 =	vld.idx.msk [tilespmem:v22+s3+$0x0], $0xffff  }
0x2ae: {  	v53 =	vshll.u32 v13, $0x4;
	v25 =	vshrl.u32 v52, $0x10;
	v5 =	vld.idx.msk [tilespmem:v5+s28+$0x0], $0xffff  }
0x2af: {  	v49 =	vshll.u32 v10, $0x4;
	v10 =	vor.u32 v1, v53;
	v23 =	vld.idx.msk [tilespmem:v23+s3+$0x0], $0xffff;
	v3 =	vmul.f32 v9, v3  }
0x2b0: {  	v4 =	vand.u32 $0xFFFF, v4;
	v7 =	vshll.u32 v7, $0x4;
	v59 =	vld.idx.msk [tilespmem:v24+s3+$0x0], $0xffff  }
0x2b1: {  	[tilespmem:v2+s20+$0x0] =	vst.idx.add.f32.msk $0xffff, v3;
	v2 =	vor.u32 v1, v7  }
0x2b2: {  	v13 =	vor.u32 v1, v56;
	v6 =	vld.idx.msk [tilespmem:v6+s28+$0x0], $0xffff;
	v3 =	vshll.u32 v8, $0x4  }
0x2b3: {  	v60 =	vld.idx.msk [tilespmem:v25+s3+$0x0], $0xffff;
	v5 =	vmul.f32 v12, v5;
	v3 =	vor.u32 v1, v3  }
0x2b4: {  	v51 =	vshll.u32 v11, $0x4;
	v11 =	vand.u32 $0xFFFF, v54;
	v10 =	vld.idx.msk [tilespmem:v10+s28+$0x0], $0xffff  }
0x2b5: {  	[tilespmem:v4+s20+$0x0] =	vst.idx.add.f32.msk $0xffff, v5;
	v7 =	vor.u32 v1, v51  }
0x2b6: {  	v4 =	vor.u32 v1, v49;
	v2 =	vld.idx.msk [tilespmem:v2+s28+$0x0], $0xffff  }
0x2b7: {  	v13 =	vld.idx.msk [tilespmem:v13+s28+$0x0], $0xffff;
	v12 =	vor.u32 v1, v55;
	v6 =	vmul.f32 v15, v6  }
0x2b8: {  	v16 =	vand.u32 $0xFFFF, v16;
	v3 =	vld.idx.msk [tilespmem:v3+s28+$0x0], $0xffff  }
0x2b9: {  	v61 =	vand.u32 $0xFFFF, v52;
	[tilespmem:v11+s20+$0x0] =	vst.idx.add.f32.msk $0xffff, v6  }
0x2ba: {  	v17 =	vand.u32 $0xFFFF, v17;
	v7 =	vld.idx.msk [tilespmem:v7+s28+$0x0], $0xffff  }
0x2bb: {  	v9 =	vand.u32 $0xFFFF, v48;
	v4 =	vld.idx.msk [tilespmem:v4+s28+$0x0], $0xffff;
	v2 =	vmul.f32 v14, v2  }
0x2bc: {  	v19 =	vand.u32 $0xFFFF, v19;
	v63 =	vmul.f32 v60, v13;
	v12 =	vld.idx.msk [tilespmem:v12+s28+$0x0], $0xffff  }
0x2bd: {  	v18 =	vand.u32 $0xFFFF, v18;
	[tilespmem:v16+s20+$0x0] =	vst.idx.add.f32.msk $0xffff, v2;
	v2 =	vmul.f32 v20, v3  }
0x2be: {  	v62 =	vmul.f32 v23, v10;
	[tilespmem:v61+s20+$0x0] =	vst.idx.add.f32.msk $0xffff, v63;
	v3 =	vand.u32 $0xFFFF, v50  }
0x2bf: {  	[tilespmem:v17+s20+$0x0] =	vst.idx.add.f32.msk $0xffff, v2;
	v2 =	vmul.f32 v22, v7  }
0x2c0: {  	[tilespmem:v9+s20+$0x0] =	vst.idx.add.f32.msk $0xffff, v62;
	v4 =	vmul.f32 v21, v4  }
0x2c1: {  	[tilespmem:v19+s20+$0x0] =	vst.idx.add.f32.msk $0xffff, v2;
	v2 =	vmul.f32 v59, v12  }
0x2c2: {  	[tilespmem:v18+s20+$0x0] =	vst.idx.add.f32.msk $0xffff, v4  }
0x2c3: {  	s25 =	simm.s32 $0x0;
	s29 =	simm.s32 $0x1A8F0;
	[tilespmem:v3+s20+$0x0] =	vst.idx.add.f32.msk $0xffff, v2  }
.LBB2_27:
0x2c4: {  	v2 =	vld [tilespmem:s29+$0x40];
	s19 =	sadd.s32 $0xA0, s19;
	s22 =	sadd.s32 $0xA0, s22  }
0x2c5: {  	s30 =	sand.u32 $0xFE0, s22;
	v3 =	vld [tilespmem:s19+$0x40]  }
0x2c6: {  	s25 =	sadd.s32 $0xA, s25;
	v4 =	vld [tilespmem:s30+$0x1A880]  }
0x2c7: {  	p2 =	slt.u32 s25, $0xF0;
	v5 =	vld [tilespmem:s30+$0x1C880]  }
0x2c8: {  	v6 =	vld [tilespmem:s19+$0xFFFFFFB0]  }
0x2c9: {  	v7 =	vld [tilespmem:s19+$0xFFFFFFC0]  }
0x2ca: {  	v9 =	vshrl.u32 v2, $0x10;
	v8 =	vld [tilespmem:s19+$0xFFFFFFD0];
	v3 =	vshll.u32 v3, $0x4  }
0x2cb: {  	v10 =	vld [tilespmem:s19+$0xFFFFFFE0];
	v3 =	vor.u32 v1, v3  }
0x2cc: {  	v12 =	vshrl.u32 v4, $0x10;
	v11 =	vld [tilespmem:s19+$0xFFFFFFF0];
	v5 =	vshll.u32 v5, $0x4  }
0x2cd: {  	v6 =	vshll.u32 v6, $0x4;
	v13 =	vld [tilespmem:s19+$0x0];
	v5 =	vor.u32 v1, v5  }
0x2ce: {  	v6 =	vor.u32 v1, v6;
	v7 =	vshll.u32 v7, $0x4;
	v14 =	vld [tilespmem:s19+$0x10]  }
0x2cf: {  	v7 =	vor.u32 v1, v7;
	v8 =	vshll.u32 v8, $0x4;
	v9 =	vld.idx.msk [tilespmem:v9+s3+$0x0], $0xffff  }
0x2d0: {  	v8 =	vor.u32 v1, v8;
	v10 =	vshll.u32 v10, $0x4;
	v3 =	vld.idx.msk [tilespmem:v3+s28+$0x0], $0xffff  }
0x2d1: {  	v10 =	vor.u32 v1, v10;
	v11 =	vshll.u32 v11, $0x4;
	v12 =	vld.idx.msk [tilespmem:v12+s3+$0x0], $0xffff  }
0x2d2: {  	v11 =	vor.u32 v1, v11;
	v13 =	vshll.u32 v13, $0x4;
	v5 =	vld.idx.msk [tilespmem:v5+s28+$0x0], $0xffff  }
0x2d3: {  	v13 =	vor.u32 v1, v13;
	v14 =	vshll.u32 v14, $0x4;
	v15 =	vld [tilespmem:s19+$0x20]  }
0x2d4: {  	v2 =	vand.u32 $0xFFFF, v2;
	v16 =	vld [tilespmem:s29+$0xFFFFFFC0];
	v14 =	vor.u32 v1, v14  }
0x2d5: {  	v4 =	vand.u32 $0xFFFF, v4;
	v17 =	vld [tilespmem:s29+$0xFFFFFFD0]  }
0x2d6: {  	v18 =	vld [tilespmem:s29+$0xFFFFFFE0]  }
0x2d7: {  	v3 =	vmul.f32 v9, v3;
	v19 =	vld [tilespmem:s29+$0xFFFFFFF0]  }
0x2d8: {  	v5 =	vmul.f32 v12, v5;
	v9 =	vld [tilespmem:s29+$0x0];
	v15 =	vshll.u32 v15, $0x4  }
0x2d9: {  	v12 =	vshrl.u32 v16, $0x10;
	v16 =	vand.u32 $0xFFFF, v16;
	v15 =	vor.u32 v1, v15;
	[tilespmem:v2+s20+$0x0] =	vst.idx.add.f32.msk $0xffff, v3  }
0x2da: {  	v2 =	vshrl.u32 v17, $0x10;
	v3 =	vand.u32 $0xFFFF, v17;
	[tilespmem:v4+s20+$0x0] =	vst.idx.add.f32.msk $0xffff, v5  }
0x2db: {  	v4 =	vshrl.u32 v18, $0x10;
	v5 =	vand.u32 $0xFFFF, v18;
	v17 =	vld [tilespmem:s29+$0x10]  }
0x2dc: {  	v18 =	vshrl.u32 v19, $0x10;
	v19 =	vand.u32 $0xFFFF, v19;
	v20 =	vld [tilespmem:s29+$0x20]  }
0x2dd: {  	v21 =	vld [tilespmem:s29+$0xFFFFFFB0];
	v22 =	vshrl.u32 v9, $0x10;
	v9 =	vand.u32 $0xFFFF, v9  }
0x2de: {  	v6 =	vld.idx.msk [tilespmem:v6+s28+$0x0], $0xffff  }
0x2df: {  	v7 =	vld.idx.msk [tilespmem:v7+s28+$0x0], $0xffff  }
0x2e0: {  	v8 =	vld.idx.msk [tilespmem:v8+s28+$0x0], $0xffff;
	v23 =	vshrl.u32 v17, $0x10;
	v17 =	vand.u32 $0xFFFF, v17  }
0x2e1: {  	v10 =	vld.idx.msk [tilespmem:v10+s28+$0x0], $0xffff;
	v24 =	vshrl.u32 v20, $0x10;
	v20 =	vand.u32 $0xFFFF, v20  }
0x2e2: {  	v25 =	vshrl.u32 v21, $0x10;
	v21 =	vand.u32 $0xFFFF, v21;
	v11 =	vld.idx.msk [tilespmem:v11+s28+$0x0], $0xffff  }
0x2e3: {  	v13 =	vld.idx.msk [tilespmem:v13+s28+$0x0], $0xffff  }
0x2e4: {  	v14 =	vld.idx.msk [tilespmem:v14+s28+$0x0], $0xffff  }
0x2e5: {  	v15 =	vld.idx.msk [tilespmem:v15+s28+$0x0], $0xffff  }
0x2e6: {  	v12 =	vld.idx.msk [tilespmem:v12+s3+$0x0], $0xffff  }
0x2e7: {  	v25 =	vld.idx.msk [tilespmem:v25+s3+$0x0], $0xffff  }
0x2e8: {  	v2 =	vld.idx.msk [tilespmem:v2+s3+$0x0], $0xffff  }
0x2e9: {  	v4 =	vld.idx.msk [tilespmem:v4+s3+$0x0], $0xffff  }
0x2ea: {  	v18 =	vld.idx.msk [tilespmem:v18+s3+$0x0], $0xffff  }
0x2eb: {  	v22 =	vld.idx.msk [tilespmem:v22+s3+$0x0], $0xffff  }
0x2ec: {  	v7 =	vmul.f32 v12, v7;
	v12 =	vld.idx.msk [tilespmem:v23+s3+$0x0], $0xffff  }
0x2ed: {  	v6 =	vmul.f32 v25, v6;
	v23 =	vld.idx.msk [tilespmem:v24+s3+$0x0], $0xffff  }
0x2ee: {  	v2 =	vmul.f32 v2, v8;
	[tilespmem:v16+s20+$0x0] =	vst.idx.add.f32.msk $0xffff, v7  }
0x2ef: {  	v4 =	vmul.f32 v4, v10;
	[tilespmem:v21+s20+$0x0] =	vst.idx.add.f32.msk $0xffff, v6  }
0x2f0: {  	[tilespmem:v3+s20+$0x0] =	vst.idx.add.f32.msk $0xffff, v2;
	v2 =	vmul.f32 v18, v11  }
.Ltmp15:
0x2f1: {  	v3 =	vmul.f32 v22, v13;
	[tilespmem:v5+s20+$0x0] =	vst.idx.add.f32.msk $0xffff, v4;
	(pc) =	sbr.rel @p2 .LBB2_27-.Ltmp15, $4  }
0x2f2: {  	[tilespmem:v19+s20+$0x0] =	vst.idx.add.f32.msk $0xffff, v2;
	v2 =	vmul.f32 v12, v14  }
0x2f3: {  	[tilespmem:v9+s20+$0x0] =	vst.idx.add.f32.msk $0xffff, v3;
	v3 =	vmul.f32 v23, v15  }
0x2f4: {  	[tilespmem:v17+s20+$0x0] =	vst.idx.add.f32.msk $0xffff, v2  }
0x2f5: {  	s29 =	sadd.s32 $0xA0, s29;
	[tilespmem:v20+s20+$0x0] =	vst.idx.add.f32.msk $0xffff, v3  }
.Ltmp16:
0x2f6: {  	(pc) =	sbr.rel @p1 .LBB2_30-.Ltmp16, $1  }
0x2f7: {  	_ =	sdelay $0x3  }
0x2f8: {  	s19 =	smul.u32 $0x1F40, s6;
	_ =	sdelay $0x1  }
0x2f9: {  	s19 =	sadd.s32 s19, s12  }
.Ltmp17:
0x2fa: {  	s19 =	sshrl.u32 s19, $0x3;
	(pc) =	sbr.rel .LBB2_24-.Ltmp17, $4  }
0x2fb: {  	s22 =	sadd.s32 s4, s19  }
0x2fc: {  	[tilespmem:s31], [sflag:$0x2] =	stream.linear.gather [hbm4b:s22+s3], $0xFA0, $0x38;
	[tilespmem:$0x1D800] =	vst v63  }
0x2fd: {  	s6 =	sadd.s32 $0x1, s6;
	s19 =	sadd.s32 s2, s19  }
0x2fe: {  	[tilespmem:s1], [sflag:$0x2] =	stream.linear.gather [hbm4b:s19+s3], $0xFA0, $0x38;
	[tilespmem:$0x1D800] =	vst v63  }
.LBB2_30:
.Ltmp18:
0x2ff: {  	(pc) =	sbr.rel @p0 .LBB2_36-.Ltmp18, $1  }
0x300: {  	_ =	sdelay $0x3  }
0x301: {  	s5 =	simm.s32 $0x0  }
0x302: {  	[hbm4b:s13+s5] =	stream.linear.scatter [tilespmem:s20], [sflag:$0x3], $0x61A0, $0x38;
	[tilespmem:$0x1D800] =	vst v63  }
0x303: {  	_ =	swait.ge [sflag:s26], $0x61A0  }
0x304: {  	[sflag:s26] =	ssyncset.done $0x0  }
0x305: {  	[sflag:s26] =	ssyncadd.s32 $0xFFFF9E60  }
0x306: {  	[bflag:$0x0] =	sbarrier.arrive $0xFFFF  }
0x307: {  	[tilespmem:s21], [sflag:$0x3] =	stream.linear.gather [hbm4b:s14+s5], $0x61B0, $0x38;
	[tilespmem:$0x1D800] =	vst v63  }
0x308: {  	_ =	swait.ge [sflag:s26], $0x61B0  }
0x309: {  	[sflag:s26] =	ssyncset.done $0x0  }
0x30a: {  	s5 =	simm.s32 $0x0;
	[sflag:s26] =	ssyncadd.s32 $0xFFFF9E50  }
0x30b: {  	v3 =	vld [tilespmem:s5+$0x12520]  }
0x30c: {  	v6 =	vld [tilespmem:s5+$0x61A0]  }
0x30d: {  	v7 =	vld [tilespmem:s5+$0x12530]  }
0x30e: {  	v9 =	vld [tilespmem:s5+$0x61B0]  }
0x30f: {  	v2 =	vld [tilespmem:s5+$0x12540]  }
0x310: {  	v4 =	vld [tilespmem:s5+$0x61C0]  }
0x311: {  	v8 =	vadd.f32 v3, v6;
	v3 =	vld [tilespmem:s5+$0x12550]  }
0x312: {  	v5 =	vimm.f32 $0.0e+00;
	v6 =	vld [tilespmem:s5+$0x61D0]  }
0x313: {  	s6 =	simm.s32 $0x0;
	s19 =	simm.s32 $0x140;
	v7 =	vadd.f32 v7, v9;
	[tilespmem:s5+$0x61A0] =	vst v8;
	v8 =	vadd.f32 v8, v5;
	v5 =	vld [tilespmem:s5+$0x12560]  }
.LBB2_32:
0x314: {  	s22 =	sshra.s32 s19, $0x2;
	v9 =	vld [tilespmem:s5+$0x61E0]  }
0x315: {  	s6 =	sadd.s32 $0x5, s6;
	v10 =	vld [tilespmem:s22+$0x12520];
	[tilespmem:s5+$0x61B0] =	vst v7;
	v7 =	vadd.f32 v7, v8;
	v2 =	vadd.f32 v2, v4  }
0x316: {  	p1 =	slt.u32 s6, $0x613;
	v8 =	vld [tilespmem:s22+$0x61A0]  }
0x317: {  	v11 =	vld [tilespmem:s22+$0x12530];
	[tilespmem:s5+$0x61C0] =	vst v2;
	v4 =	vadd.f32 v2, v7;
	v3 =	vadd.f32 v3, v6  }
0x318: {  	v7 =	vld [tilespmem:s22+$0x61B0]  }
.Ltmp19:
0x319: {  	v2 =	vld [tilespmem:s22+$0x12540];
	[tilespmem:s5+$0x61D0] =	vst v3;
	v6 =	vadd.f32 v3, v4;
	v5 =	vadd.f32 v5, v9;
	(pc) =	sbr.rel @p1 .LBB2_32-.Ltmp19, $4  }
0x31a: {  	v4 =	vld [tilespmem:s22+$0x61C0]  }
0x31b: {  	v8 =	vadd.f32 v10, v8;
	v3 =	vld [tilespmem:s22+$0x12550];
	[tilespmem:s5+$0x61E0] =	vst v5;
	v5 =	vadd.f32 v5, v6;
	s5 =	smov.u32 s22  }
0x31c: {  	v6 =	vld [tilespmem:s5+$0x61D0]  }
0x31d: {  	s19 =	sadd.s32 $0x140, s19;
	[tilespmem:s5+$0x61A0] =	vst v8;
	v8 =	vadd.f32 v8, v5;
	v7 =	vadd.f32 v11, v7;
	v5 =	vld [tilespmem:s5+$0x12560]  }
0x31e: {  	v9 =	vld [tilespmem:s5+$0x61E0]  }
0x31f: {  	v8 =	vadd.f32 v7, v8;
	v2 =	vadd.f32 v2, v4;
	_ =	sdelay $0x1  }
0x320: {  	v4 =	vadd.f32 v2, v8;
	v3 =	vadd.f32 v3, v6  }
0x321: {  	[tilespmem:s5+$0x61B0] =	vst v7  }
0x322: {  	[tilespmem:s5+$0x61C0] =	vst v2;
	v2 =	vadd.f32 v3, v4;
	v4 =	vadd.f32 v5, v9  }
0x323: {  	[tilespmem:s5+$0x61D0] =	vst v3  }
0x324: {  	[tilespmem:s5+$0x61E0] =	vst v4  }
0x325: {  	v3 =	vld [tilespmem:$0xC320]  }
0x326: {  	v2 =	vadd.f32 v4, v2;
	v4 =	vld [tilespmem:$0x186A0]  }
0x327: {  	v5 =	vld [tilespmem:$0xC330]  }
0x328: {  	v6 =	vld [tilespmem:$0x186B0]  }
0x329: {  	v7 =	vld [tilespmem:$0xC340]  }
0x32a: {  	v8 =	vld [tilespmem:$0x186C0]  }
0x32b: {  	v3 =	vadd.f32 v4, v3;
	_ =	sdelay $0x1  }
0x32c: {  	v4 =	vadd.f32 v6, v5;
	v2 =	vadd.f32 v3, v2;
	_ =	sdelay $0x1  }
0x32d: {  	v5 =	vadd.f32 v8, v7;
	v2 =	vadd.f32 v4, v2  }
0x32e: {  	[tilespmem:$0xC320] =	vst v3  }
0x32f: {  	[tilespmem:$0xC330] =	vst v4;
	v2 =	vadd.f32 v5, v2  }
0x330: {  	[tilespmem:$0xC340] =	vst v5  }
0x331: {  	[tilespmem:$0x19700] =	vst v2  }
0x332: {  	[hbm4b:s15+s3] =	stream.linear.scatter [tilespmem:s16], [sflag:$0x3], $0x10, $0x38;
	[tilespmem:$0x1D800] =	vst v63  }
0x333: {  	_ =	swait.ge [sflag:s26], $0x10  }
0x334: {  	[sflag:s26] =	ssyncset.done $0x0  }
0x335: {  	[sflag:s26] =	ssyncadd.s32 $0xFFFFFFF0  }
0x336: {  	[bflag:$0x0] =	sbarrier.arrive $0xFFFF  }
0x337: {  	[tilespmem:s18], [sflag:$0x3] =	stream.linear.gather [hbm4b:s17+s3], $0x10, $0x38;
	[tilespmem:$0x1D800] =	vst v63  }
0x338: {  	_ =	swait.ge [sflag:s26], $0x10  }
0x339: {  	[sflag:s26] =	ssyncset.done $0x0  }
0x33a: {  	[sflag:s26] =	ssyncadd.s32 $0xFFFFFFF0  }
0x33b: {  	v2 =	vld [tilespmem:$0x19700]  }
0x33c: {  	v3 =	vld [tilespmem:$0x19780];
	_ =	sdelay $0x4  }
0x33d: {  	v2 =	vadd.f32 v3, v2;
	_ =	sdelay $0x1  }
0x33e: {  	(xrf2) =	vadd.scan.msk.f32 $0xffff, v2;
	_ =	sdelay $0x9  }
0x33f: {  	v2, _, _ =	vpop (xrf2)  }
0x340: {  	v2 =	vadd.f32 $9.999999970e-07, v2;
	_ =	sdelay $0x1  }
0x341: {  	v2 =	vbroadcast v2, $0xF;
	_ =	sdelay $0x1  }
0x342: {  	(erf) = vrcp.f32 v2;
	_ =	sdelay $0x3  }
0x343: {  	s5 =	simm.s32 $0x61E0  }
0x344: {  	v3 =	vld [tilespmem:s5+$0xFFFFFFC0];
	_ =	sdelay $0x1  }
0x345: {  	v5 =	vld [tilespmem:s5+$0xFFFFFFD0]  }
0x346: {  	v7 =	vld [tilespmem:s5+$0xFFFFFFE0]  }
0x347: {  	v4 =	vld [tilespmem:s5+$0x0];
	v2 =	vpop (erf)  }
0x348: {  	v8 =	vmul.f32 v3, v2;
	v3 =	vld [tilespmem:s5+$0xFFFFFFF0];
	_ =	sdelay $0x1  }
0x349: {  	v6 =	vmul.f32 v5, v2  }
0x34a: {  	s6 =	simm.s32 $0x0;
	s19 =	simm.s32 $0x6230;
	v5 =	vmul.f32 v7, v2;
	[tilespmem:s5+$0xFFFFFFC0] =	vst v8  }
.LBB2_34:
0x34b: {  	v7 =	vld [tilespmem:s19+$0xFFFFFFC0];
	[tilespmem:s5+$0xFFFFFFD0] =	vst v6;
	v4 =	vmul.f32 v4, v2  }
0x34c: {  	s6 =	sadd.s32 $0x5, s6;
	v6 =	vld [tilespmem:s19+$0xFFFFFFD0];
	[tilespmem:s5+$0xFFFFFFE0] =	vst v5;
	v3 =	vmul.f32 v3, v2  }
0x34d: {  	p1 =	slt.u32 s6, $0x613;
	v5 =	vld [tilespmem:s19+$0xFFFFFFE0];
	[tilespmem:s5+$0x0] =	vst v4  }
.Ltmp20:
0x34e: {  	v4 =	vld [tilespmem:s19+$0x0];
	[tilespmem:s5+$0xFFFFFFF0] =	vst v3;
	s5 =	smov.u32 s19;
	(pc) =	sbr.rel @p1 .LBB2_34-.Ltmp20, $4  }
0x34f: {  	v3 =	vld [tilespmem:s19+$0xFFFFFFF0]  }
0x350: {  	v7 =	vmul.f32 v7, v2  }
0x351: {  	v6 =	vmul.f32 v6, v2  }
0x352: {  	s19 =	sadd.s32 $0x50, s19;
	[tilespmem:s5+$0xFFFFFFC0] =	vst v7;
	v5 =	vmul.f32 v5, v2  }
0x353: {  	[tilespmem:s5+$0xFFFFFFD0] =	vst v6;
	v4 =	vmul.f32 v4, v2  }
0x354: {  	[tilespmem:s5+$0xFFFFFFE0] =	vst v5;
	v3 =	vmul.f32 v3, v2  }
0x355: {  	[tilespmem:s5+$0x0] =	vst v4  }
0x356: {  	[tilespmem:s5+$0xFFFFFFF0] =	vst v3  }
0x357: {  	v3 =	vld [tilespmem:$0xC320]  }
0x358: {  	v4 =	vld [tilespmem:$0xC330]  }
0x359: {  	v5 =	vld [tilespmem:$0xC340];
	_ =	sdelay $0x2  }
0x35a: {  	v3 =	vmul.f32 v3, v2  }
0x35b: {  	v4 =	vmul.f32 v4, v2  }
0x35c: {  	v2 =	vmul.f32 v5, v2;
	[tilespmem:$0xC320] =	vst v3  }
0x35d: {  	[tilespmem:$0xC330] =	vst v4  }
0x35e: {  	s30 =	rddreg [dreg:$0xa];
	[tilespmem:$0xC340] =	vst v2  }
0x35f: {  	[hbm4b:s30+s3] =	stream.linear.scatter [tilespmem:s21], [sflag:$0x3], $0x61B0, $0x38;
	[tilespmem:$0x1D800] =	vst v63  }
0x360: {  	_ =	swait.ge [sflag:s26], $0x61B0  }
0x361: {  	[sflag:s26] =	ssyncset.done $0x0  }
0x362: {  	[sflag:s26] =	ssyncadd.s32 $0xFFFF9E50  }
0x363: {  	[hbm4b:s14+s3] =	stream.linear.scatter [tilespmem:s21], [sflag:$0x3], $0x61B0, $0x38;
	[tilespmem:$0x1D800] =	vst v63  }
0x364: {  	_ =	swait.ge [sflag:s26], $0x61B0  }
0x365: {  	[sflag:s26] =	ssyncset.done $0x0  }
0x366: {  	[sflag:s26] =	ssyncadd.s32 $0xFFFF9E50  }
.Ltmp21:
0x367: {  	[bflag:$0x0] =	sbarrier.arrive $0xFFFF;
	(pc) =	sbr.rel .LBB2_41-.Ltmp21, $4  }
0x368: {  	[tilespmem:s3], [sflag:$0x3] =	stream.linear.gather [hbm4b:s13+s3], $0x61A0, $0x38;
	[tilespmem:$0x1D800] =	vst v63  }
0x369: {  	_ =	swait.ge [sflag:s26], $0x61A0  }
0x36a: {  	[sflag:s26] =	ssyncset.done $0x0  }
0x36b: {  	[sflag:s26] =	ssyncadd.s32 $0xFFFF9E60  }
.LBB2_36:
0x36c: {  	s5 =	simm.s32 $0x12520  }
0x36d: {  	[hbm4b:s14+s3] =	stream.linear.scatter [tilespmem:s5], [sflag:$0x3], $0x61B0, $0x38;
	[tilespmem:$0x1D800] =	vst v63  }
0x36e: {  	_ =	swait.ge [sflag:s26], $0x61B0  }
0x36f: {  	[sflag:s26] =	ssyncset.done $0x0  }
0x370: {  	[sflag:s26] =	ssyncadd.s32 $0xFFFF9E50  }
0x371: {  	[bflag:$0x0] =	sbarrier.arrive $0xFFFF  }
0x372: {  	[tilespmem:s3], [sflag:$0x3] =	stream.linear.gather [hbm4b:s13+s3], $0x61A0, $0x38;
	[tilespmem:$0x1D800] =	vst v63  }
0x373: {  	_ =	swait.ge [sflag:s26], $0x61A0  }
0x374: {  	[sflag:s26] =	ssyncset.done $0x0  }
0x375: {  	s6 =	simm.s32 $0x20;
	[sflag:s26] =	ssyncadd.s32 $0xFFFF9E60  }
0x376: {  	s5 =	simm.s32 $0xC3A0;
	v2 =	vld [tilespmem:s6+$0xFFFFFFE0]  }
0x377: {  	v3 =	vld [tilespmem:s5+$0xFFFFFFE0];
	_ =	sdelay $0x4  }
0x378: {  	v2 =	vadd.f32 v3, v2;
	_ =	sdelay $0x1  }
0x379: {  	v3 =	vld [tilespmem:s6+$0xFFFFFFF0];
	[tilespmem:s6+$0xFFFFFFE0] =	vst v2  }
0x37a: {  	v4 =	vld [tilespmem:s5+$0xFFFFFFF0];
	_ =	sdelay $0x4  }
0x37b: {  	v3 =	vadd.f32 v4, v3;
	_ =	sdelay $0x1  }
0x37c: {  	v4 =	vld [tilespmem:s6+$0x0];
	[tilespmem:s6+$0xFFFFFFF0] =	vst v3  }
0x37d: {  	v5 =	vld [tilespmem:s5+$0x0];
	_ =	sdelay $0x4  }
0x37e: {  	v4 =	vadd.f32 v5, v4;
	_ =	sdelay $0x1  }
0x37f: {  	v5 =	vld [tilespmem:s6+$0x10];
	[tilespmem:s6+$0x0] =	vst v4  }
0x380: {  	v6 =	vld [tilespmem:s5+$0x10];
	_ =	sdelay $0x4  }
0x381: {  	v5 =	vadd.f32 v6, v5  }
0x382: {  	v62 =	vimm.f32 $0.0e+00  }
0x383: {  	v63 =	vld [tilespmem:s6+$0x20];
	v2 =	vadd.f32 v2, v62;
	[tilespmem:s6+$0x10] =	vst v5  }
0x384: {  	v7 =	vld [tilespmem:s5+$0x20]  }
0x385: {  	v2 =	vadd.f32 v3, v2;
	_ =	sdelay $0x1  }
0x386: {  	v2 =	vadd.f32 v4, v2;
	_ =	sdelay $0x1  }
0x387: {  	v2 =	vadd.f32 v5, v2;
	v3 =	vadd.f32 v7, v63  }
0x388: {  	s19 =	simm.s32 $0x0;
	s22 =	simm.s32 $0x70  }
.LBB2_37:
0x389: {  	v4 =	vld [tilespmem:s22+$0xFFFFFFE0];
	[tilespmem:s6+$0x20] =	vst v3;
	v2 =	vadd.f32 v3, v2;
	s5 =	sadd.s32 $0x50, s5;
	s6 =	smov.u32 s22  }
0x38a: {  	s19 =	sadd.s32 $0x5, s19;
	v3 =	vld [tilespmem:s5+$0xFFFFFFE0]  }
0x38b: {  	p1 =	slt.u32 s19, $0x613;
	_ =	sdelay $0x3  }
0x38c: {  	v3 =	vadd.f32 v3, v4;
	_ =	sdelay $0x1  }
0x38d: {  	[tilespmem:s22+$0xFFFFFFE0] =	vst v3;
	v2 =	vadd.f32 v3, v2;
	v3 =	vld [tilespmem:s22+$0xFFFFFFF0]  }
0x38e: {  	v4 =	vld [tilespmem:s5+$0xFFFFFFF0];
	_ =	sdelay $0x4  }
0x38f: {  	v3 =	vadd.f32 v4, v3;
	_ =	sdelay $0x1  }
0x390: {  	[tilespmem:s22+$0xFFFFFFF0] =	vst v3;
	v2 =	vadd.f32 v3, v2;
	v3 =	vld [tilespmem:s22+$0x0]  }
0x391: {  	v4 =	vld [tilespmem:s5+$0x0];
	_ =	sdelay $0x4  }
0x392: {  	v3 =	vadd.f32 v4, v3;
	_ =	sdelay $0x1  }
0x393: {  	[tilespmem:s22+$0x0] =	vst v3;
	v2 =	vadd.f32 v3, v2;
	v3 =	vld [tilespmem:s22+$0x10]  }
0x394: {  	v4 =	vld [tilespmem:s5+$0x10];
	_ =	sdelay $0x4  }
0x395: {  	v3 =	vadd.f32 v4, v3;
	_ =	sdelay $0x1  }
0x396: {  	[tilespmem:s22+$0x10] =	vst v3;
	v2 =	vadd.f32 v3, v2;
	v3 =	vld [tilespmem:s22+$0x20]  }
0x397: {  	v4 =	vld [tilespmem:s5+$0x20];
	_ =	sdelay $0x1  }
.Ltmp22:
0x398: {  	(pc) =	sbr.rel @p1 .LBB2_37-.Ltmp22, $3  }
0x399: {  	_ =	sdelay $0x1  }
0x39a: {  	v3 =	vadd.f32 v4, v3  }
0x39b: {  	s22 =	sadd.s32 $0x50, s22  }
0x39c: {  	[tilespmem:s6+$0x20] =	vst v3  }
0x39d: {  	v4 =	vld [tilespmem:$0x6180]  }
0x39e: {  	v5 =	vld [tilespmem:$0x12500]  }
0x39f: {  	v6 =	vld [tilespmem:$0x6190]  }
0x3a0: {  	v7 =	vld [tilespmem:$0x12510];
	_ =	sdelay $0x2  }
0x3a1: {  	v2 =	vadd.f32 v3, v2;
	v3 =	vadd.f32 v5, v4;
	_ =	sdelay $0x1  }
0x3a2: {  	v4 =	vadd.f32 v7, v6;
	v2 =	vadd.f32 v3, v2;
	_ =	sdelay $0x1  }
0x3a3: {  	[tilespmem:$0x6180] =	vst v3;
	v2 =	vadd.f32 v4, v2  }
0x3a4: {  	[tilespmem:$0x6190] =	vst v4  }
0x3a5: {  	[tilespmem:$0x19700] =	vst v2  }
0x3a6: {  	[hbm4b:s17+s3] =	stream.linear.scatter [tilespmem:s16], [sflag:$0x3], $0x10, $0x38;
	[tilespmem:$0x1D800] =	vst v63  }
0x3a7: {  	_ =	swait.ge [sflag:s26], $0x10  }
0x3a8: {  	[sflag:s26] =	ssyncset.done $0x0  }
0x3a9: {  	[sflag:s26] =	ssyncadd.s32 $0xFFFFFFF0  }
0x3aa: {  	[bflag:$0x0] =	sbarrier.arrive $0xFFFF  }
0x3ab: {  	[tilespmem:s18], [sflag:$0x3] =	stream.linear.gather [hbm4b:s15+s3], $0x10, $0x38;
	[tilespmem:$0x1D800] =	vst v63  }
0x3ac: {  	_ =	swait.ge [sflag:s26], $0x10  }
0x3ad: {  	[sflag:s26] =	ssyncset.done $0x0  }
0x3ae: {  	[sflag:s26] =	ssyncadd.s32 $0xFFFFFFF0  }
0x3af: {  	v2 =	vld [tilespmem:$0x19700]  }
0x3b0: {  	v3 =	vld [tilespmem:$0x19780];
	_ =	sdelay $0x4  }
0x3b1: {  	v2 =	vadd.f32 v3, v2;
	_ =	sdelay $0x1  }
0x3b2: {  	(xrf2) =	vadd.scan.msk.f32 $0xffff, v2;
	_ =	sdelay $0x9  }
0x3b3: {  	v2, _, _ =	vpop (xrf2)  }
0x3b4: {  	v2 =	vadd.f32 $9.999999970e-07, v2;
	_ =	sdelay $0x1  }
0x3b5: {  	v2 =	vbroadcast v2, $0xF;
	_ =	sdelay $0x1  }
0x3b6: {  	(erf) = vrcp.f32 v2;
	_ =	sdelay $0x3  }
0x3b7: {  	s5 =	simm.s32 $0x20  }
0x3b8: {  	v3 =	vld [tilespmem:s5+$0xFFFFFFE0];
	_ =	sdelay $0x2  }
0x3b9: {  	v5 =	vld [tilespmem:s5+$0x0]  }
0x3ba: {  	v7 =	vld [tilespmem:s5+$0x10];
	v2 =	vpop (erf)  }
0x3bb: {  	v8 =	vmul.f32 v3, v2;
	v3 =	vld [tilespmem:s5+$0x20]  }
0x3bc: {  	v4 =	vld [tilespmem:s5+$0xFFFFFFF0];
	_ =	sdelay $0x1  }
0x3bd: {  	v6 =	vmul.f32 v5, v2  }
0x3be: {  	s6 =	simm.s32 $0x0;
	s19 =	simm.s32 $0x70;
	v5 =	vmul.f32 v7, v2;
	[tilespmem:s5+$0xFFFFFFE0] =	vst v8  }
.LBB2_39:
0x3bf: {  	v7 =	vld [tilespmem:s19+$0xFFFFFFE0];
	[tilespmem:s5+$0x0] =	vst v6;
	v3 =	vmul.f32 v3, v2  }
0x3c0: {  	s6 =	sadd.s32 $0x5, s6;
	v6 =	vld [tilespmem:s19+$0x0];
	v4 =	vmul.f32 v4, v2;
	[tilespmem:s5+$0x10] =	vst v5  }
0x3c1: {  	p1 =	slt.u32 s6, $0x613;
	v5 =	vld [tilespmem:s19+$0x10];
	[tilespmem:s5+$0x20] =	vst v3  }
.Ltmp23:
0x3c2: {  	v3 =	vld [tilespmem:s19+$0x20];
	[tilespmem:s5+$0xFFFFFFF0] =	vst v4;
	s5 =	smov.u32 s19;
	(pc) =	sbr.rel @p1 .LBB2_39-.Ltmp23, $4  }
0x3c3: {  	v4 =	vld [tilespmem:s19+$0xFFFFFFF0]  }
0x3c4: {  	v7 =	vmul.f32 v7, v2  }
0x3c5: {  	v6 =	vmul.f32 v6, v2  }
0x3c6: {  	s19 =	sadd.s32 $0x50, s19;
	[tilespmem:s5+$0xFFFFFFE0] =	vst v7;
	v5 =	vmul.f32 v5, v2  }
0x3c7: {  	[tilespmem:s5+$0x0] =	vst v6;
	v3 =	vmul.f32 v3, v2  }
0x3c8: {  	v4 =	vmul.f32 v4, v2;
	[tilespmem:s5+$0x10] =	vst v5  }
0x3c9: {  	[tilespmem:s5+$0x20] =	vst v3  }
0x3ca: {  	[tilespmem:s5+$0xFFFFFFF0] =	vst v4  }
0x3cb: {  	v3 =	vld [tilespmem:$0x6180]  }
0x3cc: {  	v4 =	vld [tilespmem:$0x6190];
	_ =	sdelay $0x3  }
0x3cd: {  	v3 =	vmul.f32 v3, v2  }
0x3ce: {  	v2 =	vmul.f32 v4, v2  }
0x3cf: {  	[tilespmem:$0x6180] =	vst v3  }
0x3d0: {  	s30 =	rddreg [dreg:$0x9];
	[tilespmem:$0x6190] =	vst v2  }
0x3d1: {  	[hbm4b:s30+s3] =	stream.linear.scatter [tilespmem:s3], [sflag:$0x3], $0x61A0, $0x38;
	[tilespmem:$0x1D800] =	vst v63  }
0x3d2: {  	_ =	swait.ge [sflag:s26], $0x61A0  }
0x3d3: {  	[sflag:s26] =	ssyncset.done $0x0  }
0x3d4: {  	[sflag:s26] =	ssyncadd.s32 $0xFFFF9E60  }
0x3d5: {  	[hbm4b:s13+s3] =	stream.linear.scatter [tilespmem:s3], [sflag:$0x3], $0x61A0, $0x38;
	[tilespmem:$0x1D800] =	vst v63  }
0x3d6: {  	_ =	swait.ge [sflag:s26], $0x61A0  }
0x3d7: {  	[sflag:s26] =	ssyncset.done $0x0  }
0x3d8: {  	[sflag:s26] =	ssyncadd.s32 $0xFFFF9E60  }
0x3d9: {  	[bflag:$0x0] =	sbarrier.arrive $0xFFFF  }
0x3da: {  	[tilespmem:s21], [sflag:$0x3] =	stream.linear.gather [hbm4b:s14+s3], $0x61B0, $0x38;
	[tilespmem:$0x1D800] =	vst v63  }
0x3db: {  	_ =	swait.ge [sflag:s26], $0x61B0  }
0x3dc: {  	[sflag:s26] =	ssyncset.done $0x0  }
0x3dd: {  	[sflag:s26] =	ssyncadd.s32 $0xFFFF9E50  }
.LBB2_41:
0x3de: {  	[bflag:$0x0] =	sbarrier.arrive $0xFFFF  }
0x3df: {  	s5 =	rddreg [dreg:$0xb]  }
0x3e0: {  	[tilespmem:s28], [sflag:$0x3] =	stream.linear.gather [hbm4b:s5+s3], $0x1000, $0x38;
	[tilespmem:$0x1D800] =	vst v63  }
0x3e1: {  	_ =	swait.ge [sflag:s26], $0x1000  }
0x3e2: {  	[sflag:s26] =	ssyncset.done $0x0  }
0x3e3: {  	s5 =	simm.s32 $0xC3A0;
	[sflag:s26] =	ssyncadd.s32 $0xFFFFF000  }
0x3e4: {  	[tilespmem:s5+$0xFFFFFFE0] =	vst v0  }
0x3e5: {  	[tilespmem:s5+$0x20] =	vst v0  }
0x3e6: {  	[tilespmem:s5+$0x10] =	vst v0  }
0x3e7: {  	s6 =	simm.s32 $0x0;
	[tilespmem:s5+$0x0] =	vst v0  }
.LBB2_42:
0x3e8: {  	s6 =	sadd.s32 $0x5, s6  }
0x3e9: {  	[tilespmem:s5+$0xFFFFFFF0] =	vst v0;
	s5 =	sadd.s32 $0x50, s5;
	p1 =	slt.u32 s6, $0xC30  }
.Ltmp24:
0x3ea: {  	[tilespmem:s5+$0xFFFFFFE0] =	vst v0;
	(pc) =	sbr.rel @p1 .LBB2_42-.Ltmp24, $4  }
0x3eb: {  	_ = 	snop  }
0x3ec: {  	[tilespmem:s5+$0x20] =	vst v0  }
0x3ed: {  	[tilespmem:s5+$0x10] =	vst v0  }
0x3ee: {  	[tilespmem:s5+$0x0] =	vst v0  }
0x3ef: {  	[tilespmem:s5+$0xFFFFFFF0] =	vst v0;
	s5 =	simm.s32 $0x0;
	s6 =	simm.s32 $0x19800  }
0x3f0: {  	[tilespmem:s6], [sflag:$0x1] =	stream.linear.gather [hbm4b:s7+s5], $0xFA0, $0x38;
	[tilespmem:$0x1D800] =	vst v63  }
0x3f1: {  	s30 =	simm.s32 $0x1B800  }
0x3f2: {  	[tilespmem:s30], [sflag:$0x1] =	stream.linear.gather [hbm4b:s8+s5], $0xFA0, $0x38;
	[tilespmem:$0x1D800] =	vst v63  }
0x3f3: {  	_ = 	snop  }
0x3f4: {  	[tilespmem:s31], [sflag:$0x2] =	stream.linear.gather [hbm4b:s9+s5], $0xFA0, $0x38;
	[tilespmem:$0x1D800] =	vst v63  }
0x3f5: {  	s6 =	simm.s32 $0x0  }
0x3f6: {  	[tilespmem:s1], [sflag:$0x2] =	stream.linear.gather [hbm4b:s10+s5], $0xFA0, $0x38;
	[tilespmem:$0x1D800] =	vst v63  }
.LBB2_44:
0x3f7: {  	_ =	swait.ge [sflag:s0], $0xFA0  }
0x3f8: {  	[sflag:s0] =	ssyncset.done $0x0  }
0x3f9: {  	[sflag:s0] =	ssyncadd.s32 $0xFFFFF060  }
0x3fa: {  	_ =	swait.ge [sflag:s0], $0xFA0  }
0x3fb: {  	[sflag:s0] =	ssyncset.done $0x0  }
0x3fc: {  	s22 =	simm.s32 $0x19850;
	[sflag:s0] =	ssyncadd.s32 $0xFFFFF060  }
0x3fd: {  	s19 =	simm.s32 $0x1B850;
	v2 =	vld [tilespmem:s22+$0x40]  }
0x3fe: {  	s25 =	sand.u32 $0xFE0, s5;
	v3 =	vld [tilespmem:s19+$0x40]  }
0x3ff: {  	v4 =	vld [tilespmem:s25+$0x19880]  }
0x400: {  	v5 =	vld [tilespmem:s25+$0x1B880]  }
0x401: {  	v6 =	vld [tilespmem:s19+$0xFFFFFFB0]  }
0x402: {  	v7 =	vld [tilespmem:s19+$0xFFFFFFC0]  }
0x403: {  	v8 =	vld [tilespmem:s19+$0xFFFFFFD0]  }
0x404: {  	v10 =	vld [tilespmem:s19+$0xFFFFFFE0]  }
0x405: {  	v11 =	vld [tilespmem:s19+$0xFFFFFFF0]  }
0x406: {  	v13 =	vld [tilespmem:s19+$0x0]  }
0x407: {  	v14 =	vld [tilespmem:s19+$0x10]  }
0x408: {  	v15 =	vld [tilespmem:s19+$0x20]  }
0x409: {  	v16 =	vld [tilespmem:s22+$0xFFFFFFC0]  }
0x40a: {  	v54 =	vld [tilespmem:s22+$0xFFFFFFB0]  }
0x40b: {  	v17 =	vld [tilespmem:s22+$0xFFFFFFD0]  }
0x40c: {  	v18 =	vld [tilespmem:s22+$0xFFFFFFE0];
	v9 =	vshrl.u32 v2, $0x10  }
0x40d: {  	v19 =	vld [tilespmem:s22+$0xFFFFFFF0];
	v12 =	vshrl.u32 v4, $0x10  }
0x40e: {  	v48 =	vld [tilespmem:s22+$0x0];
	v57 =	vshrl.u32 v16, $0x10  }
0x40f: {  	v50 =	vld [tilespmem:s22+$0x10];
	v3 =	vshll.u32 v3, $0x4;
	v58 =	vshrl.u32 v54, $0x10  }
0x410: {  	v52 =	vld [tilespmem:s22+$0x20];
	v3 =	vor.u32 v1, v3  }
0x411: {  	v20 =	vshrl.u32 v17, $0x10;
	v9 =	vld.idx.msk [tilespmem:v9+s3+$0x0], $0xffff  }
0x412: {  	v21 =	vshrl.u32 v18, $0x10;
	v12 =	vld.idx.msk [tilespmem:v12+s3+$0x0], $0xffff  }
0x413: {  	v5 =	vshll.u32 v5, $0x4;
	v55 =	vshll.u32 v14, $0x4;
	v22 =	vshrl.u32 v19, $0x10;
	v14 =	vld.idx.msk [tilespmem:v57+s3+$0x0], $0xffff  }
0x414: {  	v56 =	vshll.u32 v15, $0x4;
	v5 =	vor.u32 v1, v5;
	v15 =	vld.idx.msk [tilespmem:v58+s3+$0x0], $0xffff  }
0x415: {  	v23 =	vshrl.u32 v48, $0x10;
	v3 =	vld.idx.msk [tilespmem:v3+s28+$0x0], $0xffff  }
0x416: {  	v24 =	vshrl.u32 v50, $0x10;
	v20 =	vld.idx.msk [tilespmem:v20+s3+$0x0], $0xffff  }
0x417: {  	v2 =	vand.u32 $0xFFFF, v2;
	v6 =	vshll.u32 v6, $0x4;
	v21 =	vld.idx.msk [tilespmem:v21+s3+$0x0], $0xffff  }
0x418: {  	v6 =	vor.u32 v1, v6;
	v22 =	vld.idx.msk [tilespmem:v22+s3+$0x0], $0xffff  }
0x419: {  	v53 =	vshll.u32 v13, $0x4;
	v25 =	vshrl.u32 v52, $0x10;
	v5 =	vld.idx.msk [tilespmem:v5+s28+$0x0], $0xffff  }
0x41a: {  	v49 =	vshll.u32 v10, $0x4;
	v10 =	vor.u32 v1, v53;
	v23 =	vld.idx.msk [tilespmem:v23+s3+$0x0], $0xffff;
	v3 =	vmul.f32 v9, v3  }
0x41b: {  	v4 =	vand.u32 $0xFFFF, v4;
	v7 =	vshll.u32 v7, $0x4;
	v59 =	vld.idx.msk [tilespmem:v24+s3+$0x0], $0xffff  }
0x41c: {  	[tilespmem:v2+s20+$0x0] =	vst.idx.add.f32.msk $0xffff, v3;
	v2 =	vor.u32 v1, v7  }
0x41d: {  	v13 =	vor.u32 v1, v56;
	v6 =	vld.idx.msk [tilespmem:v6+s28+$0x0], $0xffff;
	v3 =	vshll.u32 v8, $0x4  }
0x41e: {  	v60 =	vld.idx.msk [tilespmem:v25+s3+$0x0], $0xffff;
	v5 =	vmul.f32 v12, v5;
	v3 =	vor.u32 v1, v3  }
0x41f: {  	v51 =	vshll.u32 v11, $0x4;
	v11 =	vand.u32 $0xFFFF, v54;
	v10 =	vld.idx.msk [tilespmem:v10+s28+$0x0], $0xffff  }
0x420: {  	[tilespmem:v4+s20+$0x0] =	vst.idx.add.f32.msk $0xffff, v5;
	v7 =	vor.u32 v1, v51  }
0x421: {  	v4 =	vor.u32 v1, v49;
	v2 =	vld.idx.msk [tilespmem:v2+s28+$0x0], $0xffff  }
0x422: {  	v13 =	vld.idx.msk [tilespmem:v13+s28+$0x0], $0xffff;
	v12 =	vor.u32 v1, v55;
	v6 =	vmul.f32 v15, v6  }
0x423: {  	v16 =	vand.u32 $0xFFFF, v16;
	v3 =	vld.idx.msk [tilespmem:v3+s28+$0x0], $0xffff  }
0x424: {  	v61 =	vand.u32 $0xFFFF, v52;
	[tilespmem:v11+s20+$0x0] =	vst.idx.add.f32.msk $0xffff, v6  }
0x425: {  	v17 =	vand.u32 $0xFFFF, v17;
	v7 =	vld.idx.msk [tilespmem:v7+s28+$0x0], $0xffff  }
0x426: {  	v9 =	vand.u32 $0xFFFF, v48;
	v4 =	vld.idx.msk [tilespmem:v4+s28+$0x0], $0xffff;
	v2 =	vmul.f32 v14, v2  }
0x427: {  	v19 =	vand.u32 $0xFFFF, v19;
	v63 =	vmul.f32 v60, v13;
	v12 =	vld.idx.msk [tilespmem:v12+s28+$0x0], $0xffff  }
0x428: {  	v18 =	vand.u32 $0xFFFF, v18;
	[tilespmem:v16+s20+$0x0] =	vst.idx.add.f32.msk $0xffff, v2;
	v2 =	vmul.f32 v20, v3  }
0x429: {  	v62 =	vmul.f32 v23, v10;
	[tilespmem:v61+s20+$0x0] =	vst.idx.add.f32.msk $0xffff, v63;
	v3 =	vand.u32 $0xFFFF, v50  }
0x42a: {  	[tilespmem:v17+s20+$0x0] =	vst.idx.add.f32.msk $0xffff, v2;
	v2 =	vmul.f32 v22, v7  }
0x42b: {  	[tilespmem:v9+s20+$0x0] =	vst.idx.add.f32.msk $0xffff, v62;
	v4 =	vmul.f32 v21, v4  }
0x42c: {  	[tilespmem:v19+s20+$0x0] =	vst.idx.add.f32.msk $0xffff, v2;
	v2 =	vmul.f32 v59, v12  }
0x42d: {  	[tilespmem:v18+s20+$0x0] =	vst.idx.add.f32.msk $0xffff, v4  }
0x42e: {  	s29 =	simm.s32 $0x0;
	s22 =	simm.s32 $0x0;
	s25 =	simm.s32 $0x198F0;
	[tilespmem:v3+s20+$0x0] =	vst.idx.add.f32.msk $0xffff, v2  }
.LBB2_45:
0x42f: {  	v2 =	vld [tilespmem:s25+$0x40];
	s19 =	sadd.s32 $0xA0, s19;
	s29 =	sadd.s32 $0xA0, s29  }
0x430: {  	s30 =	sand.u32 $0xFE0, s29;
	v3 =	vld [tilespmem:s19+$0x40]  }
0x431: {  	s22 =	sadd.s32 $0xA, s22;
	v4 =	vld [tilespmem:s30+$0x19880]  }
0x432: {  	p1 =	slt.u32 s22, $0xF0;
	v5 =	vld [tilespmem:s30+$0x1B880]  }
0x433: {  	v6 =	vld [tilespmem:s19+$0xFFFFFFB0]  }
0x434: {  	v7 =	vld [tilespmem:s19+$0xFFFFFFC0]  }
0x435: {  	v9 =	vshrl.u32 v2, $0x10;
	v8 =	vld [tilespmem:s19+$0xFFFFFFD0];
	v3 =	vshll.u32 v3, $0x4  }
0x436: {  	v10 =	vld [tilespmem:s19+$0xFFFFFFE0];
	v3 =	vor.u32 v1, v3  }
0x437: {  	v12 =	vshrl.u32 v4, $0x10;
	v11 =	vld [tilespmem:s19+$0xFFFFFFF0];
	v5 =	vshll.u32 v5, $0x4  }
0x438: {  	v6 =	vshll.u32 v6, $0x4;
	v13 =	vld [tilespmem:s19+$0x0];
	v5 =	vor.u32 v1, v5  }
0x439: {  	v6 =	vor.u32 v1, v6;
	v7 =	vshll.u32 v7, $0x4;
	v14 =	vld [tilespmem:s19+$0x10]  }
0x43a: {  	v7 =	vor.u32 v1, v7;
	v8 =	vshll.u32 v8, $0x4;
	v9 =	vld.idx.msk [tilespmem:v9+s3+$0x0], $0xffff  }
0x43b: {  	v8 =	vor.u32 v1, v8;
	v10 =	vshll.u32 v10, $0x4;
	v3 =	vld.idx.msk [tilespmem:v3+s28+$0x0], $0xffff  }
0x43c: {  	v10 =	vor.u32 v1, v10;
	v11 =	vshll.u32 v11, $0x4;
	v12 =	vld.idx.msk [tilespmem:v12+s3+$0x0], $0xffff  }
0x43d: {  	v11 =	vor.u32 v1, v11;
	v13 =	vshll.u32 v13, $0x4;
	v5 =	vld.idx.msk [tilespmem:v5+s28+$0x0], $0xffff  }
0x43e: {  	v13 =	vor.u32 v1, v13;
	v14 =	vshll.u32 v14, $0x4;
	v15 =	vld [tilespmem:s19+$0x20]  }
0x43f: {  	v2 =	vand.u32 $0xFFFF, v2;
	v16 =	vld [tilespmem:s25+$0xFFFFFFC0];
	v14 =	vor.u32 v1, v14  }
0x440: {  	v4 =	vand.u32 $0xFFFF, v4;
	v17 =	vld [tilespmem:s25+$0xFFFFFFD0]  }
0x441: {  	v18 =	vld [tilespmem:s25+$0xFFFFFFE0]  }
0x442: {  	v3 =	vmul.f32 v9, v3;
	v19 =	vld [tilespmem:s25+$0xFFFFFFF0]  }
0x443: {  	v5 =	vmul.f32 v12, v5;
	v9 =	vld [tilespmem:s25+$0x0];
	v15 =	vshll.u32 v15, $0x4  }
0x444: {  	v12 =	vshrl.u32 v16, $0x10;
	v16 =	vand.u32 $0xFFFF, v16;
	v15 =	vor.u32 v1, v15;
	[tilespmem:v2+s20+$0x0] =	vst.idx.add.f32.msk $0xffff, v3  }
0x445: {  	v2 =	vshrl.u32 v17, $0x10;
	v3 =	vand.u32 $0xFFFF, v17;
	[tilespmem:v4+s20+$0x0] =	vst.idx.add.f32.msk $0xffff, v5  }
0x446: {  	v4 =	vshrl.u32 v18, $0x10;
	v5 =	vand.u32 $0xFFFF, v18;
	v17 =	vld [tilespmem:s25+$0x10]  }
0x447: {  	v18 =	vshrl.u32 v19, $0x10;
	v19 =	vand.u32 $0xFFFF, v19;
	v20 =	vld [tilespmem:s25+$0x20]  }
0x448: {  	v21 =	vld [tilespmem:s25+$0xFFFFFFB0];
	v22 =	vshrl.u32 v9, $0x10;
	v9 =	vand.u32 $0xFFFF, v9  }
0x449: {  	v6 =	vld.idx.msk [tilespmem:v6+s28+$0x0], $0xffff  }
0x44a: {  	v7 =	vld.idx.msk [tilespmem:v7+s28+$0x0], $0xffff  }
0x44b: {  	v8 =	vld.idx.msk [tilespmem:v8+s28+$0x0], $0xffff;
	v23 =	vshrl.u32 v17, $0x10;
	v17 =	vand.u32 $0xFFFF, v17  }
0x44c: {  	v10 =	vld.idx.msk [tilespmem:v10+s28+$0x0], $0xffff;
	v24 =	vshrl.u32 v20, $0x10;
	v20 =	vand.u32 $0xFFFF, v20  }
0x44d: {  	v25 =	vshrl.u32 v21, $0x10;
	v21 =	vand.u32 $0xFFFF, v21;
	v11 =	vld.idx.msk [tilespmem:v11+s28+$0x0], $0xffff  }
0x44e: {  	v13 =	vld.idx.msk [tilespmem:v13+s28+$0x0], $0xffff  }
0x44f: {  	v14 =	vld.idx.msk [tilespmem:v14+s28+$0x0], $0xffff  }
0x450: {  	v15 =	vld.idx.msk [tilespmem:v15+s28+$0x0], $0xffff  }
0x451: {  	v12 =	vld.idx.msk [tilespmem:v12+s3+$0x0], $0xffff  }
0x452: {  	v25 =	vld.idx.msk [tilespmem:v25+s3+$0x0], $0xffff  }
0x453: {  	v2 =	vld.idx.msk [tilespmem:v2+s3+$0x0], $0xffff  }
0x454: {  	v4 =	vld.idx.msk [tilespmem:v4+s3+$0x0], $0xffff  }
0x455: {  	v18 =	vld.idx.msk [tilespmem:v18+s3+$0x0], $0xffff  }
0x456: {  	v22 =	vld.idx.msk [tilespmem:v22+s3+$0x0], $0xffff  }
0x457: {  	v7 =	vmul.f32 v12, v7;
	v12 =	vld.idx.msk [tilespmem:v23+s3+$0x0], $0xffff  }
0x458: {  	v6 =	vmul.f32 v25, v6;
	v23 =	vld.idx.msk [tilespmem:v24+s3+$0x0], $0xffff  }
0x459: {  	v2 =	vmul.f32 v2, v8;
	[tilespmem:v16+s20+$0x0] =	vst.idx.add.f32.msk $0xffff, v7  }
0x45a: {  	v4 =	vmul.f32 v4, v10;
	[tilespmem:v21+s20+$0x0] =	vst.idx.add.f32.msk $0xffff, v6  }
0x45b: {  	[tilespmem:v3+s20+$0x0] =	vst.idx.add.f32.msk $0xffff, v2;
	v2 =	vmul.f32 v18, v11  }
.Ltmp25:
0x45c: {  	v3 =	vmul.f32 v22, v13;
	[tilespmem:v5+s20+$0x0] =	vst.idx.add.f32.msk $0xffff, v4;
	(pc) =	sbr.rel @p1 .LBB2_45-.Ltmp25, $4  }
0x45d: {  	[tilespmem:v19+s20+$0x0] =	vst.idx.add.f32.msk $0xffff, v2;
	v2 =	vmul.f32 v12, v14  }
0x45e: {  	[tilespmem:v9+s20+$0x0] =	vst.idx.add.f32.msk $0xffff, v3;
	v3 =	vmul.f32 v23, v15  }
0x45f: {  	[tilespmem:v17+s20+$0x0] =	vst.idx.add.f32.msk $0xffff, v2  }
0x460: {  	s25 =	sadd.s32 $0xA0, s25;
	[tilespmem:v20+s20+$0x0] =	vst.idx.add.f32.msk $0xffff, v3  }
0x461: {  	p1 =	seq.s32 s6, $0x31  }
0x462: {  	s19 =	smul.u32 @!p1 $0x1F40, s6;
	_ =	sdelay $0x1  }
0x463: {  	s19 =	sadd.s32 @!p1 s19, s11  }
0x464: {  	s19 =	sshrl.u32 @!p1 s19, $0x3  }
0x465: {  	s25 =	simm.s32 @!p1 $0x0;
	s29 =	simm.s32 @!p1 $0x19800;
	s22 =	sadd.s32 @!p1 s4, s19  }
0x466: {  	[tilespmem:s29], [sflag:$0x1] =	stream.linear.gather @!p1 [hbm4b:s22+s25], $0xFA0, $0x38;
	[tilespmem:$0x1D800] =	vst v63  }
0x467: {  	s19 =	sadd.s32 @!p1 s2, s19;
	s22 =	simm.s32 @!p1 $0x1B800  }
0x468: {  	[tilespmem:s22], [sflag:$0x1] =	stream.linear.gather @!p1 [hbm4b:s19+s25], $0xFA0, $0x38;
	[tilespmem:$0x1D800] =	vst v63  }
0x469: {  	_ =	swait.ge [sflag:s23], $0xFA0  }
0x46a: {  	[sflag:s23] =	ssyncset.done $0x0  }
0x46b: {  	[sflag:s23] =	ssyncadd.s32 $0xFFFFF060  }
0x46c: {  	_ =	swait.ge [sflag:s23], $0xFA0  }
0x46d: {  	[sflag:s23] =	ssyncset.done $0x0  }
0x46e: {  	s30 =	simm.s32 $0x1A850;
	[sflag:s23] =	ssyncadd.s32 $0xFFFFF060  }
0x46f: {  	s19 =	simm.s32 $0x1C850;
	s22 =	simm.s32 $0x0;
	v2 =	vld [tilespmem:s30+$0x40]  }
0x470: {  	s29 =	sand.u32 $0xFE0, s22;
	v3 =	vld [tilespmem:s19+$0x40]  }
0x471: {  	v4 =	vld [tilespmem:s29+$0x1A880]  }
0x472: {  	v5 =	vld [tilespmem:s29+$0x1C880]  }
0x473: {  	v6 =	vld [tilespmem:s19+$0xFFFFFFB0]  }
0x474: {  	v7 =	vld [tilespmem:s19+$0xFFFFFFC0]  }
0x475: {  	v8 =	vld [tilespmem:s19+$0xFFFFFFD0]  }
0x476: {  	v10 =	vld [tilespmem:s19+$0xFFFFFFE0]  }
0x477: {  	v11 =	vld [tilespmem:s19+$0xFFFFFFF0]  }
0x478: {  	v13 =	vld [tilespmem:s19+$0x0]  }
0x479: {  	v14 =	vld [tilespmem:s19+$0x10]  }
0x47a: {  	v15 =	vld [tilespmem:s19+$0x20]  }
0x47b: {  	v16 =	vld [tilespmem:s30+$0xFFFFFFC0]  }
0x47c: {  	v54 =	vld [tilespmem:s30+$0xFFFFFFB0]  }
0x47d: {  	v17 =	vld [tilespmem:s30+$0xFFFFFFD0]  }
0x47e: {  	v18 =	vld [tilespmem:s30+$0xFFFFFFE0];
	v9 =	vshrl.u32 v2, $0x10  }
0x47f: {  	v19 =	vld [tilespmem:s30+$0xFFFFFFF0];
	v12 =	vshrl.u32 v4, $0x10  }
0x480: {  	v48 =	vld [tilespmem:s30+$0x0];
	v57 =	vshrl.u32 v16, $0x10  }
0x481: {  	v50 =	vld [tilespmem:s30+$0x10];
	v3 =	vshll.u32 v3, $0x4;
	v58 =	vshrl.u32 v54, $0x10  }
0x482: {  	v52 =	vld [tilespmem:s30+$0x20];
	v3 =	vor.u32 v1, v3  }
0x483: {  	v20 =	vshrl.u32 v17, $0x10;
	v9 =	vld.idx.msk [tilespmem:v9+s3+$0x0], $0xffff  }
0x484: {  	v21 =	vshrl.u32 v18, $0x10;
	v12 =	vld.idx.msk [tilespmem:v12+s3+$0x0], $0xffff  }
0x485: {  	v5 =	vshll.u32 v5, $0x4;
	v55 =	vshll.u32 v14, $0x4;
	v22 =	vshrl.u32 v19, $0x10;
	v14 =	vld.idx.msk [tilespmem:v57+s3+$0x0], $0xffff  }
0x486: {  	v56 =	vshll.u32 v15, $0x4;
	v5 =	vor.u32 v1, v5;
	v15 =	vld.idx.msk [tilespmem:v58+s3+$0x0], $0xffff  }
0x487: {  	v23 =	vshrl.u32 v48, $0x10;
	v3 =	vld.idx.msk [tilespmem:v3+s28+$0x0], $0xffff  }
0x488: {  	v24 =	vshrl.u32 v50, $0x10;
	v20 =	vld.idx.msk [tilespmem:v20+s3+$0x0], $0xffff  }
0x489: {  	v2 =	vand.u32 $0xFFFF, v2;
	v6 =	vshll.u32 v6, $0x4;
	v21 =	vld.idx.msk [tilespmem:v21+s3+$0x0], $0xffff  }
0x48a: {  	v6 =	vor.u32 v1, v6;
	v22 =	vld.idx.msk [tilespmem:v22+s3+$0x0], $0xffff  }
0x48b: {  	v53 =	vshll.u32 v13, $0x4;
	v25 =	vshrl.u32 v52, $0x10;
	v5 =	vld.idx.msk [tilespmem:v5+s28+$0x0], $0xffff  }
0x48c: {  	v49 =	vshll.u32 v10, $0x4;
	v10 =	vor.u32 v1, v53;
	v23 =	vld.idx.msk [tilespmem:v23+s3+$0x0], $0xffff;
	v3 =	vmul.f32 v9, v3  }
0x48d: {  	v4 =	vand.u32 $0xFFFF, v4;
	v7 =	vshll.u32 v7, $0x4;
	v59 =	vld.idx.msk [tilespmem:v24+s3+$0x0], $0xffff  }
0x48e: {  	[tilespmem:v2+s20+$0x0] =	vst.idx.add.f32.msk $0xffff, v3;
	v2 =	vor.u32 v1, v7  }
0x48f: {  	v13 =	vor.u32 v1, v56;
	v6 =	vld.idx.msk [tilespmem:v6+s28+$0x0], $0xffff;
	v3 =	vshll.u32 v8, $0x4  }
0x490: {  	v60 =	vld.idx.msk [tilespmem:v25+s3+$0x0], $0xffff;
	v5 =	vmul.f32 v12, v5;
	v3 =	vor.u32 v1, v3  }
0x491: {  	v51 =	vshll.u32 v11, $0x4;
	v11 =	vand.u32 $0xFFFF, v54;
	v10 =	vld.idx.msk [tilespmem:v10+s28+$0x0], $0xffff  }
0x492: {  	[tilespmem:v4+s20+$0x0] =	vst.idx.add.f32.msk $0xffff, v5;
	v7 =	vor.u32 v1, v51  }
0x493: {  	v4 =	vor.u32 v1, v49;
	v2 =	vld.idx.msk [tilespmem:v2+s28+$0x0], $0xffff  }
0x494: {  	v13 =	vld.idx.msk [tilespmem:v13+s28+$0x0], $0xffff;
	v12 =	vor.u32 v1, v55;
	v6 =	vmul.f32 v15, v6  }
0x495: {  	v16 =	vand.u32 $0xFFFF, v16;
	v3 =	vld.idx.msk [tilespmem:v3+s28+$0x0], $0xffff  }
0x496: {  	v61 =	vand.u32 $0xFFFF, v52;
	[tilespmem:v11+s20+$0x0] =	vst.idx.add.f32.msk $0xffff, v6  }
0x497: {  	v17 =	vand.u32 $0xFFFF, v17;
	v7 =	vld.idx.msk [tilespmem:v7+s28+$0x0], $0xffff  }
0x498: {  	v9 =	vand.u32 $0xFFFF, v48;
	v4 =	vld.idx.msk [tilespmem:v4+s28+$0x0], $0xffff;
	v2 =	vmul.f32 v14, v2  }
0x499: {  	v19 =	vand.u32 $0xFFFF, v19;
	v63 =	vmul.f32 v60, v13;
	v12 =	vld.idx.msk [tilespmem:v12+s28+$0x0], $0xffff  }
0x49a: {  	v18 =	vand.u32 $0xFFFF, v18;
	[tilespmem:v16+s20+$0x0] =	vst.idx.add.f32.msk $0xffff, v2;
	v2 =	vmul.f32 v20, v3  }
0x49b: {  	v62 =	vmul.f32 v23, v10;
	[tilespmem:v61+s20+$0x0] =	vst.idx.add.f32.msk $0xffff, v63;
	v3 =	vand.u32 $0xFFFF, v50  }
0x49c: {  	[tilespmem:v17+s20+$0x0] =	vst.idx.add.f32.msk $0xffff, v2;
	v2 =	vmul.f32 v22, v7  }
0x49d: {  	[tilespmem:v9+s20+$0x0] =	vst.idx.add.f32.msk $0xffff, v62;
	v4 =	vmul.f32 v21, v4  }
0x49e: {  	[tilespmem:v19+s20+$0x0] =	vst.idx.add.f32.msk $0xffff, v2;
	v2 =	vmul.f32 v59, v12  }
0x49f: {  	[tilespmem:v18+s20+$0x0] =	vst.idx.add.f32.msk $0xffff, v4  }
0x4a0: {  	s25 =	simm.s32 $0x0;
	s29 =	simm.s32 $0x1A8F0;
	[tilespmem:v3+s20+$0x0] =	vst.idx.add.f32.msk $0xffff, v2  }
.LBB2_47:
0x4a1: {  	v2 =	vld [tilespmem:s29+$0x40];
	s19 =	sadd.s32 $0xA0, s19;
	s22 =	sadd.s32 $0xA0, s22  }
0x4a2: {  	s30 =	sand.u32 $0xFE0, s22;
	v3 =	vld [tilespmem:s19+$0x40]  }
0x4a3: {  	s25 =	sadd.s32 $0xA, s25;
	v4 =	vld [tilespmem:s30+$0x1A880]  }
0x4a4: {  	p2 =	slt.u32 s25, $0xF0;
	v5 =	vld [tilespmem:s30+$0x1C880]  }
0x4a5: {  	v6 =	vld [tilespmem:s19+$0xFFFFFFB0]  }
0x4a6: {  	v7 =	vld [tilespmem:s19+$0xFFFFFFC0]  }
0x4a7: {  	v9 =	vshrl.u32 v2, $0x10;
	v8 =	vld [tilespmem:s19+$0xFFFFFFD0];
	v3 =	vshll.u32 v3, $0x4  }
0x4a8: {  	v10 =	vld [tilespmem:s19+$0xFFFFFFE0];
	v3 =	vor.u32 v1, v3  }
0x4a9: {  	v12 =	vshrl.u32 v4, $0x10;
	v11 =	vld [tilespmem:s19+$0xFFFFFFF0];
	v5 =	vshll.u32 v5, $0x4  }
0x4aa: {  	v6 =	vshll.u32 v6, $0x4;
	v13 =	vld [tilespmem:s19+$0x0];
	v5 =	vor.u32 v1, v5  }
0x4ab: {  	v6 =	vor.u32 v1, v6;
	v7 =	vshll.u32 v7, $0x4;
	v14 =	vld [tilespmem:s19+$0x10]  }
0x4ac: {  	v7 =	vor.u32 v1, v7;
	v8 =	vshll.u32 v8, $0x4;
	v9 =	vld.idx.msk [tilespmem:v9+s3+$0x0], $0xffff  }
0x4ad: {  	v8 =	vor.u32 v1, v8;
	v10 =	vshll.u32 v10, $0x4;
	v3 =	vld.idx.msk [tilespmem:v3+s28+$0x0], $0xffff  }
0x4ae: {  	v10 =	vor.u32 v1, v10;
	v11 =	vshll.u32 v11, $0x4;
	v12 =	vld.idx.msk [tilespmem:v12+s3+$0x0], $0xffff  }
0x4af: {  	v11 =	vor.u32 v1, v11;
	v13 =	vshll.u32 v13, $0x4;
	v5 =	vld.idx.msk [tilespmem:v5+s28+$0x0], $0xffff  }
0x4b0: {  	v13 =	vor.u32 v1, v13;
	v14 =	vshll.u32 v14, $0x4;
	v15 =	vld [tilespmem:s19+$0x20]  }
0x4b1: {  	v2 =	vand.u32 $0xFFFF, v2;
	v16 =	vld [tilespmem:s29+$0xFFFFFFC0];
	v14 =	vor.u32 v1, v14  }
0x4b2: {  	v4 =	vand.u32 $0xFFFF, v4;
	v17 =	vld [tilespmem:s29+$0xFFFFFFD0]  }
0x4b3: {  	v18 =	vld [tilespmem:s29+$0xFFFFFFE0]  }
0x4b4: {  	v3 =	vmul.f32 v9, v3;
	v19 =	vld [tilespmem:s29+$0xFFFFFFF0]  }
0x4b5: {  	v5 =	vmul.f32 v12, v5;
	v9 =	vld [tilespmem:s29+$0x0];
	v15 =	vshll.u32 v15, $0x4  }
0x4b6: {  	v12 =	vshrl.u32 v16, $0x10;
	v16 =	vand.u32 $0xFFFF, v16;
	v15 =	vor.u32 v1, v15;
	[tilespmem:v2+s20+$0x0] =	vst.idx.add.f32.msk $0xffff, v3  }
0x4b7: {  	v2 =	vshrl.u32 v17, $0x10;
	v3 =	vand.u32 $0xFFFF, v17;
	[tilespmem:v4+s20+$0x0] =	vst.idx.add.f32.msk $0xffff, v5  }
0x4b8: {  	v4 =	vshrl.u32 v18, $0x10;
	v5 =	vand.u32 $0xFFFF, v18;
	v17 =	vld [tilespmem:s29+$0x10]  }
0x4b9: {  	v18 =	vshrl.u32 v19, $0x10;
	v19 =	vand.u32 $0xFFFF, v19;
	v20 =	vld [tilespmem:s29+$0x20]  }
0x4ba: {  	v21 =	vld [tilespmem:s29+$0xFFFFFFB0];
	v22 =	vshrl.u32 v9, $0x10;
	v9 =	vand.u32 $0xFFFF, v9  }
0x4bb: {  	v6 =	vld.idx.msk [tilespmem:v6+s28+$0x0], $0xffff  }
0x4bc: {  	v7 =	vld.idx.msk [tilespmem:v7+s28+$0x0], $0xffff  }
0x4bd: {  	v8 =	vld.idx.msk [tilespmem:v8+s28+$0x0], $0xffff;
	v23 =	vshrl.u32 v17, $0x10;
	v17 =	vand.u32 $0xFFFF, v17  }
0x4be: {  	v10 =	vld.idx.msk [tilespmem:v10+s28+$0x0], $0xffff;
	v24 =	vshrl.u32 v20, $0x10;
	v20 =	vand.u32 $0xFFFF, v20  }
0x4bf: {  	v25 =	vshrl.u32 v21, $0x10;
	v21 =	vand.u32 $0xFFFF, v21;
	v11 =	vld.idx.msk [tilespmem:v11+s28+$0x0], $0xffff  }
0x4c0: {  	v13 =	vld.idx.msk [tilespmem:v13+s28+$0x0], $0xffff  }
0x4c1: {  	v14 =	vld.idx.msk [tilespmem:v14+s28+$0x0], $0xffff  }
0x4c2: {  	v15 =	vld.idx.msk [tilespmem:v15+s28+$0x0], $0xffff  }
0x4c3: {  	v12 =	vld.idx.msk [tilespmem:v12+s3+$0x0], $0xffff  }
0x4c4: {  	v25 =	vld.idx.msk [tilespmem:v25+s3+$0x0], $0xffff  }
0x4c5: {  	v2 =	vld.idx.msk [tilespmem:v2+s3+$0x0], $0xffff  }
0x4c6: {  	v4 =	vld.idx.msk [tilespmem:v4+s3+$0x0], $0xffff  }
0x4c7: {  	v18 =	vld.idx.msk [tilespmem:v18+s3+$0x0], $0xffff  }
0x4c8: {  	v22 =	vld.idx.msk [tilespmem:v22+s3+$0x0], $0xffff  }
0x4c9: {  	v7 =	vmul.f32 v12, v7;
	v12 =	vld.idx.msk [tilespmem:v23+s3+$0x0], $0xffff  }
0x4ca: {  	v6 =	vmul.f32 v25, v6;
	v23 =	vld.idx.msk [tilespmem:v24+s3+$0x0], $0xffff  }
0x4cb: {  	v2 =	vmul.f32 v2, v8;
	[tilespmem:v16+s20+$0x0] =	vst.idx.add.f32.msk $0xffff, v7  }
0x4cc: {  	v4 =	vmul.f32 v4, v10;
	[tilespmem:v21+s20+$0x0] =	vst.idx.add.f32.msk $0xffff, v6  }
0x4cd: {  	[tilespmem:v3+s20+$0x0] =	vst.idx.add.f32.msk $0xffff, v2;
	v2 =	vmul.f32 v18, v11  }
.Ltmp26:
0x4ce: {  	v3 =	vmul.f32 v22, v13;
	[tilespmem:v5+s20+$0x0] =	vst.idx.add.f32.msk $0xffff, v4;
	(pc) =	sbr.rel @p2 .LBB2_47-.Ltmp26, $4  }
0x4cf: {  	[tilespmem:v19+s20+$0x0] =	vst.idx.add.f32.msk $0xffff, v2;
	v2 =	vmul.f32 v12, v14  }
0x4d0: {  	[tilespmem:v9+s20+$0x0] =	vst.idx.add.f32.msk $0xffff, v3;
	v3 =	vmul.f32 v23, v15  }
0x4d1: {  	[tilespmem:v17+s20+$0x0] =	vst.idx.add.f32.msk $0xffff, v2  }
0x4d2: {  	s29 =	sadd.s32 $0xA0, s29;
	[tilespmem:v20+s20+$0x0] =	vst.idx.add.f32.msk $0xffff, v3  }
.Ltmp27:
0x4d3: {  	(pc) =	sbr.rel @p1 .LBB2_50-.Ltmp27, $1  }
0x4d4: {  	_ =	sdelay $0x3  }
0x4d5: {  	s19 =	smul.u32 $0x1F40, s6;
	_ =	sdelay $0x1  }
0x4d6: {  	s19 =	sadd.s32 s19, s12  }
.Ltmp28:
0x4d7: {  	s19 =	sshrl.u32 s19, $0x3;
	(pc) =	sbr.rel .LBB2_44-.Ltmp28, $4  }
0x4d8: {  	s22 =	sadd.s32 s4, s19  }
0x4d9: {  	[tilespmem:s31], [sflag:$0x2] =	stream.linear.gather [hbm4b:s22+s3], $0xFA0, $0x38;
	[tilespmem:$0x1D800] =	vst v63  }
0x4da: {  	s6 =	sadd.s32 $0x1, s6;
	s19 =	sadd.s32 s2, s19  }
0x4db: {  	[tilespmem:s1], [sflag:$0x2] =	stream.linear.gather [hbm4b:s19+s3], $0xFA0, $0x38;
	[tilespmem:$0x1D800] =	vst v63  }
.LBB2_50:
.Ltmp29:
0x4dc: {  	(pc) =	sbr.rel @p0 .LBB2_56-.Ltmp29, $1  }
0x4dd: {  	_ =	sdelay $0x3  }
0x4de: {  	s5 =	simm.s32 $0x0  }
0x4df: {  	[hbm4b:s13+s5] =	stream.linear.scatter [tilespmem:s20], [sflag:$0x3], $0x61A0, $0x38;
	[tilespmem:$0x1D800] =	vst v63  }
0x4e0: {  	_ =	swait.ge [sflag:s26], $0x61A0  }
0x4e1: {  	[sflag:s26] =	ssyncset.done $0x0  }
0x4e2: {  	[sflag:s26] =	ssyncadd.s32 $0xFFFF9E60  }
0x4e3: {  	[bflag:$0x0] =	sbarrier.arrive $0xFFFF  }
0x4e4: {  	[tilespmem:s21], [sflag:$0x3] =	stream.linear.gather [hbm4b:s14+s5], $0x61B0, $0x38;
	[tilespmem:$0x1D800] =	vst v63  }
0x4e5: {  	_ =	swait.ge [sflag:s26], $0x61B0  }
0x4e6: {  	[sflag:s26] =	ssyncset.done $0x0  }
0x4e7: {  	s5 =	simm.s32 $0x0;
	[sflag:s26] =	ssyncadd.s32 $0xFFFF9E50  }
0x4e8: {  	v3 =	vld [tilespmem:s5+$0x12520]  }
0x4e9: {  	v6 =	vld [tilespmem:s5+$0x61A0]  }
0x4ea: {  	v7 =	vld [tilespmem:s5+$0x12530]  }
0x4eb: {  	v9 =	vld [tilespmem:s5+$0x61B0]  }
0x4ec: {  	v2 =	vld [tilespmem:s5+$0x12540]  }
0x4ed: {  	v4 =	vld [tilespmem:s5+$0x61C0]  }
0x4ee: {  	v8 =	vadd.f32 v3, v6;
	v3 =	vld [tilespmem:s5+$0x12550]  }
0x4ef: {  	v5 =	vimm.f32 $0.0e+00;
	v6 =	vld [tilespmem:s5+$0x61D0]  }
0x4f0: {  	s6 =	simm.s32 $0x0;
	s19 =	simm.s32 $0x140;
	v7 =	vadd.f32 v7, v9;
	[tilespmem:s5+$0x61A0] =	vst v8;
	v8 =	vadd.f32 v8, v5;
	v5 =	vld [tilespmem:s5+$0x12560]  }
.LBB2_52:
0x4f1: {  	s22 =	sshra.s32 s19, $0x2;
	v9 =	vld [tilespmem:s5+$0x61E0]  }
0x4f2: {  	s6 =	sadd.s32 $0x5, s6;
	v10 =	vld [tilespmem:s22+$0x12520];
	[tilespmem:s5+$0x61B0] =	vst v7;
	v7 =	vadd.f32 v7, v8;
	v2 =	vadd.f32 v2, v4  }
0x4f3: {  	p1 =	slt.u32 s6, $0x613;
	v8 =	vld [tilespmem:s22+$0x61A0]  }
0x4f4: {  	v11 =	vld [tilespmem:s22+$0x12530];
	[tilespmem:s5+$0x61C0] =	vst v2;
	v4 =	vadd.f32 v2, v7;
	v3 =	vadd.f32 v3, v6  }
0x4f5: {  	v7 =	vld [tilespmem:s22+$0x61B0]  }
.Ltmp30:
0x4f6: {  	v2 =	vld [tilespmem:s22+$0x12540];
	[tilespmem:s5+$0x61D0] =	vst v3;
	v6 =	vadd.f32 v3, v4;
	v5 =	vadd.f32 v5, v9;
	(pc) =	sbr.rel @p1 .LBB2_52-.Ltmp30, $4  }
0x4f7: {  	v4 =	vld [tilespmem:s22+$0x61C0]  }
0x4f8: {  	v8 =	vadd.f32 v10, v8;
	v3 =	vld [tilespmem:s22+$0x12550];
	[tilespmem:s5+$0x61E0] =	vst v5;
	v5 =	vadd.f32 v5, v6;
	s5 =	smov.u32 s22  }
0x4f9: {  	v6 =	vld [tilespmem:s5+$0x61D0]  }
0x4fa: {  	s19 =	sadd.s32 $0x140, s19;
	[tilespmem:s5+$0x61A0] =	vst v8;
	v8 =	vadd.f32 v8, v5;
	v7 =	vadd.f32 v11, v7;
	v5 =	vld [tilespmem:s5+$0x12560]  }
0x4fb: {  	v9 =	vld [tilespmem:s5+$0x61E0]  }
0x4fc: {  	v8 =	vadd.f32 v7, v8;
	v2 =	vadd.f32 v2, v4;
	_ =	sdelay $0x1  }
0x4fd: {  	v4 =	vadd.f32 v2, v8;
	v3 =	vadd.f32 v3, v6  }
0x4fe: {  	[tilespmem:s5+$0x61B0] =	vst v7  }
0x4ff: {  	[tilespmem:s5+$0x61C0] =	vst v2;
	v2 =	vadd.f32 v3, v4;
	v4 =	vadd.f32 v5, v9  }
0x500: {  	[tilespmem:s5+$0x61D0] =	vst v3  }
0x501: {  	[tilespmem:s5+$0x61E0] =	vst v4  }
0x502: {  	v3 =	vld [tilespmem:$0xC320]  }
0x503: {  	v2 =	vadd.f32 v4, v2;
	v4 =	vld [tilespmem:$0x186A0]  }
0x504: {  	v5 =	vld [tilespmem:$0xC330]  }
0x505: {  	v6 =	vld [tilespmem:$0x186B0]  }
0x506: {  	v7 =	vld [tilespmem:$0xC340]  }
0x507: {  	v8 =	vld [tilespmem:$0x186C0]  }
0x508: {  	v3 =	vadd.f32 v4, v3;
	_ =	sdelay $0x1  }
0x509: {  	v4 =	vadd.f32 v6, v5;
	v2 =	vadd.f32 v3, v2;
	_ =	sdelay $0x1  }
0x50a: {  	v5 =	vadd.f32 v8, v7;
	v2 =	vadd.f32 v4, v2  }
0x50b: {  	[tilespmem:$0xC320] =	vst v3  }
0x50c: {  	[tilespmem:$0xC330] =	vst v4;
	v2 =	vadd.f32 v5, v2  }
0x50d: {  	[tilespmem:$0xC340] =	vst v5  }
0x50e: {  	[tilespmem:$0x19700] =	vst v2  }
0x50f: {  	[hbm4b:s15+s3] =	stream.linear.scatter [tilespmem:s16], [sflag:$0x3], $0x10, $0x38;
	[tilespmem:$0x1D800] =	vst v63  }
0x510: {  	_ =	swait.ge [sflag:s26], $0x10  }
0x511: {  	[sflag:s26] =	ssyncset.done $0x0  }
0x512: {  	[sflag:s26] =	ssyncadd.s32 $0xFFFFFFF0  }
0x513: {  	[bflag:$0x0] =	sbarrier.arrive $0xFFFF  }
0x514: {  	[tilespmem:s18], [sflag:$0x3] =	stream.linear.gather [hbm4b:s17+s3], $0x10, $0x38;
	[tilespmem:$0x1D800] =	vst v63  }
0x515: {  	_ =	swait.ge [sflag:s26], $0x10  }
0x516: {  	[sflag:s26] =	ssyncset.done $0x0  }
0x517: {  	[sflag:s26] =	ssyncadd.s32 $0xFFFFFFF0  }
0x518: {  	v2 =	vld [tilespmem:$0x19700]  }
0x519: {  	v3 =	vld [tilespmem:$0x19780];
	_ =	sdelay $0x4  }
0x51a: {  	v2 =	vadd.f32 v3, v2;
	_ =	sdelay $0x1  }
0x51b: {  	(xrf2) =	vadd.scan.msk.f32 $0xffff, v2;
	_ =	sdelay $0x9  }
0x51c: {  	v2, _, _ =	vpop (xrf2)  }
0x51d: {  	v2 =	vadd.f32 $9.999999970e-07, v2;
	_ =	sdelay $0x1  }
0x51e: {  	v2 =	vbroadcast v2, $0xF;
	_ =	sdelay $0x1  }
0x51f: {  	(erf) = vrcp.f32 v2;
	_ =	sdelay $0x3  }
0x520: {  	s5 =	simm.s32 $0x61E0  }
0x521: {  	v3 =	vld [tilespmem:s5+$0xFFFFFFC0];
	_ =	sdelay $0x1  }
0x522: {  	v5 =	vld [tilespmem:s5+$0xFFFFFFD0]  }
0x523: {  	v7 =	vld [tilespmem:s5+$0xFFFFFFE0]  }
0x524: {  	v4 =	vld [tilespmem:s5+$0x0];
	v2 =	vpop (erf)  }
0x525: {  	v8 =	vmul.f32 v3, v2;
	v3 =	vld [tilespmem:s5+$0xFFFFFFF0];
	_ =	sdelay $0x1  }
0x526: {  	v6 =	vmul.f32 v5, v2  }
0x527: {  	s6 =	simm.s32 $0x0;
	s19 =	simm.s32 $0x6230;
	v5 =	vmul.f32 v7, v2;
	[tilespmem:s5+$0xFFFFFFC0] =	vst v8  }
.LBB2_54:
0x528: {  	v7 =	vld [tilespmem:s19+$0xFFFFFFC0];
	[tilespmem:s5+$0xFFFFFFD0] =	vst v6;
	v4 =	vmul.f32 v4, v2  }
0x529: {  	s6 =	sadd.s32 $0x5, s6;
	v6 =	vld [tilespmem:s19+$0xFFFFFFD0];
	[tilespmem:s5+$0xFFFFFFE0] =	vst v5;
	v3 =	vmul.f32 v3, v2  }
0x52a: {  	p1 =	slt.u32 s6, $0x613;
	v5 =	vld [tilespmem:s19+$0xFFFFFFE0];
	[tilespmem:s5+$0x0] =	vst v4  }
.Ltmp31:
0x52b: {  	v4 =	vld [tilespmem:s19+$0x0];
	[tilespmem:s5+$0xFFFFFFF0] =	vst v3;
	s5 =	smov.u32 s19;
	(pc) =	sbr.rel @p1 .LBB2_54-.Ltmp31, $4  }
0x52c: {  	v3 =	vld [tilespmem:s19+$0xFFFFFFF0]  }
0x52d: {  	v7 =	vmul.f32 v7, v2  }
0x52e: {  	v6 =	vmul.f32 v6, v2  }
0x52f: {  	s19 =	sadd.s32 $0x50, s19;
	[tilespmem:s5+$0xFFFFFFC0] =	vst v7;
	v5 =	vmul.f32 v5, v2  }
0x530: {  	[tilespmem:s5+$0xFFFFFFD0] =	vst v6;
	v4 =	vmul.f32 v4, v2  }
0x531: {  	[tilespmem:s5+$0xFFFFFFE0] =	vst v5;
	v3 =	vmul.f32 v3, v2  }
0x532: {  	[tilespmem:s5+$0x0] =	vst v4  }
0x533: {  	[tilespmem:s5+$0xFFFFFFF0] =	vst v3  }
0x534: {  	v3 =	vld [tilespmem:$0xC320]  }
0x535: {  	v4 =	vld [tilespmem:$0xC330]  }
0x536: {  	v5 =	vld [tilespmem:$0xC340];
	_ =	sdelay $0x2  }
0x537: {  	v3 =	vmul.f32 v3, v2  }
0x538: {  	v4 =	vmul.f32 v4, v2  }
0x539: {  	v2 =	vmul.f32 v5, v2;
	[tilespmem:$0xC320] =	vst v3  }
0x53a: {  	[tilespmem:$0xC330] =	vst v4  }
0x53b: {  	s30 =	rddreg [dreg:$0xd];
	[tilespmem:$0xC340] =	vst v2  }
0x53c: {  	[hbm4b:s30+s3] =	stream.linear.scatter [tilespmem:s21], [sflag:$0x3], $0x61B0, $0x38;
	[tilespmem:$0x1D800] =	vst v63  }
0x53d: {  	_ =	swait.ge [sflag:s26], $0x61B0  }
0x53e: {  	[sflag:s26] =	ssyncset.done $0x0  }
0x53f: {  	[sflag:s26] =	ssyncadd.s32 $0xFFFF9E50  }
0x540: {  	[hbm4b:s14+s3] =	stream.linear.scatter [tilespmem:s21], [sflag:$0x3], $0x61B0, $0x38;
	[tilespmem:$0x1D800] =	vst v63  }
0x541: {  	_ =	swait.ge [sflag:s26], $0x61B0  }
0x542: {  	[sflag:s26] =	ssyncset.done $0x0  }
0x543: {  	[sflag:s26] =	ssyncadd.s32 $0xFFFF9E50  }
.Ltmp32:
0x544: {  	[bflag:$0x0] =	sbarrier.arrive $0xFFFF;
	(pc) =	sbr.rel .LBB2_61-.Ltmp32, $4  }
0x545: {  	[tilespmem:s3], [sflag:$0x3] =	stream.linear.gather [hbm4b:s13+s3], $0x61A0, $0x38;
	[tilespmem:$0x1D800] =	vst v63  }
0x546: {  	_ =	swait.ge [sflag:s26], $0x61A0  }
0x547: {  	[sflag:s26] =	ssyncset.done $0x0  }
0x548: {  	[sflag:s26] =	ssyncadd.s32 $0xFFFF9E60  }
.LBB2_56:
0x549: {  	s5 =	simm.s32 $0x12520  }
0x54a: {  	[hbm4b:s14+s3] =	stream.linear.scatter [tilespmem:s5], [sflag:$0x3], $0x61B0, $0x38;
	[tilespmem:$0x1D800] =	vst v63  }
0x54b: {  	_ =	swait.ge [sflag:s26], $0x61B0  }
0x54c: {  	[sflag:s26] =	ssyncset.done $0x0  }
0x54d: {  	[sflag:s26] =	ssyncadd.s32 $0xFFFF9E50  }
0x54e: {  	[bflag:$0x0] =	sbarrier.arrive $0xFFFF  }
0x54f: {  	[tilespmem:s3], [sflag:$0x3] =	stream.linear.gather [hbm4b:s13+s3], $0x61A0, $0x38;
	[tilespmem:$0x1D800] =	vst v63  }
0x550: {  	_ =	swait.ge [sflag:s26], $0x61A0  }
0x551: {  	[sflag:s26] =	ssyncset.done $0x0  }
0x552: {  	s6 =	simm.s32 $0x20;
	[sflag:s26] =	ssyncadd.s32 $0xFFFF9E60  }
0x553: {  	s5 =	simm.s32 $0xC3A0;
	v2 =	vld [tilespmem:s6+$0xFFFFFFE0]  }
0x554: {  	v3 =	vld [tilespmem:s5+$0xFFFFFFE0];
	_ =	sdelay $0x4  }
0x555: {  	v2 =	vadd.f32 v3, v2;
	_ =	sdelay $0x1  }
0x556: {  	v3 =	vld [tilespmem:s6+$0xFFFFFFF0];
	[tilespmem:s6+$0xFFFFFFE0] =	vst v2  }
0x557: {  	v4 =	vld [tilespmem:s5+$0xFFFFFFF0];
	_ =	sdelay $0x4  }
0x558: {  	v3 =	vadd.f32 v4, v3;
	_ =	sdelay $0x1  }
0x559: {  	v4 =	vld [tilespmem:s6+$0x0];
	[tilespmem:s6+$0xFFFFFFF0] =	vst v3  }
0x55a: {  	v5 =	vld [tilespmem:s5+$0x0];
	_ =	sdelay $0x4  }
0x55b: {  	v4 =	vadd.f32 v5, v4;
	_ =	sdelay $0x1  }
0x55c: {  	v5 =	vld [tilespmem:s6+$0x10];
	[tilespmem:s6+$0x0] =	vst v4  }
0x55d: {  	v6 =	vld [tilespmem:s5+$0x10];
	_ =	sdelay $0x4  }
0x55e: {  	v5 =	vadd.f32 v6, v5  }
0x55f: {  	v62 =	vimm.f32 $0.0e+00  }
0x560: {  	v63 =	vld [tilespmem:s6+$0x20];
	v2 =	vadd.f32 v2, v62;
	[tilespmem:s6+$0x10] =	vst v5  }
0x561: {  	v7 =	vld [tilespmem:s5+$0x20]  }
0x562: {  	v2 =	vadd.f32 v3, v2;
	_ =	sdelay $0x1  }
0x563: {  	v2 =	vadd.f32 v4, v2;
	_ =	sdelay $0x1  }
0x564: {  	v2 =	vadd.f32 v5, v2;
	v3 =	vadd.f32 v7, v63  }
0x565: {  	s19 =	simm.s32 $0x0;
	s22 =	simm.s32 $0x70  }
.LBB2_57:
0x566: {  	v4 =	vld [tilespmem:s22+$0xFFFFFFE0];
	[tilespmem:s6+$0x20] =	vst v3;
	v2 =	vadd.f32 v3, v2;
	s5 =	sadd.s32 $0x50, s5;
	s6 =	smov.u32 s22  }
0x567: {  	s19 =	sadd.s32 $0x5, s19;
	v3 =	vld [tilespmem:s5+$0xFFFFFFE0]  }
0x568: {  	p1 =	slt.u32 s19, $0x613;
	_ =	sdelay $0x3  }
0x569: {  	v3 =	vadd.f32 v3, v4;
	_ =	sdelay $0x1  }
0x56a: {  	[tilespmem:s22+$0xFFFFFFE0] =	vst v3;
	v2 =	vadd.f32 v3, v2;
	v3 =	vld [tilespmem:s22+$0xFFFFFFF0]  }
0x56b: {  	v4 =	vld [tilespmem:s5+$0xFFFFFFF0];
	_ =	sdelay $0x4  }
0x56c: {  	v3 =	vadd.f32 v4, v3;
	_ =	sdelay $0x1  }
0x56d: {  	[tilespmem:s22+$0xFFFFFFF0] =	vst v3;
	v2 =	vadd.f32 v3, v2;
	v3 =	vld [tilespmem:s22+$0x0]  }
0x56e: {  	v4 =	vld [tilespmem:s5+$0x0];
	_ =	sdelay $0x4  }
0x56f: {  	v3 =	vadd.f32 v4, v3;
	_ =	sdelay $0x1  }
0x570: {  	[tilespmem:s22+$0x0] =	vst v3;
	v2 =	vadd.f32 v3, v2;
	v3 =	vld [tilespmem:s22+$0x10]  }
0x571: {  	v4 =	vld [tilespmem:s5+$0x10];
	_ =	sdelay $0x4  }
0x572: {  	v3 =	vadd.f32 v4, v3;
	_ =	sdelay $0x1  }
0x573: {  	[tilespmem:s22+$0x10] =	vst v3;
	v2 =	vadd.f32 v3, v2;
	v3 =	vld [tilespmem:s22+$0x20]  }
0x574: {  	v4 =	vld [tilespmem:s5+$0x20];
	_ =	sdelay $0x1  }
.Ltmp33:
0x575: {  	(pc) =	sbr.rel @p1 .LBB2_57-.Ltmp33, $3  }
0x576: {  	_ =	sdelay $0x1  }
0x577: {  	v3 =	vadd.f32 v4, v3  }
0x578: {  	s22 =	sadd.s32 $0x50, s22  }
0x579: {  	[tilespmem:s6+$0x20] =	vst v3  }
0x57a: {  	v4 =	vld [tilespmem:$0x6180]  }
0x57b: {  	v5 =	vld [tilespmem:$0x12500]  }
0x57c: {  	v6 =	vld [tilespmem:$0x6190]  }
0x57d: {  	v7 =	vld [tilespmem:$0x12510];
	_ =	sdelay $0x2  }
0x57e: {  	v2 =	vadd.f32 v3, v2;
	v3 =	vadd.f32 v5, v4;
	_ =	sdelay $0x1  }
0x57f: {  	v4 =	vadd.f32 v7, v6;
	v2 =	vadd.f32 v3, v2;
	_ =	sdelay $0x1  }
0x580: {  	[tilespmem:$0x6180] =	vst v3;
	v2 =	vadd.f32 v4, v2  }
0x581: {  	[tilespmem:$0x6190] =	vst v4  }
0x582: {  	[tilespmem:$0x19700] =	vst v2  }
0x583: {  	[hbm4b:s17+s3] =	stream.linear.scatter [tilespmem:s16], [sflag:$0x3], $0x10, $0x38;
	[tilespmem:$0x1D800] =	vst v63  }
0x584: {  	_ =	swait.ge [sflag:s26], $0x10  }
0x585: {  	[sflag:s26] =	ssyncset.done $0x0  }
0x586: {  	[sflag:s26] =	ssyncadd.s32 $0xFFFFFFF0  }
0x587: {  	[bflag:$0x0] =	sbarrier.arrive $0xFFFF  }
0x588: {  	[tilespmem:s18], [sflag:$0x3] =	stream.linear.gather [hbm4b:s15+s3], $0x10, $0x38;
	[tilespmem:$0x1D800] =	vst v63  }
0x589: {  	_ =	swait.ge [sflag:s26], $0x10  }
0x58a: {  	[sflag:s26] =	ssyncset.done $0x0  }
0x58b: {  	[sflag:s26] =	ssyncadd.s32 $0xFFFFFFF0  }
0x58c: {  	v2 =	vld [tilespmem:$0x19700]  }
0x58d: {  	v3 =	vld [tilespmem:$0x19780];
	_ =	sdelay $0x4  }
0x58e: {  	v2 =	vadd.f32 v3, v2;
	_ =	sdelay $0x1  }
0x58f: {  	(xrf2) =	vadd.scan.msk.f32 $0xffff, v2;
	_ =	sdelay $0x9  }
0x590: {  	v2, _, _ =	vpop (xrf2)  }
0x591: {  	v2 =	vadd.f32 $9.999999970e-07, v2;
	_ =	sdelay $0x1  }
0x592: {  	v2 =	vbroadcast v2, $0xF;
	_ =	sdelay $0x1  }
0x593: {  	(erf) = vrcp.f32 v2;
	_ =	sdelay $0x3  }
0x594: {  	s5 =	simm.s32 $0x20  }
0x595: {  	v3 =	vld [tilespmem:s5+$0xFFFFFFE0];
	_ =	sdelay $0x2  }
0x596: {  	v5 =	vld [tilespmem:s5+$0x0]  }
0x597: {  	v7 =	vld [tilespmem:s5+$0x10];
	v2 =	vpop (erf)  }
0x598: {  	v8 =	vmul.f32 v3, v2;
	v3 =	vld [tilespmem:s5+$0x20]  }
0x599: {  	v4 =	vld [tilespmem:s5+$0xFFFFFFF0];
	_ =	sdelay $0x1  }
0x59a: {  	v6 =	vmul.f32 v5, v2  }
0x59b: {  	s6 =	simm.s32 $0x0;
	s19 =	simm.s32 $0x70;
	v5 =	vmul.f32 v7, v2;
	[tilespmem:s5+$0xFFFFFFE0] =	vst v8  }
.LBB2_59:
0x59c: {  	v7 =	vld [tilespmem:s19+$0xFFFFFFE0];
	[tilespmem:s5+$0x0] =	vst v6;
	v3 =	vmul.f32 v3, v2  }
0x59d: {  	s6 =	sadd.s32 $0x5, s6;
	v6 =	vld [tilespmem:s19+$0x0];
	v4 =	vmul.f32 v4, v2;
	[tilespmem:s5+$0x10] =	vst v5  }
0x59e: {  	p1 =	slt.u32 s6, $0x613;
	v5 =	vld [tilespmem:s19+$0x10];
	[tilespmem:s5+$0x20] =	vst v3  }
.Ltmp34:
0x59f: {  	v3 =	vld [tilespmem:s19+$0x20];
	[tilespmem:s5+$0xFFFFFFF0] =	vst v4;
	s5 =	smov.u32 s19;
	(pc) =	sbr.rel @p1 .LBB2_59-.Ltmp34, $4  }
0x5a0: {  	v4 =	vld [tilespmem:s19+$0xFFFFFFF0]  }
0x5a1: {  	v7 =	vmul.f32 v7, v2  }
0x5a2: {  	v6 =	vmul.f32 v6, v2  }
0x5a3: {  	s19 =	sadd.s32 $0x50, s19;
	[tilespmem:s5+$0xFFFFFFE0] =	vst v7;
	v5 =	vmul.f32 v5, v2  }
0x5a4: {  	[tilespmem:s5+$0x0] =	vst v6;
	v3 =	vmul.f32 v3, v2  }
0x5a5: {  	v4 =	vmul.f32 v4, v2;
	[tilespmem:s5+$0x10] =	vst v5  }
0x5a6: {  	[tilespmem:s5+$0x20] =	vst v3  }
0x5a7: {  	[tilespmem:s5+$0xFFFFFFF0] =	vst v4  }
0x5a8: {  	v3 =	vld [tilespmem:$0x6180]  }
0x5a9: {  	v4 =	vld [tilespmem:$0x6190];
	_ =	sdelay $0x3  }
0x5aa: {  	v3 =	vmul.f32 v3, v2  }
0x5ab: {  	v2 =	vmul.f32 v4, v2  }
0x5ac: {  	[tilespmem:$0x6180] =	vst v3  }
0x5ad: {  	s30 =	rddreg [dreg:$0xc];
	[tilespmem:$0x6190] =	vst v2  }
0x5ae: {  	[hbm4b:s30+s3] =	stream.linear.scatter [tilespmem:s3], [sflag:$0x3], $0x61A0, $0x38;
	[tilespmem:$0x1D800] =	vst v63  }
0x5af: {  	_ =	swait.ge [sflag:s26], $0x61A0  }
0x5b0: {  	[sflag:s26] =	ssyncset.done $0x0  }
0x5b1: {  	[sflag:s26] =	ssyncadd.s32 $0xFFFF9E60  }
0x5b2: {  	[hbm4b:s13+s3] =	stream.linear.scatter [tilespmem:s3], [sflag:$0x3], $0x61A0, $0x38;
	[tilespmem:$0x1D800] =	vst v63  }
0x5b3: {  	_ =	swait.ge [sflag:s26], $0x61A0  }
0x5b4: {  	[sflag:s26] =	ssyncset.done $0x0  }
0x5b5: {  	[sflag:s26] =	ssyncadd.s32 $0xFFFF9E60  }
.Ltmp35:
0x5b6: {  	[bflag:$0x0] =	sbarrier.arrive $0xFFFF;
	(pc) =	sbr.rel .LBB2_61-.Ltmp35, $4  }
0x5b7: {  	[tilespmem:s21], [sflag:$0x3] =	stream.linear.gather [hbm4b:s14+s3], $0x61B0, $0x38;
	[tilespmem:$0x1D800] =	vst v63  }
0x5b8: {  	_ =	swait.ge [sflag:s26], $0x61B0  }
0x5b9: {  	[sflag:s26] =	ssyncset.done $0x0  }
0x5ba: {  	[sflag:s26] =	ssyncadd.s32 $0xFFFF9E50  }
.LBB2_62:
0x5bb: {  	_ =	sfence.sel $0x180000  }
0x5bc: {  	[bflag:$0x0] =	sbarrier.arrive $0xFFFF  }
0x5bd: {  	_ =	strace $0x90000047  }
0x5be: {  	s0 =	stileid.u32;
	[bflag:$0x2] =	sbarrier.arrive $0xFFFF  }
0x5bf: {  	p0 =	sne.s32 s0, $0x0;
	s0 =	rddreg [dreg:$0x3]  }
0x5c0: {  	s0 =	sadd.s32 @!p0 $0x100000, s0  }
0x5c1: {  	[sflag:s0] =	ssyncadd.tile.s32 @!p0 $0x1;
	_ =	shalt  }
.Lfunc_end2:
_tile_overlayer_lowered:
.L_overlay_start_2:
0x5c2: {  	(tag) =	ssettag $0x2  }
0x5c3: {  	s0 =	rddreg [dreg:$0x0];
	s2 =	stileid.u32  }
0x5c4: {  	s1 =	rddreg [dreg:$0x1];
	p0 =	sne.s32 s2, $0x0  }
0x5c5: {  	s3 =	rddreg [dreg:$0x2];
	[bflag:$0x3] =	sbarrier.arrive $0xFFFF;
	s2 =	simm.s32 @!p0 $0x1C03  }
0x5c6: {  	[timem:s3], [sflag:s2] =	dma.local @!p0 [hbm:s0], s1  }
0x5c7: {  	s0 =	simm.s32 @!p0 $0x3  }
0x5c8: {  	_ =	swait.ge @!p0 [sflag:s0], s1  }
0x5c9: {  	s1 =	ssub.s32 @!p0 $0x0, s1;
	[sflag:s0] =	ssyncset.done @!p0 $0x0  }
0x5ca: {  	[sflag:s0] =	ssyncadd.s32 @!p0 s1  }
0x5cb: {  	[bflag:$0x3] =	sbarrier.arrive $0xFFFF  }
0x5cc: {  	_ =	shalt  }

</sc_bundles>
